<compile_context>
chip_gen: v7x
topology: tpu7x:2x2x1
jax: 0.10.2.dev20260603
libtpu: 0.0.44.dev20260713+nightly
codegen_flags: <defaults>
</compile_context>

<pallas_src>
import functools

import jax
import jax.numpy as jnp
from jax import lax
from jax.experimental import pallas as pl
from jax.experimental.pallas import tpu as pltpu
from jax.experimental.pallas import tpu_sc as plsc

N = 10000
E = 320000
H = 128
VOCAB = 250
B = 64
L = 3

NP = 10112
VP = 256
NTILES = 32
CH = 128
KCH = 80
KC0 = 118
KC1 = 42
EP = NTILES * KCH * CH
RPT = NP // 16
RB = NP // 8
BNS = (1.0 + 1e-5) ** -0.5



def _embed_body(ids_ref, emb_ref, out_ref):
    ids = ids_ref[0, 0, :]
    cols = lax.broadcasted_iota(jnp.int32, (128, VP), 1)
    oh = (ids[:, None] == cols).astype(jnp.float32)
    out_ref[...] = jax.nn.relu(
        jnp.dot(oh, emb_ref[...], preferred_element_type=jnp.float32))


def _embed(ids3, embp):
    return pl.pallas_call(
        _embed_body,
        grid=(NP // 128,),
        in_specs=[
            pl.BlockSpec((1, 1, 128), lambda i: (i, 0, 0)),
            pl.BlockSpec((VP, H), lambda i: (0, 0)),
        ],
        out_specs=pl.BlockSpec((128, H), lambda i: (i, 0)),
        out_shape=jax.ShapeDtypeStruct((NP, H), jnp.float32),
    )(ids3, embp)


DEGC = 2048


def _deg_body(dst_ref, out_ref):
    step = pl.program_id(0)

    @pl.when(step == 0)
    def _():
        out_ref[...] = jnp.zeros((128, NP // 128), jnp.float32)

    d = dst_ref[0, 0, :]
    hi = d // 128
    lo = d - hi * 128
    lns = lax.broadcasted_iota(jnp.int32, (128, DEGC), 0)
    bmT = (lns == lo[None, :]).astype(jnp.float32)
    rws = lax.broadcasted_iota(jnp.int32, (DEGC, NP // 128), 1)
    aT = (rws == hi[:, None]).astype(jnp.float32)
    out_ref[...] += jnp.dot(bmT, aT, preferred_element_type=jnp.float32)


def _deg(dst3):
    return pl.pallas_call(
        _deg_body,
        grid=(EP // DEGC,),
        in_specs=[pl.BlockSpec((1, 1, DEGC), lambda i: (i, 0, 0))],
        out_specs=pl.BlockSpec((128, NP // 128), lambda i: (0, 0)),
        out_shape=jax.ShapeDtypeStruct((128, NP // 128), jnp.float32),
    )(dst3)


def _dinv_body(deg_ref, out_ref):
    col = deg_ref[...]
    out_ref[...] = jnp.broadcast_to(lax.rsqrt(col + 1.0), (128, H))


def _dinv(deg_col):
    return pl.pallas_call(
        _dinv_body,
        grid=(NP // 128,),
        in_specs=[pl.BlockSpec((128, 1), lambda i: (i, 0))],
        out_specs=pl.BlockSpec((128, H), lambda i: (i, 0)),
        out_shape=jax.ShapeDtypeStruct((NP, H), jnp.float32),
    )(deg_col)


def _mm0_body(x_ref, dinv_ref, w_ref, out_ref):
    out_ref[...] = dinv_ref[...] * jnp.dot(
        x_ref[...], w_ref[...], preferred_element_type=jnp.float32)


def _mm0(x0, dinvH, W):
    blk = lambda i: (i, 0)
    return pl.pallas_call(
        _mm0_body,
        grid=(NP // RB,),
        in_specs=[
            pl.BlockSpec((RB, H), blk),
            pl.BlockSpec((RB, H), blk),
            pl.BlockSpec((H, H), lambda i: (0, 0)),
        ],
        out_specs=pl.BlockSpec((RB, H), blk),
        out_shape=jax.ShapeDtypeStruct((NP, H), jnp.float32),
    )(x0, dinvH, W)


def _mmf_body(p_ref, g_ref, dinv_ref, b_ref, w_ref, out_ref):
    dinv = dinv_ref[...]
    x = jax.nn.relu(dinv * (p_ref[0] + p_ref[1] + g_ref[...]) + b_ref[...])
    out_ref[...] = dinv * jnp.dot(
        x, w_ref[...], preferred_element_type=jnp.float32)


def _mmf(parts, g, dinvH, b2d, W):
    blk = lambda i: (i, 0)
    return pl.pallas_call(
        _mmf_body,
        grid=(NP // RB,),
        in_specs=[
            pl.BlockSpec((2, RB, H), lambda i: (0, i, 0)),
            pl.BlockSpec((RB, H), blk),
            pl.BlockSpec((RB, H), blk),
            pl.BlockSpec((1, H), lambda i: (0, 0)),
            pl.BlockSpec((H, H), lambda i: (0, 0)),
        ],
        out_specs=pl.BlockSpec((RB, H), blk),
        out_shape=jax.ShapeDtypeStruct((NP, H), jnp.float32),
    )(parts, g, dinvH, b2d, W)


def _pool_body(p_ref, g_ref, dinv_ref, b_ref, bat_ref,
               l0w_ref, l0b_ref, gam_ref, bet_ref, l1w_ref, l1b_ref,
               out_ref):
    step = pl.program_id(0)

    @pl.when(step == 0)
    def _():
        out_ref[...] = jnp.zeros((B, H), jnp.float32)

    x = jax.nn.relu(
        dinv_ref[...] * (p_ref[0] + p_ref[1] + g_ref[...]) + b_ref[...])
    bid = bat_ref[0, 0, :]
    rows = lax.broadcasted_iota(jnp.int32, (B, RB), 0)
    m = (rows == bid[None, :]).astype(jnp.float32)
    out_ref[...] += jnp.dot(m, x, preferred_element_type=jnp.float32)

    @pl.when(step == pl.num_programs(0) - 1)
    def _():
        pooled = out_ref[...]
        h = jnp.dot(pooled, l0w_ref[...],
                    preferred_element_type=jnp.float32) + l0b_ref[...]
        h = h * BNS * gam_ref[...] + bet_ref[...]
        h = jax.nn.relu(h)
        lg = jnp.dot(h, l1w_ref[...],
                     preferred_element_type=jnp.float32) + l1b_ref[...]
        mx = jnp.max(lg, axis=1, keepdims=True)
        e = jnp.exp(lg - mx)
        out_ref[...] = e / jnp.sum(e, axis=1, keepdims=True)


def _pool(parts, g, dinvH, b2d, bat3, l0w, l0b, gam, bet, l1wp, l1bp):
    blk = lambda i: (i, 0)
    one = lambda i: (0, 0)
    return pl.pallas_call(
        _pool_body,
        grid=(NP // RB,),
        in_specs=[
            pl.BlockSpec((2, RB, H), lambda i: (0, i, 0)),
            pl.BlockSpec((RB, H), blk),
            pl.BlockSpec((RB, H), blk),
            pl.BlockSpec((1, H), one),
            pl.BlockSpec((1, 1, RB), lambda i: (i, 0, 0)),
            pl.BlockSpec((H, H), one),
            pl.BlockSpec((1, H), one),
            pl.BlockSpec((1, H), one),
            pl.BlockSpec((1, H), one),
            pl.BlockSpec((H, H), one),
            pl.BlockSpec((1, H), one),
        ],
        out_specs=pl.BlockSpec((B, H), lambda i: (0, 0)),
        out_shape=jax.ShapeDtypeStruct((B, H), jnp.float32),
    )(parts, g, dinvH, b2d, bat3, l0w, l0b, gam, bet, l1wp, l1bp)



@functools.lru_cache(maxsize=None)
def _mesh():
    return plsc.VectorSubcoreMesh(core_axis_name="c", subcore_axis_name="s")


def _msg_sc(g, src2, dst2):
    def body(g_hbm, src_hbm, dst_hbm, out_hbm,
             sidx, didx, rows, shared, sr0, sr1, si0, si1):
        c = lax.axis_index("c")
        s = lax.axis_index("s")
        base = s * (KC0 + KC1) + c * KC0
        nloop = (KC0 - 2) // 2 - ((KC0 - KC1) // 2) * c
        row0 = s * RPT
        sems_r = (sr0, sr1)
        sems_i = (si0, si1)

        def fetch_idx(j, b):
            pltpu.async_copy(src_hbm.at[base + j], sidx.at[b], sems_i[b])
            pltpu.async_copy(dst_hbm.at[base + j], didx.at[b], sems_i[b])

        def wait_idx(b):
            pltpu.make_async_copy(src_hbm.at[base], sidx.at[b],
                                  sems_i[b]).wait()
            pltpu.make_async_copy(dst_hbm.at[base], didx.at[b],
                                  sems_i[b]).wait()

        def start_gather(b):
            pltpu.async_copy(g_hbm.at[sidx.at[b]], rows.at[b], sems_r[b])

        def wait_gather(b):
            pltpu.make_async_copy(g_hbm.at[sidx.at[b]], rows.at[b],
                                  sems_r[b]).wait()

        def scatter(b):
            pltpu.sync_copy(rows.at[b], shared.at[didx.at[b]], add=True)

        def fill_z(i, _):
            for b in range(2):
                for k in range(8):
                    rows[b, i, pl.ds(k * 16, 16)] = jnp.zeros((16,),
                                                              jnp.float32)
            return _
        lax.fori_loop(0, CH, fill_z, None)

        for z in range(4):
            pltpu.sync_copy(rows.at[0], shared.at[pl.ds(row0 + z * CH, CH)])
        pltpu.sync_copy(rows.at[1, pl.ds(0, RPT - 4 * CH)],
                        shared.at[pl.ds(row0 + 4 * CH, RPT - 4 * CH)])
        plsc.subcore_barrier()

        fetch_idx(0, 0)
        fetch_idx(1, 1)
        wait_idx(0)
        start_gather(0)

        def loop(i, _):
            j2 = i * 2
            for b in range(2):
                wait_idx(1 - b)
                wait_gather(b)
                start_gather(1 - b)
                scatter(b)
                fetch_idx(j2 + b + 2, b)
            return _
        lax.fori_loop(0, nloop, loop, None)

        wait_idx(1)
        wait_gather(0)
        start_gather(1)
        scatter(0)
        wait_gather(1)
        scatter(1)

        plsc.subcore_barrier()
        pltpu.sync_copy(shared.at[pl.ds(row0, RPT)],
                        out_hbm.at[c, pl.ds(row0, RPT)])

    return pl.kernel(
        body,
        out_type=jax.ShapeDtypeStruct((2, NP, H), jnp.float32),
        mesh=_mesh(),
        scratch_types=[
            pltpu.VMEM((2, CH), jnp.int32),
            pltpu.VMEM((2, CH), jnp.int32),
            pltpu.VMEM((2, CH, H), jnp.float32),
            pltpu.VMEM_SHARED((NP, H), jnp.float32),
            pltpu.SemaphoreType.DMA,
            pltpu.SemaphoreType.DMA,
            pltpu.SemaphoreType.DMA,
            pltpu.SemaphoreType.DMA,
        ],
    )(g, src2, dst2)



def kernel(x_p_id, edge_index_p, x_p_batch, emb0, conv_W, conv_b,
           lin0_W, lin0_b, bn_gamma, bn_beta, lin1_W, lin1_b):
    f32 = jnp.float32
    ids3 = jnp.pad(x_p_id.astype(jnp.int32), (0, NP - N)).reshape(NP // 128, 1, 128)
    embp = jnp.pad(emb0, ((0, VP - VOCAB), (0, 0)))
    src2 = jnp.pad(edge_index_p[0].astype(jnp.int32), (0, EP - E),
                   constant_values=N).reshape(NTILES * KCH, CH)
    dst2 = jnp.pad(edge_index_p[1].astype(jnp.int32), (0, EP - E),
                   constant_values=N).reshape(NTILES * KCH, CH)
    dst_deg = jnp.pad(edge_index_p[1].astype(jnp.int32), (0, EP - E),
                      constant_values=N).reshape(EP // 2048, 1, 2048)
    bat3 = jnp.pad(x_p_batch.astype(jnp.int32), (0, NP - N),
                   constant_values=B + 1).reshape(NP // RB, 1, RB)
    b2 = [conv_b[i].reshape(1, H) for i in range(L)]
    l0b = lin0_b.reshape(1, H)
    gam = bn_gamma.reshape(1, H)
    bet = bn_beta.reshape(1, H)
    l1wp = jnp.pad(lin1_W, ((0, 0), (0, H - 2)))
    l1bp = jnp.pad(lin1_b, (0, H - 2), constant_values=-1e30).reshape(1, H)

    x0 = _embed(ids3, embp)
    deg2 = _deg(dst_deg)
    dinvH = _dinv(deg2.T.reshape(NP, 1))

    g = _mm0(x0, dinvH, conv_W[0])
    parts = _msg_sc(g, src2, dst2)
    for i in (1, 2):
        g = _mmf(parts, g, dinvH, b2[i - 1], conv_W[i])
        parts = _msg_sc(g, src2, dst2)

    out = _pool(parts, g, dinvH, b2[2], bat3, lin0_W, l0b, gam, bet,
                l1wp, l1bp)
    return out[:, :2].astype(f32)

# --- scband reference (transcript-rebuilt; emitter-appended) ---
"""Pipeline reference for scband-atgcnet-15023795602089 (READ-ONLY COPY).

The authoritative reference and input builder live on the scoring server;
editing this copy changes nothing except your own understanding.
"""

import jax, jax.numpy as jnp
import numpy as np

N = 10000
E = 320000
H = 128
VOCAB = 250
B = 64
L = 3

def setup_inputs(seed: int = 0):
    key = jax.random.key(seed)
    ks = jax.random.split(key, 12)
    x_p_id = jax.random.randint(ks[0], (N,), 0, VOCAB)
    edge_index_p = jax.random.randint(ks[1], (2, E), 0, N)
    x_p_batch = jnp.sort(jax.random.randint(ks[2], (N,), 0, B))
    emb0 = jax.random.normal(ks[3], (VOCAB, H), dtype=jnp.float32) * 0.02
    conv_W = jax.random.normal(ks[4], (L, H, H), dtype=jnp.float32) * 0.05
    conv_b = jnp.zeros((L, H), dtype=jnp.float32)
    lin0_W = jax.random.normal(ks[5], (H, H), dtype=jnp.float32) * 0.05
    lin0_b = jnp.zeros((H,), dtype=jnp.float32)
    bn_gamma = jnp.ones((H,), dtype=jnp.float32)
    bn_beta = jnp.zeros((H,), dtype=jnp.float32)
    lin1_W = jax.random.normal(ks[6], (H, 2), dtype=jnp.float32) * 0.05
    lin1_b = jnp.zeros((2,), dtype=jnp.float32)
    return {'x_p_id': x_p_id, 'edge_index_p': edge_index_p, 'x_p_batch': x_p_batch, 'emb0': emb0, 'conv_W': conv_W, 'conv_b': conv_b, 'lin0_W': lin0_W, 'lin0_b': lin0_b, 'bn_gamma': bn_gamma, 'bn_beta': bn_beta, 'lin1_W': lin1_W, 'lin1_b': lin1_b}

def _gcn(x, src, dst, W, b):
    # ATGCConv_GCN(hidden, hidden, score=False) modeled as symmetric-normalized GCN conv with self-loops
    n = x.shape[0]
    h = x @ W
    deg = jnp.zeros((n,), h.dtype).at[dst].add(1.0) + 1.0
    dinv = jax.lax.rsqrt(deg)
    coef = dinv[src] * dinv[dst]
    msg = jnp.take(h, src, axis=0) * coef[:, None]
    agg = jnp.zeros_like(h).at[dst].add(msg)
    agg = agg + h * (dinv * dinv)[:, None]
    return agg + b

def _forward(x_p_id, src, dst, x_p_batch, emb0, conv_W, conv_b, lin0_W, lin0_b, bn_gamma, bn_beta, lin1_W, lin1_b):
    # embedding(): x_p = embeds[0](x_p_id).reshape(-1, H).relu(); dropout is identity in eval
    x = jax.nn.relu(jnp.take(emb0, x_p_id, axis=0))
    pooled = jnp.zeros((B, H), x.dtype)
    for i in range(L):
        x = jax.nn.relu(_gcn(x, src, dst, conv_W[i], conv_b[i]))
        # aggregate == 'sum' -> global add pool per graph; only x_ps[-1] is used downstream
        pooled = jax.ops.segment_sum(x, x_p_batch, num_segments=B)
    h = pooled @ lin0_W + lin0_b
    # BatchNorm1d in eval mode with init running stats (mean=0, var=1)
    h = h * jax.lax.rsqrt(jnp.float32(1.0 + 1e-5)) * bn_gamma + bn_beta
    h = jax.nn.relu(h)
    h = h @ lin1_W + lin1_b
    return jax.nn.softmax(h, axis=1)

def reference(x_p_id, edge_index_p, x_p_batch, emb0, conv_W, conv_b, lin0_W, lin0_b, bn_gamma, bn_beta, lin1_W, lin1_b):
    return _forward(x_p_id, edge_index_p[0], edge_index_p[1], x_p_batch, emb0, conv_W, conv_b, lin0_W, lin0_b, bn_gamma, bn_beta, lin1_W, lin1_b)

if __name__ == "__main__":
    import jax
    _d = setup_inputs()
    print(jax.jit(kernel)(*tuple(_d.values())))

</pallas_src>

<mosaic_0001>
#map = affine_map<(d0, d1) -> (0, 0)>
#map1 = affine_map<(d0, d1) -> (0, 0, 0)>
module attributes {stable_mosaic.version = 14 : i64} {
  func.func @body(%arg0: i32, %arg1: i32, %arg2: memref<10112x128xf32, #tpu.memory_space<hbm>>, %arg3: memref<2560x128xi32, #tpu.memory_space<hbm>>, %arg4: memref<2560x128xi32, #tpu.memory_space<hbm>>, %arg5: memref<2x10112x128xf32, #tpu.memory_space<hbm>>, %arg6: memref<2x128xi32, #tpu.memory_space<vmem>>, %arg7: memref<2x128xi32, #tpu.memory_space<vmem>>, %arg8: memref<2x128x128xf32, #tpu.memory_space<vmem>>, %arg9: memref<10112x128xf32, #tpu.memory_space<vmem_shared>>, %arg10: memref<!tpu.dma_semaphore, #tpu.memory_space<semaphore_mem>>, %arg11: memref<!tpu.dma_semaphore, #tpu.memory_space<semaphore_mem>>, %arg12: memref<!tpu.dma_semaphore, #tpu.memory_space<semaphore_mem>>, %arg13: memref<!tpu.dma_semaphore, #tpu.memory_space<semaphore_mem>>) attributes {dimension_semantics = [#tpu.dimension_semantics<core_parallel>, #tpu.dimension_semantics<subcore_parallel>], iteration_bounds = array<i64: 2, 16>, scalar_prefetch = 0 : i64, scratch_operands = 8 : i64, tpu.core_type = #tpu.core_type<sc_vector_subcore>, window_params = [{transform_indices = #map}, {transform_indices = #map}, {transform_indices = #map}, {transform_indices = #map1}]} {
    %mul3A = arith.constant 160 : i32
    %mul3A_0 = arith.muli %arg1, %mul3A : i32
    %mul3A_1 = arith.constant 118 : i32
    %mul3A_2 = arith.muli %arg0, %mul3A_1 : i32
    %add3A = arith.addi %mul3A_0, %mul3A_2 : i32
    %mul3A_3 = arith.constant 38 : i32
    %mul3A_4 = arith.muli %mul3A_3, %arg0 : i32
    %sub3A = arith.constant 58 : i32
    %sub3A_5 = arith.subi %sub3A, %mul3A_4 : i32
    %mul3A_6 = arith.constant 632 : i32
    %mul3A_7 = arith.muli %arg1, %mul3A_6 : i32
    %scan3A = arith.constant 0 : i32
    %scan3A_8 = arith.constant 128 : i32
    %scan3A_9 = arith.addi %scan3A, %scan3A_8 : i32
    %scan3A_10 = arith.constant 1 : i32
    scf.for %scan3A_197 = %scan3A to %scan3A_9 step %scan3A_10  : i32 {
      %broadcast_in_dim3A = arith.constant 0.000000e+00 : f32
      %broadcast_in_dim3A_198 = vector.broadcast %broadcast_in_dim3A : f32 to vector<16xf32>
      %swap3A = arith.constant 0 : i32
      %swap3A_199 = arith.index_cast %swap3A : i32 to index
      %swap3A_200 = arith.index_cast %scan3A_197 : i32 to index
      %swap3A_201 = arith.constant 0 : index
      %swap3A_202 = tpu.vector_load %arg8[%swap3A_199, %swap3A_200, %swap3A_201] {strides = array<i32>} : memref<2x128x128xf32, #tpu.memory_space<vmem>>, vector<1x1x16xf32>,
      %swap3A_203 = vector.shape_cast %swap3A_202 : vector<1x1x16xf32> to vector<16xf32>
      %swap3A_204 = vector.shape_cast %broadcast_in_dim3A_198 : vector<16xf32> to vector<1x1x16xf32>
      tpu.vector_store %arg8[%swap3A_199, %swap3A_200, %swap3A_201], %swap3A_204 {strides = array<i32>} : memref<2x128x128xf32, #tpu.memory_space<vmem>>, vector<1x1x16xf32>,
      %broadcast_in_dim3A_205 = arith.constant 0.000000e+00 : f32
      %broadcast_in_dim3A_206 = vector.broadcast %broadcast_in_dim3A_205 : f32 to vector<16xf32>
      %swap3A_207 = arith.constant 0 : i32
      %swap3A_208 = arith.index_cast %swap3A_207 : i32 to index
      %swap3A_209 = arith.index_cast %scan3A_197 : i32 to index
      %swap3A_210 = arith.constant 16 : index
      %swap3A_211 = tpu.vector_load %arg8[%swap3A_208, %swap3A_209, %swap3A_210] {strides = array<i32>} : memref<2x128x128xf32, #tpu.memory_space<vmem>>, vector<1x1x16xf32>,
      %swap3A_212 = vector.shape_cast %swap3A_211 : vector<1x1x16xf32> to vector<16xf32>
      %swap3A_213 = vector.shape_cast %broadcast_in_dim3A_206 : vector<16xf32> to vector<1x1x16xf32>
      tpu.vector_store %arg8[%swap3A_208, %swap3A_209, %swap3A_210], %swap3A_213 {strides = array<i32>} : memref<2x128x128xf32, #tpu.memory_space<vmem>>, vector<1x1x16xf32>,
      %broadcast_in_dim3A_214 = arith.constant 0.000000e+00 : f32
      %broadcast_in_dim3A_215 = vector.broadcast %broadcast_in_dim3A_214 : f32 to vector<16xf32>
      %swap3A_216 = arith.constant 0 : i32
      %swap3A_217 = arith.index_cast %swap3A_216 : i32 to index
      %swap3A_218 = arith.index_cast %scan3A_197 : i32 to index
      %swap3A_219 = arith.constant 32 : index
      %swap3A_220 = tpu.vector_load %arg8[%swap3A_217, %swap3A_218, %swap3A_219] {strides = array<i32>} : memref<2x128x128xf32, #tpu.memory_space<vmem>>, vector<1x1x16xf32>,
      %swap3A_221 = vector.shape_cast %swap3A_220 : vector<1x1x16xf32> to vector<16xf32>
      %swap3A_222 = vector.shape_cast %broadcast_in_dim3A_215 : vector<16xf32> to vector<1x1x16xf32>
      tpu.vector_store %arg8[%swap3A_217, %swap3A_218, %swap3A_219], %swap3A_222 {strides = array<i32>} : memref<2x128x128xf32, #tpu.memory_space<vmem>>, vector<1x1x16xf32>,
      %broadcast_in_dim3A_223 = arith.constant 0.000000e+00 : f32
      %broadcast_in_dim3A_224 = vector.broadcast %broadcast_in_dim3A_223 : f32 to vector<16xf32>
      %swap3A_225 = arith.constant 0 : i32
      %swap3A_226 = arith.index_cast %swap3A_225 : i32 to index
      %swap3A_227 = arith.index_cast %scan3A_197 : i32 to index
      %swap3A_228 = arith.constant 48 : index
      %swap3A_229 = tpu.vector_load %arg8[%swap3A_226, %swap3A_227, %swap3A_228] {strides = array<i32>} : memref<2x128x128xf32, #tpu.memory_space<vmem>>, vector<1x1x16xf32>,
      %swap3A_230 = vector.shape_cast %swap3A_229 : vector<1x1x16xf32> to vector<16xf32>
      %swap3A_231 = vector.shape_cast %broadcast_in_dim3A_224 : vector<16xf32> to vector<1x1x16xf32>
      tpu.vector_store %arg8[%swap3A_226, %swap3A_227, %swap3A_228], %swap3A_231 {strides = array<i32>} : memref<2x128x128xf32, #tpu.memory_space<vmem>>, vector<1x1x16xf32>,
      %broadcast_in_dim3A_232 = arith.constant 0.000000e+00 : f32
      %broadcast_in_dim3A_233 = vector.broadcast %broadcast_in_dim3A_232 : f32 to vector<16xf32>
      %swap3A_234 = arith.constant 0 : i32
      %swap3A_235 = arith.index_cast %swap3A_234 : i32 to index
      %swap3A_236 = arith.index_cast %scan3A_197 : i32 to index
      %swap3A_237 = arith.constant 64 : index
      %swap3A_238 = tpu.vector_load %arg8[%swap3A_235, %swap3A_236, %swap3A_237] {strides = array<i32>} : memref<2x128x128xf32, #tpu.memory_space<vmem>>, vector<1x1x16xf32>,
      %swap3A_239 = vector.shape_cast %swap3A_238 : vector<1x1x16xf32> to vector<16xf32>
      %swap3A_240 = vector.shape_cast %broadcast_in_dim3A_233 : vector<16xf32> to vector<1x1x16xf32>
      tpu.vector_store %arg8[%swap3A_235, %swap3A_236, %swap3A_237], %swap3A_240 {strides = array<i32>} : memref<2x128x128xf32, #tpu.memory_space<vmem>>, vector<1x1x16xf32>,
      %broadcast_in_dim3A_241 = arith.constant 0.000000e+00 : f32
      %broadcast_in_dim3A_242 = vector.broadcast %broadcast_in_dim3A_241 : f32 to vector<16xf32>
      %swap3A_243 = arith.constant 0 : i32
      %swap3A_244 = arith.index_cast %swap3A_243 : i32 to index
      %swap3A_245 = arith.index_cast %scan3A_197 : i32 to index
      %swap3A_246 = arith.constant 80 : index
      %swap3A_247 = tpu.vector_load %arg8[%swap3A_244, %swap3A_245, %swap3A_246] {strides = array<i32>} : memref<2x128x128xf32, #tpu.memory_space<vmem>>, vector<1x1x16xf32>,
      %swap3A_248 = vector.shape_cast %swap3A_247 : vector<1x1x16xf32> to vector<16xf32>
      %swap3A_249 = vector.shape_cast %broadcast_in_dim3A_242 : vector<16xf32> to vector<1x1x16xf32>
      tpu.vector_store %arg8[%swap3A_244, %swap3A_245, %swap3A_246], %swap3A_249 {strides = array<i32>} : memref<2x128x128xf32, #tpu.memory_space<vmem>>, vector<1x1x16xf32>,
      %broadcast_in_dim3A_250 = arith.constant 0.000000e+00 : f32
      %broadcast_in_dim3A_251 = vector.broadcast %broadcast_in_dim3A_250 : f32 to vector<16xf32>
      %swap3A_252 = arith.constant 0 : i32
      %swap3A_253 = arith.index_cast %swap3A_252 : i32 to index
      %swap3A_254 = arith.index_cast %scan3A_197 : i32 to index
      %swap3A_255 = arith.constant 96 : index
      %swap3A_256 = tpu.vector_load %arg8[%swap3A_253, %swap3A_254, %swap3A_255] {strides = array<i32>} : memref<2x128x128xf32, #tpu.memory_space<vmem>>, vector<1x1x16xf32>,
      %swap3A_257 = vector.shape_cast %swap3A_256 : vector<1x1x16xf32> to vector<16xf32>
      %swap3A_258 = vector.shape_cast %broadcast_in_dim3A_251 : vector<16xf32> to vector<1x1x16xf32>
      tpu.vector_store %arg8[%swap3A_253, %swap3A_254, %swap3A_255], %swap3A_258 {strides = array<i32>} : memref<2x128x128xf32, #tpu.memory_space<vmem>>, vector<1x1x16xf32>,
      %broadcast_in_dim3A_259 = arith.constant 0.000000e+00 : f32
      %broadcast_in_dim3A_260 = vector.broadcast %broadcast_in_dim3A_259 : f32 to vector<16xf32>
      %swap3A_261 = arith.constant 0 : i32
      %swap3A_262 = arith.index_cast %swap3A_261 : i32 to index
      %swap3A_263 = arith.index_cast %scan3A_197 : i32 to index
      %swap3A_264 = arith.constant 112 : index
      %swap3A_265 = tpu.vector_load %arg8[%swap3A_262, %swap3A_263, %swap3A_264] {strides = array<i32>} : memref<2x128x128xf32, #tpu.memory_space<vmem>>, vector<1x1x16xf32>,
      %swap3A_266 = vector.shape_cast %swap3A_265 : vector<1x1x16xf32> to vector<16xf32>
      %swap3A_267 = vector.shape_cast %broadcast_in_dim3A_260 : vector<16xf32> to vector<1x1x16xf32>
      tpu.vector_store %arg8[%swap3A_262, %swap3A_263, %swap3A_264], %swap3A_267 {strides = array<i32>} : memref<2x128x128xf32, #tpu.memory_space<vmem>>, vector<1x1x16xf32>,
      %broadcast_in_dim3A_268 = arith.constant 0.000000e+00 : f32
      %broadcast_in_dim3A_269 = vector.broadcast %broadcast_in_dim3A_268 : f32 to vector<16xf32>
      %swap3A_270 = arith.constant 1 : i32
      %swap3A_271 = arith.index_cast %swap3A_270 : i32 to index
      %swap3A_272 = arith.index_cast %scan3A_197 : i32 to index
      %swap3A_273 = arith.constant 0 : index
      %swap3A_274 = tpu.vector_load %arg8[%swap3A_271, %swap3A_272, %swap3A_273] {strides = array<i32>} : memref<2x128x128xf32, #tpu.memory_space<vmem>>, vector<1x1x16xf32>,
      %swap3A_275 = vector.shape_cast %swap3A_274 : vector<1x1x16xf32> to vector<16xf32>
      %swap3A_276 = vector.shape_cast %broadcast_in_dim3A_269 : vector<16xf32> to vector<1x1x16xf32>
      tpu.vector_store %arg8[%swap3A_271, %swap3A_272, %swap3A_273], %swap3A_276 {strides = array<i32>} : memref<2x128x128xf32, #tpu.memory_space<vmem>>, vector<1x1x16xf32>,
      %broadcast_in_dim3A_277 = arith.constant 0.000000e+00 : f32
      %broadcast_in_dim3A_278 = vector.broadcast %broadcast_in_dim3A_277 : f32 to vector<16xf32>
      %swap3A_279 = arith.constant 1 : i32
      %swap3A_280 = arith.index_cast %swap3A_279 : i32 to index
      %swap3A_281 = arith.index_cast %scan3A_197 : i32 to index
      %swap3A_282 = arith.constant 16 : index
      %swap3A_283 = tpu.vector_load %arg8[%swap3A_280, %swap3A_281, %swap3A_282] {strides = array<i32>} : memref<2x128x128xf32, #tpu.memory_space<vmem>>, vector<1x1x16xf32>,
      %swap3A_284 = vector.shape_cast %swap3A_283 : vector<1x1x16xf32> to vector<16xf32>
      %swap3A_285 = vector.shape_cast %broadcast_in_dim3A_278 : vector<16xf32> to vector<1x1x16xf32>
      tpu.vector_store %arg8[%swap3A_280, %swap3A_281, %swap3A_282], %swap3A_285 {strides = array<i32>} : memref<2x128x128xf32, #tpu.memory_space<vmem>>, vector<1x1x16xf32>,
      %broadcast_in_dim3A_286 = arith.constant 0.000000e+00 : f32
      %broadcast_in_dim3A_287 = vector.broadcast %broadcast_in_dim3A_286 : f32 to vector<16xf32>
      %swap3A_288 = arith.constant 1 : i32
      %swap3A_289 = arith.index_cast %swap3A_288 : i32 to index
      %swap3A_290 = arith.index_cast %scan3A_197 : i32 to index
      %swap3A_291 = arith.constant 32 : index
      %swap3A_292 = tpu.vector_load %arg8[%swap3A_289, %swap3A_290, %swap3A_291] {strides = array<i32>} : memref<2x128x128xf32, #tpu.memory_space<vmem>>, vector<1x1x16xf32>,
      %swap3A_293 = vector.shape_cast %swap3A_292 : vector<1x1x16xf32> to vector<16xf32>
      %swap3A_294 = vector.shape_cast %broadcast_in_dim3A_287 : vector<16xf32> to vector<1x1x16xf32>
      tpu.vector_store %arg8[%swap3A_289, %swap3A_290, %swap3A_291], %swap3A_294 {strides = array<i32>} : memref<2x128x128xf32, #tpu.memory_space<vmem>>, vector<1x1x16xf32>,
      %broadcast_in_dim3A_295 = arith.constant 0.000000e+00 : f32
      %broadcast_in_dim3A_296 = vector.broadcast %broadcast_in_dim3A_295 : f32 to vector<16xf32>
      %swap3A_297 = arith.constant 1 : i32
      %swap3A_298 = arith.index_cast %swap3A_297 : i32 to index
      %swap3A_299 = arith.index_cast %scan3A_197 : i32 to index
      %swap3A_300 = arith.constant 48 : index
      %swap3A_301 = tpu.vector_load %arg8[%swap3A_298, %swap3A_299, %swap3A_300] {strides = array<i32>} : memref<2x128x128xf32, #tpu.memory_space<vmem>>, vector<1x1x16xf32>,
      %swap3A_302 = vector.shape_cast %swap3A_301 : vector<1x1x16xf32> to vector<16xf32>
      %swap3A_303 = vector.shape_cast %broadcast_in_dim3A_296 : vector<16xf32> to vector<1x1x16xf32>
      tpu.vector_store %arg8[%swap3A_298, %swap3A_299, %swap3A_300], %swap3A_303 {strides = array<i32>} : memref<2x128x128xf32, #tpu.memory_space<vmem>>, vector<1x1x16xf32>,
      %broadcast_in_dim3A_304 = arith.constant 0.000000e+00 : f32
      %broadcast_in_dim3A_305 = vector.broadcast %broadcast_in_dim3A_304 : f32 to vector<16xf32>
      %swap3A_306 = arith.constant 1 : i32
      %swap3A_307 = arith.index_cast %swap3A_306 : i32 to index
      %swap3A_308 = arith.index_cast %scan3A_197 : i32 to index
      %swap3A_309 = arith.constant 64 : index
      %swap3A_310 = tpu.vector_load %arg8[%swap3A_307, %swap3A_308, %swap3A_309] {strides = array<i32>} : memref<2x128x128xf32, #tpu.memory_space<vmem>>, vector<1x1x16xf32>,
      %swap3A_311 = vector.shape_cast %swap3A_310 : vector<1x1x16xf32> to vector<16xf32>
      %swap3A_312 = vector.shape_cast %broadcast_in_dim3A_305 : vector<16xf32> to vector<1x1x16xf32>
      tpu.vector_store %arg8[%swap3A_307, %swap3A_308, %swap3A_309], %swap3A_312 {strides = array<i32>} : memref<2x128x128xf32, #tpu.memory_space<vmem>>, vector<1x1x16xf32>,
      %broadcast_in_dim3A_313 = arith.constant 0.000000e+00 : f32
      %broadcast_in_dim3A_314 = vector.broadcast %broadcast_in_dim3A_313 : f32 to vector<16xf32>
      %swap3A_315 = arith.constant 1 : i32
      %swap3A_316 = arith.index_cast %swap3A_315 : i32 to index
      %swap3A_317 = arith.index_cast %scan3A_197 : i32 to index
      %swap3A_318 = arith.constant 80 : index
      %swap3A_319 = tpu.vector_load %arg8[%swap3A_316, %swap3A_317, %swap3A_318] {strides = array<i32>} : memref<2x128x128xf32, #tpu.memory_space<vmem>>, vector<1x1x16xf32>,
      %swap3A_320 = vector.shape_cast %swap3A_319 : vector<1x1x16xf32> to vector<16xf32>
      %swap3A_321 = vector.shape_cast %broadcast_in_dim3A_314 : vector<16xf32> to vector<1x1x16xf32>
      tpu.vector_store %arg8[%swap3A_316, %swap3A_317, %swap3A_318], %swap3A_321 {strides = array<i32>} : memref<2x128x128xf32, #tpu.memory_space<vmem>>, vector<1x1x16xf32>,
      %broadcast_in_dim3A_322 = arith.constant 0.000000e+00 : f32
      %broadcast_in_dim3A_323 = vector.broadcast %broadcast_in_dim3A_322 : f32 to vector<16xf32>
      %swap3A_324 = arith.constant 1 : i32
      %swap3A_325 = arith.index_cast %swap3A_324 : i32 to index
      %swap3A_326 = arith.index_cast %scan3A_197 : i32 to index
      %swap3A_327 = arith.constant 96 : index
      %swap3A_328 = tpu.vector_load %arg8[%swap3A_325, %swap3A_326, %swap3A_327] {strides = array<i32>} : memref<2x128x128xf32, #tpu.memory_space<vmem>>, vector<1x1x16xf32>,
      %swap3A_329 = vector.shape_cast %swap3A_328 : vector<1x1x16xf32> to vector<16xf32>
      %swap3A_330 = vector.shape_cast %broadcast_in_dim3A_323 : vector<16xf32> to vector<1x1x16xf32>
      tpu.vector_store %arg8[%swap3A_325, %swap3A_326, %swap3A_327], %swap3A_330 {strides = array<i32>} : memref<2x128x128xf32, #tpu.memory_space<vmem>>, vector<1x1x16xf32>,
      %broadcast_in_dim3A_331 = arith.constant 0.000000e+00 : f32
      %broadcast_in_dim3A_332 = vector.broadcast %broadcast_in_dim3A_331 : f32 to vector<16xf32>
      %swap3A_333 = arith.constant 1 : i32
      %swap3A_334 = arith.index_cast %swap3A_333 : i32 to index
      %swap3A_335 = arith.index_cast %scan3A_197 : i32 to index
      %swap3A_336 = arith.constant 112 : index
      %swap3A_337 = tpu.vector_load %arg8[%swap3A_334, %swap3A_335, %swap3A_336] {strides = array<i32>} : memref<2x128x128xf32, #tpu.memory_space<vmem>>, vector<1x1x16xf32>,
      %swap3A_338 = vector.shape_cast %swap3A_337 : vector<1x1x16xf32> to vector<16xf32>
      %swap3A_339 = vector.shape_cast %broadcast_in_dim3A_332 : vector<16xf32> to vector<1x1x16xf32>
      tpu.vector_store %arg8[%swap3A_334, %swap3A_335, %swap3A_336], %swap3A_339 {strides = array<i32>} : memref<2x128x128xf32, #tpu.memory_space<vmem>>, vector<1x1x16xf32>,
    }
    %scan3A_11 = arith.constant 128 : i32
    %add3A_12 = arith.constant 0 : i32
    %add3A_13 = arith.addi %mul3A_7, %add3A_12 : i32
    %run_scoped3A = arith.constant 0 : i32
    "tpu.region"() ({
      %run_scoped3A_197 = tpu.sem_alloc : memref<!tpu.dma_semaphore, #tpu.memory_space<semaphore_mem>>
      %dma_start3A_198 = arith.constant 0 : i32
      %dma_start3A_199 = arith.constant 0 : i32
      %dma_start3A_200 = tpu.memref_slice %arg8[%run_scoped3A, %dma_start3A_198, %dma_start3A_199] : memref<2x128x128xf32, #tpu.memory_space<vmem>> -> memref<1x128x128xf32, #tpu.memory_space<vmem>>
      %dma_start3A_201 = tpu.memref_squeeze %dma_start3A_200 : memref<1x128x128xf32, #tpu.memory_space<vmem>> -> memref<128x128xf32, #tpu.memory_space<vmem>>
      %dma_start3A_202 = arith.constant 0 : i32
      %dma_start3A_203 = tpu.memref_slice %arg9[%add3A_13, %dma_start3A_202] : memref<10112x128xf32, #tpu.memory_space<vmem_shared>> -> memref<128x128xf32, #tpu.memory_space<vmem_shared>>
      %dma_start3A_204 = arith.constant 0 : i32
      %dma_start3A_205 = tpu.memref_slice %arg9[%add3A_13, %dma_start3A_204] : memref<10112x128xf32, #tpu.memory_space<vmem_shared>> -> memref<128x128xf32, #tpu.memory_space<vmem_shared>>
      %dma_start3A_206 = arith.constant 0 : i32
      %dma_start3A_207 = arith.constant 0 : i32
      %dma_start3A_208 = tpu.memref_slice %arg8[%run_scoped3A, %dma_start3A_206, %dma_start3A_207] : memref<2x128x128xf32, #tpu.memory_space<vmem>> -> memref<1x128x128xf32, #tpu.memory_space<vmem>>
      %dma_start3A_209 = tpu.memref_squeeze %dma_start3A_208 : memref<1x128x128xf32, #tpu.memory_space<vmem>> -> memref<128x128xf32, #tpu.memory_space<vmem>>
      tpu.enqueue_dma source(%dma_start3A_209 : memref<128x128xf32, #tpu.memory_space<vmem>>) target(%dma_start3A_205 : memref<128x128xf32, #tpu.memory_space<vmem_shared>>) target_semaphore(%run_scoped3A_197 : memref<!tpu.dma_semaphore, #tpu.memory_space<semaphore_mem>>)
      %dma_wait3A_210 = arith.constant 0 : i32
      %dma_wait3A_211 = arith.constant 0 : i32
      %dma_wait3A_212 = tpu.memref_slice %arg8[%run_scoped3A, %dma_wait3A_210, %dma_wait3A_211] : memref<2x128x128xf32, #tpu.memory_space<vmem>> -> memref<1x128x128xf32, #tpu.memory_space<vmem>>
      %dma_wait3A_213 = tpu.memref_squeeze %dma_wait3A_212 : memref<1x128x128xf32, #tpu.memory_space<vmem>> -> memref<128x128xf32, #tpu.memory_space<vmem>>
      %dma_wait3A_214 = arith.constant 0 : i32
      %dma_wait3A_215 = tpu.memref_slice %arg9[%add3A_13, %dma_wait3A_214] : memref<10112x128xf32, #tpu.memory_space<vmem_shared>> -> memref<128x128xf32, #tpu.memory_space<vmem_shared>>
      %dma_wait3A_216 = arith.constant 0 : i32
      %dma_wait3A_217 = tpu.memref_slice %arg9[%add3A_13, %dma_wait3A_216] : memref<10112x128xf32, #tpu.memory_space<vmem_shared>> -> memref<128x128xf32, #tpu.memory_space<vmem_shared>>
      %dma_wait3A_218 = arith.constant 0 : i32
      %dma_wait3A_219 = arith.constant 0 : i32
      %dma_wait3A_220 = tpu.memref_slice %arg8[%run_scoped3A, %dma_wait3A_218, %dma_wait3A_219] : memref<2x128x128xf32, #tpu.memory_space<vmem>> -> memref<1x128x128xf32, #tpu.memory_space<vmem>>
      %dma_wait3A_221 = tpu.memref_squeeze %dma_wait3A_220 : memref<1x128x128xf32, #tpu.memory_space<vmem>> -> memref<128x128xf32, #tpu.memory_space<vmem>>
      tpu.wait_dma2 semaphore(%run_scoped3A_197 : memref<!tpu.dma_semaphore, #tpu.memory_space<semaphore_mem>>) src(%dma_wait3A_221 : memref<128x128xf32, #tpu.memory_space<vmem>>) dst(%dma_wait3A_217 : memref<128x128xf32, #tpu.memory_space<vmem_shared>>)
      tpu.yield
    }) : () -> ()
    %add3A_14 = arith.constant 128 : i32
    %add3A_15 = arith.addi %mul3A_7, %add3A_14 : i32
    %run_scoped3A_16 = arith.constant 0 : i32
    "tpu.region"() ({
      %run_scoped3A_197 = tpu.sem_alloc : memref<!tpu.dma_semaphore, #tpu.memory_space<semaphore_mem>>
      %dma_start3A_198 = arith.constant 0 : i32
      %dma_start3A_199 = arith.constant 0 : i32
      %dma_start3A_200 = tpu.memref_slice %arg8[%run_scoped3A_16, %dma_start3A_198, %dma_start3A_199] : memref<2x128x128xf32, #tpu.memory_space<vmem>> -> memref<1x128x128xf32, #tpu.memory_space<vmem>>
      %dma_start3A_201 = tpu.memref_squeeze %dma_start3A_200 : memref<1x128x128xf32, #tpu.memory_space<vmem>> -> memref<128x128xf32, #tpu.memory_space<vmem>>
      %dma_start3A_202 = arith.constant 0 : i32
      %dma_start3A_203 = tpu.memref_slice %arg9[%add3A_15, %dma_start3A_202] : memref<10112x128xf32, #tpu.memory_space<vmem_shared>> -> memref<128x128xf32, #tpu.memory_space<vmem_shared>>
      %dma_start3A_204 = arith.constant 0 : i32
      %dma_start3A_205 = tpu.memref_slice %arg9[%add3A_15, %dma_start3A_204] : memref<10112x128xf32, #tpu.memory_space<vmem_shared>> -> memref<128x128xf32, #tpu.memory_space<vmem_shared>>
      %dma_start3A_206 = arith.constant 0 : i32
      %dma_start3A_207 = arith.constant 0 : i32
      %dma_start3A_208 = tpu.memref_slice %arg8[%run_scoped3A_16, %dma_start3A_206, %dma_start3A_207] : memref<2x128x128xf32, #tpu.memory_space<vmem>> -> memref<1x128x128xf32, #tpu.memory_space<vmem>>
      %dma_start3A_209 = tpu.memref_squeeze %dma_start3A_208 : memref<1x128x128xf32, #tpu.memory_space<vmem>> -> memref<128x128xf32, #tpu.memory_space<vmem>>
      tpu.enqueue_dma source(%dma_start3A_209 : memref<128x128xf32, #tpu.memory_space<vmem>>) target(%dma_start3A_205 : memref<128x128xf32, #tpu.memory_space<vmem_shared>>) target_semaphore(%run_scoped3A_197 : memref<!tpu.dma_semaphore, #tpu.memory_space<semaphore_mem>>)
      %dma_wait3A_210 = arith.constant 0 : i32
      %dma_wait3A_211 = arith.constant 0 : i32
      %dma_wait3A_212 = tpu.memref_slice %arg8[%run_scoped3A_16, %dma_wait3A_210, %dma_wait3A_211] : memref<2x128x128xf32, #tpu.memory_space<vmem>> -> memref<1x128x128xf32, #tpu.memory_space<vmem>>
      %dma_wait3A_213 = tpu.memref_squeeze %dma_wait3A_212 : memref<1x128x128xf32, #tpu.memory_space<vmem>> -> memref<128x128xf32, #tpu.memory_space<vmem>>
      %dma_wait3A_214 = arith.constant 0 : i32
      %dma_wait3A_215 = tpu.memref_slice %arg9[%add3A_15, %dma_wait3A_214] : memref<10112x128xf32, #tpu.memory_space<vmem_shared>> -> memref<128x128xf32, #tpu.memory_space<vmem_shared>>
      %dma_wait3A_216 = arith.constant 0 : i32
      %dma_wait3A_217 = tpu.memref_slice %arg9[%add3A_15, %dma_wait3A_216] : memref<10112x128xf32, #tpu.memory_space<vmem_shared>> -> memref<128x128xf32, #tpu.memory_space<vmem_shared>>
      %dma_wait3A_218 = arith.constant 0 : i32
      %dma_wait3A_219 = arith.constant 0 : i32
      %dma_wait3A_220 = tpu.memref_slice %arg8[%run_scoped3A_16, %dma_wait3A_218, %dma_wait3A_219] : memref<2x128x128xf32, #tpu.memory_space<vmem>> -> memref<1x128x128xf32, #tpu.memory_space<vmem>>
      %dma_wait3A_221 = tpu.memref_squeeze %dma_wait3A_220 : memref<1x128x128xf32, #tpu.memory_space<vmem>> -> memref<128x128xf32, #tpu.memory_space<vmem>>
      tpu.wait_dma2 semaphore(%run_scoped3A_197 : memref<!tpu.dma_semaphore, #tpu.memory_space<semaphore_mem>>) src(%dma_wait3A_221 : memref<128x128xf32, #tpu.memory_space<vmem>>) dst(%dma_wait3A_217 : memref<128x128xf32, #tpu.memory_space<vmem_shared>>)
      tpu.yield
    }) : () -> ()
    %add3A_17 = arith.constant 256 : i32
    %add3A_18 = arith.addi %mul3A_7, %add3A_17 : i32
    %run_scoped3A_19 = arith.constant 0 : i32
    "tpu.region"() ({
      %run_scoped3A_197 = tpu.sem_alloc : memref<!tpu.dma_semaphore, #tpu.memory_space<semaphore_mem>>
      %dma_start3A_198 = arith.constant 0 : i32
      %dma_start3A_199 = arith.constant 0 : i32
      %dma_start3A_200 = tpu.memref_slice %arg8[%run_scoped3A_19, %dma_start3A_198, %dma_start3A_199] : memref<2x128x128xf32, #tpu.memory_space<vmem>> -> memref<1x128x128xf32, #tpu.memory_space<vmem>>
      %dma_start3A_201 = tpu.memref_squeeze %dma_start3A_200 : memref<1x128x128xf32, #tpu.memory_space<vmem>> -> memref<128x128xf32, #tpu.memory_space<vmem>>
      %dma_start3A_202 = arith.constant 0 : i32
      %dma_start3A_203 = tpu.memref_slice %arg9[%add3A_18, %dma_start3A_202] : memref<10112x128xf32, #tpu.memory_space<vmem_shared>> -> memref<128x128xf32, #tpu.memory_space<vmem_shared>>
      %dma_start3A_204 = arith.constant 0 : i32
      %dma_start3A_205 = tpu.memref_slice %arg9[%add3A_18, %dma_start3A_204] : memref<10112x128xf32, #tpu.memory_space<vmem_shared>> -> memref<128x128xf32, #tpu.memory_space<vmem_shared>>
      %dma_start3A_206 = arith.constant 0 : i32
      %dma_start3A_207 = arith.constant 0 : i32
      %dma_start3A_208 = tpu.memref_slice %arg8[%run_scoped3A_19, %dma_start3A_206, %dma_start3A_207] : memref<2x128x128xf32, #tpu.memory_space<vmem>> -> memref<1x128x128xf32, #tpu.memory_space<vmem>>
      %dma_start3A_209 = tpu.memref_squeeze %dma_start3A_208 : memref<1x128x128xf32, #tpu.memory_space<vmem>> -> memref<128x128xf32, #tpu.memory_space<vmem>>
      tpu.enqueue_dma source(%dma_start3A_209 : memref<128x128xf32, #tpu.memory_space<vmem>>) target(%dma_start3A_205 : memref<128x128xf32, #tpu.memory_space<vmem_shared>>) target_semaphore(%run_scoped3A_197 : memref<!tpu.dma_semaphore, #tpu.memory_space<semaphore_mem>>)
      %dma_wait3A_210 = arith.constant 0 : i32
      %dma_wait3A_211 = arith.constant 0 : i32
      %dma_wait3A_212 = tpu.memref_slice %arg8[%run_scoped3A_19, %dma_wait3A_210, %dma_wait3A_211] : memref<2x128x128xf32, #tpu.memory_space<vmem>> -> memref<1x128x128xf32, #tpu.memory_space<vmem>>
      %dma_wait3A_213 = tpu.memref_squeeze %dma_wait3A_212 : memref<1x128x128xf32, #tpu.memory_space<vmem>> -> memref<128x128xf32, #tpu.memory_space<vmem>>
      %dma_wait3A_214 = arith.constant 0 : i32
      %dma_wait3A_215 = tpu.memref_slice %arg9[%add3A_18, %dma_wait3A_214] : memref<10112x128xf32, #tpu.memory_space<vmem_shared>> -> memref<128x128xf32, #tpu.memory_space<vmem_shared>>
      %dma_wait3A_216 = arith.constant 0 : i32
      %dma_wait3A_217 = tpu.memref_slice %arg9[%add3A_18, %dma_wait3A_216] : memref<10112x128xf32, #tpu.memory_space<vmem_shared>> -> memref<128x128xf32, #tpu.memory_space<vmem_shared>>
      %dma_wait3A_218 = arith.constant 0 : i32
      %dma_wait3A_219 = arith.constant 0 : i32
      %dma_wait3A_220 = tpu.memref_slice %arg8[%run_scoped3A_19, %dma_wait3A_218, %dma_wait3A_219] : memref<2x128x128xf32, #tpu.memory_space<vmem>> -> memref<1x128x128xf32, #tpu.memory_space<vmem>>
      %dma_wait3A_221 = tpu.memref_squeeze %dma_wait3A_220 : memref<1x128x128xf32, #tpu.memory_space<vmem>> -> memref<128x128xf32, #tpu.memory_space<vmem>>
      tpu.wait_dma2 semaphore(%run_scoped3A_197 : memref<!tpu.dma_semaphore, #tpu.memory_space<semaphore_mem>>) src(%dma_wait3A_221 : memref<128x128xf32, #tpu.memory_space<vmem>>) dst(%dma_wait3A_217 : memref<128x128xf32, #tpu.memory_space<vmem_shared>>)
      tpu.yield
    }) : () -> ()
    %add3A_20 = arith.constant 384 : i32
    %add3A_21 = arith.addi %mul3A_7, %add3A_20 : i32
    %run_scoped3A_22 = arith.constant 0 : i32
    "tpu.region"() ({
      %run_scoped3A_197 = tpu.sem_alloc : memref<!tpu.dma_semaphore, #tpu.memory_space<semaphore_mem>>
      %dma_start3A_198 = arith.constant 0 : i32
      %dma_start3A_199 = arith.constant 0 : i32
      %dma_start3A_200 = tpu.memref_slice %arg8[%run_scoped3A_22, %dma_start3A_198, %dma_start3A_199] : memref<2x128x128xf32, #tpu.memory_space<vmem>> -> memref<1x128x128xf32, #tpu.memory_space<vmem>>
      %dma_start3A_201 = tpu.memref_squeeze %dma_start3A_200 : memref<1x128x128xf32, #tpu.memory_space<vmem>> -> memref<128x128xf32, #tpu.memory_space<vmem>>
      %dma_start3A_202 = arith.constant 0 : i32
      %dma_start3A_203 = tpu.memref_slice %arg9[%add3A_21, %dma_start3A_202] : memref<10112x128xf32, #tpu.memory_space<vmem_shared>> -> memref<128x128xf32, #tpu.memory_space<vmem_shared>>
      %dma_start3A_204 = arith.constant 0 : i32
      %dma_start3A_205 = tpu.memref_slice %arg9[%add3A_21, %dma_start3A_204] : memref<10112x128xf32, #tpu.memory_space<vmem_shared>> -> memref<128x128xf32, #tpu.memory_space<vmem_shared>>
      %dma_start3A_206 = arith.constant 0 : i32
      %dma_start3A_207 = arith.constant 0 : i32
      %dma_start3A_208 = tpu.memref_slice %arg8[%run_scoped3A_22, %dma_start3A_206, %dma_start3A_207] : memref<2x128x128xf32, #tpu.memory_space<vmem>> -> memref<1x128x128xf32, #tpu.memory_space<vmem>>
      %dma_start3A_209 = tpu.memref_squeeze %dma_start3A_208 : memref<1x128x128xf32, #tpu.memory_space<vmem>> -> memref<128x128xf32, #tpu.memory_space<vmem>>
      tpu.enqueue_dma source(%dma_start3A_209 : memref<128x128xf32, #tpu.memory_space<vmem>>) target(%dma_start3A_205 : memref<128x128xf32, #tpu.memory_space<vmem_shared>>) target_semaphore(%run_scoped3A_197 : memref<!tpu.dma_semaphore, #tpu.memory_space<semaphore_mem>>)
      %dma_wait3A_210 = arith.constant 0 : i32
      %dma_wait3A_211 = arith.constant 0 : i32
      %dma_wait3A_212 = tpu.memref_slice %arg8[%run_scoped3A_22, %dma_wait3A_210, %dma_wait3A_211] : memref<2x128x128xf32, #tpu.memory_space<vmem>> -> memref<1x128x128xf32, #tpu.memory_space<vmem>>
      %dma_wait3A_213 = tpu.memref_squeeze %dma_wait3A_212 : memref<1x128x128xf32, #tpu.memory_space<vmem>> -> memref<128x128xf32, #tpu.memory_space<vmem>>
      %dma_wait3A_214 = arith.constant 0 : i32
      %dma_wait3A_215 = tpu.memref_slice %arg9[%add3A_21, %dma_wait3A_214] : memref<10112x128xf32, #tpu.memory_space<vmem_shared>> -> memref<128x128xf32, #tpu.memory_space<vmem_shared>>
      %dma_wait3A_216 = arith.constant 0 : i32
      %dma_wait3A_217 = tpu.memref_slice %arg9[%add3A_21, %dma_wait3A_216] : memref<10112x128xf32, #tpu.memory_space<vmem_shared>> -> memref<128x128xf32, #tpu.memory_space<vmem_shared>>
      %dma_wait3A_218 = arith.constant 0 : i32
      %dma_wait3A_219 = arith.constant 0 : i32
      %dma_wait3A_220 = tpu.memref_slice %arg8[%run_scoped3A_22, %dma_wait3A_218, %dma_wait3A_219] : memref<2x128x128xf32, #tpu.memory_space<vmem>> -> memref<1x128x128xf32, #tpu.memory_space<vmem>>
      %dma_wait3A_221 = tpu.memref_squeeze %dma_wait3A_220 : memref<1x128x128xf32, #tpu.memory_space<vmem>> -> memref<128x128xf32, #tpu.memory_space<vmem>>
      tpu.wait_dma2 semaphore(%run_scoped3A_197 : memref<!tpu.dma_semaphore, #tpu.memory_space<semaphore_mem>>) src(%dma_wait3A_221 : memref<128x128xf32, #tpu.memory_space<vmem>>) dst(%dma_wait3A_217 : memref<128x128xf32, #tpu.memory_space<vmem_shared>>)
      tpu.yield
    }) : () -> ()
    %add3A_23 = arith.constant 512 : i32
    %add3A_24 = arith.addi %mul3A_7, %add3A_23 : i32
    %run_scoped3A_25 = arith.constant 1 : i32
    "tpu.region"() ({
      %run_scoped3A_197 = tpu.sem_alloc : memref<!tpu.dma_semaphore, #tpu.memory_space<semaphore_mem>>
      %dma_start3A_198 = arith.constant 0 : i32
      %dma_start3A_199 = arith.constant 0 : i32
      %dma_start3A_200 = tpu.memref_slice %arg8[%run_scoped3A_25, %dma_start3A_198, %dma_start3A_199] : memref<2x128x128xf32, #tpu.memory_space<vmem>> -> memref<1x120x128xf32, #tpu.memory_space<vmem>>
      %dma_start3A_201 = tpu.memref_squeeze %dma_start3A_200 : memref<1x120x128xf32, #tpu.memory_space<vmem>> -> memref<120x128xf32, #tpu.memory_space<vmem>>
      %dma_start3A_202 = arith.constant 0 : i32
      %dma_start3A_203 = tpu.memref_slice %arg9[%add3A_24, %dma_start3A_202] : memref<10112x128xf32, #tpu.memory_space<vmem_shared>> -> memref<120x128xf32, #tpu.memory_space<vmem_shared>>
      %dma_start3A_204 = arith.constant 0 : i32
      %dma_start3A_205 = tpu.memref_slice %arg9[%add3A_24, %dma_start3A_204] : memref<10112x128xf32, #tpu.memory_space<vmem_shared>> -> memref<120x128xf32, #tpu.memory_space<vmem_shared>>
      %dma_start3A_206 = arith.constant 0 : i32
      %dma_start3A_207 = arith.constant 0 : i32
      %dma_start3A_208 = tpu.memref_slice %arg8[%run_scoped3A_25, %dma_start3A_206, %dma_start3A_207] : memref<2x128x128xf32, #tpu.memory_space<vmem>> -> memref<1x120x128xf32, #tpu.memory_space<vmem>>
      %dma_start3A_209 = tpu.memref_squeeze %dma_start3A_208 : memref<1x120x128xf32, #tpu.memory_space<vmem>> -> memref<120x128xf32, #tpu.memory_space<vmem>>
      tpu.enqueue_dma source(%dma_start3A_209 : memref<120x128xf32, #tpu.memory_space<vmem>>) target(%dma_start3A_205 : memref<120x128xf32, #tpu.memory_space<vmem_shared>>) target_semaphore(%run_scoped3A_197 : memref<!tpu.dma_semaphore, #tpu.memory_space<semaphore_mem>>)
      %dma_wait3A_210 = arith.constant 0 : i32
      %dma_wait3A_211 = arith.constant 0 : i32
      %dma_wait3A_212 = tpu.memref_slice %arg8[%run_scoped3A_25, %dma_wait3A_210, %dma_wait3A_211] : memref<2x128x128xf32, #tpu.memory_space<vmem>> -> memref<1x120x128xf32, #tpu.memory_space<vmem>>
      %dma_wait3A_213 = tpu.memref_squeeze %dma_wait3A_212 : memref<1x120x128xf32, #tpu.memory_space<vmem>> -> memref<120x128xf32, #tpu.memory_space<vmem>>
      %dma_wait3A_214 = arith.constant 0 : i32
      %dma_wait3A_215 = tpu.memref_slice %arg9[%add3A_24, %dma_wait3A_214] : memref<10112x128xf32, #tpu.memory_space<vmem_shared>> -> memref<120x128xf32, #tpu.memory_space<vmem_shared>>
      %dma_wait3A_216 = arith.constant 0 : i32
      %dma_wait3A_217 = tpu.memref_slice %arg9[%add3A_24, %dma_wait3A_216] : memref<10112x128xf32, #tpu.memory_space<vmem_shared>> -> memref<120x128xf32, #tpu.memory_space<vmem_shared>>
      %dma_wait3A_218 = arith.constant 0 : i32
      %dma_wait3A_219 = arith.constant 0 : i32
      %dma_wait3A_220 = tpu.memref_slice %arg8[%run_scoped3A_25, %dma_wait3A_218, %dma_wait3A_219] : memref<2x128x128xf32, #tpu.memory_space<vmem>> -> memref<1x120x128xf32, #tpu.memory_space<vmem>>
      %dma_wait3A_221 = tpu.memref_squeeze %dma_wait3A_220 : memref<1x120x128xf32, #tpu.memory_space<vmem>> -> memref<120x128xf32, #tpu.memory_space<vmem>>
      tpu.wait_dma2 semaphore(%run_scoped3A_197 : memref<!tpu.dma_semaphore, #tpu.memory_space<semaphore_mem>>) src(%dma_wait3A_221 : memref<120x128xf32, #tpu.memory_space<vmem>>) dst(%dma_wait3A_217 : memref<120x128xf32, #tpu.memory_space<vmem_shared>>)
      tpu.yield
    }) : () -> ()
    %barrier3A = arith.constant 0 : index
    tpu.barrier barrier_id(%barrier3A)
    %add3A_26 = arith.constant 0 : i32
    %add3A_27 = arith.addi %add3A, %add3A_26 : i32
    %dma_start3A = arith.constant 0 : i32
    %dma_start3A_28 = arith.constant 0 : i32
    %dma_start3A_29 = tpu.memref_slice %arg6[%dma_start3A, %dma_start3A_28] : memref<2x128xi32, #tpu.memory_space<vmem>> -> memref<1x128xi32, #tpu.memory_space<vmem>>
    %dma_start3A_30 = tpu.memref_squeeze %dma_start3A_29 : memref<1x128xi32, #tpu.memory_space<vmem>> -> memref<128xi32, #tpu.memory_space<vmem>>
    %dma_start3A_31 = arith.constant 0 : i32
    %dma_start3A_32 = tpu.memref_slice %arg3[%add3A_27, %dma_start3A_31] : memref<2560x128xi32, #tpu.memory_space<hbm>> -> memref<1x128xi32, #tpu.memory_space<hbm>>
    %dma_start3A_33 = tpu.memref_squeeze %dma_start3A_32 : memref<1x128xi32, #tpu.memory_space<hbm>> -> memref<128xi32, #tpu.memory_space<hbm>>
    %dma_start3A_34 = arith.constant 0 : i32
    %dma_start3A_35 = tpu.memref_slice %arg6[%dma_start3A, %dma_start3A_34] : memref<2x128xi32, #tpu.memory_space<vmem>> -> memref<1x128xi32, #tpu.memory_space<vmem>>
    %dma_start3A_36 = tpu.memref_squeeze %dma_start3A_35 : memref<1x128xi32, #tpu.memory_space<vmem>> -> memref<128xi32, #tpu.memory_space<vmem>>
    %dma_start3A_37 = arith.constant 0 : i32
    %dma_start3A_38 = tpu.memref_slice %arg3[%add3A_27, %dma_start3A_37] : memref<2560x128xi32, #tpu.memory_space<hbm>> -> memref<1x128xi32, #tpu.memory_space<hbm>>
    %dma_start3A_39 = tpu.memref_squeeze %dma_start3A_38 : memref<1x128xi32, #tpu.memory_space<hbm>> -> memref<128xi32, #tpu.memory_space<hbm>>
    tpu.enqueue_dma source(%dma_start3A_39 : memref<128xi32, #tpu.memory_space<hbm>>) target(%dma_start3A_36 : memref<128xi32, #tpu.memory_space<vmem>>) target_semaphore(%arg12 : memref<!tpu.dma_semaphore, #tpu.memory_space<semaphore_mem>>)
    %add3A_40 = arith.constant 0 : i32
    %add3A_41 = arith.addi %add3A, %add3A_40 : i32
    %dma_start3A_42 = arith.constant 0 : i32
    %dma_start3A_43 = arith.constant 0 : i32
    %dma_start3A_44 = tpu.memref_slice %arg7[%dma_start3A_42, %dma_start3A_43] : memref<2x128xi32, #tpu.memory_space<vmem>> -> memref<1x128xi32, #tpu.memory_space<vmem>>
    %dma_start3A_45 = tpu.memref_squeeze %dma_start3A_44 : memref<1x128xi32, #tpu.memory_space<vmem>> -> memref<128xi32, #tpu.memory_space<vmem>>
    %dma_start3A_46 = arith.constant 0 : i32
    %dma_start3A_47 = tpu.memref_slice %arg4[%add3A_41, %dma_start3A_46] : memref<2560x128xi32, #tpu.memory_space<hbm>> -> memref<1x128xi32, #tpu.memory_space<hbm>>
    %dma_start3A_48 = tpu.memref_squeeze %dma_start3A_47 : memref<1x128xi32, #tpu.memory_space<hbm>> -> memref<128xi32, #tpu.memory_space<hbm>>
    %dma_start3A_49 = arith.constant 0 : i32
    %dma_start3A_50 = tpu.memref_slice %arg7[%dma_start3A_42, %dma_start3A_49] : memref<2x128xi32, #tpu.memory_space<vmem>> -> memref<1x128xi32, #tpu.memory_space<vmem>>
    %dma_start3A_51 = tpu.memref_squeeze %dma_start3A_50 : memref<1x128xi32, #tpu.memory_space<vmem>> -> memref<128xi32, #tpu.memory_space<vmem>>
    %dma_start3A_52 = arith.constant 0 : i32
    %dma_start3A_53 = tpu.memref_slice %arg4[%add3A_41, %dma_start3A_52] : memref<2560x128xi32, #tpu.memory_space<hbm>> -> memref<1x128xi32, #tpu.memory_space<hbm>>
    %dma_start3A_54 = tpu.memref_squeeze %dma_start3A_53 : memref<1x128xi32, #tpu.memory_space<hbm>> -> memref<128xi32, #tpu.memory_space<hbm>>
    tpu.enqueue_dma source(%dma_start3A_54 : memref<128xi32, #tpu.memory_space<hbm>>) target(%dma_start3A_51 : memref<128xi32, #tpu.memory_space<vmem>>) target_semaphore(%arg12 : memref<!tpu.dma_semaphore, #tpu.memory_space<semaphore_mem>>)
    %add3A_55 = arith.constant 1 : i32
    %add3A_56 = arith.addi %add3A, %add3A_55 : i32
    %dma_start3A_57 = arith.constant 1 : i32
    %dma_start3A_58 = arith.constant 0 : i32
    %dma_start3A_59 = tpu.memref_slice %arg6[%dma_start3A_57, %dma_start3A_58] : memref<2x128xi32, #tpu.memory_space<vmem>> -> memref<1x128xi32, #tpu.memory_space<vmem>>
    %dma_start3A_60 = tpu.memref_squeeze %dma_start3A_59 : memref<1x128xi32, #tpu.memory_space<vmem>> -> memref<128xi32, #tpu.memory_space<vmem>>
    %dma_start3A_61 = arith.constant 0 : i32
    %dma_start3A_62 = tpu.memref_slice %arg3[%add3A_56, %dma_start3A_61] : memref<2560x128xi32, #tpu.memory_space<hbm>> -> memref<1x128xi32, #tpu.memory_space<hbm>>
    %dma_start3A_63 = tpu.memref_squeeze %dma_start3A_62 : memref<1x128xi32, #tpu.memory_space<hbm>> -> memref<128xi32, #tpu.memory_space<hbm>>
    %dma_start3A_64 = arith.constant 0 : i32
    %dma_start3A_65 = tpu.memref_slice %arg6[%dma_start3A_57, %dma_start3A_64] : memref<2x128xi32, #tpu.memory_space<vmem>> -> memref<1x128xi32, #tpu.memory_space<vmem>>
    %dma_start3A_66 = tpu.memref_squeeze %dma_start3A_65 : memref<1x128xi32, #tpu.memory_space<vmem>> -> memref<128xi32, #tpu.memory_space<vmem>>
    %dma_start3A_67 = arith.constant 0 : i32
    %dma_start3A_68 = tpu.memref_slice %arg3[%add3A_56, %dma_start3A_67] : memref<2560x128xi32, #tpu.memory_space<hbm>> -> memref<1x128xi32, #tpu.memory_space<hbm>>
    %dma_start3A_69 = tpu.memref_squeeze %dma_start3A_68 : memref<1x128xi32, #tpu.memory_space<hbm>> -> memref<128xi32, #tpu.memory_space<hbm>>
    tpu.enqueue_dma source(%dma_start3A_69 : memref<128xi32, #tpu.memory_space<hbm>>) target(%dma_start3A_66 : memref<128xi32, #tpu.memory_space<vmem>>) target_semaphore(%arg13 : memref<!tpu.dma_semaphore, #tpu.memory_space<semaphore_mem>>)
    %add3A_70 = arith.constant 1 : i32
    %add3A_71 = arith.addi %add3A, %add3A_70 : i32
    %dma_start3A_72 = arith.constant 1 : i32
    %dma_start3A_73 = arith.constant 0 : i32
    %dma_start3A_74 = tpu.memref_slice %arg7[%dma_start3A_72, %dma_start3A_73] : memref<2x128xi32, #tpu.memory_space<vmem>> -> memref<1x128xi32, #tpu.memory_space<vmem>>
    %dma_start3A_75 = tpu.memref_squeeze %dma_start3A_74 : memref<1x128xi32, #tpu.memory_space<vmem>> -> memref<128xi32, #tpu.memory_space<vmem>>
    %dma_start3A_76 = arith.constant 0 : i32
    %dma_start3A_77 = tpu.memref_slice %arg4[%add3A_71, %dma_start3A_76] : memref<2560x128xi32, #tpu.memory_space<hbm>> -> memref<1x128xi32, #tpu.memory_space<hbm>>
    %dma_start3A_78 = tpu.memref_squeeze %dma_start3A_77 : memref<1x128xi32, #tpu.memory_space<hbm>> -> memref<128xi32, #tpu.memory_space<hbm>>
    %dma_start3A_79 = arith.constant 0 : i32
    %dma_start3A_80 = tpu.memref_slice %arg7[%dma_start3A_72, %dma_start3A_79] : memref<2x128xi32, #tpu.memory_space<vmem>> -> memref<1x128xi32, #tpu.memory_space<vmem>>
    %dma_start3A_81 = tpu.memref_squeeze %dma_start3A_80 : memref<1x128xi32, #tpu.memory_space<vmem>> -> memref<128xi32, #tpu.memory_space<vmem>>
    %dma_start3A_82 = arith.constant 0 : i32
    %dma_start3A_83 = tpu.memref_slice %arg4[%add3A_71, %dma_start3A_82] : memref<2560x128xi32, #tpu.memory_space<hbm>> -> memref<1x128xi32, #tpu.memory_space<hbm>>
    %dma_start3A_84 = tpu.memref_squeeze %dma_start3A_83 : memref<1x128xi32, #tpu.memory_space<hbm>> -> memref<128xi32, #tpu.memory_space<hbm>>
    tpu.enqueue_dma source(%dma_start3A_84 : memref<128xi32, #tpu.memory_space<hbm>>) target(%dma_start3A_81 : memref<128xi32, #tpu.memory_space<vmem>>) target_semaphore(%arg13 : memref<!tpu.dma_semaphore, #tpu.memory_space<semaphore_mem>>)
    %dma_wait3A = arith.constant 0 : i32
    %dma_wait3A_85 = arith.constant 0 : i32
    %dma_wait3A_86 = tpu.memref_slice %arg6[%dma_wait3A, %dma_wait3A_85] : memref<2x128xi32, #tpu.memory_space<vmem>> -> memref<1x128xi32, #tpu.memory_space<vmem>>
    %dma_wait3A_87 = tpu.memref_squeeze %dma_wait3A_86 : memref<1x128xi32, #tpu.memory_space<vmem>> -> memref<128xi32, #tpu.memory_space<vmem>>
    %dma_wait3A_88 = arith.constant 0 : i32
    %dma_wait3A_89 = tpu.memref_slice %arg3[%add3A, %dma_wait3A_88] : memref<2560x128xi32, #tpu.memory_space<hbm>> -> memref<1x128xi32, #tpu.memory_space<hbm>>
    %dma_wait3A_90 = tpu.memref_squeeze %dma_wait3A_89 : memref<1x128xi32, #tpu.memory_space<hbm>> -> memref<128xi32, #tpu.memory_space<hbm>>
    %dma_wait3A_91 = arith.constant 0 : i32
    %dma_wait3A_92 = tpu.memref_slice %arg6[%dma_wait3A, %dma_wait3A_91] : memref<2x128xi32, #tpu.memory_space<vmem>> -> memref<1x128xi32, #tpu.memory_space<vmem>>
    %dma_wait3A_93 = tpu.memref_squeeze %dma_wait3A_92 : memref<1x128xi32, #tpu.memory_space<vmem>> -> memref<128xi32, #tpu.memory_space<vmem>>
    %dma_wait3A_94 = arith.constant 0 : i32
    %dma_wait3A_95 = tpu.memref_slice %arg3[%add3A, %dma_wait3A_94] : memref<2560x128xi32, #tpu.memory_space<hbm>> -> memref<1x128xi32, #tpu.memory_space<hbm>>
    %dma_wait3A_96 = tpu.memref_squeeze %dma_wait3A_95 : memref<1x128xi32, #tpu.memory_space<hbm>> -> memref<128xi32, #tpu.memory_space<hbm>>
    tpu.wait_dma2 semaphore(%arg12 : memref<!tpu.dma_semaphore, #tpu.memory_space<semaphore_mem>>) src(%dma_wait3A_96 : memref<128xi32, #tpu.memory_space<hbm>>) dst(%dma_wait3A_93 : memref<128xi32, #tpu.memory_space<vmem>>)
    %dma_wait3A_97 = arith.constant 0 : i32
    %dma_wait3A_98 = arith.constant 0 : i32
    %dma_wait3A_99 = tpu.memref_slice %arg7[%dma_wait3A_97, %dma_wait3A_98] : memref<2x128xi32, #tpu.memory_space<vmem>> -> memref<1x128xi32, #tpu.memory_space<vmem>>
    %dma_wait3A_100 = tpu.memref_squeeze %dma_wait3A_99 : memref<1x128xi32, #tpu.memory_space<vmem>> -> memref<128xi32, #tpu.memory_space<vmem>>
    %dma_wait3A_101 = arith.constant 0 : i32
    %dma_wait3A_102 = tpu.memref_slice %arg4[%add3A, %dma_wait3A_101] : memref<2560x128xi32, #tpu.memory_space<hbm>> -> memref<1x128xi32, #tpu.memory_space<hbm>>
    %dma_wait3A_103 = tpu.memref_squeeze %dma_wait3A_102 : memref<1x128xi32, #tpu.memory_space<hbm>> -> memref<128xi32, #tpu.memory_space<hbm>>
    %dma_wait3A_104 = arith.constant 0 : i32
    %dma_wait3A_105 = tpu.memref_slice %arg7[%dma_wait3A_97, %dma_wait3A_104] : memref<2x128xi32, #tpu.memory_space<vmem>> -> memref<1x128xi32, #tpu.memory_space<vmem>>
    %dma_wait3A_106 = tpu.memref_squeeze %dma_wait3A_105 : memref<1x128xi32, #tpu.memory_space<vmem>> -> memref<128xi32, #tpu.memory_space<vmem>>
    %dma_wait3A_107 = arith.constant 0 : i32
    %dma_wait3A_108 = tpu.memref_slice %arg4[%add3A, %dma_wait3A_107] : memref<2560x128xi32, #tpu.memory_space<hbm>> -> memref<1x128xi32, #tpu.memory_space<hbm>>
    %dma_wait3A_109 = tpu.memref_squeeze %dma_wait3A_108 : memref<1x128xi32, #tpu.memory_space<hbm>> -> memref<128xi32, #tpu.memory_space<hbm>>
    tpu.wait_dma2 semaphore(%arg12 : memref<!tpu.dma_semaphore, #tpu.memory_space<semaphore_mem>>) src(%dma_wait3A_109 : memref<128xi32, #tpu.memory_space<hbm>>) dst(%dma_wait3A_106 : memref<128xi32, #tpu.memory_space<vmem>>)
    %dma_start3A_110 = arith.constant 0 : i32
    %dma_start3A_111 = arith.constant 0 : i32
    %dma_start3A_112 = arith.constant 0 : i32
    %dma_start3A_113 = arith.constant 0 : i32
    %dma_start3A_114 = tpu.memref_slice %arg8[%dma_start3A_111, %dma_start3A_112, %dma_start3A_113] : memref<2x128x128xf32, #tpu.memory_space<vmem>> -> memref<1x128x128xf32, #tpu.memory_space<vmem>>
    %dma_start3A_115 = tpu.memref_squeeze %dma_start3A_114 : memref<1x128x128xf32, #tpu.memory_space<vmem>> -> memref<128x128xf32, #tpu.memory_space<vmem>>
    %dma_start3A_116 = arith.constant 0 : i32
    %dma_start3A_117 = tpu.memref_slice %arg6[%dma_start3A_110, %dma_start3A_116] : memref<2x128xi32, #tpu.memory_space<vmem>> -> memref<1x128xi32, #tpu.memory_space<vmem>>
    %dma_start3A_118 = tpu.memref_squeeze %dma_start3A_117 : memref<1x128xi32, #tpu.memory_space<vmem>> -> memref<128xi32, #tpu.memory_space<vmem>>
    %dma_start3A_119 = arith.constant 0 : i32
    %dma_start3A_120 = arith.constant 0 : i32
    %dma_start3A_121 = tpu.memref_slice %arg2[%dma_start3A_119, %dma_start3A_120] : memref<10112x128xf32, #tpu.memory_space<hbm>> -> memref<10112x128xf32, #tpu.memory_space<hbm>>
    tpu.enqueue_indirect_dma source(%dma_start3A_121 : memref<10112x128xf32, #tpu.memory_space<hbm>>) target(%dma_start3A_115 : memref<128x128xf32, #tpu.memory_space<vmem>>) offsets(%dma_start3A_118 : memref<128xi32, #tpu.memory_space<vmem>>) semaphore(%arg10 : memref<!tpu.dma_semaphore, #tpu.memory_space<semaphore_mem>>)
    %while3A = arith.constant 0 : i32
    %while3A_122 = arith.subi %sub3A_5, %while3A : i32
    %while3A_123 = arith.addi %while3A, %while3A_122 : i32
    %while3A_124 = arith.constant 1 : i32
    %while3A_125 = arith.divsi %while3A_122, %while3A_124 : i32
    %while3A_126 = arith.muli %while3A_125, %while3A_124 : i32
    %while3A_127 = arith.addi %while3A, %while3A_126 : i32
    %while3A_128 = arith.constant 1 : i32
    scf.for %while3A_197 = %while3A to %while3A_127 step %while3A_128  : i32 {
      %mul3A_198 = arith.constant 2 : i32
      %mul3A_199 = arith.muli %while3A_197, %mul3A_198 : i32
      %dma_wait3A_200 = arith.constant 1 : i32
      %dma_wait3A_201 = arith.constant 0 : i32
      %dma_wait3A_202 = tpu.memref_slice %arg6[%dma_wait3A_200, %dma_wait3A_201] : memref<2x128xi32, #tpu.memory_space<vmem>> -> memref<1x128xi32, #tpu.memory_space<vmem>>
      %dma_wait3A_203 = tpu.memref_squeeze %dma_wait3A_202 : memref<1x128xi32, #tpu.memory_space<vmem>> -> memref<128xi32, #tpu.memory_space<vmem>>
      %dma_wait3A_204 = arith.constant 0 : i32
      %dma_wait3A_205 = tpu.memref_slice %arg3[%add3A, %dma_wait3A_204] : memref<2560x128xi32, #tpu.memory_space<hbm>> -> memref<1x128xi32, #tpu.memory_space<hbm>>
      %dma_wait3A_206 = tpu.memref_squeeze %dma_wait3A_205 : memref<1x128xi32, #tpu.memory_space<hbm>> -> memref<128xi32, #tpu.memory_space<hbm>>
      %dma_wait3A_207 = arith.constant 0 : i32
      %dma_wait3A_208 = tpu.memref_slice %arg6[%dma_wait3A_200, %dma_wait3A_207] : memref<2x128xi32, #tpu.memory_space<vmem>> -> memref<1x128xi32, #tpu.memory_space<vmem>>
      %dma_wait3A_209 = tpu.memref_squeeze %dma_wait3A_208 : memref<1x128xi32, #tpu.memory_space<vmem>> -> memref<128xi32, #tpu.memory_space<vmem>>
      %dma_wait3A_210 = arith.constant 0 : i32
      %dma_wait3A_211 = tpu.memref_slice %arg3[%add3A, %dma_wait3A_210] : memref<2560x128xi32, #tpu.memory_space<hbm>> -> memref<1x128xi32, #tpu.memory_space<hbm>>
      %dma_wait3A_212 = tpu.memref_squeeze %dma_wait3A_211 : memref<1x128xi32, #tpu.memory_space<hbm>> -> memref<128xi32, #tpu.memory_space<hbm>>
      tpu.wait_dma2 semaphore(%arg13 : memref<!tpu.dma_semaphore, #tpu.memory_space<semaphore_mem>>) src(%dma_wait3A_212 : memref<128xi32, #tpu.memory_space<hbm>>) dst(%dma_wait3A_209 : memref<128xi32, #tpu.memory_space<vmem>>)
      %dma_wait3A_213 = arith.constant 1 : i32
      %dma_wait3A_214 = arith.constant 0 : i32
      %dma_wait3A_215 = tpu.memref_slice %arg7[%dma_wait3A_213, %dma_wait3A_214] : memref<2x128xi32, #tpu.memory_space<vmem>> -> memref<1x128xi32, #tpu.memory_space<vmem>>
      %dma_wait3A_216 = tpu.memref_squeeze %dma_wait3A_215 : memref<1x128xi32, #tpu.memory_space<vmem>> -> memref<128xi32, #tpu.memory_space<vmem>>
      %dma_wait3A_217 = arith.constant 0 : i32
      %dma_wait3A_218 = tpu.memref_slice %arg4[%add3A, %dma_wait3A_217] : memref<2560x128xi32, #tpu.memory_space<hbm>> -> memref<1x128xi32, #tpu.memory_space<hbm>>
      %dma_wait3A_219 = tpu.memref_squeeze %dma_wait3A_218 : memref<1x128xi32, #tpu.memory_space<hbm>> -> memref<128xi32, #tpu.memory_space<hbm>>
      %dma_wait3A_220 = arith.constant 0 : i32
      %dma_wait3A_221 = tpu.memref_slice %arg7[%dma_wait3A_213, %dma_wait3A_220] : memref<2x128xi32, #tpu.memory_space<vmem>> -> memref<1x128xi32, #tpu.memory_space<vmem>>
      %dma_wait3A_222 = tpu.memref_squeeze %dma_wait3A_221 : memref<1x128xi32, #tpu.memory_space<vmem>> -> memref<128xi32, #tpu.memory_space<vmem>>
      %dma_wait3A_223 = arith.constant 0 : i32
      %dma_wait3A_224 = tpu.memref_slice %arg4[%add3A, %dma_wait3A_223] : memref<2560x128xi32, #tpu.memory_space<hbm>> -> memref<1x128xi32, #tpu.memory_space<hbm>>
      %dma_wait3A_225 = tpu.memref_squeeze %dma_wait3A_224 : memref<1x128xi32, #tpu.memory_space<hbm>> -> memref<128xi32, #tpu.memory_space<hbm>>
      tpu.wait_dma2 semaphore(%arg13 : memref<!tpu.dma_semaphore, #tpu.memory_space<semaphore_mem>>) src(%dma_wait3A_225 : memref<128xi32, #tpu.memory_space<hbm>>) dst(%dma_wait3A_222 : memref<128xi32, #tpu.memory_space<vmem>>)
      %dma_wait3A_226 = arith.constant 0 : i32
      %dma_wait3A_227 = arith.constant 0 : i32
      %dma_wait3A_228 = arith.constant 0 : i32
      %dma_wait3A_229 = arith.constant 0 : i32
      %dma_wait3A_230 = tpu.memref_slice %arg8[%dma_wait3A_227, %dma_wait3A_228, %dma_wait3A_229] : memref<2x128x128xf32, #tpu.memory_space<vmem>> -> memref<1x128x128xf32, #tpu.memory_space<vmem>>
      %dma_wait3A_231 = tpu.memref_squeeze %dma_wait3A_230 : memref<1x128x128xf32, #tpu.memory_space<vmem>> -> memref<128x128xf32, #tpu.memory_space<vmem>>
      %dma_wait3A_232 = arith.constant 0 : i32
      %dma_wait3A_233 = tpu.memref_slice %arg6[%dma_wait3A_226, %dma_wait3A_232] : memref<2x128xi32, #tpu.memory_space<vmem>> -> memref<1x128xi32, #tpu.memory_space<vmem>>
      %dma_wait3A_234 = tpu.memref_squeeze %dma_wait3A_233 : memref<1x128xi32, #tpu.memory_space<vmem>> -> memref<128xi32, #tpu.memory_space<vmem>>
      %dma_wait3A_235 = arith.constant 0 : i32
      %dma_wait3A_236 = arith.constant 0 : i32
      %dma_wait3A_237 = tpu.memref_slice %arg2[%dma_wait3A_235, %dma_wait3A_236] : memref<10112x128xf32, #tpu.memory_space<hbm>> -> memref<10112x128xf32, #tpu.memory_space<hbm>>
      tpu.wait_indirect_dma semaphore(%arg10 : memref<!tpu.dma_semaphore, #tpu.memory_space<semaphore_mem>>) src(%dma_wait3A_237 : memref<10112x128xf32, #tpu.memory_space<hbm>>) dst(%dma_wait3A_231 : memref<128x128xf32, #tpu.memory_space<vmem>>)
      %dma_start3A_238 = arith.constant 1 : i32
      %dma_start3A_239 = arith.constant 1 : i32
      %dma_start3A_240 = arith.constant 0 : i32
      %dma_start3A_241 = arith.constant 0 : i32
      %dma_start3A_242 = tpu.memref_slice %arg8[%dma_start3A_239, %dma_start3A_240, %dma_start3A_241] : memref<2x128x128xf32, #tpu.memory_space<vmem>> -> memref<1x128x128xf32, #tpu.memory_space<vmem>>
      %dma_start3A_243 = tpu.memref_squeeze %dma_start3A_242 : memref<1x128x128xf32, #tpu.memory_space<vmem>> -> memref<128x128xf32, #tpu.memory_space<vmem>>
      %dma_start3A_244 = arith.constant 0 : i32
      %dma_start3A_245 = tpu.memref_slice %arg6[%dma_start3A_238, %dma_start3A_244] : memref<2x128xi32, #tpu.memory_space<vmem>> -> memref<1x128xi32, #tpu.memory_space<vmem>>
      %dma_start3A_246 = tpu.memref_squeeze %dma_start3A_245 : memref<1x128xi32, #tpu.memory_space<vmem>> -> memref<128xi32, #tpu.memory_space<vmem>>
      %dma_start3A_247 = arith.constant 0 : i32
      %dma_start3A_248 = arith.constant 0 : i32
      %dma_start3A_249 = tpu.memref_slice %arg2[%dma_start3A_247, %dma_start3A_248] : memref<10112x128xf32, #tpu.memory_space<hbm>> -> memref<10112x128xf32, #tpu.memory_space<hbm>>
      tpu.enqueue_indirect_dma source(%dma_start3A_249 : memref<10112x128xf32, #tpu.memory_space<hbm>>) target(%dma_start3A_243 : memref<128x128xf32, #tpu.memory_space<vmem>>) offsets(%dma_start3A_246 : memref<128xi32, #tpu.memory_space<vmem>>) semaphore(%arg11 : memref<!tpu.dma_semaphore, #tpu.memory_space<semaphore_mem>>)
      %run_scoped3A_250 = arith.constant 0 : i32
      %run_scoped3A_251 = arith.constant 0 : i32
      "tpu.region"() ({
        %run_scoped3A_368 = tpu.sem_alloc : memref<!tpu.dma_semaphore, #tpu.memory_space<semaphore_mem>>
        %dma_start3A_369 = arith.constant 0 : i32
        %dma_start3A_370 = arith.constant 0 : i32
        %dma_start3A_371 = tpu.memref_slice %arg8[%run_scoped3A_250, %dma_start3A_369, %dma_start3A_370] : memref<2x128x128xf32, #tpu.memory_space<vmem>> -> memref<1x128x128xf32, #tpu.memory_space<vmem>>
        %dma_start3A_372 = tpu.memref_squeeze %dma_start3A_371 : memref<1x128x128xf32, #tpu.memory_space<vmem>> -> memref<128x128xf32, #tpu.memory_space<vmem>>
        %dma_start3A_373 = arith.constant 0 : i32
        %dma_start3A_374 = tpu.memref_slice %arg7[%run_scoped3A_251, %dma_start3A_373] : memref<2x128xi32, #tpu.memory_space<vmem>> -> memref<1x128xi32, #tpu.memory_space<vmem>>
        %dma_start3A_375 = tpu.memref_squeeze %dma_start3A_374 : memref<1x128xi32, #tpu.memory_space<vmem>> -> memref<128xi32, #tpu.memory_space<vmem>>
        %dma_start3A_376 = arith.constant 0 : i32
        %dma_start3A_377 = arith.constant 0 : i32
        %dma_start3A_378 = tpu.memref_slice %arg9[%dma_start3A_376, %dma_start3A_377] : memref<10112x128xf32, #tpu.memory_space<vmem_shared>> -> memref<10112x128xf32, #tpu.memory_space<vmem_shared>>
        tpu.enqueue_indirect_dma source(%dma_start3A_372 : memref<128x128xf32, #tpu.memory_space<vmem>>) target(%dma_start3A_378 : memref<10112x128xf32, #tpu.memory_space<vmem_shared>>) offsets(%dma_start3A_375 : memref<128xi32, #tpu.memory_space<vmem>>) semaphore(%run_scoped3A_368 : memref<!tpu.dma_semaphore, #tpu.memory_space<semaphore_mem>>) {add = true}
        %dma_wait3A_379 = arith.constant 0 : i32
        %dma_wait3A_380 = arith.constant 0 : i32
        %dma_wait3A_381 = tpu.memref_slice %arg8[%run_scoped3A_250, %dma_wait3A_379, %dma_wait3A_380] : memref<2x128x128xf32, #tpu.memory_space<vmem>> -> memref<1x128x128xf32, #tpu.memory_space<vmem>>
        %dma_wait3A_382 = tpu.memref_squeeze %dma_wait3A_381 : memref<1x128x128xf32, #tpu.memory_space<vmem>> -> memref<128x128xf32, #tpu.memory_space<vmem>>
        %dma_wait3A_383 = arith.constant 0 : i32
        %dma_wait3A_384 = tpu.memref_slice %arg7[%run_scoped3A_251, %dma_wait3A_383] : memref<2x128xi32, #tpu.memory_space<vmem>> -> memref<1x128xi32, #tpu.memory_space<vmem>>
        %dma_wait3A_385 = tpu.memref_squeeze %dma_wait3A_384 : memref<1x128xi32, #tpu.memory_space<vmem>> -> memref<128xi32, #tpu.memory_space<vmem>>
        %dma_wait3A_386 = arith.constant 0 : i32
        %dma_wait3A_387 = arith.constant 0 : i32
        %dma_wait3A_388 = tpu.memref_slice %arg9[%dma_wait3A_386, %dma_wait3A_387] : memref<10112x128xf32, #tpu.memory_space<vmem_shared>> -> memref<10112x128xf32, #tpu.memory_space<vmem_shared>>
        tpu.wait_indirect_dma semaphore(%run_scoped3A_368 : memref<!tpu.dma_semaphore, #tpu.memory_space<semaphore_mem>>) src(%dma_wait3A_382 : memref<128x128xf32, #tpu.memory_space<vmem>>) dst(%dma_wait3A_388 : memref<10112x128xf32, #tpu.memory_space<vmem_shared>>)
        tpu.yield
      }) : () -> ()
      %add3A_252 = arith.constant 0 : i32
      %add3A_253 = arith.addi %mul3A_199, %add3A_252 : i32
      %add3A_254 = arith.constant 2 : i32
      %add3A_255 = arith.addi %add3A_253, %add3A_254 : i32
      %add3A_256 = arith.addi %add3A, %add3A_255 : i32
      %dma_start3A_257 = arith.constant 0 : i32
      %dma_start3A_258 = arith.constant 0 : i32
      %dma_start3A_259 = tpu.memref_slice %arg6[%dma_start3A_257, %dma_start3A_258] : memref<2x128xi32, #tpu.memory_space<vmem>> -> memref<1x128xi32, #tpu.memory_space<vmem>>
      %dma_start3A_260 = tpu.memref_squeeze %dma_start3A_259 : memref<1x128xi32, #tpu.memory_space<vmem>> -> memref<128xi32, #tpu.memory_space<vmem>>
      %dma_start3A_261 = arith.constant 0 : i32
      %dma_start3A_262 = tpu.memref_slice %arg3[%add3A_256, %dma_start3A_261] : memref<2560x128xi32, #tpu.memory_space<hbm>> -> memref<1x128xi32, #tpu.memory_space<hbm>>
      %dma_start3A_263 = tpu.memref_squeeze %dma_start3A_262 : memref<1x128xi32, #tpu.memory_space<hbm>> -> memref<128xi32, #tpu.memory_space<hbm>>
      %dma_start3A_264 = arith.constant 0 : i32
      %dma_start3A_265 = tpu.memref_slice %arg6[%dma_start3A_257, %dma_start3A_264] : memref<2x128xi32, #tpu.memory_space<vmem>> -> memref<1x128xi32, #tpu.memory_space<vmem>>
      %dma_start3A_266 = tpu.memref_squeeze %dma_start3A_265 : memref<1x128xi32, #tpu.memory_space<vmem>> -> memref<128xi32, #tpu.memory_space<vmem>>
      %dma_start3A_267 = arith.constant 0 : i32
      %dma_start3A_268 = tpu.memref_slice %arg3[%add3A_256, %dma_start3A_267] : memref<2560x128xi32, #tpu.memory_space<hbm>> -> memref<1x128xi32, #tpu.memory_space<hbm>>
      %dma_start3A_269 = tpu.memref_squeeze %dma_start3A_268 : memref<1x128xi32, #tpu.memory_space<hbm>> -> memref<128xi32, #tpu.memory_space<hbm>>
      tpu.enqueue_dma source(%dma_start3A_269 : memref<128xi32, #tpu.memory_space<hbm>>) target(%dma_start3A_266 : memref<128xi32, #tpu.memory_space<vmem>>) target_semaphore(%arg12 : memref<!tpu.dma_semaphore, #tpu.memory_space<semaphore_mem>>)
      %add3A_270 = arith.addi %add3A, %add3A_255 : i32
      %dma_start3A_271 = arith.constant 0 : i32
      %dma_start3A_272 = arith.constant 0 : i32
      %dma_start3A_273 = tpu.memref_slice %arg7[%dma_start3A_271, %dma_start3A_272] : memref<2x128xi32, #tpu.memory_space<vmem>> -> memref<1x128xi32, #tpu.memory_space<vmem>>
      %dma_start3A_274 = tpu.memref_squeeze %dma_start3A_273 : memref<1x128xi32, #tpu.memory_space<vmem>> -> memref<128xi32, #tpu.memory_space<vmem>>
      %dma_start3A_275 = arith.constant 0 : i32
      %dma_start3A_276 = tpu.memref_slice %arg4[%add3A_270, %dma_start3A_275] : memref<2560x128xi32, #tpu.memory_space<hbm>> -> memref<1x128xi32, #tpu.memory_space<hbm>>
      %dma_start3A_277 = tpu.memref_squeeze %dma_start3A_276 : memref<1x128xi32, #tpu.memory_space<hbm>> -> memref<128xi32, #tpu.memory_space<hbm>>
      %dma_start3A_278 = arith.constant 0 : i32
      %dma_start3A_279 = tpu.memref_slice %arg7[%dma_start3A_271, %dma_start3A_278] : memref<2x128xi32, #tpu.memory_space<vmem>> -> memref<1x128xi32, #tpu.memory_space<vmem>>
      %dma_start3A_280 = tpu.memref_squeeze %dma_start3A_279 : memref<1x128xi32, #tpu.memory_space<vmem>> -> memref<128xi32, #tpu.memory_space<vmem>>
      %dma_start3A_281 = arith.constant 0 : i32
      %dma_start3A_282 = tpu.memref_slice %arg4[%add3A_270, %dma_start3A_281] : memref<2560x128xi32, #tpu.memory_space<hbm>> -> memref<1x128xi32, #tpu.memory_space<hbm>>
      %dma_start3A_283 = tpu.memref_squeeze %dma_start3A_282 : memref<1x128xi32, #tpu.memory_space<hbm>> -> memref<128xi32, #tpu.memory_space<hbm>>
      tpu.enqueue_dma source(%dma_start3A_283 : memref<128xi32, #tpu.memory_space<hbm>>) target(%dma_start3A_280 : memref<128xi32, #tpu.memory_space<vmem>>) target_semaphore(%arg12 : memref<!tpu.dma_semaphore, #tpu.memory_space<semaphore_mem>>)
      %dma_wait3A_284 = arith.constant 0 : i32
      %dma_wait3A_285 = arith.constant 0 : i32
      %dma_wait3A_286 = tpu.memref_slice %arg6[%dma_wait3A_284, %dma_wait3A_285] : memref<2x128xi32, #tpu.memory_space<vmem>> -> memref<1x128xi32, #tpu.memory_space<vmem>>
      %dma_wait3A_287 = tpu.memref_squeeze %dma_wait3A_286 : memref<1x128xi32, #tpu.memory_space<vmem>> -> memref<128xi32, #tpu.memory_space<vmem>>
      %dma_wait3A_288 = arith.constant 0 : i32
      %dma_wait3A_289 = tpu.memref_slice %arg3[%add3A, %dma_wait3A_288] : memref<2560x128xi32, #tpu.memory_space<hbm>> -> memref<1x128xi32, #tpu.memory_space<hbm>>
      %dma_wait3A_290 = tpu.memref_squeeze %dma_wait3A_289 : memref<1x128xi32, #tpu.memory_space<hbm>> -> memref<128xi32, #tpu.memory_space<hbm>>
      %dma_wait3A_291 = arith.constant 0 : i32
      %dma_wait3A_292 = tpu.memref_slice %arg6[%dma_wait3A_284, %dma_wait3A_291] : memref<2x128xi32, #tpu.memory_space<vmem>> -> memref<1x128xi32, #tpu.memory_space<vmem>>
      %dma_wait3A_293 = tpu.memref_squeeze %dma_wait3A_292 : memref<1x128xi32, #tpu.memory_space<vmem>> -> memref<128xi32, #tpu.memory_space<vmem>>
      %dma_wait3A_294 = arith.constant 0 : i32
      %dma_wait3A_295 = tpu.memref_slice %arg3[%add3A, %dma_wait3A_294] : memref<2560x128xi32, #tpu.memory_space<hbm>> -> memref<1x128xi32, #tpu.memory_space<hbm>>
      %dma_wait3A_296 = tpu.memref_squeeze %dma_wait3A_295 : memref<1x128xi32, #tpu.memory_space<hbm>> -> memref<128xi32, #tpu.memory_space<hbm>>
      tpu.wait_dma2 semaphore(%arg12 : memref<!tpu.dma_semaphore, #tpu.memory_space<semaphore_mem>>) src(%dma_wait3A_296 : memref<128xi32, #tpu.memory_space<hbm>>) dst(%dma_wait3A_293 : memref<128xi32, #tpu.memory_space<vmem>>)
      %dma_wait3A_297 = arith.constant 0 : i32
      %dma_wait3A_298 = arith.constant 0 : i32
      %dma_wait3A_299 = tpu.memref_slice %arg7[%dma_wait3A_297, %dma_wait3A_298] : memref<2x128xi32, #tpu.memory_space<vmem>> -> memref<1x128xi32, #tpu.memory_space<vmem>>
      %dma_wait3A_300 = tpu.memref_squeeze %dma_wait3A_299 : memref<1x128xi32, #tpu.memory_space<vmem>> -> memref<128xi32, #tpu.memory_space<vmem>>
      %dma_wait3A_301 = arith.constant 0 : i32
      %dma_wait3A_302 = tpu.memref_slice %arg4[%add3A, %dma_wait3A_301] : memref<2560x128xi32, #tpu.memory_space<hbm>> -> memref<1x128xi32, #tpu.memory_space<hbm>>
      %dma_wait3A_303 = tpu.memref_squeeze %dma_wait3A_302 : memref<1x128xi32, #tpu.memory_space<hbm>> -> memref<128xi32, #tpu.memory_space<hbm>>
      %dma_wait3A_304 = arith.constant 0 : i32
      %dma_wait3A_305 = tpu.memref_slice %arg7[%dma_wait3A_297, %dma_wait3A_304] : memref<2x128xi32, #tpu.memory_space<vmem>> -> memref<1x128xi32, #tpu.memory_space<vmem>>
      %dma_wait3A_306 = tpu.memref_squeeze %dma_wait3A_305 : memref<1x128xi32, #tpu.memory_space<vmem>> -> memref<128xi32, #tpu.memory_space<vmem>>
      %dma_wait3A_307 = arith.constant 0 : i32
      %dma_wait3A_308 = tpu.memref_slice %arg4[%add3A, %dma_wait3A_307] : memref<2560x128xi32, #tpu.memory_space<hbm>> -> memref<1x128xi32, #tpu.memory_space<hbm>>
      %dma_wait3A_309 = tpu.memref_squeeze %dma_wait3A_308 : memref<1x128xi32, #tpu.memory_space<hbm>> -> memref<128xi32, #tpu.memory_space<hbm>>
      tpu.wait_dma2 semaphore(%arg12 : memref<!tpu.dma_semaphore, #tpu.memory_space<semaphore_mem>>) src(%dma_wait3A_309 : memref<128xi32, #tpu.memory_space<hbm>>) dst(%dma_wait3A_306 : memref<128xi32, #tpu.memory_space<vmem>>)
      %dma_wait3A_310 = arith.constant 1 : i32
      %dma_wait3A_311 = arith.constant 1 : i32
      %dma_wait3A_312 = arith.constant 0 : i32
      %dma_wait3A_313 = arith.constant 0 : i32
      %dma_wait3A_314 = tpu.memref_slice %arg8[%dma_wait3A_311, %dma_wait3A_312, %dma_wait3A_313] : memref<2x128x128xf32, #tpu.memory_space<vmem>> -> memref<1x128x128xf32, #tpu.memory_space<vmem>>
      %dma_wait3A_315 = tpu.memref_squeeze %dma_wait3A_314 : memref<1x128x128xf32, #tpu.memory_space<vmem>> -> memref<128x128xf32, #tpu.memory_space<vmem>>
      %dma_wait3A_316 = arith.constant 0 : i32
      %dma_wait3A_317 = tpu.memref_slice %arg6[%dma_wait3A_310, %dma_wait3A_316] : memref<2x128xi32, #tpu.memory_space<vmem>> -> memref<1x128xi32, #tpu.memory_space<vmem>>
      %dma_wait3A_318 = tpu.memref_squeeze %dma_wait3A_317 : memref<1x128xi32, #tpu.memory_space<vmem>> -> memref<128xi32, #tpu.memory_space<vmem>>
      %dma_wait3A_319 = arith.constant 0 : i32
      %dma_wait3A_320 = arith.constant 0 : i32
      %dma_wait3A_321 = tpu.memref_slice %arg2[%dma_wait3A_319, %dma_wait3A_320] : memref<10112x128xf32, #tpu.memory_space<hbm>> -> memref<10112x128xf32, #tpu.memory_space<hbm>>
      tpu.wait_indirect_dma semaphore(%arg11 : memref<!tpu.dma_semaphore, #tpu.memory_space<semaphore_mem>>) src(%dma_wait3A_321 : memref<10112x128xf32, #tpu.memory_space<hbm>>) dst(%dma_wait3A_315 : memref<128x128xf32, #tpu.memory_space<vmem>>)
      %dma_start3A_322 = arith.constant 0 : i32
      %dma_start3A_323 = arith.constant 0 : i32
      %dma_start3A_324 = arith.constant 0 : i32
      %dma_start3A_325 = arith.constant 0 : i32
      %dma_start3A_326 = tpu.memref_slice %arg8[%dma_start3A_323, %dma_start3A_324, %dma_start3A_325] : memref<2x128x128xf32, #tpu.memory_space<vmem>> -> memref<1x128x128xf32, #tpu.memory_space<vmem>>
      %dma_start3A_327 = tpu.memref_squeeze %dma_start3A_326 : memref<1x128x128xf32, #tpu.memory_space<vmem>> -> memref<128x128xf32, #tpu.memory_space<vmem>>
      %dma_start3A_328 = arith.constant 0 : i32
      %dma_start3A_329 = tpu.memref_slice %arg6[%dma_start3A_322, %dma_start3A_328] : memref<2x128xi32, #tpu.memory_space<vmem>> -> memref<1x128xi32, #tpu.memory_space<vmem>>
      %dma_start3A_330 = tpu.memref_squeeze %dma_start3A_329 : memref<1x128xi32, #tpu.memory_space<vmem>> -> memref<128xi32, #tpu.memory_space<vmem>>
      %dma_start3A_331 = arith.constant 0 : i32
      %dma_start3A_332 = arith.constant 0 : i32
      %dma_start3A_333 = tpu.memref_slice %arg2[%dma_start3A_331, %dma_start3A_332] : memref<10112x128xf32, #tpu.memory_space<hbm>> -> memref<10112x128xf32, #tpu.memory_space<hbm>>
      tpu.enqueue_indirect_dma source(%dma_start3A_333 : memref<10112x128xf32, #tpu.memory_space<hbm>>) target(%dma_start3A_327 : memref<128x128xf32, #tpu.memory_space<vmem>>) offsets(%dma_start3A_330 : memref<128xi32, #tpu.memory_space<vmem>>) semaphore(%arg10 : memref<!tpu.dma_semaphore, #tpu.memory_space<semaphore_mem>>)
      %run_scoped3A_334 = arith.constant 1 : i32
      %run_scoped3A_335 = arith.constant 1 : i32
      "tpu.region"() ({
        %run_scoped3A_368 = tpu.sem_alloc : memref<!tpu.dma_semaphore, #tpu.memory_space<semaphore_mem>>
        %dma_start3A_369 = arith.constant 0 : i32
        %dma_start3A_370 = arith.constant 0 : i32
        %dma_start3A_371 = tpu.memref_slice %arg8[%run_scoped3A_334, %dma_start3A_369, %dma_start3A_370] : memref<2x128x128xf32, #tpu.memory_space<vmem>> -> memref<1x128x128xf32, #tpu.memory_space<vmem>>
        %dma_start3A_372 = tpu.memref_squeeze %dma_start3A_371 : memref<1x128x128xf32, #tpu.memory_space<vmem>> -> memref<128x128xf32, #tpu.memory_space<vmem>>
        %dma_start3A_373 = arith.constant 0 : i32
        %dma_start3A_374 = tpu.memref_slice %arg7[%run_scoped3A_335, %dma_start3A_373] : memref<2x128xi32, #tpu.memory_space<vmem>> -> memref<1x128xi32, #tpu.memory_space<vmem>>
        %dma_start3A_375 = tpu.memref_squeeze %dma_start3A_374 : memref<1x128xi32, #tpu.memory_space<vmem>> -> memref<128xi32, #tpu.memory_space<vmem>>
        %dma_start3A_376 = arith.constant 0 : i32
        %dma_start3A_377 = arith.constant 0 : i32
        %dma_start3A_378 = tpu.memref_slice %arg9[%dma_start3A_376, %dma_start3A_377] : memref<10112x128xf32, #tpu.memory_space<vmem_shared>> -> memref<10112x128xf32, #tpu.memory_space<vmem_shared>>
        tpu.enqueue_indirect_dma source(%dma_start3A_372 : memref<128x128xf32, #tpu.memory_space<vmem>>) target(%dma_start3A_378 : memref<10112x128xf32, #tpu.memory_space<vmem_shared>>) offsets(%dma_start3A_375 : memref<128xi32, #tpu.memory_space<vmem>>) semaphore(%run_scoped3A_368 : memref<!tpu.dma_semaphore, #tpu.memory_space<semaphore_mem>>) {add = true}
        %dma_wait3A_379 = arith.constant 0 : i32
        %dma_wait3A_380 = arith.constant 0 : i32
        %dma_wait3A_381 = tpu.memref_slice %arg8[%run_scoped3A_334, %dma_wait3A_379, %dma_wait3A_380] : memref<2x128x128xf32, #tpu.memory_space<vmem>> -> memref<1x128x128xf32, #tpu.memory_space<vmem>>
        %dma_wait3A_382 = tpu.memref_squeeze %dma_wait3A_381 : memref<1x128x128xf32, #tpu.memory_space<vmem>> -> memref<128x128xf32, #tpu.memory_space<vmem>>
        %dma_wait3A_383 = arith.constant 0 : i32
        %dma_wait3A_384 = tpu.memref_slice %arg7[%run_scoped3A_335, %dma_wait3A_383] : memref<2x128xi32, #tpu.memory_space<vmem>> -> memref<1x128xi32, #tpu.memory_space<vmem>>
        %dma_wait3A_385 = tpu.memref_squeeze %dma_wait3A_384 : memref<1x128xi32, #tpu.memory_space<vmem>> -> memref<128xi32, #tpu.memory_space<vmem>>
        %dma_wait3A_386 = arith.constant 0 : i32
        %dma_wait3A_387 = arith.constant 0 : i32
        %dma_wait3A_388 = tpu.memref_slice %arg9[%dma_wait3A_386, %dma_wait3A_387] : memref<10112x128xf32, #tpu.memory_space<vmem_shared>> -> memref<10112x128xf32, #tpu.memory_space<vmem_shared>>
        tpu.wait_indirect_dma semaphore(%run_scoped3A_368 : memref<!tpu.dma_semaphore, #tpu.memory_space<semaphore_mem>>) src(%dma_wait3A_382 : memref<128x128xf32, #tpu.memory_space<vmem>>) dst(%dma_wait3A_388 : memref<10112x128xf32, #tpu.memory_space<vmem_shared>>)
        tpu.yield
      }) : () -> ()
      %add3A_336 = arith.constant 1 : i32
      %add3A_337 = arith.addi %mul3A_199, %add3A_336 : i32
      %add3A_338 = arith.constant 2 : i32
      %add3A_339 = arith.addi %add3A_337, %add3A_338 : i32
      %add3A_340 = arith.addi %add3A, %add3A_339 : i32
      %dma_start3A_341 = arith.constant 1 : i32
      %dma_start3A_342 = arith.constant 0 : i32
      %dma_start3A_343 = tpu.memref_slice %arg6[%dma_start3A_341, %dma_start3A_342] : memref<2x128xi32, #tpu.memory_space<vmem>> -> memref<1x128xi32, #tpu.memory_space<vmem>>
      %dma_start3A_344 = tpu.memref_squeeze %dma_start3A_343 : memref<1x128xi32, #tpu.memory_space<vmem>> -> memref<128xi32, #tpu.memory_space<vmem>>
      %dma_start3A_345 = arith.constant 0 : i32
      %dma_start3A_346 = tpu.memref_slice %arg3[%add3A_340, %dma_start3A_345] : memref<2560x128xi32, #tpu.memory_space<hbm>> -> memref<1x128xi32, #tpu.memory_space<hbm>>
      %dma_start3A_347 = tpu.memref_squeeze %dma_start3A_346 : memref<1x128xi32, #tpu.memory_space<hbm>> -> memref<128xi32, #tpu.memory_space<hbm>>
      %dma_start3A_348 = arith.constant 0 : i32
      %dma_start3A_349 = tpu.memref_slice %arg6[%dma_start3A_341, %dma_start3A_348] : memref<2x128xi32, #tpu.memory_space<vmem>> -> memref<1x128xi32, #tpu.memory_space<vmem>>
      %dma_start3A_350 = tpu.memref_squeeze %dma_start3A_349 : memref<1x128xi32, #tpu.memory_space<vmem>> -> memref<128xi32, #tpu.memory_space<vmem>>
      %dma_start3A_351 = arith.constant 0 : i32
      %dma_start3A_352 = tpu.memref_slice %arg3[%add3A_340, %dma_start3A_351] : memref<2560x128xi32, #tpu.memory_space<hbm>> -> memref<1x128xi32, #tpu.memory_space<hbm>>
      %dma_start3A_353 = tpu.memref_squeeze %dma_start3A_352 : memref<1x128xi32, #tpu.memory_space<hbm>> -> memref<128xi32, #tpu.memory_space<hbm>>
      tpu.enqueue_dma source(%dma_start3A_353 : memref<128xi32, #tpu.memory_space<hbm>>) target(%dma_start3A_350 : memref<128xi32, #tpu.memory_space<vmem>>) target_semaphore(%arg13 : memref<!tpu.dma_semaphore, #tpu.memory_space<semaphore_mem>>)
      %add3A_354 = arith.addi %add3A, %add3A_339 : i32
      %dma_start3A_355 = arith.constant 1 : i32
      %dma_start3A_356 = arith.constant 0 : i32
      %dma_start3A_357 = tpu.memref_slice %arg7[%dma_start3A_355, %dma_start3A_356] : memref<2x128xi32, #tpu.memory_space<vmem>> -> memref<1x128xi32, #tpu.memory_space<vmem>>
      %dma_start3A_358 = tpu.memref_squeeze %dma_start3A_357 : memref<1x128xi32, #tpu.memory_space<vmem>> -> memref<128xi32, #tpu.memory_space<vmem>>
      %dma_start3A_359 = arith.constant 0 : i32
      %dma_start3A_360 = tpu.memref_slice %arg4[%add3A_354, %dma_start3A_359] : memref<2560x128xi32, #tpu.memory_space<hbm>> -> memref<1x128xi32, #tpu.memory_space<hbm>>
      %dma_start3A_361 = tpu.memref_squeeze %dma_start3A_360 : memref<1x128xi32, #tpu.memory_space<hbm>> -> memref<128xi32, #tpu.memory_space<hbm>>
      %dma_start3A_362 = arith.constant 0 : i32
      %dma_start3A_363 = tpu.memref_slice %arg7[%dma_start3A_355, %dma_start3A_362] : memref<2x128xi32, #tpu.memory_space<vmem>> -> memref<1x128xi32, #tpu.memory_space<vmem>>
      %dma_start3A_364 = tpu.memref_squeeze %dma_start3A_363 : memref<1x128xi32, #tpu.memory_space<vmem>> -> memref<128xi32, #tpu.memory_space<vmem>>
      %dma_start3A_365 = arith.constant 0 : i32
      %dma_start3A_366 = tpu.memref_slice %arg4[%add3A_354, %dma_start3A_365] : memref<2560x128xi32, #tpu.memory_space<hbm>> -> memref<1x128xi32, #tpu.memory_space<hbm>>
      %dma_start3A_367 = tpu.memref_squeeze %dma_start3A_366 : memref<1x128xi32, #tpu.memory_space<hbm>> -> memref<128xi32, #tpu.memory_space<hbm>>
      tpu.enqueue_dma source(%dma_start3A_367 : memref<128xi32, #tpu.memory_space<hbm>>) target(%dma_start3A_364 : memref<128xi32, #tpu.memory_space<vmem>>) target_semaphore(%arg13 : memref<!tpu.dma_semaphore, #tpu.memory_space<semaphore_mem>>)
    }
    %while3A_129 = arith.constant 1 : i32
    scf.for %while3A_197 = %while3A_127 to %while3A_123 step %while3A_129  : i32 {
      %mul3A_198 = arith.constant 2 : i32
      %mul3A_199 = arith.muli %while3A_197, %mul3A_198 : i32
      %dma_wait3A_200 = arith.constant 1 : i32
      %dma_wait3A_201 = arith.constant 0 : i32
      %dma_wait3A_202 = tpu.memref_slice %arg6[%dma_wait3A_200, %dma_wait3A_201] : memref<2x128xi32, #tpu.memory_space<vmem>> -> memref<1x128xi32, #tpu.memory_space<vmem>>
      %dma_wait3A_203 = tpu.memref_squeeze %dma_wait3A_202 : memref<1x128xi32, #tpu.memory_space<vmem>> -> memref<128xi32, #tpu.memory_space<vmem>>
      %dma_wait3A_204 = arith.constant 0 : i32
      %dma_wait3A_205 = tpu.memref_slice %arg3[%add3A, %dma_wait3A_204] : memref<2560x128xi32, #tpu.memory_space<hbm>> -> memref<1x128xi32, #tpu.memory_space<hbm>>
      %dma_wait3A_206 = tpu.memref_squeeze %dma_wait3A_205 : memref<1x128xi32, #tpu.memory_space<hbm>> -> memref<128xi32, #tpu.memory_space<hbm>>
      %dma_wait3A_207 = arith.constant 0 : i32
      %dma_wait3A_208 = tpu.memref_slice %arg6[%dma_wait3A_200, %dma_wait3A_207] : memref<2x128xi32, #tpu.memory_space<vmem>> -> memref<1x128xi32, #tpu.memory_space<vmem>>
      %dma_wait3A_209 = tpu.memref_squeeze %dma_wait3A_208 : memref<1x128xi32, #tpu.memory_space<vmem>> -> memref<128xi32, #tpu.memory_space<vmem>>
      %dma_wait3A_210 = arith.constant 0 : i32
      %dma_wait3A_211 = tpu.memref_slice %arg3[%add3A, %dma_wait3A_210] : memref<2560x128xi32, #tpu.memory_space<hbm>> -> memref<1x128xi32, #tpu.memory_space<hbm>>
      %dma_wait3A_212 = tpu.memref_squeeze %dma_wait3A_211 : memref<1x128xi32, #tpu.memory_space<hbm>> -> memref<128xi32, #tpu.memory_space<hbm>>
      tpu.wait_dma2 semaphore(%arg13 : memref<!tpu.dma_semaphore, #tpu.memory_space<semaphore_mem>>) src(%dma_wait3A_212 : memref<128xi32, #tpu.memory_space<hbm>>) dst(%dma_wait3A_209 : memref<128xi32, #tpu.memory_space<vmem>>)
      %dma_wait3A_213 = arith.constant 1 : i32
      %dma_wait3A_214 = arith.constant 0 : i32
      %dma_wait3A_215 = tpu.memref_slice %arg7[%dma_wait3A_213, %dma_wait3A_214] : memref<2x128xi32, #tpu.memory_space<vmem>> -> memref<1x128xi32, #tpu.memory_space<vmem>>
      %dma_wait3A_216 = tpu.memref_squeeze %dma_wait3A_215 : memref<1x128xi32, #tpu.memory_space<vmem>> -> memref<128xi32, #tpu.memory_space<vmem>>
      %dma_wait3A_217 = arith.constant 0 : i32
      %dma_wait3A_218 = tpu.memref_slice %arg4[%add3A, %dma_wait3A_217] : memref<2560x128xi32, #tpu.memory_space<hbm>> -> memref<1x128xi32, #tpu.memory_space<hbm>>
      %dma_wait3A_219 = tpu.memref_squeeze %dma_wait3A_218 : memref<1x128xi32, #tpu.memory_space<hbm>> -> memref<128xi32, #tpu.memory_space<hbm>>
      %dma_wait3A_220 = arith.constant 0 : i32
      %dma_wait3A_221 = tpu.memref_slice %arg7[%dma_wait3A_213, %dma_wait3A_220] : memref<2x128xi32, #tpu.memory_space<vmem>> -> memref<1x128xi32, #tpu.memory_space<vmem>>
      %dma_wait3A_222 = tpu.memref_squeeze %dma_wait3A_221 : memref<1x128xi32, #tpu.memory_space<vmem>> -> memref<128xi32, #tpu.memory_space<vmem>>
      %dma_wait3A_223 = arith.constant 0 : i32
      %dma_wait3A_224 = tpu.memref_slice %arg4[%add3A, %dma_wait3A_223] : memref<2560x128xi32, #tpu.memory_space<hbm>> -> memref<1x128xi32, #tpu.memory_space<hbm>>
      %dma_wait3A_225 = tpu.memref_squeeze %dma_wait3A_224 : memref<1x128xi32, #tpu.memory_space<hbm>> -> memref<128xi32, #tpu.memory_space<hbm>>
      tpu.wait_dma2 semaphore(%arg13 : memref<!tpu.dma_semaphore, #tpu.memory_space<semaphore_mem>>) src(%dma_wait3A_225 : memref<128xi32, #tpu.memory_space<hbm>>) dst(%dma_wait3A_222 : memref<128xi32, #tpu.memory_space<vmem>>)
      %dma_wait3A_226 = arith.constant 0 : i32
      %dma_wait3A_227 = arith.constant 0 : i32
      %dma_wait3A_228 = arith.constant 0 : i32
      %dma_wait3A_229 = arith.constant 0 : i32
      %dma_wait3A_230 = tpu.memref_slice %arg8[%dma_wait3A_227, %dma_wait3A_228, %dma_wait3A_229] : memref<2x128x128xf32, #tpu.memory_space<vmem>> -> memref<1x128x128xf32, #tpu.memory_space<vmem>>
      %dma_wait3A_231 = tpu.memref_squeeze %dma_wait3A_230 : memref<1x128x128xf32, #tpu.memory_space<vmem>> -> memref<128x128xf32, #tpu.memory_space<vmem>>
      %dma_wait3A_232 = arith.constant 0 : i32
      %dma_wait3A_233 = tpu.memref_slice %arg6[%dma_wait3A_226, %dma_wait3A_232] : memref<2x128xi32, #tpu.memory_space<vmem>> -> memref<1x128xi32, #tpu.memory_space<vmem>>
      %dma_wait3A_234 = tpu.memref_squeeze %dma_wait3A_233 : memref<1x128xi32, #tpu.memory_space<vmem>> -> memref<128xi32, #tpu.memory_space<vmem>>
      %dma_wait3A_235 = arith.constant 0 : i32
      %dma_wait3A_236 = arith.constant 0 : i32
      %dma_wait3A_237 = tpu.memref_slice %arg2[%dma_wait3A_235, %dma_wait3A_236] : memref<10112x128xf32, #tpu.memory_space<hbm>> -> memref<10112x128xf32, #tpu.memory_space<hbm>>
      tpu.wait_indirect_dma semaphore(%arg10 : memref<!tpu.dma_semaphore, #tpu.memory_space<semaphore_mem>>) src(%dma_wait3A_237 : memref<10112x128xf32, #tpu.memory_space<hbm>>) dst(%dma_wait3A_231 : memref<128x128xf32, #tpu.memory_space<vmem>>)
      %dma_start3A_238 = arith.constant 1 : i32
      %dma_start3A_239 = arith.constant 1 : i32
      %dma_start3A_240 = arith.constant 0 : i32
      %dma_start3A_241 = arith.constant 0 : i32
      %dma_start3A_242 = tpu.memref_slice %arg8[%dma_start3A_239, %dma_start3A_240, %dma_start3A_241] : memref<2x128x128xf32, #tpu.memory_space<vmem>> -> memref<1x128x128xf32, #tpu.memory_space<vmem>>
      %dma_start3A_243 = tpu.memref_squeeze %dma_start3A_242 : memref<1x128x128xf32, #tpu.memory_space<vmem>> -> memref<128x128xf32, #tpu.memory_space<vmem>>
      %dma_start3A_244 = arith.constant 0 : i32
      %dma_start3A_245 = tpu.memref_slice %arg6[%dma_start3A_238, %dma_start3A_244] : memref<2x128xi32, #tpu.memory_space<vmem>> -> memref<1x128xi32, #tpu.memory_space<vmem>>
      %dma_start3A_246 = tpu.memref_squeeze %dma_start3A_245 : memref<1x128xi32, #tpu.memory_space<vmem>> -> memref<128xi32, #tpu.memory_space<vmem>>
      %dma_start3A_247 = arith.constant 0 : i32
      %dma_start3A_248 = arith.constant 0 : i32
      %dma_start3A_249 = tpu.memref_slice %arg2[%dma_start3A_247, %dma_start3A_248] : memref<10112x128xf32, #tpu.memory_space<hbm>> -> memref<10112x128xf32, #tpu.memory_space<hbm>>
      tpu.enqueue_indirect_dma source(%dma_start3A_249 : memref<10112x128xf32, #tpu.memory_space<hbm>>) target(%dma_start3A_243 : memref<128x128xf32, #tpu.memory_space<vmem>>) offsets(%dma_start3A_246 : memref<128xi32, #tpu.memory_space<vmem>>) semaphore(%arg11 : memref<!tpu.dma_semaphore, #tpu.memory_space<semaphore_mem>>)
      %run_scoped3A_250 = arith.constant 0 : i32
      %run_scoped3A_251 = arith.constant 0 : i32
      "tpu.region"() ({
        %run_scoped3A_368 = tpu.sem_alloc : memref<!tpu.dma_semaphore, #tpu.memory_space<semaphore_mem>>
        %dma_start3A_369 = arith.constant 0 : i32
        %dma_start3A_370 = arith.constant 0 : i32
        %dma_start3A_371 = tpu.memref_slice %arg8[%run_scoped3A_250, %dma_start3A_369, %dma_start3A_370] : memref<2x128x128xf32, #tpu.memory_space<vmem>> -> memref<1x128x128xf32, #tpu.memory_space<vmem>>
        %dma_start3A_372 = tpu.memref_squeeze %dma_start3A_371 : memref<1x128x128xf32, #tpu.memory_space<vmem>> -> memref<128x128xf32, #tpu.memory_space<vmem>>
        %dma_start3A_373 = arith.constant 0 : i32
        %dma_start3A_374 = tpu.memref_slice %arg7[%run_scoped3A_251, %dma_start3A_373] : memref<2x128xi32, #tpu.memory_space<vmem>> -> memref<1x128xi32, #tpu.memory_space<vmem>>
        %dma_start3A_375 = tpu.memref_squeeze %dma_start3A_374 : memref<1x128xi32, #tpu.memory_space<vmem>> -> memref<128xi32, #tpu.memory_space<vmem>>
        %dma_start3A_376 = arith.constant 0 : i32
        %dma_start3A_377 = arith.constant 0 : i32
        %dma_start3A_378 = tpu.memref_slice %arg9[%dma_start3A_376, %dma_start3A_377] : memref<10112x128xf32, #tpu.memory_space<vmem_shared>> -> memref<10112x128xf32, #tpu.memory_space<vmem_shared>>
        tpu.enqueue_indirect_dma source(%dma_start3A_372 : memref<128x128xf32, #tpu.memory_space<vmem>>) target(%dma_start3A_378 : memref<10112x128xf32, #tpu.memory_space<vmem_shared>>) offsets(%dma_start3A_375 : memref<128xi32, #tpu.memory_space<vmem>>) semaphore(%run_scoped3A_368 : memref<!tpu.dma_semaphore, #tpu.memory_space<semaphore_mem>>) {add = true}
        %dma_wait3A_379 = arith.constant 0 : i32
        %dma_wait3A_380 = arith.constant 0 : i32
        %dma_wait3A_381 = tpu.memref_slice %arg8[%run_scoped3A_250, %dma_wait3A_379, %dma_wait3A_380] : memref<2x128x128xf32, #tpu.memory_space<vmem>> -> memref<1x128x128xf32, #tpu.memory_space<vmem>>
        %dma_wait3A_382 = tpu.memref_squeeze %dma_wait3A_381 : memref<1x128x128xf32, #tpu.memory_space<vmem>> -> memref<128x128xf32, #tpu.memory_space<vmem>>
        %dma_wait3A_383 = arith.constant 0 : i32
        %dma_wait3A_384 = tpu.memref_slice %arg7[%run_scoped3A_251, %dma_wait3A_383] : memref<2x128xi32, #tpu.memory_space<vmem>> -> memref<1x128xi32, #tpu.memory_space<vmem>>
        %dma_wait3A_385 = tpu.memref_squeeze %dma_wait3A_384 : memref<1x128xi32, #tpu.memory_space<vmem>> -> memref<128xi32, #tpu.memory_space<vmem>>
        %dma_wait3A_386 = arith.constant 0 : i32
        %dma_wait3A_387 = arith.constant 0 : i32
        %dma_wait3A_388 = tpu.memref_slice %arg9[%dma_wait3A_386, %dma_wait3A_387] : memref<10112x128xf32, #tpu.memory_space<vmem_shared>> -> memref<10112x128xf32, #tpu.memory_space<vmem_shared>>
        tpu.wait_indirect_dma semaphore(%run_scoped3A_368 : memref<!tpu.dma_semaphore, #tpu.memory_space<semaphore_mem>>) src(%dma_wait3A_382 : memref<128x128xf32, #tpu.memory_space<vmem>>) dst(%dma_wait3A_388 : memref<10112x128xf32, #tpu.memory_space<vmem_shared>>)
        tpu.yield
      }) : () -> ()
      %add3A_252 = arith.constant 0 : i32
      %add3A_253 = arith.addi %mul3A_199, %add3A_252 : i32
      %add3A_254 = arith.constant 2 : i32
      %add3A_255 = arith.addi %add3A_253, %add3A_254 : i32
      %add3A_256 = arith.addi %add3A, %add3A_255 : i32
      %dma_start3A_257 = arith.constant 0 : i32
      %dma_start3A_258 = arith.constant 0 : i32
      %dma_start3A_259 = tpu.memref_slice %arg6[%dma_start3A_257, %dma_start3A_258] : memref<2x128xi32, #tpu.memory_space<vmem>> -> memref<1x128xi32, #tpu.memory_space<vmem>>
      %dma_start3A_260 = tpu.memref_squeeze %dma_start3A_259 : memref<1x128xi32, #tpu.memory_space<vmem>> -> memref<128xi32, #tpu.memory_space<vmem>>
      %dma_start3A_261 = arith.constant 0 : i32
      %dma_start3A_262 = tpu.memref_slice %arg3[%add3A_256, %dma_start3A_261] : memref<2560x128xi32, #tpu.memory_space<hbm>> -> memref<1x128xi32, #tpu.memory_space<hbm>>
      %dma_start3A_263 = tpu.memref_squeeze %dma_start3A_262 : memref<1x128xi32, #tpu.memory_space<hbm>> -> memref<128xi32, #tpu.memory_space<hbm>>
      %dma_start3A_264 = arith.constant 0 : i32
      %dma_start3A_265 = tpu.memref_slice %arg6[%dma_start3A_257, %dma_start3A_264] : memref<2x128xi32, #tpu.memory_space<vmem>> -> memref<1x128xi32, #tpu.memory_space<vmem>>
      %dma_start3A_266 = tpu.memref_squeeze %dma_start3A_265 : memref<1x128xi32, #tpu.memory_space<vmem>> -> memref<128xi32, #tpu.memory_space<vmem>>
      %dma_start3A_267 = arith.constant 0 : i32
      %dma_start3A_268 = tpu.memref_slice %arg3[%add3A_256, %dma_start3A_267] : memref<2560x128xi32, #tpu.memory_space<hbm>> -> memref<1x128xi32, #tpu.memory_space<hbm>>
      %dma_start3A_269 = tpu.memref_squeeze %dma_start3A_268 : memref<1x128xi32, #tpu.memory_space<hbm>> -> memref<128xi32, #tpu.memory_space<hbm>>
      tpu.enqueue_dma source(%dma_start3A_269 : memref<128xi32, #tpu.memory_space<hbm>>) target(%dma_start3A_266 : memref<128xi32, #tpu.memory_space<vmem>>) target_semaphore(%arg12 : memref<!tpu.dma_semaphore, #tpu.memory_space<semaphore_mem>>)
      %add3A_270 = arith.addi %add3A, %add3A_255 : i32
      %dma_start3A_271 = arith.constant 0 : i32
      %dma_start3A_272 = arith.constant 0 : i32
      %dma_start3A_273 = tpu.memref_slice %arg7[%dma_start3A_271, %dma_start3A_272] : memref<2x128xi32, #tpu.memory_space<vmem>> -> memref<1x128xi32, #tpu.memory_space<vmem>>
      %dma_start3A_274 = tpu.memref_squeeze %dma_start3A_273 : memref<1x128xi32, #tpu.memory_space<vmem>> -> memref<128xi32, #tpu.memory_space<vmem>>
      %dma_start3A_275 = arith.constant 0 : i32
      %dma_start3A_276 = tpu.memref_slice %arg4[%add3A_270, %dma_start3A_275] : memref<2560x128xi32, #tpu.memory_space<hbm>> -> memref<1x128xi32, #tpu.memory_space<hbm>>
      %dma_start3A_277 = tpu.memref_squeeze %dma_start3A_276 : memref<1x128xi32, #tpu.memory_space<hbm>> -> memref<128xi32, #tpu.memory_space<hbm>>
      %dma_start3A_278 = arith.constant 0 : i32
      %dma_start3A_279 = tpu.memref_slice %arg7[%dma_start3A_271, %dma_start3A_278] : memref<2x128xi32, #tpu.memory_space<vmem>> -> memref<1x128xi32, #tpu.memory_space<vmem>>
      %dma_start3A_280 = tpu.memref_squeeze %dma_start3A_279 : memref<1x128xi32, #tpu.memory_space<vmem>> -> memref<128xi32, #tpu.memory_space<vmem>>
      %dma_start3A_281 = arith.constant 0 : i32
      %dma_start3A_282 = tpu.memref_slice %arg4[%add3A_270, %dma_start3A_281] : memref<2560x128xi32, #tpu.memory_space<hbm>> -> memref<1x128xi32, #tpu.memory_space<hbm>>
      %dma_start3A_283 = tpu.memref_squeeze %dma_start3A_282 : memref<1x128xi32, #tpu.memory_space<hbm>> -> memref<128xi32, #tpu.memory_space<hbm>>
      tpu.enqueue_dma source(%dma_start3A_283 : memref<128xi32, #tpu.memory_space<hbm>>) target(%dma_start3A_280 : memref<128xi32, #tpu.memory_space<vmem>>) target_semaphore(%arg12 : memref<!tpu.dma_semaphore, #tpu.memory_space<semaphore_mem>>)
      %dma_wait3A_284 = arith.constant 0 : i32
      %dma_wait3A_285 = arith.constant 0 : i32
      %dma_wait3A_286 = tpu.memref_slice %arg6[%dma_wait3A_284, %dma_wait3A_285] : memref<2x128xi32, #tpu.memory_space<vmem>> -> memref<1x128xi32, #tpu.memory_space<vmem>>
      %dma_wait3A_287 = tpu.memref_squeeze %dma_wait3A_286 : memref<1x128xi32, #tpu.memory_space<vmem>> -> memref<128xi32, #tpu.memory_space<vmem>>
      %dma_wait3A_288 = arith.constant 0 : i32
      %dma_wait3A_289 = tpu.memref_slice %arg3[%add3A, %dma_wait3A_288] : memref<2560x128xi32, #tpu.memory_space<hbm>> -> memref<1x128xi32, #tpu.memory_space<hbm>>
      %dma_wait3A_290 = tpu.memref_squeeze %dma_wait3A_289 : memref<1x128xi32, #tpu.memory_space<hbm>> -> memref<128xi32, #tpu.memory_space<hbm>>
      %dma_wait3A_291 = arith.constant 0 : i32
      %dma_wait3A_292 = tpu.memref_slice %arg6[%dma_wait3A_284, %dma_wait3A_291] : memref<2x128xi32, #tpu.memory_space<vmem>> -> memref<1x128xi32, #tpu.memory_space<vmem>>
      %dma_wait3A_293 = tpu.memref_squeeze %dma_wait3A_292 : memref<1x128xi32, #tpu.memory_space<vmem>> -> memref<128xi32, #tpu.memory_space<vmem>>
      %dma_wait3A_294 = arith.constant 0 : i32
      %dma_wait3A_295 = tpu.memref_slice %arg3[%add3A, %dma_wait3A_294] : memref<2560x128xi32, #tpu.memory_space<hbm>> -> memref<1x128xi32, #tpu.memory_space<hbm>>
      %dma_wait3A_296 = tpu.memref_squeeze %dma_wait3A_295 : memref<1x128xi32, #tpu.memory_space<hbm>> -> memref<128xi32, #tpu.memory_space<hbm>>
      tpu.wait_dma2 semaphore(%arg12 : memref<!tpu.dma_semaphore, #tpu.memory_space<semaphore_mem>>) src(%dma_wait3A_296 : memref<128xi32, #tpu.memory_space<hbm>>) dst(%dma_wait3A_293 : memref<128xi32, #tpu.memory_space<vmem>>)
      %dma_wait3A_297 = arith.constant 0 : i32
      %dma_wait3A_298 = arith.constant 0 : i32
      %dma_wait3A_299 = tpu.memref_slice %arg7[%dma_wait3A_297, %dma_wait3A_298] : memref<2x128xi32, #tpu.memory_space<vmem>> -> memref<1x128xi32, #tpu.memory_space<vmem>>
      %dma_wait3A_300 = tpu.memref_squeeze %dma_wait3A_299 : memref<1x128xi32, #tpu.memory_space<vmem>> -> memref<128xi32, #tpu.memory_space<vmem>>
      %dma_wait3A_301 = arith.constant 0 : i32
      %dma_wait3A_302 = tpu.memref_slice %arg4[%add3A, %dma_wait3A_301] : memref<2560x128xi32, #tpu.memory_space<hbm>> -> memref<1x128xi32, #tpu.memory_space<hbm>>
      %dma_wait3A_303 = tpu.memref_squeeze %dma_wait3A_302 : memref<1x128xi32, #tpu.memory_space<hbm>> -> memref<128xi32, #tpu.memory_space<hbm>>
      %dma_wait3A_304 = arith.constant 0 : i32
      %dma_wait3A_305 = tpu.memref_slice %arg7[%dma_wait3A_297, %dma_wait3A_304] : memref<2x128xi32, #tpu.memory_space<vmem>> -> memref<1x128xi32, #tpu.memory_space<vmem>>
      %dma_wait3A_306 = tpu.memref_squeeze %dma_wait3A_305 : memref<1x128xi32, #tpu.memory_space<vmem>> -> memref<128xi32, #tpu.memory_space<vmem>>
      %dma_wait3A_307 = arith.constant 0 : i32
      %dma_wait3A_308 = tpu.memref_slice %arg4[%add3A, %dma_wait3A_307] : memref<2560x128xi32, #tpu.memory_space<hbm>> -> memref<1x128xi32, #tpu.memory_space<hbm>>
      %dma_wait3A_309 = tpu.memref_squeeze %dma_wait3A_308 : memref<1x128xi32, #tpu.memory_space<hbm>> -> memref<128xi32, #tpu.memory_space<hbm>>
      tpu.wait_dma2 semaphore(%arg12 : memref<!tpu.dma_semaphore, #tpu.memory_space<semaphore_mem>>) src(%dma_wait3A_309 : memref<128xi32, #tpu.memory_space<hbm>>) dst(%dma_wait3A_306 : memref<128xi32, #tpu.memory_space<vmem>>)
      %dma_wait3A_310 = arith.constant 1 : i32
      %dma_wait3A_311 = arith.constant 1 : i32
      %dma_wait3A_312 = arith.constant 0 : i32
      %dma_wait3A_313 = arith.constant 0 : i32
      %dma_wait3A_314 = tpu.memref_slice %arg8[%dma_wait3A_311, %dma_wait3A_312, %dma_wait3A_313] : memref<2x128x128xf32, #tpu.memory_space<vmem>> -> memref<1x128x128xf32, #tpu.memory_space<vmem>>
      %dma_wait3A_315 = tpu.memref_squeeze %dma_wait3A_314 : memref<1x128x128xf32, #tpu.memory_space<vmem>> -> memref<128x128xf32, #tpu.memory_space<vmem>>
      %dma_wait3A_316 = arith.constant 0 : i32
      %dma_wait3A_317 = tpu.memref_slice %arg6[%dma_wait3A_310, %dma_wait3A_316] : memref<2x128xi32, #tpu.memory_space<vmem>> -> memref<1x128xi32, #tpu.memory_space<vmem>>
      %dma_wait3A_318 = tpu.memref_squeeze %dma_wait3A_317 : memref<1x128xi32, #tpu.memory_space<vmem>> -> memref<128xi32, #tpu.memory_space<vmem>>
      %dma_wait3A_319 = arith.constant 0 : i32
      %dma_wait3A_320 = arith.constant 0 : i32
      %dma_wait3A_321 = tpu.memref_slice %arg2[%dma_wait3A_319, %dma_wait3A_320] : memref<10112x128xf32, #tpu.memory_space<hbm>> -> memref<10112x128xf32, #tpu.memory_space<hbm>>
      tpu.wait_indirect_dma semaphore(%arg11 : memref<!tpu.dma_semaphore, #tpu.memory_space<semaphore_mem>>) src(%dma_wait3A_321 : memref<10112x128xf32, #tpu.memory_space<hbm>>) dst(%dma_wait3A_315 : memref<128x128xf32, #tpu.memory_space<vmem>>)
      %dma_start3A_322 = arith.constant 0 : i32
      %dma_start3A_323 = arith.constant 0 : i32
      %dma_start3A_324 = arith.constant 0 : i32
      %dma_start3A_325 = arith.constant 0 : i32
      %dma_start3A_326 = tpu.memref_slice %arg8[%dma_start3A_323, %dma_start3A_324, %dma_start3A_325] : memref<2x128x128xf32, #tpu.memory_space<vmem>> -> memref<1x128x128xf32, #tpu.memory_space<vmem>>
      %dma_start3A_327 = tpu.memref_squeeze %dma_start3A_326 : memref<1x128x128xf32, #tpu.memory_space<vmem>> -> memref<128x128xf32, #tpu.memory_space<vmem>>
      %dma_start3A_328 = arith.constant 0 : i32
      %dma_start3A_329 = tpu.memref_slice %arg6[%dma_start3A_322, %dma_start3A_328] : memref<2x128xi32, #tpu.memory_space<vmem>> -> memref<1x128xi32, #tpu.memory_space<vmem>>
      %dma_start3A_330 = tpu.memref_squeeze %dma_start3A_329 : memref<1x128xi32, #tpu.memory_space<vmem>> -> memref<128xi32, #tpu.memory_space<vmem>>
      %dma_start3A_331 = arith.constant 0 : i32
      %dma_start3A_332 = arith.constant 0 : i32
      %dma_start3A_333 = tpu.memref_slice %arg2[%dma_start3A_331, %dma_start3A_332] : memref<10112x128xf32, #tpu.memory_space<hbm>> -> memref<10112x128xf32, #tpu.memory_space<hbm>>
      tpu.enqueue_indirect_dma source(%dma_start3A_333 : memref<10112x128xf32, #tpu.memory_space<hbm>>) target(%dma_start3A_327 : memref<128x128xf32, #tpu.memory_space<vmem>>) offsets(%dma_start3A_330 : memref<128xi32, #tpu.memory_space<vmem>>) semaphore(%arg10 : memref<!tpu.dma_semaphore, #tpu.memory_space<semaphore_mem>>)
      %run_scoped3A_334 = arith.constant 1 : i32
      %run_scoped3A_335 = arith.constant 1 : i32
      "tpu.region"() ({
        %run_scoped3A_368 = tpu.sem_alloc : memref<!tpu.dma_semaphore, #tpu.memory_space<semaphore_mem>>
        %dma_start3A_369 = arith.constant 0 : i32
        %dma_start3A_370 = arith.constant 0 : i32
        %dma_start3A_371 = tpu.memref_slice %arg8[%run_scoped3A_334, %dma_start3A_369, %dma_start3A_370] : memref<2x128x128xf32, #tpu.memory_space<vmem>> -> memref<1x128x128xf32, #tpu.memory_space<vmem>>
        %dma_start3A_372 = tpu.memref_squeeze %dma_start3A_371 : memref<1x128x128xf32, #tpu.memory_space<vmem>> -> memref<128x128xf32, #tpu.memory_space<vmem>>
        %dma_start3A_373 = arith.constant 0 : i32
        %dma_start3A_374 = tpu.memref_slice %arg7[%run_scoped3A_335, %dma_start3A_373] : memref<2x128xi32, #tpu.memory_space<vmem>> -> memref<1x128xi32, #tpu.memory_space<vmem>>
        %dma_start3A_375 = tpu.memref_squeeze %dma_start3A_374 : memref<1x128xi32, #tpu.memory_space<vmem>> -> memref<128xi32, #tpu.memory_space<vmem>>
        %dma_start3A_376 = arith.constant 0 : i32
        %dma_start3A_377 = arith.constant 0 : i32
        %dma_start3A_378 = tpu.memref_slice %arg9[%dma_start3A_376, %dma_start3A_377] : memref<10112x128xf32, #tpu.memory_space<vmem_shared>> -> memref<10112x128xf32, #tpu.memory_space<vmem_shared>>
        tpu.enqueue_indirect_dma source(%dma_start3A_372 : memref<128x128xf32, #tpu.memory_space<vmem>>) target(%dma_start3A_378 : memref<10112x128xf32, #tpu.memory_space<vmem_shared>>) offsets(%dma_start3A_375 : memref<128xi32, #tpu.memory_space<vmem>>) semaphore(%run_scoped3A_368 : memref<!tpu.dma_semaphore, #tpu.memory_space<semaphore_mem>>) {add = true}
        %dma_wait3A_379 = arith.constant 0 : i32
        %dma_wait3A_380 = arith.constant 0 : i32
        %dma_wait3A_381 = tpu.memref_slice %arg8[%run_scoped3A_334, %dma_wait3A_379, %dma_wait3A_380] : memref<2x128x128xf32, #tpu.memory_space<vmem>> -> memref<1x128x128xf32, #tpu.memory_space<vmem>>
        %dma_wait3A_382 = tpu.memref_squeeze %dma_wait3A_381 : memref<1x128x128xf32, #tpu.memory_space<vmem>> -> memref<128x128xf32, #tpu.memory_space<vmem>>
        %dma_wait3A_383 = arith.constant 0 : i32
        %dma_wait3A_384 = tpu.memref_slice %arg7[%run_scoped3A_335, %dma_wait3A_383] : memref<2x128xi32, #tpu.memory_space<vmem>> -> memref<1x128xi32, #tpu.memory_space<vmem>>
        %dma_wait3A_385 = tpu.memref_squeeze %dma_wait3A_384 : memref<1x128xi32, #tpu.memory_space<vmem>> -> memref<128xi32, #tpu.memory_space<vmem>>
        %dma_wait3A_386 = arith.constant 0 : i32
        %dma_wait3A_387 = arith.constant 0 : i32
        %dma_wait3A_388 = tpu.memref_slice %arg9[%dma_wait3A_386, %dma_wait3A_387] : memref<10112x128xf32, #tpu.memory_space<vmem_shared>> -> memref<10112x128xf32, #tpu.memory_space<vmem_shared>>
        tpu.wait_indirect_dma semaphore(%run_scoped3A_368 : memref<!tpu.dma_semaphore, #tpu.memory_space<semaphore_mem>>) src(%dma_wait3A_382 : memref<128x128xf32, #tpu.memory_space<vmem>>) dst(%dma_wait3A_388 : memref<10112x128xf32, #tpu.memory_space<vmem_shared>>)
        tpu.yield
      }) : () -> ()
      %add3A_336 = arith.constant 1 : i32
      %add3A_337 = arith.addi %mul3A_199, %add3A_336 : i32
      %add3A_338 = arith.constant 2 : i32
      %add3A_339 = arith.addi %add3A_337, %add3A_338 : i32
      %add3A_340 = arith.addi %add3A, %add3A_339 : i32
      %dma_start3A_341 = arith.constant 1 : i32
      %dma_start3A_342 = arith.constant 0 : i32
      %dma_start3A_343 = tpu.memref_slice %arg6[%dma_start3A_341, %dma_start3A_342] : memref<2x128xi32, #tpu.memory_space<vmem>> -> memref<1x128xi32, #tpu.memory_space<vmem>>
      %dma_start3A_344 = tpu.memref_squeeze %dma_start3A_343 : memref<1x128xi32, #tpu.memory_space<vmem>> -> memref<128xi32, #tpu.memory_space<vmem>>
      %dma_start3A_345 = arith.constant 0 : i32
      %dma_start3A_346 = tpu.memref_slice %arg3[%add3A_340, %dma_start3A_345] : memref<2560x128xi32, #tpu.memory_space<hbm>> -> memref<1x128xi32, #tpu.memory_space<hbm>>
      %dma_start3A_347 = tpu.memref_squeeze %dma_start3A_346 : memref<1x128xi32, #tpu.memory_space<hbm>> -> memref<128xi32, #tpu.memory_space<hbm>>
      %dma_start3A_348 = arith.constant 0 : i32
      %dma_start3A_349 = tpu.memref_slice %arg6[%dma_start3A_341, %dma_start3A_348] : memref<2x128xi32, #tpu.memory_space<vmem>> -> memref<1x128xi32, #tpu.memory_space<vmem>>
      %dma_start3A_350 = tpu.memref_squeeze %dma_start3A_349 : memref<1x128xi32, #tpu.memory_space<vmem>> -> memref<128xi32, #tpu.memory_space<vmem>>
      %dma_start3A_351 = arith.constant 0 : i32
      %dma_start3A_352 = tpu.memref_slice %arg3[%add3A_340, %dma_start3A_351] : memref<2560x128xi32, #tpu.memory_space<hbm>> -> memref<1x128xi32, #tpu.memory_space<hbm>>
      %dma_start3A_353 = tpu.memref_squeeze %dma_start3A_352 : memref<1x128xi32, #tpu.memory_space<hbm>> -> memref<128xi32, #tpu.memory_space<hbm>>
      tpu.enqueue_dma source(%dma_start3A_353 : memref<128xi32, #tpu.memory_space<hbm>>) target(%dma_start3A_350 : memref<128xi32, #tpu.memory_space<vmem>>) target_semaphore(%arg13 : memref<!tpu.dma_semaphore, #tpu.memory_space<semaphore_mem>>)
      %add3A_354 = arith.addi %add3A, %add3A_339 : i32
      %dma_start3A_355 = arith.constant 1 : i32
      %dma_start3A_356 = arith.constant 0 : i32
      %dma_start3A_357 = tpu.memref_slice %arg7[%dma_start3A_355, %dma_start3A_356] : memref<2x128xi32, #tpu.memory_space<vmem>> -> memref<1x128xi32, #tpu.memory_space<vmem>>
      %dma_start3A_358 = tpu.memref_squeeze %dma_start3A_357 : memref<1x128xi32, #tpu.memory_space<vmem>> -> memref<128xi32, #tpu.memory_space<vmem>>
      %dma_start3A_359 = arith.constant 0 : i32
      %dma_start3A_360 = tpu.memref_slice %arg4[%add3A_354, %dma_start3A_359] : memref<2560x128xi32, #tpu.memory_space<hbm>> -> memref<1x128xi32, #tpu.memory_space<hbm>>
      %dma_start3A_361 = tpu.memref_squeeze %dma_start3A_360 : memref<1x128xi32, #tpu.memory_space<hbm>> -> memref<128xi32, #tpu.memory_space<hbm>>
      %dma_start3A_362 = arith.constant 0 : i32
      %dma_start3A_363 = tpu.memref_slice %arg7[%dma_start3A_355, %dma_start3A_362] : memref<2x128xi32, #tpu.memory_space<vmem>> -> memref<1x128xi32, #tpu.memory_space<vmem>>
      %dma_start3A_364 = tpu.memref_squeeze %dma_start3A_363 : memref<1x128xi32, #tpu.memory_space<vmem>> -> memref<128xi32, #tpu.memory_space<vmem>>
      %dma_start3A_365 = arith.constant 0 : i32
      %dma_start3A_366 = tpu.memref_slice %arg4[%add3A_354, %dma_start3A_365] : memref<2560x128xi32, #tpu.memory_space<hbm>> -> memref<1x128xi32, #tpu.memory_space<hbm>>
      %dma_start3A_367 = tpu.memref_squeeze %dma_start3A_366 : memref<1x128xi32, #tpu.memory_space<hbm>> -> memref<128xi32, #tpu.memory_space<hbm>>
      tpu.enqueue_dma source(%dma_start3A_367 : memref<128xi32, #tpu.memory_space<hbm>>) target(%dma_start3A_364 : memref<128xi32, #tpu.memory_space<vmem>>) target_semaphore(%arg13 : memref<!tpu.dma_semaphore, #tpu.memory_space<semaphore_mem>>)
    }
    %dma_wait3A_130 = arith.constant 1 : i32
    %dma_wait3A_131 = arith.constant 0 : i32
    %dma_wait3A_132 = tpu.memref_slice %arg6[%dma_wait3A_130, %dma_wait3A_131] : memref<2x128xi32, #tpu.memory_space<vmem>> -> memref<1x128xi32, #tpu.memory_space<vmem>>
    %dma_wait3A_133 = tpu.memref_squeeze %dma_wait3A_132 : memref<1x128xi32, #tpu.memory_space<vmem>> -> memref<128xi32, #tpu.memory_space<vmem>>
    %dma_wait3A_134 = arith.constant 0 : i32
    %dma_wait3A_135 = tpu.memref_slice %arg3[%add3A, %dma_wait3A_134] : memref<2560x128xi32, #tpu.memory_space<hbm>> -> memref<1x128xi32, #tpu.memory_space<hbm>>
    %dma_wait3A_136 = tpu.memref_squeeze %dma_wait3A_135 : memref<1x128xi32, #tpu.memory_space<hbm>> -> memref<128xi32, #tpu.memory_space<hbm>>
    %dma_wait3A_137 = arith.constant 0 : i32
    %dma_wait3A_138 = tpu.memref_slice %arg6[%dma_wait3A_130, %dma_wait3A_137] : memref<2x128xi32, #tpu.memory_space<vmem>> -> memref<1x128xi32, #tpu.memory_space<vmem>>
    %dma_wait3A_139 = tpu.memref_squeeze %dma_wait3A_138 : memref<1x128xi32, #tpu.memory_space<vmem>> -> memref<128xi32, #tpu.memory_space<vmem>>
    %dma_wait3A_140 = arith.constant 0 : i32
    %dma_wait3A_141 = tpu.memref_slice %arg3[%add3A, %dma_wait3A_140] : memref<2560x128xi32, #tpu.memory_space<hbm>> -> memref<1x128xi32, #tpu.memory_space<hbm>>
    %dma_wait3A_142 = tpu.memref_squeeze %dma_wait3A_141 : memref<1x128xi32, #tpu.memory_space<hbm>> -> memref<128xi32, #tpu.memory_space<hbm>>
    tpu.wait_dma2 semaphore(%arg13 : memref<!tpu.dma_semaphore, #tpu.memory_space<semaphore_mem>>) src(%dma_wait3A_142 : memref<128xi32, #tpu.memory_space<hbm>>) dst(%dma_wait3A_139 : memref<128xi32, #tpu.memory_space<vmem>>)
    %dma_wait3A_143 = arith.constant 1 : i32
    %dma_wait3A_144 = arith.constant 0 : i32
    %dma_wait3A_145 = tpu.memref_slice %arg7[%dma_wait3A_143, %dma_wait3A_144] : memref<2x128xi32, #tpu.memory_space<vmem>> -> memref<1x128xi32, #tpu.memory_space<vmem>>
    %dma_wait3A_146 = tpu.memref_squeeze %dma_wait3A_145 : memref<1x128xi32, #tpu.memory_space<vmem>> -> memref<128xi32, #tpu.memory_space<vmem>>
    %dma_wait3A_147 = arith.constant 0 : i32
    %dma_wait3A_148 = tpu.memref_slice %arg4[%add3A, %dma_wait3A_147] : memref<2560x128xi32, #tpu.memory_space<hbm>> -> memref<1x128xi32, #tpu.memory_space<hbm>>
    %dma_wait3A_149 = tpu.memref_squeeze %dma_wait3A_148 : memref<1x128xi32, #tpu.memory_space<hbm>> -> memref<128xi32, #tpu.memory_space<hbm>>
    %dma_wait3A_150 = arith.constant 0 : i32
    %dma_wait3A_151 = tpu.memref_slice %arg7[%dma_wait3A_143, %dma_wait3A_150] : memref<2x128xi32, #tpu.memory_space<vmem>> -> memref<1x128xi32, #tpu.memory_space<vmem>>
    %dma_wait3A_152 = tpu.memref_squeeze %dma_wait3A_151 : memref<1x128xi32, #tpu.memory_space<vmem>> -> memref<128xi32, #tpu.memory_space<vmem>>
    %dma_wait3A_153 = arith.constant 0 : i32
    %dma_wait3A_154 = tpu.memref_slice %arg4[%add3A, %dma_wait3A_153] : memref<2560x128xi32, #tpu.memory_space<hbm>> -> memref<1x128xi32, #tpu.memory_space<hbm>>
    %dma_wait3A_155 = tpu.memref_squeeze %dma_wait3A_154 : memref<1x128xi32, #tpu.memory_space<hbm>> -> memref<128xi32, #tpu.memory_space<hbm>>
    tpu.wait_dma2 semaphore(%arg13 : memref<!tpu.dma_semaphore, #tpu.memory_space<semaphore_mem>>) src(%dma_wait3A_155 : memref<128xi32, #tpu.memory_space<hbm>>) dst(%dma_wait3A_152 : memref<128xi32, #tpu.memory_space<vmem>>)
    %dma_wait3A_156 = arith.constant 0 : i32
    %dma_wait3A_157 = arith.constant 0 : i32
    %dma_wait3A_158 = arith.constant 0 : i32
    %dma_wait3A_159 = arith.constant 0 : i32
    %dma_wait3A_160 = tpu.memref_slice %arg8[%dma_wait3A_157, %dma_wait3A_158, %dma_wait3A_159] : memref<2x128x128xf32, #tpu.memory_space<vmem>> -> memref<1x128x128xf32, #tpu.memory_space<vmem>>
    %dma_wait3A_161 = tpu.memref_squeeze %dma_wait3A_160 : memref<1x128x128xf32, #tpu.memory_space<vmem>> -> memref<128x128xf32, #tpu.memory_space<vmem>>
    %dma_wait3A_162 = arith.constant 0 : i32
    %dma_wait3A_163 = tpu.memref_slice %arg6[%dma_wait3A_156, %dma_wait3A_162] : memref<2x128xi32, #tpu.memory_space<vmem>> -> memref<1x128xi32, #tpu.memory_space<vmem>>
    %dma_wait3A_164 = tpu.memref_squeeze %dma_wait3A_163 : memref<1x128xi32, #tpu.memory_space<vmem>> -> memref<128xi32, #tpu.memory_space<vmem>>
    %dma_wait3A_165 = arith.constant 0 : i32
    %dma_wait3A_166 = arith.constant 0 : i32
    %dma_wait3A_167 = tpu.memref_slice %arg2[%dma_wait3A_165, %dma_wait3A_166] : memref<10112x128xf32, #tpu.memory_space<hbm>> -> memref<10112x128xf32, #tpu.memory_space<hbm>>
    tpu.wait_indirect_dma semaphore(%arg10 : memref<!tpu.dma_semaphore, #tpu.memory_space<semaphore_mem>>) src(%dma_wait3A_167 : memref<10112x128xf32, #tpu.memory_space<hbm>>) dst(%dma_wait3A_161 : memref<128x128xf32, #tpu.memory_space<vmem>>)
    %dma_start3A_168 = arith.constant 1 : i32
    %dma_start3A_169 = arith.constant 1 : i32
    %dma_start3A_170 = arith.constant 0 : i32
    %dma_start3A_171 = arith.constant 0 : i32
    %dma_start3A_172 = tpu.memref_slice %arg8[%dma_start3A_169, %dma_start3A_170, %dma_start3A_171] : memref<2x128x128xf32, #tpu.memory_space<vmem>> -> memref<1x128x128xf32, #tpu.memory_space<vmem>>
    %dma_start3A_173 = tpu.memref_squeeze %dma_start3A_172 : memref<1x128x128xf32, #tpu.memory_space<vmem>> -> memref<128x128xf32, #tpu.memory_space<vmem>>
    %dma_start3A_174 = arith.constant 0 : i32
    %dma_start3A_175 = tpu.memref_slice %arg6[%dma_start3A_168, %dma_start3A_174] : memref<2x128xi32, #tpu.memory_space<vmem>> -> memref<1x128xi32, #tpu.memory_space<vmem>>
    %dma_start3A_176 = tpu.memref_squeeze %dma_start3A_175 : memref<1x128xi32, #tpu.memory_space<vmem>> -> memref<128xi32, #tpu.memory_space<vmem>>
    %dma_start3A_177 = arith.constant 0 : i32
    %dma_start3A_178 = arith.constant 0 : i32
    %dma_start3A_179 = tpu.memref_slice %arg2[%dma_start3A_177, %dma_start3A_178] : memref<10112x128xf32, #tpu.memory_space<hbm>> -> memref<10112x128xf32, #tpu.memory_space<hbm>>
    tpu.enqueue_indirect_dma source(%dma_start3A_179 : memref<10112x128xf32, #tpu.memory_space<hbm>>) target(%dma_start3A_173 : memref<128x128xf32, #tpu.memory_space<vmem>>) offsets(%dma_start3A_176 : memref<128xi32, #tpu.memory_space<vmem>>) semaphore(%arg11 : memref<!tpu.dma_semaphore, #tpu.memory_space<semaphore_mem>>)
    %run_scoped3A_180 = arith.constant 0 : i32
    %run_scoped3A_181 = arith.constant 0 : i32
    "tpu.region"() ({
      %run_scoped3A_197 = tpu.sem_alloc : memref<!tpu.dma_semaphore, #tpu.memory_space<semaphore_mem>>
      %dma_start3A_198 = arith.constant 0 : i32
      %dma_start3A_199 = arith.constant 0 : i32
      %dma_start3A_200 = tpu.memref_slice %arg8[%run_scoped3A_180, %dma_start3A_198, %dma_start3A_199] : memref<2x128x128xf32, #tpu.memory_space<vmem>> -> memref<1x128x128xf32, #tpu.memory_space<vmem>>
      %dma_start3A_201 = tpu.memref_squeeze %dma_start3A_200 : memref<1x128x128xf32, #tpu.memory_space<vmem>> -> memref<128x128xf32, #tpu.memory_space<vmem>>
      %dma_start3A_202 = arith.constant 0 : i32
      %dma_start3A_203 = tpu.memref_slice %arg7[%run_scoped3A_181, %dma_start3A_202] : memref<2x128xi32, #tpu.memory_space<vmem>> -> memref<1x128xi32, #tpu.memory_space<vmem>>
      %dma_start3A_204 = tpu.memref_squeeze %dma_start3A_203 : memref<1x128xi32, #tpu.memory_space<vmem>> -> memref<128xi32, #tpu.memory_space<vmem>>
      %dma_start3A_205 = arith.constant 0 : i32
      %dma_start3A_206 = arith.constant 0 : i32
      %dma_start3A_207 = tpu.memref_slice %arg9[%dma_start3A_205, %dma_start3A_206] : memref<10112x128xf32, #tpu.memory_space<vmem_shared>> -> memref<10112x128xf32, #tpu.memory_space<vmem_shared>>
      tpu.enqueue_indirect_dma source(%dma_start3A_201 : memref<128x128xf32, #tpu.memory_space<vmem>>) target(%dma_start3A_207 : memref<10112x128xf32, #tpu.memory_space<vmem_shared>>) offsets(%dma_start3A_204 : memref<128xi32, #tpu.memory_space<vmem>>) semaphore(%run_scoped3A_197 : memref<!tpu.dma_semaphore, #tpu.memory_space<semaphore_mem>>) {add = true}
      %dma_wait3A_208 = arith.constant 0 : i32
      %dma_wait3A_209 = arith.constant 0 : i32
      %dma_wait3A_210 = tpu.memref_slice %arg8[%run_scoped3A_180, %dma_wait3A_208, %dma_wait3A_209] : memref<2x128x128xf32, #tpu.memory_space<vmem>> -> memref<1x128x128xf32, #tpu.memory_space<vmem>>
      %dma_wait3A_211 = tpu.memref_squeeze %dma_wait3A_210 : memref<1x128x128xf32, #tpu.memory_space<vmem>> -> memref<128x128xf32, #tpu.memory_space<vmem>>
      %dma_wait3A_212 = arith.constant 0 : i32
      %dma_wait3A_213 = tpu.memref_slice %arg7[%run_scoped3A_181, %dma_wait3A_212] : memref<2x128xi32, #tpu.memory_space<vmem>> -> memref<1x128xi32, #tpu.memory_space<vmem>>
      %dma_wait3A_214 = tpu.memref_squeeze %dma_wait3A_213 : memref<1x128xi32, #tpu.memory_space<vmem>> -> memref<128xi32, #tpu.memory_space<vmem>>
      %dma_wait3A_215 = arith.constant 0 : i32
      %dma_wait3A_216 = arith.constant 0 : i32
      %dma_wait3A_217 = tpu.memref_slice %arg9[%dma_wait3A_215, %dma_wait3A_216] : memref<10112x128xf32, #tpu.memory_space<vmem_shared>> -> memref<10112x128xf32, #tpu.memory_space<vmem_shared>>
      tpu.wait_indirect_dma semaphore(%run_scoped3A_197 : memref<!tpu.dma_semaphore, #tpu.memory_space<semaphore_mem>>) src(%dma_wait3A_211 : memref<128x128xf32, #tpu.memory_space<vmem>>) dst(%dma_wait3A_217 : memref<10112x128xf32, #tpu.memory_space<vmem_shared>>)
      tpu.yield
    }) : () -> ()
    %dma_wait3A_182 = arith.constant 1 : i32
    %dma_wait3A_183 = arith.constant 1 : i32
    %dma_wait3A_184 = arith.constant 0 : i32
    %dma_wait3A_185 = arith.constant 0 : i32
    %dma_wait3A_186 = tpu.memref_slice %arg8[%dma_wait3A_183, %dma_wait3A_184, %dma_wait3A_185] : memref<2x128x128xf32, #tpu.memory_space<vmem>> -> memref<1x128x128xf32, #tpu.memory_space<vmem>>
    %dma_wait3A_187 = tpu.memref_squeeze %dma_wait3A_186 : memref<1x128x128xf32, #tpu.memory_space<vmem>> -> memref<128x128xf32, #tpu.memory_space<vmem>>
    %dma_wait3A_188 = arith.constant 0 : i32
    %dma_wait3A_189 = tpu.memref_slice %arg6[%dma_wait3A_182, %dma_wait3A_188] : memref<2x128xi32, #tpu.memory_space<vmem>> -> memref<1x128xi32, #tpu.memory_space<vmem>>
    %dma_wait3A_190 = tpu.memref_squeeze %dma_wait3A_189 : memref<1x128xi32, #tpu.memory_space<vmem>> -> memref<128xi32, #tpu.memory_space<vmem>>
    %dma_wait3A_191 = arith.constant 0 : i32
    %dma_wait3A_192 = arith.constant 0 : i32
    %dma_wait3A_193 = tpu.memref_slice %arg2[%dma_wait3A_191, %dma_wait3A_192] : memref<10112x128xf32, #tpu.memory_space<hbm>> -> memref<10112x128xf32, #tpu.memory_space<hbm>>
    tpu.wait_indirect_dma semaphore(%arg11 : memref<!tpu.dma_semaphore, #tpu.memory_space<semaphore_mem>>) src(%dma_wait3A_193 : memref<10112x128xf32, #tpu.memory_space<hbm>>) dst(%dma_wait3A_187 : memref<128x128xf32, #tpu.memory_space<vmem>>)
    %run_scoped3A_194 = arith.constant 1 : i32
    %run_scoped3A_195 = arith.constant 1 : i32
    "tpu.region"() ({
      %run_scoped3A_197 = tpu.sem_alloc : memref<!tpu.dma_semaphore, #tpu.memory_space<semaphore_mem>>
      %dma_start3A_198 = arith.constant 0 : i32
      %dma_start3A_199 = arith.constant 0 : i32
      %dma_start3A_200 = tpu.memref_slice %arg8[%run_scoped3A_194, %dma_start3A_198, %dma_start3A_199] : memref<2x128x128xf32, #tpu.memory_space<vmem>> -> memref<1x128x128xf32, #tpu.memory_space<vmem>>
      %dma_start3A_201 = tpu.memref_squeeze %dma_start3A_200 : memref<1x128x128xf32, #tpu.memory_space<vmem>> -> memref<128x128xf32, #tpu.memory_space<vmem>>
      %dma_start3A_202 = arith.constant 0 : i32
      %dma_start3A_203 = tpu.memref_slice %arg7[%run_scoped3A_195, %dma_start3A_202] : memref<2x128xi32, #tpu.memory_space<vmem>> -> memref<1x128xi32, #tpu.memory_space<vmem>>
      %dma_start3A_204 = tpu.memref_squeeze %dma_start3A_203 : memref<1x128xi32, #tpu.memory_space<vmem>> -> memref<128xi32, #tpu.memory_space<vmem>>
      %dma_start3A_205 = arith.constant 0 : i32
      %dma_start3A_206 = arith.constant 0 : i32
      %dma_start3A_207 = tpu.memref_slice %arg9[%dma_start3A_205, %dma_start3A_206] : memref<10112x128xf32, #tpu.memory_space<vmem_shared>> -> memref<10112x128xf32, #tpu.memory_space<vmem_shared>>
      tpu.enqueue_indirect_dma source(%dma_start3A_201 : memref<128x128xf32, #tpu.memory_space<vmem>>) target(%dma_start3A_207 : memref<10112x128xf32, #tpu.memory_space<vmem_shared>>) offsets(%dma_start3A_204 : memref<128xi32, #tpu.memory_space<vmem>>) semaphore(%run_scoped3A_197 : memref<!tpu.dma_semaphore, #tpu.memory_space<semaphore_mem>>) {add = true}
      %dma_wait3A_208 = arith.constant 0 : i32
      %dma_wait3A_209 = arith.constant 0 : i32
      %dma_wait3A_210 = tpu.memref_slice %arg8[%run_scoped3A_194, %dma_wait3A_208, %dma_wait3A_209] : memref<2x128x128xf32, #tpu.memory_space<vmem>> -> memref<1x128x128xf32, #tpu.memory_space<vmem>>
      %dma_wait3A_211 = tpu.memref_squeeze %dma_wait3A_210 : memref<1x128x128xf32, #tpu.memory_space<vmem>> -> memref<128x128xf32, #tpu.memory_space<vmem>>
      %dma_wait3A_212 = arith.constant 0 : i32
      %dma_wait3A_213 = tpu.memref_slice %arg7[%run_scoped3A_195, %dma_wait3A_212] : memref<2x128xi32, #tpu.memory_space<vmem>> -> memref<1x128xi32, #tpu.memory_space<vmem>>
      %dma_wait3A_214 = tpu.memref_squeeze %dma_wait3A_213 : memref<1x128xi32, #tpu.memory_space<vmem>> -> memref<128xi32, #tpu.memory_space<vmem>>
      %dma_wait3A_215 = arith.constant 0 : i32
      %dma_wait3A_216 = arith.constant 0 : i32
      %dma_wait3A_217 = tpu.memref_slice %arg9[%dma_wait3A_215, %dma_wait3A_216] : memref<10112x128xf32, #tpu.memory_space<vmem_shared>> -> memref<10112x128xf32, #tpu.memory_space<vmem_shared>>
      tpu.wait_indirect_dma semaphore(%run_scoped3A_197 : memref<!tpu.dma_semaphore, #tpu.memory_space<semaphore_mem>>) src(%dma_wait3A_211 : memref<128x128xf32, #tpu.memory_space<vmem>>) dst(%dma_wait3A_217 : memref<10112x128xf32, #tpu.memory_space<vmem_shared>>)
      tpu.yield
    }) : () -> ()
    %barrier3A_196 = arith.constant 0 : index
    tpu.barrier barrier_id(%barrier3A_196)
    "tpu.region"() ({
      %run_scoped3A_197 = tpu.sem_alloc : memref<!tpu.dma_semaphore, #tpu.memory_space<semaphore_mem>>
      %dma_start3A_198 = arith.constant 0 : i32
      %dma_start3A_199 = tpu.memref_slice %arg5[%arg0, %mul3A_7, %dma_start3A_198] : memref<2x10112x128xf32, #tpu.memory_space<hbm>> -> memref<1x632x128xf32, #tpu.memory_space<hbm>>
      %dma_start3A_200 = tpu.memref_squeeze %dma_start3A_199 : memref<1x632x128xf32, #tpu.memory_space<hbm>> -> memref<632x128xf32, #tpu.memory_space<hbm>>
      %dma_start3A_201 = arith.constant 0 : i32
      %dma_start3A_202 = tpu.memref_slice %arg9[%mul3A_7, %dma_start3A_201] : memref<10112x128xf32, #tpu.memory_space<vmem_shared>> -> memref<632x128xf32, #tpu.memory_space<vmem_shared>>
      tpu.enqueue_dma source(%dma_start3A_202 : memref<632x128xf32, #tpu.memory_space<vmem_shared>>) target(%dma_start3A_200 : memref<632x128xf32, #tpu.memory_space<hbm>>) target_semaphore(%run_scoped3A_197 : memref<!tpu.dma_semaphore, #tpu.memory_space<semaphore_mem>>)
      %dma_wait3A_203 = arith.constant 0 : i32
      %dma_wait3A_204 = tpu.memref_slice %arg5[%arg0, %mul3A_7, %dma_wait3A_203] : memref<2x10112x128xf32, #tpu.memory_space<hbm>> -> memref<1x632x128xf32, #tpu.memory_space<hbm>>
      %dma_wait3A_205 = tpu.memref_squeeze %dma_wait3A_204 : memref<1x632x128xf32, #tpu.memory_space<hbm>> -> memref<632x128xf32, #tpu.memory_space<hbm>>
      %dma_wait3A_206 = arith.constant 0 : i32
      %dma_wait3A_207 = tpu.memref_slice %arg9[%mul3A_7, %dma_wait3A_206] : memref<10112x128xf32, #tpu.memory_space<vmem_shared>> -> memref<632x128xf32, #tpu.memory_space<vmem_shared>>
      tpu.wait_dma2 semaphore(%run_scoped3A_197 : memref<!tpu.dma_semaphore, #tpu.memory_space<semaphore_mem>>) src(%dma_wait3A_207 : memref<632x128xf32, #tpu.memory_space<vmem_shared>>) dst(%dma_wait3A_205 : memref<632x128xf32, #tpu.memory_space<hbm>>)
      tpu.yield
    }) : () -> ()
    return
  }
}

#map = affine_map<(d0, d1) -> (0, 0)>
#map1 = affine_map<(d0, d1) -> (0, 0, 0)>
module attributes {stable_mosaic.version = 14 : i64} {
  func.func @body(%arg0: i32, %arg1: i32, %arg2: memref<10112x128xf32, #tpu.memory_space<hbm>>, %arg3: memref<2560x128xi32, #tpu.memory_space<hbm>>, %arg4: memref<2560x128xi32, #tpu.memory_space<hbm>>, %arg5: memref<2x10112x128xf32, #tpu.memory_space<hbm>>, %arg6: memref<2x128xi32, #tpu.memory_space<vmem>>, %arg7: memref<2x128xi32, #tpu.memory_space<vmem>>, %arg8: memref<2x128x128xf32, #tpu.memory_space<vmem>>, %arg9: memref<10112x128xf32, #tpu.memory_space<vmem_shared>>, %arg10: memref<!tpu.dma_semaphore, #tpu.memory_space<semaphore_mem>>, %arg11: memref<!tpu.dma_semaphore, #tpu.memory_space<semaphore_mem>>, %arg12: memref<!tpu.dma_semaphore, #tpu.memory_space<semaphore_mem>>, %arg13: memref<!tpu.dma_semaphore, #tpu.memory_space<semaphore_mem>>) attributes {dimension_semantics = [#tpu.dimension_semantics<core_parallel>, #tpu.dimension_semantics<subcore_parallel>], iteration_bounds = array<i64: 2, 16>, scalar_prefetch = 0 : i64, scratch_operands = 8 : i64, tpu.core_type = #tpu.core_type<sc_vector_subcore>, window_params = [{transform_indices = #map}, {transform_indices = #map}, {transform_indices = #map}, {transform_indices = #map1}]} {
    %mul3A = arith.constant 160 : i32
    %mul3A_0 = arith.muli %arg1, %mul3A : i32
    %mul3A_1 = arith.constant 118 : i32
    %mul3A_2 = arith.muli %arg0, %mul3A_1 : i32
    %add3A = arith.addi %mul3A_0, %mul3A_2 : i32
    %mul3A_3 = arith.constant 38 : i32
    %mul3A_4 = arith.muli %mul3A_3, %arg0 : i32
    %sub3A = arith.constant 58 : i32
    %sub3A_5 = arith.subi %sub3A, %mul3A_4 : i32
    %mul3A_6 = arith.constant 632 : i32
    %mul3A_7 = arith.muli %arg1, %mul3A_6 : i32
    %scan3A = arith.constant 0 : i32
    %scan3A_8 = arith.constant 128 : i32
    %scan3A_9 = arith.addi %scan3A, %scan3A_8 : i32
    %scan3A_10 = arith.constant 1 : i32
    scf.for %scan3A_197 = %scan3A to %scan3A_9 step %scan3A_10  : i32 {
      %broadcast_in_dim3A = arith.constant 0.000000e+00 : f32
      %broadcast_in_dim3A_198 = vector.broadcast %broadcast_in_dim3A : f32 to vector<16xf32>
      %swap3A = arith.constant 0 : i32
      %swap3A_199 = arith.index_cast %swap3A : i32 to index
      %swap3A_200 = arith.index_cast %scan3A_197 : i32 to index
      %swap3A_201 = arith.constant 0 : index
      %swap3A_202 = tpu.vector_load %arg8[%swap3A_199, %swap3A_200, %swap3A_201] {strides = array<i32>} : memref<2x128x128xf32, #tpu.memory_space<vmem>>, vector<1x1x16xf32>,
      %swap3A_203 = vector.shape_cast %swap3A_202 : vector<1x1x16xf32> to vector<16xf32>
      %swap3A_204 = vector.shape_cast %broadcast_in_dim3A_198 : vector<16xf32> to vector<1x1x16xf32>
      tpu.vector_store %arg8[%swap3A_199, %swap3A_200, %swap3A_201], %swap3A_204 {strides = array<i32>} : memref<2x128x128xf32, #tpu.memory_space<vmem>>, vector<1x1x16xf32>,
      %broadcast_in_dim3A_205 = arith.constant 0.000000e+00 : f32
      %broadcast_in_dim3A_206 = vector.broadcast %broadcast_in_dim3A_205 : f32 to vector<16xf32>
      %swap3A_207 = arith.constant 0 : i32
      %swap3A_208 = arith.index_cast %swap3A_207 : i32 to index
      %swap3A_209 = arith.index_cast %scan3A_197 : i32 to index
      %swap3A_210 = arith.constant 16 : index
      %swap3A_211 = tpu.vector_load %arg8[%swap3A_208, %swap3A_209, %swap3A_210] {strides = array<i32>} : memref<2x128x128xf32, #tpu.memory_space<vmem>>, vector<1x1x16xf32>,
      %swap3A_212 = vector.shape_cast %swap3A_211 : vector<1x1x16xf32> to vector<16xf32>
      %swap3A_213 = vector.shape_cast %broadcast_in_dim3A_206 : vector<16xf32> to vector<1x1x16xf32>
      tpu.vector_store %arg8[%swap3A_208, %swap3A_209, %swap3A_210], %swap3A_213 {strides = array<i32>} : memref<2x128x128xf32, #tpu.memory_space<vmem>>, vector<1x1x16xf32>,
      %broadcast_in_dim3A_214 = arith.constant 0.000000e+00 : f32
      %broadcast_in_dim3A_215 = vector.broadcast %broadcast_in_dim3A_214 : f32 to vector<16xf32>
      %swap3A_216 = arith.constant 0 : i32
      %swap3A_217 = arith.index_cast %swap3A_216 : i32 to index
      %swap3A_218 = arith.index_cast %scan3A_197 : i32 to index
      %swap3A_219 = arith.constant 32 : index
      %swap3A_220 = tpu.vector_load %arg8[%swap3A_217, %swap3A_218, %swap3A_219] {strides = array<i32>} : memref<2x128x128xf32, #tpu.memory_space<vmem>>, vector<1x1x16xf32>,
      %swap3A_221 = vector.shape_cast %swap3A_220 : vector<1x1x16xf32> to vector<16xf32>
      %swap3A_222 = vector.shape_cast %broadcast_in_dim3A_215 : vector<16xf32> to vector<1x1x16xf32>
      tpu.vector_store %arg8[%swap3A_217, %swap3A_218, %swap3A_219], %swap3A_222 {strides = array<i32>} : memref<2x128x128xf32, #tpu.memory_space<vmem>>, vector<1x1x16xf32>,
      %broadcast_in_dim3A_223 = arith.constant 0.000000e+00 : f32
      %broadcast_in_dim3A_224 = vector.broadcast %broadcast_in_dim3A_223 : f32 to vector<16xf32>
      %swap3A_225 = arith.constant 0 : i32
      %swap3A_226 = arith.index_cast %swap3A_225 : i32 to index
      %swap3A_227 = arith.index_cast %scan3A_197 : i32 to index
      %swap3A_228 = arith.constant 48 : index
      %swap3A_229 = tpu.vector_load %arg8[%swap3A_226, %swap3A_227, %swap3A_228] {strides = array<i32>} : memref<2x128x128xf32, #tpu.memory_space<vmem>>, vector<1x1x16xf32>,
      %swap3A_230 = vector.shape_cast %swap3A_229 : vector<1x1x16xf32> to vector<16xf32>
      %swap3A_231 = vector.shape_cast %broadcast_in_dim3A_224 : vector<16xf32> to vector<1x1x16xf32>
      tpu.vector_store %arg8[%swap3A_226, %swap3A_227, %swap3A_228], %swap3A_231 {strides = array<i32>} : memref<2x128x128xf32, #tpu.memory_space<vmem>>, vector<1x1x16xf32>,
      %broadcast_in_dim3A_232 = arith.constant 0.000000e+00 : f32
      %broadcast_in_dim3A_233 = vector.broadcast %broadcast_in_dim3A_232 : f32 to vector<16xf32>
      %swap3A_234 = arith.constant 0 : i32
      %swap3A_235 = arith.index_cast %swap3A_234 : i32 to index
      %swap3A_236 = arith.index_cast %scan3A_197 : i32 to index
      %swap3A_237 = arith.constant 64 : index
      %swap3A_238 = tpu.vector_load %arg8[%swap3A_235, %swap3A_236, %swap3A_237] {strides = array<i32>} : memref<2x128x128xf32, #tpu.memory_space<vmem>>, vector<1x1x16xf32>,
      %swap3A_239 = vector.shape_cast %swap3A_238 : vector<1x1x16xf32> to vector<16xf32>
      %swap3A_240 = vector.shape_cast %broadcast_in_dim3A_233 : vector<16xf32> to vector<1x1x16xf32>
      tpu.vector_store %arg8[%swap3A_235, %swap3A_236, %swap3A_237], %swap3A_240 {strides = array<i32>} : memref<2x128x128xf32, #tpu.memory_space<vmem>>, vector<1x1x16xf32>,
      %broadcast_in_dim3A_241 = arith.constant 0.000000e+00 : f32
      %broadcast_in_dim3A_242 = vector.broadcast %broadcast_in_dim3A_241 : f32 to vector<16xf32>
      %swap3A_243 = arith.constant 0 : i32
      %swap3A_244 = arith.index_cast %swap3A_243 : i32 to index
      %swap3A_245 = arith.index_cast %scan3A_197 : i32 to index
      %swap3A_246 = arith.constant 80 : index
      %swap3A_247 = tpu.vector_load %arg8[%swap3A_244, %swap3A_245, %swap3A_246] {strides = array<i32>} : memref<2x128x128xf32, #tpu.memory_space<vmem>>, vector<1x1x16xf32>,
      %swap3A_248 = vector.shape_cast %swap3A_247 : vector<1x1x16xf32> to vector<16xf32>
      %swap3A_249 = vector.shape_cast %broadcast_in_dim3A_242 : vector<16xf32> to vector<1x1x16xf32>
      tpu.vector_store %arg8[%swap3A_244, %swap3A_245, %swap3A_246], %swap3A_249 {strides = array<i32>} : memref<2x128x128xf32, #tpu.memory_space<vmem>>, vector<1x1x16xf32>,
      %broadcast_in_dim3A_250 = arith.constant 0.000000e+00 : f32
      %broadcast_in_dim3A_251 = vector.broadcast %broadcast_in_dim3A_250 : f32 to vector<16xf32>
      %swap3A_252 = arith.constant 0 : i32
      %swap3A_253 = arith.index_cast %swap3A_252 : i32 to index
      %swap3A_254 = arith.index_cast %scan3A_197 : i32 to index
      %swap3A_255 = arith.constant 96 : index
      %swap3A_256 = tpu.vector_load %arg8[%swap3A_253, %swap3A_254, %swap3A_255] {strides = array<i32>} : memref<2x128x128xf32, #tpu.memory_space<vmem>>, vector<1x1x16xf32>,
      %swap3A_257 = vector.shape_cast %swap3A_256 : vector<1x1x16xf32> to vector<16xf32>
      %swap3A_258 = vector.shape_cast %broadcast_in_dim3A_251 : vector<16xf32> to vector<1x1x16xf32>
      tpu.vector_store %arg8[%swap3A_253, %swap3A_254, %swap3A_255], %swap3A_258 {strides = array<i32>} : memref<2x128x128xf32, #tpu.memory_space<vmem>>, vector<1x1x16xf32>,
      %broadcast_in_dim3A_259 = arith.constant 0.000000e+00 : f32
      %broadcast_in_dim3A_260 = vector.broadcast %broadcast_in_dim3A_259 : f32 to vector<16xf32>
      %swap3A_261 = arith.constant 0 : i32
      %swap3A_262 = arith.index_cast %swap3A_261 : i32 to index
      %swap3A_263 = arith.index_cast %scan3A_197 : i32 to index
      %swap3A_264 = arith.constant 112 : index
      %swap3A_265 = tpu.vector_load %arg8[%swap3A_262, %swap3A_263, %swap3A_264] {strides = array<i32>} : memref<2x128x128xf32, #tpu.memory_space<vmem>>, vector<1x1x16xf32>,
      %swap3A_266 = vector.shape_cast %swap3A_265 : vector<1x1x16xf32> to vector<16xf32>
      %swap3A_267 = vector.shape_cast %broadcast_in_dim3A_260 : vector<16xf32> to vector<1x1x16xf32>
      tpu.vector_store %arg8[%swap3A_262, %swap3A_263, %swap3A_264], %swap3A_267 {strides = array<i32>} : memref<2x128x128xf32, #tpu.memory_space<vmem>>, vector<1x1x16xf32>,
      %broadcast_in_dim3A_268 = arith.constant 0.000000e+00 : f32
      %broadcast_in_dim3A_269 = vector.broadcast %broadcast_in_dim3A_268 : f32 to vector<16xf32>
      %swap3A_270 = arith.constant 1 : i32
      %swap3A_271 = arith.index_cast %swap3A_270 : i32 to index
      %swap3A_272 = arith.index_cast %scan3A_197 : i32 to index
      %swap3A_273 = arith.constant 0 : index
      %swap3A_274 = tpu.vector_load %arg8[%swap3A_271, %swap3A_272, %swap3A_273] {strides = array<i32>} : memref<2x128x128xf32, #tpu.memory_space<vmem>>, vector<1x1x16xf32>,
      %swap3A_275 = vector.shape_cast %swap3A_274 : vector<1x1x16xf32> to vector<16xf32>
      %swap3A_276 = vector.shape_cast %broadcast_in_dim3A_269 : vector<16xf32> to vector<1x1x16xf32>
      tpu.vector_store %arg8[%swap3A_271, %swap3A_272, %swap3A_273], %swap3A_276 {strides = array<i32>} : memref<2x128x128xf32, #tpu.memory_space<vmem>>, vector<1x1x16xf32>,
      %broadcast_in_dim3A_277 = arith.constant 0.000000e+00 : f32
      %broadcast_in_dim3A_278 = vector.broadcast %broadcast_in_dim3A_277 : f32 to vector<16xf32>
      %swap3A_279 = arith.constant 1 : i32
      %swap3A_280 = arith.index_cast %swap3A_279 : i32 to index
      %swap3A_281 = arith.index_cast %scan3A_197 : i32 to index
      %swap3A_282 = arith.constant 16 : index
      %swap3A_283 = tpu.vector_load %arg8[%swap3A_280, %swap3A_281, %swap3A_282] {strides = array<i32>} : memref<2x128x128xf32, #tpu.memory_space<vmem>>, vector<1x1x16xf32>,
      %swap3A_284 = vector.shape_cast %swap3A_283 : vector<1x1x16xf32> to vector<16xf32>
      %swap3A_285 = vector.shape_cast %broadcast_in_dim3A_278 : vector<16xf32> to vector<1x1x16xf32>
      tpu.vector_store %arg8[%swap3A_280, %swap3A_281, %swap3A_282], %swap3A_285 {strides = array<i32>} : memref<2x128x128xf32, #tpu.memory_space<vmem>>, vector<1x1x16xf32>,
      %broadcast_in_dim3A_286 = arith.constant 0.000000e+00 : f32
      %broadcast_in_dim3A_287 = vector.broadcast %broadcast_in_dim3A_286 : f32 to vector<16xf32>
      %swap3A_288 = arith.constant 1 : i32
      %swap3A_289 = arith.index_cast %swap3A_288 : i32 to index
      %swap3A_290 = arith.index_cast %scan3A_197 : i32 to index
      %swap3A_291 = arith.constant 32 : index
      %swap3A_292 = tpu.vector_load %arg8[%swap3A_289, %swap3A_290, %swap3A_291] {strides = array<i32>} : memref<2x128x128xf32, #tpu.memory_space<vmem>>, vector<1x1x16xf32>,
      %swap3A_293 = vector.shape_cast %swap3A_292 : vector<1x1x16xf32> to vector<16xf32>
      %swap3A_294 = vector.shape_cast %broadcast_in_dim3A_287 : vector<16xf32> to vector<1x1x16xf32>
      tpu.vector_store %arg8[%swap3A_289, %swap3A_290, %swap3A_291], %swap3A_294 {strides = array<i32>} : memref<2x128x128xf32, #tpu.memory_space<vmem>>, vector<1x1x16xf32>,
      %broadcast_in_dim3A_295 = arith.constant 0.000000e+00 : f32
      %broadcast_in_dim3A_296 = vector.broadcast %broadcast_in_dim3A_295 : f32 to vector<16xf32>
      %swap3A_297 = arith.constant 1 : i32
      %swap3A_298 = arith.index_cast %swap3A_297 : i32 to index
      %swap3A_299 = arith.index_cast %scan3A_197 : i32 to index
      %swap3A_300 = arith.constant 48 : index
      %swap3A_301 = tpu.vector_load %arg8[%swap3A_298, %swap3A_299, %swap3A_300] {strides = array<i32>} : memref<2x128x128xf32, #tpu.memory_space<vmem>>, vector<1x1x16xf32>,
      %swap3A_302 = vector.shape_cast %swap3A_301 : vector<1x1x16xf32> to vector<16xf32>
      %swap3A_303 = vector.shape_cast %broadcast_in_dim3A_296 : vector<16xf32> to vector<1x1x16xf32>
      tpu.vector_store %arg8[%swap3A_298, %swap3A_299, %swap3A_300], %swap3A_303 {strides = array<i32>} : memref<2x128x128xf32, #tpu.memory_space<vmem>>, vector<1x1x16xf32>,
      %broadcast_in_dim3A_304 = arith.constant 0.000000e+00 : f32
      %broadcast_in_dim3A_305 = vector.broadcast %broadcast_in_dim3A_304 : f32 to vector<16xf32>
      %swap3A_306 = arith.constant 1 : i32
      %swap3A_307 = arith.index_cast %swap3A_306 : i32 to index
      %swap3A_308 = arith.index_cast %scan3A_197 : i32 to index
      %swap3A_309 = arith.constant 64 : index
      %swap3A_310 = tpu.vector_load %arg8[%swap3A_307, %swap3A_308, %swap3A_309] {strides = array<i32>} : memref<2x128x128xf32, #tpu.memory_space<vmem>>, vector<1x1x16xf32>,
      %swap3A_311 = vector.shape_cast %swap3A_310 : vector<1x1x16xf32> to vector<16xf32>
      %swap3A_312 = vector.shape_cast %broadcast_in_dim3A_305 : vector<16xf32> to vector<1x1x16xf32>
      tpu.vector_store %arg8[%swap3A_307, %swap3A_308, %swap3A_309], %swap3A_312 {strides = array<i32>} : memref<2x128x128xf32, #tpu.memory_space<vmem>>, vector<1x1x16xf32>,
      %broadcast_in_dim3A_313 = arith.constant 0.000000e+00 : f32
      %broadcast_in_dim3A_314 = vector.broadcast %broadcast_in_dim3A_313 : f32 to vector<16xf32>
      %swap3A_315 = arith.constant 1 : i32
      %swap3A_316 = arith.index_cast %swap3A_315 : i32 to index
      %swap3A_317 = arith.index_cast %scan3A_197 : i32 to index
      %swap3A_318 = arith.constant 80 : index
      %swap3A_319 = tpu.vector_load %arg8[%swap3A_316, %swap3A_317, %swap3A_318] {strides = array<i32>} : memref<2x128x128xf32, #tpu.memory_space<vmem>>, vector<1x1x16xf32>,
      %swap3A_320 = vector.shape_cast %swap3A_319 : vector<1x1x16xf32> to vector<16xf32>
      %swap3A_321 = vector.shape_cast %broadcast_in_dim3A_314 : vector<16xf32> to vector<1x1x16xf32>
      tpu.vector_store %arg8[%swap3A_316, %swap3A_317, %swap3A_318], %swap3A_321 {strides = array<i32>} : memref<2x128x128xf32, #tpu.memory_space<vmem>>, vector<1x1x16xf32>,
      %broadcast_in_dim3A_322 = arith.constant 0.000000e+00 : f32
      %broadcast_in_dim3A_323 = vector.broadcast %broadcast_in_dim3A_322 : f32 to vector<16xf32>
      %swap3A_324 = arith.constant 1 : i32
      %swap3A_325 = arith.index_cast %swap3A_324 : i32 to index
      %swap3A_326 = arith.index_cast %scan3A_197 : i32 to index
      %swap3A_327 = arith.constant 96 : index
      %swap3A_328 = tpu.vector_load %arg8[%swap3A_325, %swap3A_326, %swap3A_327] {strides = array<i32>} : memref<2x128x128xf32, #tpu.memory_space<vmem>>, vector<1x1x16xf32>,
      %swap3A_329 = vector.shape_cast %swap3A_328 : vector<1x1x16xf32> to vector<16xf32>
      %swap3A_330 = vector.shape_cast %broadcast_in_dim3A_323 : vector<16xf32> to vector<1x1x16xf32>
      tpu.vector_store %arg8[%swap3A_325, %swap3A_326, %swap3A_327], %swap3A_330 {strides = array<i32>} : memref<2x128x128xf32, #tpu.memory_space<vmem>>, vector<1x1x16xf32>,
      %broadcast_in_dim3A_331 = arith.constant 0.000000e+00 : f32
      %broadcast_in_dim3A_332 = vector.broadcast %broadcast_in_dim3A_331 : f32 to vector<16xf32>
      %swap3A_333 = arith.constant 1 : i32
      %swap3A_334 = arith.index_cast %swap3A_333 : i32 to index
      %swap3A_335 = arith.index_cast %scan3A_197 : i32 to index
      %swap3A_336 = arith.constant 112 : index
      %swap3A_337 = tpu.vector_load %arg8[%swap3A_334, %swap3A_335, %swap3A_336] {strides = array<i32>} : memref<2x128x128xf32, #tpu.memory_space<vmem>>, vector<1x1x16xf32>,
      %swap3A_338 = vector.shape_cast %swap3A_337 : vector<1x1x16xf32> to vector<16xf32>
      %swap3A_339 = vector.shape_cast %broadcast_in_dim3A_332 : vector<16xf32> to vector<1x1x16xf32>
      tpu.vector_store %arg8[%swap3A_334, %swap3A_335, %swap3A_336], %swap3A_339 {strides = array<i32>} : memref<2x128x128xf32, #tpu.memory_space<vmem>>, vector<1x1x16xf32>,
    }
    %scan3A_11 = arith.constant 128 : i32
    %add3A_12 = arith.constant 0 : i32
    %add3A_13 = arith.addi %mul3A_7, %add3A_12 : i32
    %run_scoped3A = arith.constant 0 : i32
    "tpu.region"() ({
      %run_scoped3A_197 = tpu.sem_alloc : memref<!tpu.dma_semaphore, #tpu.memory_space<semaphore_mem>>
      %dma_start3A_198 = arith.constant 0 : i32
      %dma_start3A_199 = arith.constant 0 : i32
      %dma_start3A_200 = tpu.memref_slice %arg8[%run_scoped3A, %dma_start3A_198, %dma_start3A_199] : memref<2x128x128xf32, #tpu.memory_space<vmem>> -> memref<1x128x128xf32, #tpu.memory_space<vmem>>
      %dma_start3A_201 = tpu.memref_squeeze %dma_start3A_200 : memref<1x128x128xf32, #tpu.memory_space<vmem>> -> memref<128x128xf32, #tpu.memory_space<vmem>>
      %dma_start3A_202 = arith.constant 0 : i32
      %dma_start3A_203 = tpu.memref_slice %arg9[%add3A_13, %dma_start3A_202] : memref<10112x128xf32, #tpu.memory_space<vmem_shared>> -> memref<128x128xf32, #tpu.memory_space<vmem_shared>>
      %dma_start3A_204 = arith.constant 0 : i32
      %dma_start3A_205 = tpu.memref_slice %arg9[%add3A_13, %dma_start3A_204] : memref<10112x128xf32, #tpu.memory_space<vmem_shared>> -> memref<128x128xf32, #tpu.memory_space<vmem_shared>>
      %dma_start3A_206 = arith.constant 0 : i32
      %dma_start3A_207 = arith.constant 0 : i32
      %dma_start3A_208 = tpu.memref_slice %arg8[%run_scoped3A, %dma_start3A_206, %dma_start3A_207] : memref<2x128x128xf32, #tpu.memory_space<vmem>> -> memref<1x128x128xf32, #tpu.memory_space<vmem>>
      %dma_start3A_209 = tpu.memref_squeeze %dma_start3A_208 : memref<1x128x128xf32, #tpu.memory_space<vmem>> -> memref<128x128xf32, #tpu.memory_space<vmem>>
      tpu.enqueue_dma source(%dma_start3A_209 : memref<128x128xf32, #tpu.memory_space<vmem>>) target(%dma_start3A_205 : memref<128x128xf32, #tpu.memory_space<vmem_shared>>) target_semaphore(%run_scoped3A_197 : memref<!tpu.dma_semaphore, #tpu.memory_space<semaphore_mem>>)
      %dma_wait3A_210 = arith.constant 0 : i32
      %dma_wait3A_211 = arith.constant 0 : i32
      %dma_wait3A_212 = tpu.memref_slice %arg8[%run_scoped3A, %dma_wait3A_210, %dma_wait3A_211] : memref<2x128x128xf32, #tpu.memory_space<vmem>> -> memref<1x128x128xf32, #tpu.memory_space<vmem>>
      %dma_wait3A_213 = tpu.memref_squeeze %dma_wait3A_212 : memref<1x128x128xf32, #tpu.memory_space<vmem>> -> memref<128x128xf32, #tpu.memory_space<vmem>>
      %dma_wait3A_214 = arith.constant 0 : i32
      %dma_wait3A_215 = tpu.memref_slice %arg9[%add3A_13, %dma_wait3A_214] : memref<10112x128xf32, #tpu.memory_space<vmem_shared>> -> memref<128x128xf32, #tpu.memory_space<vmem_shared>>
      %dma_wait3A_216 = arith.constant 0 : i32
      %dma_wait3A_217 = tpu.memref_slice %arg9[%add3A_13, %dma_wait3A_216] : memref<10112x128xf32, #tpu.memory_space<vmem_shared>> -> memref<128x128xf32, #tpu.memory_space<vmem_shared>>
      %dma_wait3A_218 = arith.constant 0 : i32
      %dma_wait3A_219 = arith.constant 0 : i32
      %dma_wait3A_220 = tpu.memref_slice %arg8[%run_scoped3A, %dma_wait3A_218, %dma_wait3A_219] : memref<2x128x128xf32, #tpu.memory_space<vmem>> -> memref<1x128x128xf32, #tpu.memory_space<vmem>>
      %dma_wait3A_221 = tpu.memref_squeeze %dma_wait3A_220 : memref<1x128x128xf32, #tpu.memory_space<vmem>> -> memref<128x128xf32, #tpu.memory_space<vmem>>
      tpu.wait_dma2 semaphore(%run_scoped3A_197 : memref<!tpu.dma_semaphore, #tpu.memory_space<semaphore_mem>>) src(%dma_wait3A_221 : memref<128x128xf32, #tpu.memory_space<vmem>>) dst(%dma_wait3A_217 : memref<128x128xf32, #tpu.memory_space<vmem_shared>>)
      tpu.yield
    }) : () -> ()
    %add3A_14 = arith.constant 128 : i32
    %add3A_15 = arith.addi %mul3A_7, %add3A_14 : i32
    %run_scoped3A_16 = arith.constant 0 : i32
    "tpu.region"() ({
      %run_scoped3A_197 = tpu.sem_alloc : memref<!tpu.dma_semaphore, #tpu.memory_space<semaphore_mem>>
      %dma_start3A_198 = arith.constant 0 : i32
      %dma_start3A_199 = arith.constant 0 : i32
      %dma_start3A_200 = tpu.memref_slice %arg8[%run_scoped3A_16, %dma_start3A_198, %dma_start3A_199] : memref<2x128x128xf32, #tpu.memory_space<vmem>> -> memref<1x128x128xf32, #tpu.memory_space<vmem>>
      %dma_start3A_201 = tpu.memref_squeeze %dma_start3A_200 : memref<1x128x128xf32, #tpu.memory_space<vmem>> -> memref<128x128xf32, #tpu.memory_space<vmem>>
      %dma_start3A_202 = arith.constant 0 : i32
      %dma_start3A_203 = tpu.memref_slice %arg9[%add3A_15, %dma_start3A_202] : memref<10112x128xf32, #tpu.memory_space<vmem_shared>> -> memref<128x128xf32, #tpu.memory_space<vmem_shared>>
      %dma_start3A_204 = arith.constant 0 : i32
      %dma_start3A_205 = tpu.memref_slice %arg9[%add3A_15, %dma_start3A_204] : memref<10112x128xf32, #tpu.memory_space<vmem_shared>> -> memref<128x128xf32, #tpu.memory_space<vmem_shared>>
      %dma_start3A_206 = arith.constant 0 : i32
      %dma_start3A_207 = arith.constant 0 : i32
      %dma_start3A_208 = tpu.memref_slice %arg8[%run_scoped3A_16, %dma_start3A_206, %dma_start3A_207] : memref<2x128x128xf32, #tpu.memory_space<vmem>> -> memref<1x128x128xf32, #tpu.memory_space<vmem>>
      %dma_start3A_209 = tpu.memref_squeeze %dma_start3A_208 : memref<1x128x128xf32, #tpu.memory_space<vmem>> -> memref<128x128xf32, #tpu.memory_space<vmem>>
      tpu.enqueue_dma source(%dma_start3A_209 : memref<128x128xf32, #tpu.memory_space<vmem>>) target(%dma_start3A_205 : memref<128x128xf32, #tpu.memory_space<vmem_shared>>) target_semaphore(%run_scoped3A_197 : memref<!tpu.dma_semaphore, #tpu.memory_space<semaphore_mem>>)
      %dma_wait3A_210 = arith.constant 0 : i32
      %dma_wait3A_211 = arith.constant 0 : i32
      %dma_wait3A_212 = tpu.memref_slice %arg8[%run_scoped3A_16, %dma_wait3A_210, %dma_wait3A_211] : memref<2x128x128xf32, #tpu.memory_space<vmem>> -> memref<1x128x128xf32, #tpu.memory_space<vmem>>
      %dma_wait3A_213 = tpu.memref_squeeze %dma_wait3A_212 : memref<1x128x128xf32, #tpu.memory_space<vmem>> -> memref<128x128xf32, #tpu.memory_space<vmem>>
      %dma_wait3A_214 = arith.constant 0 : i32
      %dma_wait3A_215 = tpu.memref_slice %arg9[%add3A_15, %dma_wait3A_214] : memref<10112x128xf32, #tpu.memory_space<vmem_shared>> -> memref<128x128xf32, #tpu.memory_space<vmem_shared>>
      %dma_wait3A_216 = arith.constant 0 : i32
      %dma_wait3A_217 = tpu.memref_slice %arg9[%add3A_15, %dma_wait3A_216] : memref<10112x128xf32, #tpu.memory_space<vmem_shared>> -> memref<128x128xf32, #tpu.memory_space<vmem_shared>>
      %dma_wait3A_218 = arith.constant 0 : i32
      %dma_wait3A_219 = arith.constant 0 : i32
      %dma_wait3A_220 = tpu.memref_slice %arg8[%run_scoped3A_16, %dma_wait3A_218, %dma_wait3A_219] : memref<2x128x128xf32, #tpu.memory_space<vmem>> -> memref<1x128x128xf32, #tpu.memory_space<vmem>>
      %dma_wait3A_221 = tpu.memref_squeeze %dma_wait3A_220 : memref<1x128x128xf32, #tpu.memory_space<vmem>> -> memref<128x128xf32, #tpu.memory_space<vmem>>
      tpu.wait_dma2 semaphore(%run_scoped3A_197 : memref<!tpu.dma_semaphore, #tpu.memory_space<semaphore_mem>>) src(%dma_wait3A_221 : memref<128x128xf32, #tpu.memory_space<vmem>>) dst(%dma_wait3A_217 : memref<128x128xf32, #tpu.memory_space<vmem_shared>>)
      tpu.yield
    }) : () -> ()
    %add3A_17 = arith.constant 256 : i32
    %add3A_18 = arith.addi %mul3A_7, %add3A_17 : i32
    %run_scoped3A_19 = arith.constant 0 : i32
    "tpu.region"() ({
      %run_scoped3A_197 = tpu.sem_alloc : memref<!tpu.dma_semaphore, #tpu.memory_space<semaphore_mem>>
      %dma_start3A_198 = arith.constant 0 : i32
      %dma_start3A_199 = arith.constant 0 : i32
      %dma_start3A_200 = tpu.memref_slice %arg8[%run_scoped3A_19, %dma_start3A_198, %dma_start3A_199] : memref<2x128x128xf32, #tpu.memory_space<vmem>> -> memref<1x128x128xf32, #tpu.memory_space<vmem>>
      %dma_start3A_201 = tpu.memref_squeeze %dma_start3A_200 : memref<1x128x128xf32, #tpu.memory_space<vmem>> -> memref<128x128xf32, #tpu.memory_space<vmem>>
      %dma_start3A_202 = arith.constant 0 : i32
      %dma_start3A_203 = tpu.memref_slice %arg9[%add3A_18, %dma_start3A_202] : memref<10112x128xf32, #tpu.memory_space<vmem_shared>> -> memref<128x128xf32, #tpu.memory_space<vmem_shared>>
      %dma_start3A_204 = arith.constant 0 : i32
      %dma_start3A_205 = tpu.memref_slice %arg9[%add3A_18, %dma_start3A_204] : memref<10112x128xf32, #tpu.memory_space<vmem_shared>> -> memref<128x128xf32, #tpu.memory_space<vmem_shared>>
      %dma_start3A_206 = arith.constant 0 : i32
      %dma_start3A_207 = arith.constant 0 : i32
      %dma_start3A_208 = tpu.memref_slice %arg8[%run_scoped3A_19, %dma_start3A_206, %dma_start3A_207] : memref<2x128x128xf32, #tpu.memory_space<vmem>> -> memref<1x128x128xf32, #tpu.memory_space<vmem>>
      %dma_start3A_209 = tpu.memref_squeeze %dma_start3A_208 : memref<1x128x128xf32, #tpu.memory_space<vmem>> -> memref<128x128xf32, #tpu.memory_space<vmem>>
      tpu.enqueue_dma source(%dma_start3A_209 : memref<128x128xf32, #tpu.memory_space<vmem>>) target(%dma_start3A_205 : memref<128x128xf32, #tpu.memory_space<vmem_shared>>) target_semaphore(%run_scoped3A_197 : memref<!tpu.dma_semaphore, #tpu.memory_space<semaphore_mem>>)
      %dma_wait3A_210 = arith.constant 0 : i32
      %dma_wait3A_211 = arith.constant 0 : i32
      %dma_wait3A_212 = tpu.memref_slice %arg8[%run_scoped3A_19, %dma_wait3A_210, %dma_wait3A_211] : memref<2x128x128xf32, #tpu.memory_space<vmem>> -> memref<1x128x128xf32, #tpu.memory_space<vmem>>
      %dma_wait3A_213 = tpu.memref_squeeze %dma_wait3A_212 : memref<1x128x128xf32, #tpu.memory_space<vmem>> -> memref<128x128xf32, #tpu.memory_space<vmem>>
      %dma_wait3A_214 = arith.constant 0 : i32
      %dma_wait3A_215 = tpu.memref_slice %arg9[%add3A_18, %dma_wait3A_214] : memref<10112x128xf32, #tpu.memory_space<vmem_shared>> -> memref<128x128xf32, #tpu.memory_space<vmem_shared>>
      %dma_wait3A_216 = arith.constant 0 : i32
      %dma_wait3A_217 = tpu.memref_slice %arg9[%add3A_18, %dma_wait3A_216] : memref<10112x128xf32, #tpu.memory_space<vmem_shared>> -> memref<128x128xf32, #tpu.memory_space<vmem_shared>>
      %dma_wait3A_218 = arith.constant 0 : i32
      %dma_wait3A_219 = arith.constant 0 : i32
      %dma_wait3A_220 = tpu.memref_slice %arg8[%run_scoped3A_19, %dma_wait3A_218, %dma_wait3A_219] : memref<2x128x128xf32, #tpu.memory_space<vmem>> -> memref<1x128x128xf32, #tpu.memory_space<vmem>>
      %dma_wait3A_221 = tpu.memref_squeeze %dma_wait3A_220 : memref<1x128x128xf32, #tpu.memory_space<vmem>> -> memref<128x128xf32, #tpu.memory_space<vmem>>
      tpu.wait_dma2 semaphore(%run_scoped3A_197 : memref<!tpu.dma_semaphore, #tpu.memory_space<semaphore_mem>>) src(%dma_wait3A_221 : memref<128x128xf32, #tpu.memory_space<vmem>>) dst(%dma_wait3A_217 : memref<128x128xf32, #tpu.memory_space<vmem_shared>>)
      tpu.yield
    }) : () -> ()
    %add3A_20 = arith.constant 384 : i32
    %add3A_21 = arith.addi %mul3A_7, %add3A_20 : i32
    %run_scoped3A_22 = arith.constant 0 : i32
    "tpu.region"() ({
      %run_scoped3A_197 = tpu.sem_alloc : memref<!tpu.dma_semaphore, #tpu.memory_space<semaphore_mem>>
      %dma_start3A_198 = arith.constant 0 : i32
      %dma_start3A_199 = arith.constant 0 : i32
      %dma_start3A_200 = tpu.memref_slice %arg8[%run_scoped3A_22, %dma_start3A_198, %dma_start3A_199] : memref<2x128x128xf32, #tpu.memory_space<vmem>> -> memref<1x128x128xf32, #tpu.memory_space<vmem>>
      %dma_start3A_201 = tpu.memref_squeeze %dma_start3A_200 : memref<1x128x128xf32, #tpu.memory_space<vmem>> -> memref<128x128xf32, #tpu.memory_space<vmem>>
      %dma_start3A_202 = arith.constant 0 : i32
      %dma_start3A_203 = tpu.memref_slice %arg9[%add3A_21, %dma_start3A_202] : memref<10112x128xf32, #tpu.memory_space<vmem_shared>> -> memref<128x128xf32, #tpu.memory_space<vmem_shared>>
      %dma_start3A_204 = arith.constant 0 : i32
      %dma_start3A_205 = tpu.memref_slice %arg9[%add3A_21, %dma_start3A_204] : memref<10112x128xf32, #tpu.memory_space<vmem_shared>> -> memref<128x128xf32, #tpu.memory_space<vmem_shared>>
      %dma_start3A_206 = arith.constant 0 : i32
      %dma_start3A_207 = arith.constant 0 : i32
      %dma_start3A_208 = tpu.memref_slice %arg8[%run_scoped3A_22, %dma_start3A_206, %dma_start3A_207] : memref<2x128x128xf32, #tpu.memory_space<vmem>> -> memref<1x128x128xf32, #tpu.memory_space<vmem>>
      %dma_start3A_209 = tpu.memref_squeeze %dma_start3A_208 : memref<1x128x128xf32, #tpu.memory_space<vmem>> -> memref<128x128xf32, #tpu.memory_space<vmem>>
      tpu.enqueue_dma source(%dma_start3A_209 : memref<128x128xf32, #tpu.memory_space<vmem>>) target(%dma_start3A_205 : memref<128x128xf32, #tpu.memory_space<vmem_shared>>) target_semaphore(%run_scoped3A_197 : memref<!tpu.dma_semaphore, #tpu.memory_space<semaphore_mem>>)
      %dma_wait3A_210 = arith.constant 0 : i32
      %dma_wait3A_211 = arith.constant 0 : i32
      %dma_wait3A_212 = tpu.memref_slice %arg8[%run_scoped3A_22, %dma_wait3A_210, %dma_wait3A_211] : memref<2x128x128xf32, #tpu.memory_space<vmem>> -> memref<1x128x128xf32, #tpu.memory_space<vmem>>
      %dma_wait3A_213 = tpu.memref_squeeze %dma_wait3A_212 : memref<1x128x128xf32, #tpu.memory_space<vmem>> -> memref<128x128xf32, #tpu.memory_space<vmem>>
      %dma_wait3A_214 = arith.constant 0 : i32
      %dma_wait3A_215 = tpu.memref_slice %arg9[%add3A_21, %dma_wait3A_214] : memref<10112x128xf32, #tpu.memory_space<vmem_shared>> -> memref<128x128xf32, #tpu.memory_space<vmem_shared>>
      %dma_wait3A_216 = arith.constant 0 : i32
      %dma_wait3A_217 = tpu.memref_slice %arg9[%add3A_21, %dma_wait3A_216] : memref<10112x128xf32, #tpu.memory_space<vmem_shared>> -> memref<128x128xf32, #tpu.memory_space<vmem_shared>>
      %dma_wait3A_218 = arith.constant 0 : i32
      %dma_wait3A_219 = arith.constant 0 : i32
      %dma_wait3A_220 = tpu.memref_slice %arg8[%run_scoped3A_22, %dma_wait3A_218, %dma_wait3A_219] : memref<2x128x128xf32, #tpu.memory_space<vmem>> -> memref<1x128x128xf32, #tpu.memory_space<vmem>>
      %dma_wait3A_221 = tpu.memref_squeeze %dma_wait3A_220 : memref<1x128x128xf32, #tpu.memory_space<vmem>> -> memref<128x128xf32, #tpu.memory_space<vmem>>
      tpu.wait_dma2 semaphore(%run_scoped3A_197 : memref<!tpu.dma_semaphore, #tpu.memory_space<semaphore_mem>>) src(%dma_wait3A_221 : memref<128x128xf32, #tpu.memory_space<vmem>>) dst(%dma_wait3A_217 : memref<128x128xf32, #tpu.memory_space<vmem_shared>>)
      tpu.yield
    }) : () -> ()
    %add3A_23 = arith.constant 512 : i32
    %add3A_24 = arith.addi %mul3A_7, %add3A_23 : i32
    %run_scoped3A_25 = arith.constant 1 : i32
    "tpu.region"() ({
      %run_scoped3A_197 = tpu.sem_alloc : memref<!tpu.dma_semaphore, #tpu.memory_space<semaphore_mem>>
      %dma_start3A_198 = arith.constant 0 : i32
      %dma_start3A_199 = arith.constant 0 : i32
      %dma_start3A_200 = tpu.memref_slice %arg8[%run_scoped3A_25, %dma_start3A_198, %dma_start3A_199] : memref<2x128x128xf32, #tpu.memory_space<vmem>> -> memref<1x120x128xf32, #tpu.memory_space<vmem>>
      %dma_start3A_201 = tpu.memref_squeeze %dma_start3A_200 : memref<1x120x128xf32, #tpu.memory_space<vmem>> -> memref<120x128xf32, #tpu.memory_space<vmem>>
      %dma_start3A_202 = arith.constant 0 : i32
      %dma_start3A_203 = tpu.memref_slice %arg9[%add3A_24, %dma_start3A_202] : memref<10112x128xf32, #tpu.memory_space<vmem_shared>> -> memref<120x128xf32, #tpu.memory_space<vmem_shared>>
      %dma_start3A_204 = arith.constant 0 : i32
      %dma_start3A_205 = tpu.memref_slice %arg9[%add3A_24, %dma_start3A_204] : memref<10112x128xf32, #tpu.memory_space<vmem_shared>> -> memref<120x128xf32, #tpu.memory_space<vmem_shared>>
      %dma_start3A_206 = arith.constant 0 : i32
      %dma_start3A_207 = arith.constant 0 : i32
      %dma_start3A_208 = tpu.memref_slice %arg8[%run_scoped3A_25, %dma_start3A_206, %dma_start3A_207] : memref<2x128x128xf32, #tpu.memory_space<vmem>> -> memref<1x120x128xf32, #tpu.memory_space<vmem>>
      %dma_start3A_209 = tpu.memref_squeeze %dma_start3A_208 : memref<1x120x128xf32, #tpu.memory_space<vmem>> -> memref<120x128xf32, #tpu.memory_space<vmem>>
      tpu.enqueue_dma source(%dma_start3A_209 : memref<120x128xf32, #tpu.memory_space<vmem>>) target(%dma_start3A_205 : memref<120x128xf32, #tpu.memory_space<vmem_shared>>) target_semaphore(%run_scoped3A_197 : memref<!tpu.dma_semaphore, #tpu.memory_space<semaphore_mem>>)
      %dma_wait3A_210 = arith.constant 0 : i32
      %dma_wait3A_211 = arith.constant 0 : i32
      %dma_wait3A_212 = tpu.memref_slice %arg8[%run_scoped3A_25, %dma_wait3A_210, %dma_wait3A_211] : memref<2x128x128xf32, #tpu.memory_space<vmem>> -> memref<1x120x128xf32, #tpu.memory_space<vmem>>
      %dma_wait3A_213 = tpu.memref_squeeze %dma_wait3A_212 : memref<1x120x128xf32, #tpu.memory_space<vmem>> -> memref<120x128xf32, #tpu.memory_space<vmem>>
      %dma_wait3A_214 = arith.constant 0 : i32
      %dma_wait3A_215 = tpu.memref_slice %arg9[%add3A_24, %dma_wait3A_214] : memref<10112x128xf32, #tpu.memory_space<vmem_shared>> -> memref<120x128xf32, #tpu.memory_space<vmem_shared>>
      %dma_wait3A_216 = arith.constant 0 : i32
      %dma_wait3A_217 = tpu.memref_slice %arg9[%add3A_24, %dma_wait3A_216] : memref<10112x128xf32, #tpu.memory_space<vmem_shared>> -> memref<120x128xf32, #tpu.memory_space<vmem_shared>>
      %dma_wait3A_218 = arith.constant 0 : i32
      %dma_wait3A_219 = arith.constant 0 : i32
      %dma_wait3A_220 = tpu.memref_slice %arg8[%run_scoped3A_25, %dma_wait3A_218, %dma_wait3A_219] : memref<2x128x128xf32, #tpu.memory_space<vmem>> -> memref<1x120x128xf32, #tpu.memory_space<vmem>>
      %dma_wait3A_221 = tpu.memref_squeeze %dma_wait3A_220 : memref<1x120x128xf32, #tpu.memory_space<vmem>> -> memref<120x128xf32, #tpu.memory_space<vmem>>
      tpu.wait_dma2 semaphore(%run_scoped3A_197 : memref<!tpu.dma_semaphore, #tpu.memory_space<semaphore_mem>>) src(%dma_wait3A_221 : memref<120x128xf32, #tpu.memory_space<vmem>>) dst(%dma_wait3A_217 : memref<120x128xf32, #tpu.memory_space<vmem_shared>>)
      tpu.yield
    }) : () -> ()
    %barrier3A = arith.constant 0 : index
    tpu.barrier barrier_id(%barrier3A)
    %add3A_26 = arith.constant 0 : i32
    %add3A_27 = arith.addi %add3A, %add3A_26 : i32
    %dma_start3A = arith.constant 0 : i32
    %dma_start3A_28 = arith.constant 0 : i32
    %dma_start3A_29 = tpu.memref_slice %arg6[%dma_start3A, %dma_start3A_28] : memref<2x128xi32, #tpu.memory_space<vmem>> -> memref<1x128xi32, #tpu.memory_space<vmem>>
    %dma_start3A_30 = tpu.memref_squeeze %dma_start3A_29 : memref<1x128xi32, #tpu.memory_space<vmem>> -> memref<128xi32, #tpu.memory_space<vmem>>
    %dma_start3A_31 = arith.constant 0 : i32
    %dma_start3A_32 = tpu.memref_slice %arg3[%add3A_27, %dma_start3A_31] : memref<2560x128xi32, #tpu.memory_space<hbm>> -> memref<1x128xi32, #tpu.memory_space<hbm>>
    %dma_start3A_33 = tpu.memref_squeeze %dma_start3A_32 : memref<1x128xi32, #tpu.memory_space<hbm>> -> memref<128xi32, #tpu.memory_space<hbm>>
    %dma_start3A_34 = arith.constant 0 : i32
    %dma_start3A_35 = tpu.memref_slice %arg6[%dma_start3A, %dma_start3A_34] : memref<2x128xi32, #tpu.memory_space<vmem>> -> memref<1x128xi32, #tpu.memory_space<vmem>>
    %dma_start3A_36 = tpu.memref_squeeze %dma_start3A_35 : memref<1x128xi32, #tpu.memory_space<vmem>> -> memref<128xi32, #tpu.memory_space<vmem>>
    %dma_start3A_37 = arith.constant 0 : i32
    %dma_start3A_38 = tpu.memref_slice %arg3[%add3A_27, %dma_start3A_37] : memref<2560x128xi32, #tpu.memory_space<hbm>> -> memref<1x128xi32, #tpu.memory_space<hbm>>
    %dma_start3A_39 = tpu.memref_squeeze %dma_start3A_38 : memref<1x128xi32, #tpu.memory_space<hbm>> -> memref<128xi32, #tpu.memory_space<hbm>>
    tpu.enqueue_dma source(%dma_start3A_39 : memref<128xi32, #tpu.memory_space<hbm>>) target(%dma_start3A_36 : memref<128xi32, #tpu.memory_space<vmem>>) target_semaphore(%arg12 : memref<!tpu.dma_semaphore, #tpu.memory_space<semaphore_mem>>)
    %add3A_40 = arith.constant 0 : i32
    %add3A_41 = arith.addi %add3A, %add3A_40 : i32
    %dma_start3A_42 = arith.constant 0 : i32
    %dma_start3A_43 = arith.constant 0 : i32
    %dma_start3A_44 = tpu.memref_slice %arg7[%dma_start3A_42, %dma_start3A_43] : memref<2x128xi32, #tpu.memory_space<vmem>> -> memref<1x128xi32, #tpu.memory_space<vmem>>
    %dma_start3A_45 = tpu.memref_squeeze %dma_start3A_44 : memref<1x128xi32, #tpu.memory_space<vmem>> -> memref<128xi32, #tpu.memory_space<vmem>>
    %dma_start3A_46 = arith.constant 0 : i32
    %dma_start3A_47 = tpu.memref_slice %arg4[%add3A_41, %dma_start3A_46] : memref<2560x128xi32, #tpu.memory_space<hbm>> -> memref<1x128xi32, #tpu.memory_space<hbm>>
    %dma_start3A_48 = tpu.memref_squeeze %dma_start3A_47 : memref<1x128xi32, #tpu.memory_space<hbm>> -> memref<128xi32, #tpu.memory_space<hbm>>
    %dma_start3A_49 = arith.constant 0 : i32
    %dma_start3A_50 = tpu.memref_slice %arg7[%dma_start3A_42, %dma_start3A_49] : memref<2x128xi32, #tpu.memory_space<vmem>> -> memref<1x128xi32, #tpu.memory_space<vmem>>
    %dma_start3A_51 = tpu.memref_squeeze %dma_start3A_50 : memref<1x128xi32, #tpu.memory_space<vmem>> -> memref<128xi32, #tpu.memory_space<vmem>>
    %dma_start3A_52 = arith.constant 0 : i32
    %dma_start3A_53 = tpu.memref_slice %arg4[%add3A_41, %dma_start3A_52] : memref<2560x128xi32, #tpu.memory_space<hbm>> -> memref<1x128xi32, #tpu.memory_space<hbm>>
    %dma_start3A_54 = tpu.memref_squeeze %dma_start3A_53 : memref<1x128xi32, #tpu.memory_space<hbm>> -> memref<128xi32, #tpu.memory_space<hbm>>
    tpu.enqueue_dma source(%dma_start3A_54 : memref<128xi32, #tpu.memory_space<hbm>>) target(%dma_start3A_51 : memref<128xi32, #tpu.memory_space<vmem>>) target_semaphore(%arg12 : memref<!tpu.dma_semaphore, #tpu.memory_space<semaphore_mem>>)
    %add3A_55 = arith.constant 1 : i32
    %add3A_56 = arith.addi %add3A, %add3A_55 : i32
    %dma_start3A_57 = arith.constant 1 : i32
    %dma_start3A_58 = arith.constant 0 : i32
    %dma_start3A_59 = tpu.memref_slice %arg6[%dma_start3A_57, %dma_start3A_58] : memref<2x128xi32, #tpu.memory_space<vmem>> -> memref<1x128xi32, #tpu.memory_space<vmem>>
    %dma_start3A_60 = tpu.memref_squeeze %dma_start3A_59 : memref<1x128xi32, #tpu.memory_space<vmem>> -> memref<128xi32, #tpu.memory_space<vmem>>
    %dma_start3A_61 = arith.constant 0 : i32
    %dma_start3A_62 = tpu.memref_slice %arg3[%add3A_56, %dma_start3A_61] : memref<2560x128xi32, #tpu.memory_space<hbm>> -> memref<1x128xi32, #tpu.memory_space<hbm>>
    %dma_start3A_63 = tpu.memref_squeeze %dma_start3A_62 : memref<1x128xi32, #tpu.memory_space<hbm>> -> memref<128xi32, #tpu.memory_space<hbm>>
    %dma_start3A_64 = arith.constant 0 : i32
    %dma_start3A_65 = tpu.memref_slice %arg6[%dma_start3A_57, %dma_start3A_64] : memref<2x128xi32, #tpu.memory_space<vmem>> -> memref<1x128xi32, #tpu.memory_space<vmem>>
    %dma_start3A_66 = tpu.memref_squeeze %dma_start3A_65 : memref<1x128xi32, #tpu.memory_space<vmem>> -> memref<128xi32, #tpu.memory_space<vmem>>
    %dma_start3A_67 = arith.constant 0 : i32
    %dma_start3A_68 = tpu.memref_slice %arg3[%add3A_56, %dma_start3A_67] : memref<2560x128xi32, #tpu.memory_space<hbm>> -> memref<1x128xi32, #tpu.memory_space<hbm>>
    %dma_start3A_69 = tpu.memref_squeeze %dma_start3A_68 : memref<1x128xi32, #tpu.memory_space<hbm>> -> memref<128xi32, #tpu.memory_space<hbm>>
    tpu.enqueue_dma source(%dma_start3A_69 : memref<128xi32, #tpu.memory_space<hbm>>) target(%dma_start3A_66 : memref<128xi32, #tpu.memory_space<vmem>>) target_semaphore(%arg13 : memref<!tpu.dma_semaphore, #tpu.memory_space<semaphore_mem>>)
    %add3A_70 = arith.constant 1 : i32
    %add3A_71 = arith.addi %add3A, %add3A_70 : i32
    %dma_start3A_72 = arith.constant 1 : i32
    %dma_start3A_73 = arith.constant 0 : i32
    %dma_start3A_74 = tpu.memref_slice %arg7[%dma_start3A_72, %dma_start3A_73] : memref<2x128xi32, #tpu.memory_space<vmem>> -> memref<1x128xi32, #tpu.memory_space<vmem>>
    %dma_start3A_75 = tpu.memref_squeeze %dma_start3A_74 : memref<1x128xi32, #tpu.memory_space<vmem>> -> memref<128xi32, #tpu.memory_space<vmem>>
    %dma_start3A_76 = arith.constant 0 : i32
    %dma_start3A_77 = tpu.memref_slice %arg4[%add3A_71, %dma_start3A_76] : memref<2560x128xi32, #tpu.memory_space<hbm>> -> memref<1x128xi32, #tpu.memory_space<hbm>>
    %dma_start3A_78 = tpu.memref_squeeze %dma_start3A_77 : memref<1x128xi32, #tpu.memory_space<hbm>> -> memref<128xi32, #tpu.memory_space<hbm>>
    %dma_start3A_79 = arith.constant 0 : i32
    %dma_start3A_80 = tpu.memref_slice %arg7[%dma_start3A_72, %dma_start3A_79] : memref<2x128xi32, #tpu.memory_space<vmem>> -> memref<1x128xi32, #tpu.memory_space<vmem>>
    %dma_start3A_81 = tpu.memref_squeeze %dma_start3A_80 : memref<1x128xi32, #tpu.memory_space<vmem>> -> memref<128xi32, #tpu.memory_space<vmem>>
    %dma_start3A_82 = arith.constant 0 : i32
    %dma_start3A_83 = tpu.memref_slice %arg4[%add3A_71, %dma_start3A_82] : memref<2560x128xi32, #tpu.memory_space<hbm>> -> memref<1x128xi32, #tpu.memory_space<hbm>>
    %dma_start3A_84 = tpu.memref_squeeze %dma_start3A_83 : memref<1x128xi32, #tpu.memory_space<hbm>> -> memref<128xi32, #tpu.memory_space<hbm>>
    tpu.enqueue_dma source(%dma_start3A_84 : memref<128xi32, #tpu.memory_space<hbm>>) target(%dma_start3A_81 : memref<128xi32, #tpu.memory_space<vmem>>) target_semaphore(%arg13 : memref<!tpu.dma_semaphore, #tpu.memory_space<semaphore_mem>>)
    %dma_wait3A = arith.constant 0 : i32
    %dma_wait3A_85 = arith.constant 0 : i32
    %dma_wait3A_86 = tpu.memref_slice %arg6[%dma_wait3A, %dma_wait3A_85] : memref<2x128xi32, #tpu.memory_space<vmem>> -> memref<1x128xi32, #tpu.memory_space<vmem>>
    %dma_wait3A_87 = tpu.memref_squeeze %dma_wait3A_86 : memref<1x128xi32, #tpu.memory_space<vmem>> -> memref<128xi32, #tpu.memory_space<vmem>>
    %dma_wait3A_88 = arith.constant 0 : i32
    %dma_wait3A_89 = tpu.memref_slice %arg3[%add3A, %dma_wait3A_88] : memref<2560x128xi32, #tpu.memory_space<hbm>> -> memref<1x128xi32, #tpu.memory_space<hbm>>
    %dma_wait3A_90 = tpu.memref_squeeze %dma_wait3A_89 : memref<1x128xi32, #tpu.memory_space<hbm>> -> memref<128xi32, #tpu.memory_space<hbm>>
    %dma_wait3A_91 = arith.constant 0 : i32
    %dma_wait3A_92 = tpu.memref_slice %arg6[%dma_wait3A, %dma_wait3A_91] : memref<2x128xi32, #tpu.memory_space<vmem>> -> memref<1x128xi32, #tpu.memory_space<vmem>>
    %dma_wait3A_93 = tpu.memref_squeeze %dma_wait3A_92 : memref<1x128xi32, #tpu.memory_space<vmem>> -> memref<128xi32, #tpu.memory_space<vmem>>
    %dma_wait3A_94 = arith.constant 0 : i32
    %dma_wait3A_95 = tpu.memref_slice %arg3[%add3A, %dma_wait3A_94] : memref<2560x128xi32, #tpu.memory_space<hbm>> -> memref<1x128xi32, #tpu.memory_space<hbm>>
    %dma_wait3A_96 = tpu.memref_squeeze %dma_wait3A_95 : memref<1x128xi32, #tpu.memory_space<hbm>> -> memref<128xi32, #tpu.memory_space<hbm>>
    tpu.wait_dma2 semaphore(%arg12 : memref<!tpu.dma_semaphore, #tpu.memory_space<semaphore_mem>>) src(%dma_wait3A_96 : memref<128xi32, #tpu.memory_space<hbm>>) dst(%dma_wait3A_93 : memref<128xi32, #tpu.memory_space<vmem>>)
    %dma_wait3A_97 = arith.constant 0 : i32
    %dma_wait3A_98 = arith.constant 0 : i32
    %dma_wait3A_99 = tpu.memref_slice %arg7[%dma_wait3A_97, %dma_wait3A_98] : memref<2x128xi32, #tpu.memory_space<vmem>> -> memref<1x128xi32, #tpu.memory_space<vmem>>
    %dma_wait3A_100 = tpu.memref_squeeze %dma_wait3A_99 : memref<1x128xi32, #tpu.memory_space<vmem>> -> memref<128xi32, #tpu.memory_space<vmem>>
    %dma_wait3A_101 = arith.constant 0 : i32
    %dma_wait3A_102 = tpu.memref_slice %arg4[%add3A, %dma_wait3A_101] : memref<2560x128xi32, #tpu.memory_space<hbm>> -> memref<1x128xi32, #tpu.memory_space<hbm>>
    %dma_wait3A_103 = tpu.memref_squeeze %dma_wait3A_102 : memref<1x128xi32, #tpu.memory_space<hbm>> -> memref<128xi32, #tpu.memory_space<hbm>>
    %dma_wait3A_104 = arith.constant 0 : i32
    %dma_wait3A_105 = tpu.memref_slice %arg7[%dma_wait3A_97, %dma_wait3A_104] : memref<2x128xi32, #tpu.memory_space<vmem>> -> memref<1x128xi32, #tpu.memory_space<vmem>>
    %dma_wait3A_106 = tpu.memref_squeeze %dma_wait3A_105 : memref<1x128xi32, #tpu.memory_space<vmem>> -> memref<128xi32, #tpu.memory_space<vmem>>
    %dma_wait3A_107 = arith.constant 0 : i32
    %dma_wait3A_108 = tpu.memref_slice %arg4[%add3A, %dma_wait3A_107] : memref<2560x128xi32, #tpu.memory_space<hbm>> -> memref<1x128xi32, #tpu.memory_space<hbm>>
    %dma_wait3A_109 = tpu.memref_squeeze %dma_wait3A_108 : memref<1x128xi32, #tpu.memory_space<hbm>> -> memref<128xi32, #tpu.memory_space<hbm>>
    tpu.wait_dma2 semaphore(%arg12 : memref<!tpu.dma_semaphore, #tpu.memory_space<semaphore_mem>>) src(%dma_wait3A_109 : memref<128xi32, #tpu.memory_space<hbm>>) dst(%dma_wait3A_106 : memref<128xi32, #tpu.memory_space<vmem>>)
    %dma_start3A_110 = arith.constant 0 : i32
    %dma_start3A_111 = arith.constant 0 : i32
    %dma_start3A_112 = arith.constant 0 : i32
    %dma_start3A_113 = arith.constant 0 : i32
    %dma_start3A_114 = tpu.memref_slice %arg8[%dma_start3A_111, %dma_start3A_112, %dma_start3A_113] : memref<2x128x128xf32, #tpu.memory_space<vmem>> -> memref<1x128x128xf32, #tpu.memory_space<vmem>>
    %dma_start3A_115 = tpu.memref_squeeze %dma_start3A_114 : memref<1x128x128xf32, #tpu.memory_space<vmem>> -> memref<128x128xf32, #tpu.memory_space<vmem>>
    %dma_start3A_116 = arith.constant 0 : i32
    %dma_start3A_117 = tpu.memref_slice %arg6[%dma_start3A_110, %dma_start3A_116] : memref<2x128xi32, #tpu.memory_space<vmem>> -> memref<1x128xi32, #tpu.memory_space<vmem>>
    %dma_start3A_118 = tpu.memref_squeeze %dma_start3A_117 : memref<1x128xi32, #tpu.memory_space<vmem>> -> memref<128xi32, #tpu.memory_space<vmem>>
    %dma_start3A_119 = arith.constant 0 : i32
    %dma_start3A_120 = arith.constant 0 : i32
    %dma_start3A_121 = tpu.memref_slice %arg2[%dma_start3A_119, %dma_start3A_120] : memref<10112x128xf32, #tpu.memory_space<hbm>> -> memref<10112x128xf32, #tpu.memory_space<hbm>>
    tpu.enqueue_indirect_dma source(%dma_start3A_121 : memref<10112x128xf32, #tpu.memory_space<hbm>>) target(%dma_start3A_115 : memref<128x128xf32, #tpu.memory_space<vmem>>) offsets(%dma_start3A_118 : memref<128xi32, #tpu.memory_space<vmem>>) semaphore(%arg10 : memref<!tpu.dma_semaphore, #tpu.memory_space<semaphore_mem>>)
    %while3A = arith.constant 0 : i32
    %while3A_122 = arith.subi %sub3A_5, %while3A : i32
    %while3A_123 = arith.addi %while3A, %while3A_122 : i32
    %while3A_124 = arith.constant 1 : i32
    %while3A_125 = arith.divsi %while3A_122, %while3A_124 : i32
    %while3A_126 = arith.muli %while3A_125, %while3A_124 : i32
    %while3A_127 = arith.addi %while3A, %while3A_126 : i32
    %while3A_128 = arith.constant 1 : i32
    scf.for %while3A_197 = %while3A to %while3A_127 step %while3A_128  : i32 {
      %mul3A_198 = arith.constant 2 : i32
      %mul3A_199 = arith.muli %while3A_197, %mul3A_198 : i32
      %dma_wait3A_200 = arith.constant 1 : i32
      %dma_wait3A_201 = arith.constant 0 : i32
      %dma_wait3A_202 = tpu.memref_slice %arg6[%dma_wait3A_200, %dma_wait3A_201] : memref<2x128xi32, #tpu.memory_space<vmem>> -> memref<1x128xi32, #tpu.memory_space<vmem>>
      %dma_wait3A_203 = tpu.memref_squeeze %dma_wait3A_202 : memref<1x128xi32, #tpu.memory_space<vmem>> -> memref<128xi32, #tpu.memory_space<vmem>>
      %dma_wait3A_204 = arith.constant 0 : i32
      %dma_wait3A_205 = tpu.memref_slice %arg3[%add3A, %dma_wait3A_204] : memref<2560x128xi32, #tpu.memory_space<hbm>> -> memref<1x128xi32, #tpu.memory_space<hbm>>
      %dma_wait3A_206 = tpu.memref_squeeze %dma_wait3A_205 : memref<1x128xi32, #tpu.memory_space<hbm>> -> memref<128xi32, #tpu.memory_space<hbm>>
      %dma_wait3A_207 = arith.constant 0 : i32
      %dma_wait3A_208 = tpu.memref_slice %arg6[%dma_wait3A_200, %dma_wait3A_207] : memref<2x128xi32, #tpu.memory_space<vmem>> -> memref<1x128xi32, #tpu.memory_space<vmem>>
      %dma_wait3A_209 = tpu.memref_squeeze %dma_wait3A_208 : memref<1x128xi32, #tpu.memory_space<vmem>> -> memref<128xi32, #tpu.memory_space<vmem>>
      %dma_wait3A_210 = arith.constant 0 : i32
      %dma_wait3A_211 = tpu.memref_slice %arg3[%add3A, %dma_wait3A_210] : memref<2560x128xi32, #tpu.memory_space<hbm>> -> memref<1x128xi32, #tpu.memory_space<hbm>>
      %dma_wait3A_212 = tpu.memref_squeeze %dma_wait3A_211 : memref<1x128xi32, #tpu.memory_space<hbm>> -> memref<128xi32, #tpu.memory_space<hbm>>
      tpu.wait_dma2 semaphore(%arg13 : memref<!tpu.dma_semaphore, #tpu.memory_space<semaphore_mem>>) src(%dma_wait3A_212 : memref<128xi32, #tpu.memory_space<hbm>>) dst(%dma_wait3A_209 : memref<128xi32, #tpu.memory_space<vmem>>)
      %dma_wait3A_213 = arith.constant 1 : i32
      %dma_wait3A_214 = arith.constant 0 : i32
      %dma_wait3A_215 = tpu.memref_slice %arg7[%dma_wait3A_213, %dma_wait3A_214] : memref<2x128xi32, #tpu.memory_space<vmem>> -> memref<1x128xi32, #tpu.memory_space<vmem>>
      %dma_wait3A_216 = tpu.memref_squeeze %dma_wait3A_215 : memref<1x128xi32, #tpu.memory_space<vmem>> -> memref<128xi32, #tpu.memory_space<vmem>>
      %dma_wait3A_217 = arith.constant 0 : i32
      %dma_wait3A_218 = tpu.memref_slice %arg4[%add3A, %dma_wait3A_217] : memref<2560x128xi32, #tpu.memory_space<hbm>> -> memref<1x128xi32, #tpu.memory_space<hbm>>
      %dma_wait3A_219 = tpu.memref_squeeze %dma_wait3A_218 : memref<1x128xi32, #tpu.memory_space<hbm>> -> memref<128xi32, #tpu.memory_space<hbm>>
      %dma_wait3A_220 = arith.constant 0 : i32
      %dma_wait3A_221 = tpu.memref_slice %arg7[%dma_wait3A_213, %dma_wait3A_220] : memref<2x128xi32, #tpu.memory_space<vmem>> -> memref<1x128xi32, #tpu.memory_space<vmem>>
      %dma_wait3A_222 = tpu.memref_squeeze %dma_wait3A_221 : memref<1x128xi32, #tpu.memory_space<vmem>> -> memref<128xi32, #tpu.memory_space<vmem>>
      %dma_wait3A_223 = arith.constant 0 : i32
      %dma_wait3A_224 = tpu.memref_slice %arg4[%add3A, %dma_wait3A_223] : memref<2560x128xi32, #tpu.memory_space<hbm>> -> memref<1x128xi32, #tpu.memory_space<hbm>>
      %dma_wait3A_225 = tpu.memref_squeeze %dma_wait3A_224 : memref<1x128xi32, #tpu.memory_space<hbm>> -> memref<128xi32, #tpu.memory_space<hbm>>
      tpu.wait_dma2 semaphore(%arg13 : memref<!tpu.dma_semaphore, #tpu.memory_space<semaphore_mem>>) src(%dma_wait3A_225 : memref<128xi32, #tpu.memory_space<hbm>>) dst(%dma_wait3A_222 : memref<128xi32, #tpu.memory_space<vmem>>)
      %dma_wait3A_226 = arith.constant 0 : i32
      %dma_wait3A_227 = arith.constant 0 : i32
      %dma_wait3A_228 = arith.constant 0 : i32
      %dma_wait3A_229 = arith.constant 0 : i32
      %dma_wait3A_230 = tpu.memref_slice %arg8[%dma_wait3A_227, %dma_wait3A_228, %dma_wait3A_229] : memref<2x128x128xf32, #tpu.memory_space<vmem>> -> memref<1x128x128xf32, #tpu.memory_space<vmem>>
      %dma_wait3A_231 = tpu.memref_squeeze %dma_wait3A_230 : memref<1x128x128xf32, #tpu.memory_space<vmem>> -> memref<128x128xf32, #tpu.memory_space<vmem>>
      %dma_wait3A_232 = arith.constant 0 : i32
      %dma_wait3A_233 = tpu.memref_slice %arg6[%dma_wait3A_226, %dma_wait3A_232] : memref<2x128xi32, #tpu.memory_space<vmem>> -> memref<1x128xi32, #tpu.memory_space<vmem>>
      %dma_wait3A_234 = tpu.memref_squeeze %dma_wait3A_233 : memref<1x128xi32, #tpu.memory_space<vmem>> -> memref<128xi32, #tpu.memory_space<vmem>>
      %dma_wait3A_235 = arith.constant 0 : i32
      %dma_wait3A_236 = arith.constant 0 : i32
      %dma_wait3A_237 = tpu.memref_slice %arg2[%dma_wait3A_235, %dma_wait3A_236] : memref<10112x128xf32, #tpu.memory_space<hbm>> -> memref<10112x128xf32, #tpu.memory_space<hbm>>
      tpu.wait_indirect_dma semaphore(%arg10 : memref<!tpu.dma_semaphore, #tpu.memory_space<semaphore_mem>>) src(%dma_wait3A_237 : memref<10112x128xf32, #tpu.memory_space<hbm>>) dst(%dma_wait3A_231 : memref<128x128xf32, #tpu.memory_space<vmem>>)
      %dma_start3A_238 = arith.constant 1 : i32
      %dma_start3A_239 = arith.constant 1 : i32
      %dma_start3A_240 = arith.constant 0 : i32
      %dma_start3A_241 = arith.constant 0 : i32
      %dma_start3A_242 = tpu.memref_slice %arg8[%dma_start3A_239, %dma_start3A_240, %dma_start3A_241] : memref<2x128x128xf32, #tpu.memory_space<vmem>> -> memref<1x128x128xf32, #tpu.memory_space<vmem>>
      %dma_start3A_243 = tpu.memref_squeeze %dma_start3A_242 : memref<1x128x128xf32, #tpu.memory_space<vmem>> -> memref<128x128xf32, #tpu.memory_space<vmem>>
      %dma_start3A_244 = arith.constant 0 : i32
      %dma_start3A_245 = tpu.memref_slice %arg6[%dma_start3A_238, %dma_start3A_244] : memref<2x128xi32, #tpu.memory_space<vmem>> -> memref<1x128xi32, #tpu.memory_space<vmem>>
      %dma_start3A_246 = tpu.memref_squeeze %dma_start3A_245 : memref<1x128xi32, #tpu.memory_space<vmem>> -> memref<128xi32, #tpu.memory_space<vmem>>
      %dma_start3A_247 = arith.constant 0 : i32
      %dma_start3A_248 = arith.constant 0 : i32
      %dma_start3A_249 = tpu.memref_slice %arg2[%dma_start3A_247, %dma_start3A_248] : memref<10112x128xf32, #tpu.memory_space<hbm>> -> memref<10112x128xf32, #tpu.memory_space<hbm>>
      tpu.enqueue_indirect_dma source(%dma_start3A_249 : memref<10112x128xf32, #tpu.memory_space<hbm>>) target(%dma_start3A_243 : memref<128x128xf32, #tpu.memory_space<vmem>>) offsets(%dma_start3A_246 : memref<128xi32, #tpu.memory_space<vmem>>) semaphore(%arg11 : memref<!tpu.dma_semaphore, #tpu.memory_space<semaphore_mem>>)
      %run_scoped3A_250 = arith.constant 0 : i32
      %run_scoped3A_251 = arith.constant 0 : i32
      "tpu.region"() ({
        %run_scoped3A_368 = tpu.sem_alloc : memref<!tpu.dma_semaphore, #tpu.memory_space<semaphore_mem>>
        %dma_start3A_369 = arith.constant 0 : i32
        %dma_start3A_370 = arith.constant 0 : i32
        %dma_start3A_371 = tpu.memref_slice %arg8[%run_scoped3A_250, %dma_start3A_369, %dma_start3A_370] : memref<2x128x128xf32, #tpu.memory_space<vmem>> -> memref<1x128x128xf32, #tpu.memory_space<vmem>>
        %dma_start3A_372 = tpu.memref_squeeze %dma_start3A_371 : memref<1x128x128xf32, #tpu.memory_space<vmem>> -> memref<128x128xf32, #tpu.memory_space<vmem>>
        %dma_start3A_373 = arith.constant 0 : i32
        %dma_start3A_374 = tpu.memref_slice %arg7[%run_scoped3A_251, %dma_start3A_373] : memref<2x128xi32, #tpu.memory_space<vmem>> -> memref<1x128xi32, #tpu.memory_space<vmem>>
        %dma_start3A_375 = tpu.memref_squeeze %dma_start3A_374 : memref<1x128xi32, #tpu.memory_space<vmem>> -> memref<128xi32, #tpu.memory_space<vmem>>
        %dma_start3A_376 = arith.constant 0 : i32
        %dma_start3A_377 = arith.constant 0 : i32
        %dma_start3A_378 = tpu.memref_slice %arg9[%dma_start3A_376, %dma_start3A_377] : memref<10112x128xf32, #tpu.memory_space<vmem_shared>> -> memref<10112x128xf32, #tpu.memory_space<vmem_shared>>
        tpu.enqueue_indirect_dma source(%dma_start3A_372 : memref<128x128xf32, #tpu.memory_space<vmem>>) target(%dma_start3A_378 : memref<10112x128xf32, #tpu.memory_space<vmem_shared>>) offsets(%dma_start3A_375 : memref<128xi32, #tpu.memory_space<vmem>>) semaphore(%run_scoped3A_368 : memref<!tpu.dma_semaphore, #tpu.memory_space<semaphore_mem>>) {add = true}
        %dma_wait3A_379 = arith.constant 0 : i32
        %dma_wait3A_380 = arith.constant 0 : i32
        %dma_wait3A_381 = tpu.memref_slice %arg8[%run_scoped3A_250, %dma_wait3A_379, %dma_wait3A_380] : memref<2x128x128xf32, #tpu.memory_space<vmem>> -> memref<1x128x128xf32, #tpu.memory_space<vmem>>
        %dma_wait3A_382 = tpu.memref_squeeze %dma_wait3A_381 : memref<1x128x128xf32, #tpu.memory_space<vmem>> -> memref<128x128xf32, #tpu.memory_space<vmem>>
        %dma_wait3A_383 = arith.constant 0 : i32
        %dma_wait3A_384 = tpu.memref_slice %arg7[%run_scoped3A_251, %dma_wait3A_383] : memref<2x128xi32, #tpu.memory_space<vmem>> -> memref<1x128xi32, #tpu.memory_space<vmem>>
        %dma_wait3A_385 = tpu.memref_squeeze %dma_wait3A_384 : memref<1x128xi32, #tpu.memory_space<vmem>> -> memref<128xi32, #tpu.memory_space<vmem>>
        %dma_wait3A_386 = arith.constant 0 : i32
        %dma_wait3A_387 = arith.constant 0 : i32
        %dma_wait3A_388 = tpu.memref_slice %arg9[%dma_wait3A_386, %dma_wait3A_387] : memref<10112x128xf32, #tpu.memory_space<vmem_shared>> -> memref<10112x128xf32, #tpu.memory_space<vmem_shared>>
        tpu.wait_indirect_dma semaphore(%run_scoped3A_368 : memref<!tpu.dma_semaphore, #tpu.memory_space<semaphore_mem>>) src(%dma_wait3A_382 : memref<128x128xf32, #tpu.memory_space<vmem>>) dst(%dma_wait3A_388 : memref<10112x128xf32, #tpu.memory_space<vmem_shared>>)
        tpu.yield
      }) : () -> ()
      %add3A_252 = arith.constant 0 : i32
      %add3A_253 = arith.addi %mul3A_199, %add3A_252 : i32
      %add3A_254 = arith.constant 2 : i32
      %add3A_255 = arith.addi %add3A_253, %add3A_254 : i32
      %add3A_256 = arith.addi %add3A, %add3A_255 : i32
      %dma_start3A_257 = arith.constant 0 : i32
      %dma_start3A_258 = arith.constant 0 : i32
      %dma_start3A_259 = tpu.memref_slice %arg6[%dma_start3A_257, %dma_start3A_258] : memref<2x128xi32, #tpu.memory_space<vmem>> -> memref<1x128xi32, #tpu.memory_space<vmem>>
      %dma_start3A_260 = tpu.memref_squeeze %dma_start3A_259 : memref<1x128xi32, #tpu.memory_space<vmem>> -> memref<128xi32, #tpu.memory_space<vmem>>
      %dma_start3A_261 = arith.constant 0 : i32
      %dma_start3A_262 = tpu.memref_slice %arg3[%add3A_256, %dma_start3A_261] : memref<2560x128xi32, #tpu.memory_space<hbm>> -> memref<1x128xi32, #tpu.memory_space<hbm>>
      %dma_start3A_263 = tpu.memref_squeeze %dma_start3A_262 : memref<1x128xi32, #tpu.memory_space<hbm>> -> memref<128xi32, #tpu.memory_space<hbm>>
      %dma_start3A_264 = arith.constant 0 : i32
      %dma_start3A_265 = tpu.memref_slice %arg6[%dma_start3A_257, %dma_start3A_264] : memref<2x128xi32, #tpu.memory_space<vmem>> -> memref<1x128xi32, #tpu.memory_space<vmem>>
      %dma_start3A_266 = tpu.memref_squeeze %dma_start3A_265 : memref<1x128xi32, #tpu.memory_space<vmem>> -> memref<128xi32, #tpu.memory_space<vmem>>
      %dma_start3A_267 = arith.constant 0 : i32
      %dma_start3A_268 = tpu.memref_slice %arg3[%add3A_256, %dma_start3A_267] : memref<2560x128xi32, #tpu.memory_space<hbm>> -> memref<1x128xi32, #tpu.memory_space<hbm>>
      %dma_start3A_269 = tpu.memref_squeeze %dma_start3A_268 : memref<1x128xi32, #tpu.memory_space<hbm>> -> memref<128xi32, #tpu.memory_space<hbm>>
      tpu.enqueue_dma source(%dma_start3A_269 : memref<128xi32, #tpu.memory_space<hbm>>) target(%dma_start3A_266 : memref<128xi32, #tpu.memory_space<vmem>>) target_semaphore(%arg12 : memref<!tpu.dma_semaphore, #tpu.memory_space<semaphore_mem>>)
      %add3A_270 = arith.addi %add3A, %add3A_255 : i32
      %dma_start3A_271 = arith.constant 0 : i32
      %dma_start3A_272 = arith.constant 0 : i32
      %dma_start3A_273 = tpu.memref_slice %arg7[%dma_start3A_271, %dma_start3A_272] : memref<2x128xi32, #tpu.memory_space<vmem>> -> memref<1x128xi32, #tpu.memory_space<vmem>>
      %dma_start3A_274 = tpu.memref_squeeze %dma_start3A_273 : memref<1x128xi32, #tpu.memory_space<vmem>> -> memref<128xi32, #tpu.memory_space<vmem>>
      %dma_start3A_275 = arith.constant 0 : i32
      %dma_start3A_276 = tpu.memref_slice %arg4[%add3A_270, %dma_start3A_275] : memref<2560x128xi32, #tpu.memory_space<hbm>> -> memref<1x128xi32, #tpu.memory_space<hbm>>
      %dma_start3A_277 = tpu.memref_squeeze %dma_start3A_276 : memref<1x128xi32, #tpu.memory_space<hbm>> -> memref<128xi32, #tpu.memory_space<hbm>>
      %dma_start3A_278 = arith.constant 0 : i32
      %dma_start3A_279 = tpu.memref_slice %arg7[%dma_start3A_271, %dma_start3A_278] : memref<2x128xi32, #tpu.memory_space<vmem>> -> memref<1x128xi32, #tpu.memory_space<vmem>>
      %dma_start3A_280 = tpu.memref_squeeze %dma_start3A_279 : memref<1x128xi32, #tpu.memory_space<vmem>> -> memref<128xi32, #tpu.memory_space<vmem>>
      %dma_start3A_281 = arith.constant 0 : i32
      %dma_start3A_282 = tpu.memref_slice %arg4[%add3A_270, %dma_start3A_281] : memref<2560x128xi32, #tpu.memory_space<hbm>> -> memref<1x128xi32, #tpu.memory_space<hbm>>
      %dma_start3A_283 = tpu.memref_squeeze %dma_start3A_282 : memref<1x128xi32, #tpu.memory_space<hbm>> -> memref<128xi32, #tpu.memory_space<hbm>>
      tpu.enqueue_dma source(%dma_start3A_283 : memref<128xi32, #tpu.memory_space<hbm>>) target(%dma_start3A_280 : memref<128xi32, #tpu.memory_space<vmem>>) target_semaphore(%arg12 : memref<!tpu.dma_semaphore, #tpu.memory_space<semaphore_mem>>)
      %dma_wait3A_284 = arith.constant 0 : i32
      %dma_wait3A_285 = arith.constant 0 : i32
      %dma_wait3A_286 = tpu.memref_slice %arg6[%dma_wait3A_284, %dma_wait3A_285] : memref<2x128xi32, #tpu.memory_space<vmem>> -> memref<1x128xi32, #tpu.memory_space<vmem>>
      %dma_wait3A_287 = tpu.memref_squeeze %dma_wait3A_286 : memref<1x128xi32, #tpu.memory_space<vmem>> -> memref<128xi32, #tpu.memory_space<vmem>>
      %dma_wait3A_288 = arith.constant 0 : i32
      %dma_wait3A_289 = tpu.memref_slice %arg3[%add3A, %dma_wait3A_288] : memref<2560x128xi32, #tpu.memory_space<hbm>> -> memref<1x128xi32, #tpu.memory_space<hbm>>
      %dma_wait3A_290 = tpu.memref_squeeze %dma_wait3A_289 : memref<1x128xi32, #tpu.memory_space<hbm>> -> memref<128xi32, #tpu.memory_space<hbm>>
      %dma_wait3A_291 = arith.constant 0 : i32
      %dma_wait3A_292 = tpu.memref_slice %arg6[%dma_wait3A_284, %dma_wait3A_291] : memref<2x128xi32, #tpu.memory_space<vmem>> -> memref<1x128xi32, #tpu.memory_space<vmem>>
      %dma_wait3A_293 = tpu.memref_squeeze %dma_wait3A_292 : memref<1x128xi32, #tpu.memory_space<vmem>> -> memref<128xi32, #tpu.memory_space<vmem>>
      %dma_wait3A_294 = arith.constant 0 : i32
      %dma_wait3A_295 = tpu.memref_slice %arg3[%add3A, %dma_wait3A_294] : memref<2560x128xi32, #tpu.memory_space<hbm>> -> memref<1x128xi32, #tpu.memory_space<hbm>>
      %dma_wait3A_296 = tpu.memref_squeeze %dma_wait3A_295 : memref<1x128xi32, #tpu.memory_space<hbm>> -> memref<128xi32, #tpu.memory_space<hbm>>
      tpu.wait_dma2 semaphore(%arg12 : memref<!tpu.dma_semaphore, #tpu.memory_space<semaphore_mem>>) src(%dma_wait3A_296 : memref<128xi32, #tpu.memory_space<hbm>>) dst(%dma_wait3A_293 : memref<128xi32, #tpu.memory_space<vmem>>)
      %dma_wait3A_297 = arith.constant 0 : i32
      %dma_wait3A_298 = arith.constant 0 : i32
      %dma_wait3A_299 = tpu.memref_slice %arg7[%dma_wait3A_297, %dma_wait3A_298] : memref<2x128xi32, #tpu.memory_space<vmem>> -> memref<1x128xi32, #tpu.memory_space<vmem>>
      %dma_wait3A_300 = tpu.memref_squeeze %dma_wait3A_299 : memref<1x128xi32, #tpu.memory_space<vmem>> -> memref<128xi32, #tpu.memory_space<vmem>>
      %dma_wait3A_301 = arith.constant 0 : i32
      %dma_wait3A_302 = tpu.memref_slice %arg4[%add3A, %dma_wait3A_301] : memref<2560x128xi32, #tpu.memory_space<hbm>> -> memref<1x128xi32, #tpu.memory_space<hbm>>
      %dma_wait3A_303 = tpu.memref_squeeze %dma_wait3A_302 : memref<1x128xi32, #tpu.memory_space<hbm>> -> memref<128xi32, #tpu.memory_space<hbm>>
      %dma_wait3A_304 = arith.constant 0 : i32
      %dma_wait3A_305 = tpu.memref_slice %arg7[%dma_wait3A_297, %dma_wait3A_304] : memref<2x128xi32, #tpu.memory_space<vmem>> -> memref<1x128xi32, #tpu.memory_space<vmem>>
      %dma_wait3A_306 = tpu.memref_squeeze %dma_wait3A_305 : memref<1x128xi32, #tpu.memory_space<vmem>> -> memref<128xi32, #tpu.memory_space<vmem>>
      %dma_wait3A_307 = arith.constant 0 : i32
      %dma_wait3A_308 = tpu.memref_slice %arg4[%add3A, %dma_wait3A_307] : memref<2560x128xi32, #tpu.memory_space<hbm>> -> memref<1x128xi32, #tpu.memory_space<hbm>>
      %dma_wait3A_309 = tpu.memref_squeeze %dma_wait3A_308 : memref<1x128xi32, #tpu.memory_space<hbm>> -> memref<128xi32, #tpu.memory_space<hbm>>
      tpu.wait_dma2 semaphore(%arg12 : memref<!tpu.dma_semaphore, #tpu.memory_space<semaphore_mem>>) src(%dma_wait3A_309 : memref<128xi32, #tpu.memory_space<hbm>>) dst(%dma_wait3A_306 : memref<128xi32, #tpu.memory_space<vmem>>)
      %dma_wait3A_310 = arith.constant 1 : i32
      %dma_wait3A_311 = arith.constant 1 : i32
      %dma_wait3A_312 = arith.constant 0 : i32
      %dma_wait3A_313 = arith.constant 0 : i32
      %dma_wait3A_314 = tpu.memref_slice %arg8[%dma_wait3A_311, %dma_wait3A_312, %dma_wait3A_313] : memref<2x128x128xf32, #tpu.memory_space<vmem>> -> memref<1x128x128xf32, #tpu.memory_space<vmem>>
      %dma_wait3A_315 = tpu.memref_squeeze %dma_wait3A_314 : memref<1x128x128xf32, #tpu.memory_space<vmem>> -> memref<128x128xf32, #tpu.memory_space<vmem>>
      %dma_wait3A_316 = arith.constant 0 : i32
      %dma_wait3A_317 = tpu.memref_slice %arg6[%dma_wait3A_310, %dma_wait3A_316] : memref<2x128xi32, #tpu.memory_space<vmem>> -> memref<1x128xi32, #tpu.memory_space<vmem>>
      %dma_wait3A_318 = tpu.memref_squeeze %dma_wait3A_317 : memref<1x128xi32, #tpu.memory_space<vmem>> -> memref<128xi32, #tpu.memory_space<vmem>>
      %dma_wait3A_319 = arith.constant 0 : i32
      %dma_wait3A_320 = arith.constant 0 : i32
      %dma_wait3A_321 = tpu.memref_slice %arg2[%dma_wait3A_319, %dma_wait3A_320] : memref<10112x128xf32, #tpu.memory_space<hbm>> -> memref<10112x128xf32, #tpu.memory_space<hbm>>
      tpu.wait_indirect_dma semaphore(%arg11 : memref<!tpu.dma_semaphore, #tpu.memory_space<semaphore_mem>>) src(%dma_wait3A_321 : memref<10112x128xf32, #tpu.memory_space<hbm>>) dst(%dma_wait3A_315 : memref<128x128xf32, #tpu.memory_space<vmem>>)
      %dma_start3A_322 = arith.constant 0 : i32
      %dma_start3A_323 = arith.constant 0 : i32
      %dma_start3A_324 = arith.constant 0 : i32
      %dma_start3A_325 = arith.constant 0 : i32
      %dma_start3A_326 = tpu.memref_slice %arg8[%dma_start3A_323, %dma_start3A_324, %dma_start3A_325] : memref<2x128x128xf32, #tpu.memory_space<vmem>> -> memref<1x128x128xf32, #tpu.memory_space<vmem>>
      %dma_start3A_327 = tpu.memref_squeeze %dma_start3A_326 : memref<1x128x128xf32, #tpu.memory_space<vmem>> -> memref<128x128xf32, #tpu.memory_space<vmem>>
      %dma_start3A_328 = arith.constant 0 : i32
      %dma_start3A_329 = tpu.memref_slice %arg6[%dma_start3A_322, %dma_start3A_328] : memref<2x128xi32, #tpu.memory_space<vmem>> -> memref<1x128xi32, #tpu.memory_space<vmem>>
      %dma_start3A_330 = tpu.memref_squeeze %dma_start3A_329 : memref<1x128xi32, #tpu.memory_space<vmem>> -> memref<128xi32, #tpu.memory_space<vmem>>
      %dma_start3A_331 = arith.constant 0 : i32
      %dma_start3A_332 = arith.constant 0 : i32
      %dma_start3A_333 = tpu.memref_slice %arg2[%dma_start3A_331, %dma_start3A_332] : memref<10112x128xf32, #tpu.memory_space<hbm>> -> memref<10112x128xf32, #tpu.memory_space<hbm>>
      tpu.enqueue_indirect_dma source(%dma_start3A_333 : memref<10112x128xf32, #tpu.memory_space<hbm>>) target(%dma_start3A_327 : memref<128x128xf32, #tpu.memory_space<vmem>>) offsets(%dma_start3A_330 : memref<128xi32, #tpu.memory_space<vmem>>) semaphore(%arg10 : memref<!tpu.dma_semaphore, #tpu.memory_space<semaphore_mem>>)
      %run_scoped3A_334 = arith.constant 1 : i32
      %run_scoped3A_335 = arith.constant 1 : i32
      "tpu.region"() ({
        %run_scoped3A_368 = tpu.sem_alloc : memref<!tpu.dma_semaphore, #tpu.memory_space<semaphore_mem>>
        %dma_start3A_369 = arith.constant 0 : i32
        %dma_start3A_370 = arith.constant 0 : i32
        %dma_start3A_371 = tpu.memref_slice %arg8[%run_scoped3A_334, %dma_start3A_369, %dma_start3A_370] : memref<2x128x128xf32, #tpu.memory_space<vmem>> -> memref<1x128x128xf32, #tpu.memory_space<vmem>>
        %dma_start3A_372 = tpu.memref_squeeze %dma_start3A_371 : memref<1x128x128xf32, #tpu.memory_space<vmem>> -> memref<128x128xf32, #tpu.memory_space<vmem>>
        %dma_start3A_373 = arith.constant 0 : i32
        %dma_start3A_374 = tpu.memref_slice %arg7[%run_scoped3A_335, %dma_start3A_373] : memref<2x128xi32, #tpu.memory_space<vmem>> -> memref<1x128xi32, #tpu.memory_space<vmem>>
        %dma_start3A_375 = tpu.memref_squeeze %dma_start3A_374 : memref<1x128xi32, #tpu.memory_space<vmem>> -> memref<128xi32, #tpu.memory_space<vmem>>
        %dma_start3A_376 = arith.constant 0 : i32
        %dma_start3A_377 = arith.constant 0 : i32
        %dma_start3A_378 = tpu.memref_slice %arg9[%dma_start3A_376, %dma_start3A_377] : memref<10112x128xf32, #tpu.memory_space<vmem_shared>> -> memref<10112x128xf32, #tpu.memory_space<vmem_shared>>
        tpu.enqueue_indirect_dma source(%dma_start3A_372 : memref<128x128xf32, #tpu.memory_space<vmem>>) target(%dma_start3A_378 : memref<10112x128xf32, #tpu.memory_space<vmem_shared>>) offsets(%dma_start3A_375 : memref<128xi32, #tpu.memory_space<vmem>>) semaphore(%run_scoped3A_368 : memref<!tpu.dma_semaphore, #tpu.memory_space<semaphore_mem>>) {add = true}
        %dma_wait3A_379 = arith.constant 0 : i32
        %dma_wait3A_380 = arith.constant 0 : i32
        %dma_wait3A_381 = tpu.memref_slice %arg8[%run_scoped3A_334, %dma_wait3A_379, %dma_wait3A_380] : memref<2x128x128xf32, #tpu.memory_space<vmem>> -> memref<1x128x128xf32, #tpu.memory_space<vmem>>
        %dma_wait3A_382 = tpu.memref_squeeze %dma_wait3A_381 : memref<1x128x128xf32, #tpu.memory_space<vmem>> -> memref<128x128xf32, #tpu.memory_space<vmem>>
        %dma_wait3A_383 = arith.constant 0 : i32
        %dma_wait3A_384 = tpu.memref_slice %arg7[%run_scoped3A_335, %dma_wait3A_383] : memref<2x128xi32, #tpu.memory_space<vmem>> -> memref<1x128xi32, #tpu.memory_space<vmem>>
        %dma_wait3A_385 = tpu.memref_squeeze %dma_wait3A_384 : memref<1x128xi32, #tpu.memory_space<vmem>> -> memref<128xi32, #tpu.memory_space<vmem>>
        %dma_wait3A_386 = arith.constant 0 : i32
        %dma_wait3A_387 = arith.constant 0 : i32
        %dma_wait3A_388 = tpu.memref_slice %arg9[%dma_wait3A_386, %dma_wait3A_387] : memref<10112x128xf32, #tpu.memory_space<vmem_shared>> -> memref<10112x128xf32, #tpu.memory_space<vmem_shared>>
        tpu.wait_indirect_dma semaphore(%run_scoped3A_368 : memref<!tpu.dma_semaphore, #tpu.memory_space<semaphore_mem>>) src(%dma_wait3A_382 : memref<128x128xf32, #tpu.memory_space<vmem>>) dst(%dma_wait3A_388 : memref<10112x128xf32, #tpu.memory_space<vmem_shared>>)
        tpu.yield
      }) : () -> ()
      %add3A_336 = arith.constant 1 : i32
      %add3A_337 = arith.addi %mul3A_199, %add3A_336 : i32
      %add3A_338 = arith.constant 2 : i32
      %add3A_339 = arith.addi %add3A_337, %add3A_338 : i32
      %add3A_340 = arith.addi %add3A, %add3A_339 : i32
      %dma_start3A_341 = arith.constant 1 : i32
      %dma_start3A_342 = arith.constant 0 : i32
      %dma_start3A_343 = tpu.memref_slice %arg6[%dma_start3A_341, %dma_start3A_342] : memref<2x128xi32, #tpu.memory_space<vmem>> -> memref<1x128xi32, #tpu.memory_space<vmem>>
      %dma_start3A_344 = tpu.memref_squeeze %dma_start3A_343 : memref<1x128xi32, #tpu.memory_space<vmem>> -> memref<128xi32, #tpu.memory_space<vmem>>
      %dma_start3A_345 = arith.constant 0 : i32
      %dma_start3A_346 = tpu.memref_slice %arg3[%add3A_340, %dma_start3A_345] : memref<2560x128xi32, #tpu.memory_space<hbm>> -> memref<1x128xi32, #tpu.memory_space<hbm>>
      %dma_start3A_347 = tpu.memref_squeeze %dma_start3A_346 : memref<1x128xi32, #tpu.memory_space<hbm>> -> memref<128xi32, #tpu.memory_space<hbm>>
      %dma_start3A_348 = arith.constant 0 : i32
      %dma_start3A_349 = tpu.memref_slice %arg6[%dma_start3A_341, %dma_start3A_348] : memref<2x128xi32, #tpu.memory_space<vmem>> -> memref<1x128xi32, #tpu.memory_space<vmem>>
      %dma_start3A_350 = tpu.memref_squeeze %dma_start3A_349 : memref<1x128xi32, #tpu.memory_space<vmem>> -> memref<128xi32, #tpu.memory_space<vmem>>
      %dma_start3A_351 = arith.constant 0 : i32
      %dma_start3A_352 = tpu.memref_slice %arg3[%add3A_340, %dma_start3A_351] : memref<2560x128xi32, #tpu.memory_space<hbm>> -> memref<1x128xi32, #tpu.memory_space<hbm>>
      %dma_start3A_353 = tpu.memref_squeeze %dma_start3A_352 : memref<1x128xi32, #tpu.memory_space<hbm>> -> memref<128xi32, #tpu.memory_space<hbm>>
      tpu.enqueue_dma source(%dma_start3A_353 : memref<128xi32, #tpu.memory_space<hbm>>) target(%dma_start3A_350 : memref<128xi32, #tpu.memory_space<vmem>>) target_semaphore(%arg13 : memref<!tpu.dma_semaphore, #tpu.memory_space<semaphore_mem>>)
      %add3A_354 = arith.addi %add3A, %add3A_339 : i32
      %dma_start3A_355 = arith.constant 1 : i32
      %dma_start3A_356 = arith.constant 0 : i32
      %dma_start3A_357 = tpu.memref_slice %arg7[%dma_start3A_355, %dma_start3A_356] : memref<2x128xi32, #tpu.memory_space<vmem>> -> memref<1x128xi32, #tpu.memory_space<vmem>>
      %dma_start3A_358 = tpu.memref_squeeze %dma_start3A_357 : memref<1x128xi32, #tpu.memory_space<vmem>> -> memref<128xi32, #tpu.memory_space<vmem>>
      %dma_start3A_359 = arith.constant 0 : i32
      %dma_start3A_360 = tpu.memref_slice %arg4[%add3A_354, %dma_start3A_359] : memref<2560x128xi32, #tpu.memory_space<hbm>> -> memref<1x128xi32, #tpu.memory_space<hbm>>
      %dma_start3A_361 = tpu.memref_squeeze %dma_start3A_360 : memref<1x128xi32, #tpu.memory_space<hbm>> -> memref<128xi32, #tpu.memory_space<hbm>>
      %dma_start3A_362 = arith.constant 0 : i32
      %dma_start3A_363 = tpu.memref_slice %arg7[%dma_start3A_355, %dma_start3A_362] : memref<2x128xi32, #tpu.memory_space<vmem>> -> memref<1x128xi32, #tpu.memory_space<vmem>>
      %dma_start3A_364 = tpu.memref_squeeze %dma_start3A_363 : memref<1x128xi32, #tpu.memory_space<vmem>> -> memref<128xi32, #tpu.memory_space<vmem>>
      %dma_start3A_365 = arith.constant 0 : i32
      %dma_start3A_366 = tpu.memref_slice %arg4[%add3A_354, %dma_start3A_365] : memref<2560x128xi32, #tpu.memory_space<hbm>> -> memref<1x128xi32, #tpu.memory_space<hbm>>
      %dma_start3A_367 = tpu.memref_squeeze %dma_start3A_366 : memref<1x128xi32, #tpu.memory_space<hbm>> -> memref<128xi32, #tpu.memory_space<hbm>>
      tpu.enqueue_dma source(%dma_start3A_367 : memref<128xi32, #tpu.memory_space<hbm>>) target(%dma_start3A_364 : memref<128xi32, #tpu.memory_space<vmem>>) target_semaphore(%arg13 : memref<!tpu.dma_semaphore, #tpu.memory_space<semaphore_mem>>)
    }
    %while3A_129 = arith.constant 1 : i32
    scf.for %while3A_197 = %while3A_127 to %while3A_123 step %while3A_129  : i32 {
      %mul3A_198 = arith.constant 2 : i32
      %mul3A_199 = arith.muli %while3A_197, %mul3A_198 : i32
      %dma_wait3A_200 = arith.constant 1 : i32
      %dma_wait3A_201 = arith.constant 0 : i32
      %dma_wait3A_202 = tpu.memref_slice %arg6[%dma_wait3A_200, %dma_wait3A_201] : memref<2x128xi32, #tpu.memory_space<vmem>> -> memref<1x128xi32, #tpu.memory_space<vmem>>
      %dma_wait3A_203 = tpu.memref_squeeze %dma_wait3A_202 : memref<1x128xi32, #tpu.memory_space<vmem>> -> memref<128xi32, #tpu.memory_space<vmem>>
      %dma_wait3A_204 = arith.constant 0 : i32
      %dma_wait3A_205 = tpu.memref_slice %arg3[%add3A, %dma_wait3A_204] : memref<2560x128xi32, #tpu.memory_space<hbm>> -> memref<1x128xi32, #tpu.memory_space<hbm>>
      %dma_wait3A_206 = tpu.memref_squeeze %dma_wait3A_205 : memref<1x128xi32, #tpu.memory_space<hbm>> -> memref<128xi32, #tpu.memory_space<hbm>>
      %dma_wait3A_207 = arith.constant 0 : i32
      %dma_wait3A_208 = tpu.memref_slice %arg6[%dma_wait3A_200, %dma_wait3A_207] : memref<2x128xi32, #tpu.memory_space<vmem>> -> memref<1x128xi32, #tpu.memory_space<vmem>>
      %dma_wait3A_209 = tpu.memref_squeeze %dma_wait3A_208 : memref<1x128xi32, #tpu.memory_space<vmem>> -> memref<128xi32, #tpu.memory_space<vmem>>
      %dma_wait3A_210 = arith.constant 0 : i32
      %dma_wait3A_211 = tpu.memref_slice %arg3[%add3A, %dma_wait3A_210] : memref<2560x128xi32, #tpu.memory_space<hbm>> -> memref<1x128xi32, #tpu.memory_space<hbm>>
      %dma_wait3A_212 = tpu.memref_squeeze %dma_wait3A_211 : memref<1x128xi32, #tpu.memory_space<hbm>> -> memref<128xi32, #tpu.memory_space<hbm>>
      tpu.wait_dma2 semaphore(%arg13 : memref<!tpu.dma_semaphore, #tpu.memory_space<semaphore_mem>>) src(%dma_wait3A_212 : memref<128xi32, #tpu.memory_space<hbm>>) dst(%dma_wait3A_209 : memref<128xi32, #tpu.memory_space<vmem>>)
      %dma_wait3A_213 = arith.constant 1 : i32
      %dma_wait3A_214 = arith.constant 0 : i32
      %dma_wait3A_215 = tpu.memref_slice %arg7[%dma_wait3A_213, %dma_wait3A_214] : memref<2x128xi32, #tpu.memory_space<vmem>> -> memref<1x128xi32, #tpu.memory_space<vmem>>
      %dma_wait3A_216 = tpu.memref_squeeze %dma_wait3A_215 : memref<1x128xi32, #tpu.memory_space<vmem>> -> memref<128xi32, #tpu.memory_space<vmem>>
      %dma_wait3A_217 = arith.constant 0 : i32
      %dma_wait3A_218 = tpu.memref_slice %arg4[%add3A, %dma_wait3A_217] : memref<2560x128xi32, #tpu.memory_space<hbm>> -> memref<1x128xi32, #tpu.memory_space<hbm>>
      %dma_wait3A_219 = tpu.memref_squeeze %dma_wait3A_218 : memref<1x128xi32, #tpu.memory_space<hbm>> -> memref<128xi32, #tpu.memory_space<hbm>>
      %dma_wait3A_220 = arith.constant 0 : i32
      %dma_wait3A_221 = tpu.memref_slice %arg7[%dma_wait3A_213, %dma_wait3A_220] : memref<2x128xi32, #tpu.memory_space<vmem>> -> memref<1x128xi32, #tpu.memory_space<vmem>>
      %dma_wait3A_222 = tpu.memref_squeeze %dma_wait3A_221 : memref<1x128xi32, #tpu.memory_space<vmem>> -> memref<128xi32, #tpu.memory_space<vmem>>
      %dma_wait3A_223 = arith.constant 0 : i32
      %dma_wait3A_224 = tpu.memref_slice %arg4[%add3A, %dma_wait3A_223] : memref<2560x128xi32, #tpu.memory_space<hbm>> -> memref<1x128xi32, #tpu.memory_space<hbm>>
      %dma_wait3A_225 = tpu.memref_squeeze %dma_wait3A_224 : memref<1x128xi32, #tpu.memory_space<hbm>> -> memref<128xi32, #tpu.memory_space<hbm>>
      tpu.wait_dma2 semaphore(%arg13 : memref<!tpu.dma_semaphore, #tpu.memory_space<semaphore_mem>>) src(%dma_wait3A_225 : memref<128xi32, #tpu.memory_space<hbm>>) dst(%dma_wait3A_222 : memref<128xi32, #tpu.memory_space<vmem>>)
      %dma_wait3A_226 = arith.constant 0 : i32
      %dma_wait3A_227 = arith.constant 0 : i32
      %dma_wait3A_228 = arith.constant 0 : i32
      %dma_wait3A_229 = arith.constant 0 : i32
      %dma_wait3A_230 = tpu.memref_slice %arg8[%dma_wait3A_227, %dma_wait3A_228, %dma_wait3A_229] : memref<2x128x128xf32, #tpu.memory_space<vmem>> -> memref<1x128x128xf32, #tpu.memory_space<vmem>>
      %dma_wait3A_231 = tpu.memref_squeeze %dma_wait3A_230 : memref<1x128x128xf32, #tpu.memory_space<vmem>> -> memref<128x128xf32, #tpu.memory_space<vmem>>
      %dma_wait3A_232 = arith.constant 0 : i32
      %dma_wait3A_233 = tpu.memref_slice %arg6[%dma_wait3A_226, %dma_wait3A_232] : memref<2x128xi32, #tpu.memory_space<vmem>> -> memref<1x128xi32, #tpu.memory_space<vmem>>
      %dma_wait3A_234 = tpu.memref_squeeze %dma_wait3A_233 : memref<1x128xi32, #tpu.memory_space<vmem>> -> memref<128xi32, #tpu.memory_space<vmem>>
      %dma_wait3A_235 = arith.constant 0 : i32
      %dma_wait3A_236 = arith.constant 0 : i32
      %dma_wait3A_237 = tpu.memref_slice %arg2[%dma_wait3A_235, %dma_wait3A_236] : memref<10112x128xf32, #tpu.memory_space<hbm>> -> memref<10112x128xf32, #tpu.memory_space<hbm>>
      tpu.wait_indirect_dma semaphore(%arg10 : memref<!tpu.dma_semaphore, #tpu.memory_space<semaphore_mem>>) src(%dma_wait3A_237 : memref<10112x128xf32, #tpu.memory_space<hbm>>) dst(%dma_wait3A_231 : memref<128x128xf32, #tpu.memory_space<vmem>>)
      %dma_start3A_238 = arith.constant 1 : i32
      %dma_start3A_239 = arith.constant 1 : i32
      %dma_start3A_240 = arith.constant 0 : i32
      %dma_start3A_241 = arith.constant 0 : i32
      %dma_start3A_242 = tpu.memref_slice %arg8[%dma_start3A_239, %dma_start3A_240, %dma_start3A_241] : memref<2x128x128xf32, #tpu.memory_space<vmem>> -> memref<1x128x128xf32, #tpu.memory_space<vmem>>
      %dma_start3A_243 = tpu.memref_squeeze %dma_start3A_242 : memref<1x128x128xf32, #tpu.memory_space<vmem>> -> memref<128x128xf32, #tpu.memory_space<vmem>>
      %dma_start3A_244 = arith.constant 0 : i32
      %dma_start3A_245 = tpu.memref_slice %arg6[%dma_start3A_238, %dma_start3A_244] : memref<2x128xi32, #tpu.memory_space<vmem>> -> memref<1x128xi32, #tpu.memory_space<vmem>>
      %dma_start3A_246 = tpu.memref_squeeze %dma_start3A_245 : memref<1x128xi32, #tpu.memory_space<vmem>> -> memref<128xi32, #tpu.memory_space<vmem>>
      %dma_start3A_247 = arith.constant 0 : i32
      %dma_start3A_248 = arith.constant 0 : i32
      %dma_start3A_249 = tpu.memref_slice %arg2[%dma_start3A_247, %dma_start3A_248] : memref<10112x128xf32, #tpu.memory_space<hbm>> -> memref<10112x128xf32, #tpu.memory_space<hbm>>
      tpu.enqueue_indirect_dma source(%dma_start3A_249 : memref<10112x128xf32, #tpu.memory_space<hbm>>) target(%dma_start3A_243 : memref<128x128xf32, #tpu.memory_space<vmem>>) offsets(%dma_start3A_246 : memref<128xi32, #tpu.memory_space<vmem>>) semaphore(%arg11 : memref<!tpu.dma_semaphore, #tpu.memory_space<semaphore_mem>>)
      %run_scoped3A_250 = arith.constant 0 : i32
      %run_scoped3A_251 = arith.constant 0 : i32
      "tpu.region"() ({
        %run_scoped3A_368 = tpu.sem_alloc : memref<!tpu.dma_semaphore, #tpu.memory_space<semaphore_mem>>
        %dma_start3A_369 = arith.constant 0 : i32
        %dma_start3A_370 = arith.constant 0 : i32
        %dma_start3A_371 = tpu.memref_slice %arg8[%run_scoped3A_250, %dma_start3A_369, %dma_start3A_370] : memref<2x128x128xf32, #tpu.memory_space<vmem>> -> memref<1x128x128xf32, #tpu.memory_space<vmem>>
        %dma_start3A_372 = tpu.memref_squeeze %dma_start3A_371 : memref<1x128x128xf32, #tpu.memory_space<vmem>> -> memref<128x128xf32, #tpu.memory_space<vmem>>
        %dma_start3A_373 = arith.constant 0 : i32
        %dma_start3A_374 = tpu.memref_slice %arg7[%run_scoped3A_251, %dma_start3A_373] : memref<2x128xi32, #tpu.memory_space<vmem>> -> memref<1x128xi32, #tpu.memory_space<vmem>>
        %dma_start3A_375 = tpu.memref_squeeze %dma_start3A_374 : memref<1x128xi32, #tpu.memory_space<vmem>> -> memref<128xi32, #tpu.memory_space<vmem>>
        %dma_start3A_376 = arith.constant 0 : i32
        %dma_start3A_377 = arith.constant 0 : i32
        %dma_start3A_378 = tpu.memref_slice %arg9[%dma_start3A_376, %dma_start3A_377] : memref<10112x128xf32, #tpu.memory_space<vmem_shared>> -> memref<10112x128xf32, #tpu.memory_space<vmem_shared>>
        tpu.enqueue_indirect_dma source(%dma_start3A_372 : memref<128x128xf32, #tpu.memory_space<vmem>>) target(%dma_start3A_378 : memref<10112x128xf32, #tpu.memory_space<vmem_shared>>) offsets(%dma_start3A_375 : memref<128xi32, #tpu.memory_space<vmem>>) semaphore(%run_scoped3A_368 : memref<!tpu.dma_semaphore, #tpu.memory_space<semaphore_mem>>) {add = true}
        %dma_wait3A_379 = arith.constant 0 : i32
        %dma_wait3A_380 = arith.constant 0 : i32
        %dma_wait3A_381 = tpu.memref_slice %arg8[%run_scoped3A_250, %dma_wait3A_379, %dma_wait3A_380] : memref<2x128x128xf32, #tpu.memory_space<vmem>> -> memref<1x128x128xf32, #tpu.memory_space<vmem>>
        %dma_wait3A_382 = tpu.memref_squeeze %dma_wait3A_381 : memref<1x128x128xf32, #tpu.memory_space<vmem>> -> memref<128x128xf32, #tpu.memory_space<vmem>>
        %dma_wait3A_383 = arith.constant 0 : i32
        %dma_wait3A_384 = tpu.memref_slice %arg7[%run_scoped3A_251, %dma_wait3A_383] : memref<2x128xi32, #tpu.memory_space<vmem>> -> memref<1x128xi32, #tpu.memory_space<vmem>>
        %dma_wait3A_385 = tpu.memref_squeeze %dma_wait3A_384 : memref<1x128xi32, #tpu.memory_space<vmem>> -> memref<128xi32, #tpu.memory_space<vmem>>
        %dma_wait3A_386 = arith.constant 0 : i32
        %dma_wait3A_387 = arith.constant 0 : i32
        %dma_wait3A_388 = tpu.memref_slice %arg9[%dma_wait3A_386, %dma_wait3A_387] : memref<10112x128xf32, #tpu.memory_space<vmem_shared>> -> memref<10112x128xf32, #tpu.memory_space<vmem_shared>>
        tpu.wait_indirect_dma semaphore(%run_scoped3A_368 : memref<!tpu.dma_semaphore, #tpu.memory_space<semaphore_mem>>) src(%dma_wait3A_382 : memref<128x128xf32, #tpu.memory_space<vmem>>) dst(%dma_wait3A_388 : memref<10112x128xf32, #tpu.memory_space<vmem_shared>>)
        tpu.yield
      }) : () -> ()
      %add3A_252 = arith.constant 0 : i32
      %add3A_253 = arith.addi %mul3A_199, %add3A_252 : i32
      %add3A_254 = arith.constant 2 : i32
      %add3A_255 = arith.addi %add3A_253, %add3A_254 : i32
      %add3A_256 = arith.addi %add3A, %add3A_255 : i32
      %dma_start3A_257 = arith.constant 0 : i32
      %dma_start3A_258 = arith.constant 0 : i32
      %dma_start3A_259 = tpu.memref_slice %arg6[%dma_start3A_257, %dma_start3A_258] : memref<2x128xi32, #tpu.memory_space<vmem>> -> memref<1x128xi32, #tpu.memory_space<vmem>>
      %dma_start3A_260 = tpu.memref_squeeze %dma_start3A_259 : memref<1x128xi32, #tpu.memory_space<vmem>> -> memref<128xi32, #tpu.memory_space<vmem>>
      %dma_start3A_261 = arith.constant 0 : i32
      %dma_start3A_262 = tpu.memref_slice %arg3[%add3A_256, %dma_start3A_261] : memref<2560x128xi32, #tpu.memory_space<hbm>> -> memref<1x128xi32, #tpu.memory_space<hbm>>
      %dma_start3A_263 = tpu.memref_squeeze %dma_start3A_262 : memref<1x128xi32, #tpu.memory_space<hbm>> -> memref<128xi32, #tpu.memory_space<hbm>>
      %dma_start3A_264 = arith.constant 0 : i32
      %dma_start3A_265 = tpu.memref_slice %arg6[%dma_start3A_257, %dma_start3A_264] : memref<2x128xi32, #tpu.memory_space<vmem>> -> memref<1x128xi32, #tpu.memory_space<vmem>>
      %dma_start3A_266 = tpu.memref_squeeze %dma_start3A_265 : memref<1x128xi32, #tpu.memory_space<vmem>> -> memref<128xi32, #tpu.memory_space<vmem>>
      %dma_start3A_267 = arith.constant 0 : i32
      %dma_start3A_268 = tpu.memref_slice %arg3[%add3A_256, %dma_start3A_267] : memref<2560x128xi32, #tpu.memory_space<hbm>> -> memref<1x128xi32, #tpu.memory_space<hbm>>
      %dma_start3A_269 = tpu.memref_squeeze %dma_start3A_268 : memref<1x128xi32, #tpu.memory_space<hbm>> -> memref<128xi32, #tpu.memory_space<hbm>>
      tpu.enqueue_dma source(%dma_start3A_269 : memref<128xi32, #tpu.memory_space<hbm>>) target(%dma_start3A_266 : memref<128xi32, #tpu.memory_space<vmem>>) target_semaphore(%arg12 : memref<!tpu.dma_semaphore, #tpu.memory_space<semaphore_mem>>)
      %add3A_270 = arith.addi %add3A, %add3A_255 : i32
      %dma_start3A_271 = arith.constant 0 : i32
      %dma_start3A_272 = arith.constant 0 : i32
      %dma_start3A_273 = tpu.memref_slice %arg7[%dma_start3A_271, %dma_start3A_272] : memref<2x128xi32, #tpu.memory_space<vmem>> -> memref<1x128xi32, #tpu.memory_space<vmem>>
      %dma_start3A_274 = tpu.memref_squeeze %dma_start3A_273 : memref<1x128xi32, #tpu.memory_space<vmem>> -> memref<128xi32, #tpu.memory_space<vmem>>
      %dma_start3A_275 = arith.constant 0 : i32
      %dma_start3A_276 = tpu.memref_slice %arg4[%add3A_270, %dma_start3A_275] : memref<2560x128xi32, #tpu.memory_space<hbm>> -> memref<1x128xi32, #tpu.memory_space<hbm>>
      %dma_start3A_277 = tpu.memref_squeeze %dma_start3A_276 : memref<1x128xi32, #tpu.memory_space<hbm>> -> memref<128xi32, #tpu.memory_space<hbm>>
      %dma_start3A_278 = arith.constant 0 : i32
      %dma_start3A_279 = tpu.memref_slice %arg7[%dma_start3A_271, %dma_start3A_278] : memref<2x128xi32, #tpu.memory_space<vmem>> -> memref<1x128xi32, #tpu.memory_space<vmem>>
      %dma_start3A_280 = tpu.memref_squeeze %dma_start3A_279 : memref<1x128xi32, #tpu.memory_space<vmem>> -> memref<128xi32, #tpu.memory_space<vmem>>
      %dma_start3A_281 = arith.constant 0 : i32
      %dma_start3A_282 = tpu.memref_slice %arg4[%add3A_270, %dma_start3A_281] : memref<2560x128xi32, #tpu.memory_space<hbm>> -> memref<1x128xi32, #tpu.memory_space<hbm>>
      %dma_start3A_283 = tpu.memref_squeeze %dma_start3A_282 : memref<1x128xi32, #tpu.memory_space<hbm>> -> memref<128xi32, #tpu.memory_space<hbm>>
      tpu.enqueue_dma source(%dma_start3A_283 : memref<128xi32, #tpu.memory_space<hbm>>) target(%dma_start3A_280 : memref<128xi32, #tpu.memory_space<vmem>>) target_semaphore(%arg12 : memref<!tpu.dma_semaphore, #tpu.memory_space<semaphore_mem>>)
      %dma_wait3A_284 = arith.constant 0 : i32
      %dma_wait3A_285 = arith.constant 0 : i32
      %dma_wait3A_286 = tpu.memref_slice %arg6[%dma_wait3A_284, %dma_wait3A_285] : memref<2x128xi32, #tpu.memory_space<vmem>> -> memref<1x128xi32, #tpu.memory_space<vmem>>
      %dma_wait3A_287 = tpu.memref_squeeze %dma_wait3A_286 : memref<1x128xi32, #tpu.memory_space<vmem>> -> memref<128xi32, #tpu.memory_space<vmem>>
      %dma_wait3A_288 = arith.constant 0 : i32
      %dma_wait3A_289 = tpu.memref_slice %arg3[%add3A, %dma_wait3A_288] : memref<2560x128xi32, #tpu.memory_space<hbm>> -> memref<1x128xi32, #tpu.memory_space<hbm>>
      %dma_wait3A_290 = tpu.memref_squeeze %dma_wait3A_289 : memref<1x128xi32, #tpu.memory_space<hbm>> -> memref<128xi32, #tpu.memory_space<hbm>>
      %dma_wait3A_291 = arith.constant 0 : i32
      %dma_wait3A_292 = tpu.memref_slice %arg6[%dma_wait3A_284, %dma_wait3A_291] : memref<2x128xi32, #tpu.memory_space<vmem>> -> memref<1x128xi32, #tpu.memory_space<vmem>>
      %dma_wait3A_293 = tpu.memref_squeeze %dma_wait3A_292 : memref<1x128xi32, #tpu.memory_space<vmem>> -> memref<128xi32, #tpu.memory_space<vmem>>
      %dma_wait3A_294 = arith.constant 0 : i32
      %dma_wait3A_295 = tpu.memref_slice %arg3[%add3A, %dma_wait3A_294] : memref<2560x128xi32, #tpu.memory_space<hbm>> -> memref<1x128xi32, #tpu.memory_space<hbm>>
      %dma_wait3A_296 = tpu.memref_squeeze %dma_wait3A_295 : memref<1x128xi32, #tpu.memory_space<hbm>> -> memref<128xi32, #tpu.memory_space<hbm>>
      tpu.wait_dma2 semaphore(%arg12 : memref<!tpu.dma_semaphore, #tpu.memory_space<semaphore_mem>>) src(%dma_wait3A_296 : memref<128xi32, #tpu.memory_space<hbm>>) dst(%dma_wait3A_293 : memref<128xi32, #tpu.memory_space<vmem>>)
      %dma_wait3A_297 = arith.constant 0 : i32
      %dma_wait3A_298 = arith.constant 0 : i32
      %dma_wait3A_299 = tpu.memref_slice %arg7[%dma_wait3A_297, %dma_wait3A_298] : memref<2x128xi32, #tpu.memory_space<vmem>> -> memref<1x128xi32, #tpu.memory_space<vmem>>
      %dma_wait3A_300 = tpu.memref_squeeze %dma_wait3A_299 : memref<1x128xi32, #tpu.memory_space<vmem>> -> memref<128xi32, #tpu.memory_space<vmem>>
      %dma_wait3A_301 = arith.constant 0 : i32
      %dma_wait3A_302 = tpu.memref_slice %arg4[%add3A, %dma_wait3A_301] : memref<2560x128xi32, #tpu.memory_space<hbm>> -> memref<1x128xi32, #tpu.memory_space<hbm>>
      %dma_wait3A_303 = tpu.memref_squeeze %dma_wait3A_302 : memref<1x128xi32, #tpu.memory_space<hbm>> -> memref<128xi32, #tpu.memory_space<hbm>>
      %dma_wait3A_304 = arith.constant 0 : i32
      %dma_wait3A_305 = tpu.memref_slice %arg7[%dma_wait3A_297, %dma_wait3A_304] : memref<2x128xi32, #tpu.memory_space<vmem>> -> memref<1x128xi32, #tpu.memory_space<vmem>>
      %dma_wait3A_306 = tpu.memref_squeeze %dma_wait3A_305 : memref<1x128xi32, #tpu.memory_space<vmem>> -> memref<128xi32, #tpu.memory_space<vmem>>
      %dma_wait3A_307 = arith.constant 0 : i32
      %dma_wait3A_308 = tpu.memref_slice %arg4[%add3A, %dma_wait3A_307] : memref<2560x128xi32, #tpu.memory_space<hbm>> -> memref<1x128xi32, #tpu.memory_space<hbm>>
      %dma_wait3A_309 = tpu.memref_squeeze %dma_wait3A_308 : memref<1x128xi32, #tpu.memory_space<hbm>> -> memref<128xi32, #tpu.memory_space<hbm>>
      tpu.wait_dma2 semaphore(%arg12 : memref<!tpu.dma_semaphore, #tpu.memory_space<semaphore_mem>>) src(%dma_wait3A_309 : memref<128xi32, #tpu.memory_space<hbm>>) dst(%dma_wait3A_306 : memref<128xi32, #tpu.memory_space<vmem>>)
      %dma_wait3A_310 = arith.constant 1 : i32
      %dma_wait3A_311 = arith.constant 1 : i32
      %dma_wait3A_312 = arith.constant 0 : i32
      %dma_wait3A_313 = arith.constant 0 : i32
      %dma_wait3A_314 = tpu.memref_slice %arg8[%dma_wait3A_311, %dma_wait3A_312, %dma_wait3A_313] : memref<2x128x128xf32, #tpu.memory_space<vmem>> -> memref<1x128x128xf32, #tpu.memory_space<vmem>>
      %dma_wait3A_315 = tpu.memref_squeeze %dma_wait3A_314 : memref<1x128x128xf32, #tpu.memory_space<vmem>> -> memref<128x128xf32, #tpu.memory_space<vmem>>
      %dma_wait3A_316 = arith.constant 0 : i32
      %dma_wait3A_317 = tpu.memref_slice %arg6[%dma_wait3A_310, %dma_wait3A_316] : memref<2x128xi32, #tpu.memory_space<vmem>> -> memref<1x128xi32, #tpu.memory_space<vmem>>
      %dma_wait3A_318 = tpu.memref_squeeze %dma_wait3A_317 : memref<1x128xi32, #tpu.memory_space<vmem>> -> memref<128xi32, #tpu.memory_space<vmem>>
      %dma_wait3A_319 = arith.constant 0 : i32
      %dma_wait3A_320 = arith.constant 0 : i32
      %dma_wait3A_321 = tpu.memref_slice %arg2[%dma_wait3A_319, %dma_wait3A_320] : memref<10112x128xf32, #tpu.memory_space<hbm>> -> memref<10112x128xf32, #tpu.memory_space<hbm>>
      tpu.wait_indirect_dma semaphore(%arg11 : memref<!tpu.dma_semaphore, #tpu.memory_space<semaphore_mem>>) src(%dma_wait3A_321 : memref<10112x128xf32, #tpu.memory_space<hbm>>) dst(%dma_wait3A_315 : memref<128x128xf32, #tpu.memory_space<vmem>>)
      %dma_start3A_322 = arith.constant 0 : i32
      %dma_start3A_323 = arith.constant 0 : i32
      %dma_start3A_324 = arith.constant 0 : i32
      %dma_start3A_325 = arith.constant 0 : i32
      %dma_start3A_326 = tpu.memref_slice %arg8[%dma_start3A_323, %dma_start3A_324, %dma_start3A_325] : memref<2x128x128xf32, #tpu.memory_space<vmem>> -> memref<1x128x128xf32, #tpu.memory_space<vmem>>
      %dma_start3A_327 = tpu.memref_squeeze %dma_start3A_326 : memref<1x128x128xf32, #tpu.memory_space<vmem>> -> memref<128x128xf32, #tpu.memory_space<vmem>>
      %dma_start3A_328 = arith.constant 0 : i32
      %dma_start3A_329 = tpu.memref_slice %arg6[%dma_start3A_322, %dma_start3A_328] : memref<2x128xi32, #tpu.memory_space<vmem>> -> memref<1x128xi32, #tpu.memory_space<vmem>>
      %dma_start3A_330 = tpu.memref_squeeze %dma_start3A_329 : memref<1x128xi32, #tpu.memory_space<vmem>> -> memref<128xi32, #tpu.memory_space<vmem>>
      %dma_start3A_331 = arith.constant 0 : i32
      %dma_start3A_332 = arith.constant 0 : i32
      %dma_start3A_333 = tpu.memref_slice %arg2[%dma_start3A_331, %dma_start3A_332] : memref<10112x128xf32, #tpu.memory_space<hbm>> -> memref<10112x128xf32, #tpu.memory_space<hbm>>
      tpu.enqueue_indirect_dma source(%dma_start3A_333 : memref<10112x128xf32, #tpu.memory_space<hbm>>) target(%dma_start3A_327 : memref<128x128xf32, #tpu.memory_space<vmem>>) offsets(%dma_start3A_330 : memref<128xi32, #tpu.memory_space<vmem>>) semaphore(%arg10 : memref<!tpu.dma_semaphore, #tpu.memory_space<semaphore_mem>>)
      %run_scoped3A_334 = arith.constant 1 : i32
      %run_scoped3A_335 = arith.constant 1 : i32
      "tpu.region"() ({
        %run_scoped3A_368 = tpu.sem_alloc : memref<!tpu.dma_semaphore, #tpu.memory_space<semaphore_mem>>
        %dma_start3A_369 = arith.constant 0 : i32
        %dma_start3A_370 = arith.constant 0 : i32
        %dma_start3A_371 = tpu.memref_slice %arg8[%run_scoped3A_334, %dma_start3A_369, %dma_start3A_370] : memref<2x128x128xf32, #tpu.memory_space<vmem>> -> memref<1x128x128xf32, #tpu.memory_space<vmem>>
        %dma_start3A_372 = tpu.memref_squeeze %dma_start3A_371 : memref<1x128x128xf32, #tpu.memory_space<vmem>> -> memref<128x128xf32, #tpu.memory_space<vmem>>
        %dma_start3A_373 = arith.constant 0 : i32
        %dma_start3A_374 = tpu.memref_slice %arg7[%run_scoped3A_335, %dma_start3A_373] : memref<2x128xi32, #tpu.memory_space<vmem>> -> memref<1x128xi32, #tpu.memory_space<vmem>>
        %dma_start3A_375 = tpu.memref_squeeze %dma_start3A_374 : memref<1x128xi32, #tpu.memory_space<vmem>> -> memref<128xi32, #tpu.memory_space<vmem>>
        %dma_start3A_376 = arith.constant 0 : i32
        %dma_start3A_377 = arith.constant 0 : i32
        %dma_start3A_378 = tpu.memref_slice %arg9[%dma_start3A_376, %dma_start3A_377] : memref<10112x128xf32, #tpu.memory_space<vmem_shared>> -> memref<10112x128xf32, #tpu.memory_space<vmem_shared>>
        tpu.enqueue_indirect_dma source(%dma_start3A_372 : memref<128x128xf32, #tpu.memory_space<vmem>>) target(%dma_start3A_378 : memref<10112x128xf32, #tpu.memory_space<vmem_shared>>) offsets(%dma_start3A_375 : memref<128xi32, #tpu.memory_space<vmem>>) semaphore(%run_scoped3A_368 : memref<!tpu.dma_semaphore, #tpu.memory_space<semaphore_mem>>) {add = true}
        %dma_wait3A_379 = arith.constant 0 : i32
        %dma_wait3A_380 = arith.constant 0 : i32
        %dma_wait3A_381 = tpu.memref_slice %arg8[%run_scoped3A_334, %dma_wait3A_379, %dma_wait3A_380] : memref<2x128x128xf32, #tpu.memory_space<vmem>> -> memref<1x128x128xf32, #tpu.memory_space<vmem>>
        %dma_wait3A_382 = tpu.memref_squeeze %dma_wait3A_381 : memref<1x128x128xf32, #tpu.memory_space<vmem>> -> memref<128x128xf32, #tpu.memory_space<vmem>>
        %dma_wait3A_383 = arith.constant 0 : i32
        %dma_wait3A_384 = tpu.memref_slice %arg7[%run_scoped3A_335, %dma_wait3A_383] : memref<2x128xi32, #tpu.memory_space<vmem>> -> memref<1x128xi32, #tpu.memory_space<vmem>>
        %dma_wait3A_385 = tpu.memref_squeeze %dma_wait3A_384 : memref<1x128xi32, #tpu.memory_space<vmem>> -> memref<128xi32, #tpu.memory_space<vmem>>
        %dma_wait3A_386 = arith.constant 0 : i32
        %dma_wait3A_387 = arith.constant 0 : i32
        %dma_wait3A_388 = tpu.memref_slice %arg9[%dma_wait3A_386, %dma_wait3A_387] : memref<10112x128xf32, #tpu.memory_space<vmem_shared>> -> memref<10112x128xf32, #tpu.memory_space<vmem_shared>>
        tpu.wait_indirect_dma semaphore(%run_scoped3A_368 : memref<!tpu.dma_semaphore, #tpu.memory_space<semaphore_mem>>) src(%dma_wait3A_382 : memref<128x128xf32, #tpu.memory_space<vmem>>) dst(%dma_wait3A_388 : memref<10112x128xf32, #tpu.memory_space<vmem_shared>>)
        tpu.yield
      }) : () -> ()
      %add3A_336 = arith.constant 1 : i32
      %add3A_337 = arith.addi %mul3A_199, %add3A_336 : i32
      %add3A_338 = arith.constant 2 : i32
      %add3A_339 = arith.addi %add3A_337, %add3A_338 : i32
      %add3A_340 = arith.addi %add3A, %add3A_339 : i32
      %dma_start3A_341 = arith.constant 1 : i32
      %dma_start3A_342 = arith.constant 0 : i32
      %dma_start3A_343 = tpu.memref_slice %arg6[%dma_start3A_341, %dma_start3A_342] : memref<2x128xi32, #tpu.memory_space<vmem>> -> memref<1x128xi32, #tpu.memory_space<vmem>>
      %dma_start3A_344 = tpu.memref_squeeze %dma_start3A_343 : memref<1x128xi32, #tpu.memory_space<vmem>> -> memref<128xi32, #tpu.memory_space<vmem>>
      %dma_start3A_345 = arith.constant 0 : i32
      %dma_start3A_346 = tpu.memref_slice %arg3[%add3A_340, %dma_start3A_345] : memref<2560x128xi32, #tpu.memory_space<hbm>> -> memref<1x128xi32, #tpu.memory_space<hbm>>
      %dma_start3A_347 = tpu.memref_squeeze %dma_start3A_346 : memref<1x128xi32, #tpu.memory_space<hbm>> -> memref<128xi32, #tpu.memory_space<hbm>>
      %dma_start3A_348 = arith.constant 0 : i32
      %dma_start3A_349 = tpu.memref_slice %arg6[%dma_start3A_341, %dma_start3A_348] : memref<2x128xi32, #tpu.memory_space<vmem>> -> memref<1x128xi32, #tpu.memory_space<vmem>>
      %dma_start3A_350 = tpu.memref_squeeze %dma_start3A_349 : memref<1x128xi32, #tpu.memory_space<vmem>> -> memref<128xi32, #tpu.memory_space<vmem>>
      %dma_start3A_351 = arith.constant 0 : i32
      %dma_start3A_352 = tpu.memref_slice %arg3[%add3A_340, %dma_start3A_351] : memref<2560x128xi32, #tpu.memory_space<hbm>> -> memref<1x128xi32, #tpu.memory_space<hbm>>
      %dma_start3A_353 = tpu.memref_squeeze %dma_start3A_352 : memref<1x128xi32, #tpu.memory_space<hbm>> -> memref<128xi32, #tpu.memory_space<hbm>>
      tpu.enqueue_dma source(%dma_start3A_353 : memref<128xi32, #tpu.memory_space<hbm>>) target(%dma_start3A_350 : memref<128xi32, #tpu.memory_space<vmem>>) target_semaphore(%arg13 : memref<!tpu.dma_semaphore, #tpu.memory_space<semaphore_mem>>)
      %add3A_354 = arith.addi %add3A, %add3A_339 : i32
      %dma_start3A_355 = arith.constant 1 : i32
      %dma_start3A_356 = arith.constant 0 : i32
      %dma_start3A_357 = tpu.memref_slice %arg7[%dma_start3A_355, %dma_start3A_356] : memref<2x128xi32, #tpu.memory_space<vmem>> -> memref<1x128xi32, #tpu.memory_space<vmem>>
      %dma_start3A_358 = tpu.memref_squeeze %dma_start3A_357 : memref<1x128xi32, #tpu.memory_space<vmem>> -> memref<128xi32, #tpu.memory_space<vmem>>
      %dma_start3A_359 = arith.constant 0 : i32
      %dma_start3A_360 = tpu.memref_slice %arg4[%add3A_354, %dma_start3A_359] : memref<2560x128xi32, #tpu.memory_space<hbm>> -> memref<1x128xi32, #tpu.memory_space<hbm>>
      %dma_start3A_361 = tpu.memref_squeeze %dma_start3A_360 : memref<1x128xi32, #tpu.memory_space<hbm>> -> memref<128xi32, #tpu.memory_space<hbm>>
      %dma_start3A_362 = arith.constant 0 : i32
      %dma_start3A_363 = tpu.memref_slice %arg7[%dma_start3A_355, %dma_start3A_362] : memref<2x128xi32, #tpu.memory_space<vmem>> -> memref<1x128xi32, #tpu.memory_space<vmem>>
      %dma_start3A_364 = tpu.memref_squeeze %dma_start3A_363 : memref<1x128xi32, #tpu.memory_space<vmem>> -> memref<128xi32, #tpu.memory_space<vmem>>
      %dma_start3A_365 = arith.constant 0 : i32
      %dma_start3A_366 = tpu.memref_slice %arg4[%add3A_354, %dma_start3A_365] : memref<2560x128xi32, #tpu.memory_space<hbm>> -> memref<1x128xi32, #tpu.memory_space<hbm>>
      %dma_start3A_367 = tpu.memref_squeeze %dma_start3A_366 : memref<1x128xi32, #tpu.memory_space<hbm>> -> memref<128xi32, #tpu.memory_space<hbm>>
      tpu.enqueue_dma source(%dma_start3A_367 : memref<128xi32, #tpu.memory_space<hbm>>) target(%dma_start3A_364 : memref<128xi32, #tpu.memory_space<vmem>>) target_semaphore(%arg13 : memref<!tpu.dma_semaphore, #tpu.memory_space<semaphore_mem>>)
    }
    %dma_wait3A_130 = arith.constant 1 : i32
    %dma_wait3A_131 = arith.constant 0 : i32
    %dma_wait3A_132 = tpu.memref_slice %arg6[%dma_wait3A_130, %dma_wait3A_131] : memref<2x128xi32, #tpu.memory_space<vmem>> -> memref<1x128xi32, #tpu.memory_space<vmem>>
    %dma_wait3A_133 = tpu.memref_squeeze %dma_wait3A_132 : memref<1x128xi32, #tpu.memory_space<vmem>> -> memref<128xi32, #tpu.memory_space<vmem>>
    %dma_wait3A_134 = arith.constant 0 : i32
    %dma_wait3A_135 = tpu.memref_slice %arg3[%add3A, %dma_wait3A_134] : memref<2560x128xi32, #tpu.memory_space<hbm>> -> memref<1x128xi32, #tpu.memory_space<hbm>>
    %dma_wait3A_136 = tpu.memref_squeeze %dma_wait3A_135 : memref<1x128xi32, #tpu.memory_space<hbm>> -> memref<128xi32, #tpu.memory_space<hbm>>
    %dma_wait3A_137 = arith.constant 0 : i32
    %dma_wait3A_138 = tpu.memref_slice %arg6[%dma_wait3A_130, %dma_wait3A_137] : memref<2x128xi32, #tpu.memory_space<vmem>> -> memref<1x128xi32, #tpu.memory_space<vmem>>
    %dma_wait3A_139 = tpu.memref_squeeze %dma_wait3A_138 : memref<1x128xi32, #tpu.memory_space<vmem>> -> memref<128xi32, #tpu.memory_space<vmem>>
    %dma_wait3A_140 = arith.constant 0 : i32
    %dma_wait3A_141 = tpu.memref_slice %arg3[%add3A, %dma_wait3A_140] : memref<2560x128xi32, #tpu.memory_space<hbm>> -> memref<1x128xi32, #tpu.memory_space<hbm>>
    %dma_wait3A_142 = tpu.memref_squeeze %dma_wait3A_141 : memref<1x128xi32, #tpu.memory_space<hbm>> -> memref<128xi32, #tpu.memory_space<hbm>>
    tpu.wait_dma2 semaphore(%arg13 : memref<!tpu.dma_semaphore, #tpu.memory_space<semaphore_mem>>) src(%dma_wait3A_142 : memref<128xi32, #tpu.memory_space<hbm>>) dst(%dma_wait3A_139 : memref<128xi32, #tpu.memory_space<vmem>>)
    %dma_wait3A_143 = arith.constant 1 : i32
    %dma_wait3A_144 = arith.constant 0 : i32
    %dma_wait3A_145 = tpu.memref_slice %arg7[%dma_wait3A_143, %dma_wait3A_144] : memref<2x128xi32, #tpu.memory_space<vmem>> -> memref<1x128xi32, #tpu.memory_space<vmem>>
    %dma_wait3A_146 = tpu.memref_squeeze %dma_wait3A_145 : memref<1x128xi32, #tpu.memory_space<vmem>> -> memref<128xi32, #tpu.memory_space<vmem>>
    %dma_wait3A_147 = arith.constant 0 : i32
    %dma_wait3A_148 = tpu.memref_slice %arg4[%add3A, %dma_wait3A_147] : memref<2560x128xi32, #tpu.memory_space<hbm>> -> memref<1x128xi32, #tpu.memory_space<hbm>>
    %dma_wait3A_149 = tpu.memref_squeeze %dma_wait3A_148 : memref<1x128xi32, #tpu.memory_space<hbm>> -> memref<128xi32, #tpu.memory_space<hbm>>
    %dma_wait3A_150 = arith.constant 0 : i32
    %dma_wait3A_151 = tpu.memref_slice %arg7[%dma_wait3A_143, %dma_wait3A_150] : memref<2x128xi32, #tpu.memory_space<vmem>> -> memref<1x128xi32, #tpu.memory_space<vmem>>
    %dma_wait3A_152 = tpu.memref_squeeze %dma_wait3A_151 : memref<1x128xi32, #tpu.memory_space<vmem>> -> memref<128xi32, #tpu.memory_space<vmem>>
    %dma_wait3A_153 = arith.constant 0 : i32
    %dma_wait3A_154 = tpu.memref_slice %arg4[%add3A, %dma_wait3A_153] : memref<2560x128xi32, #tpu.memory_space<hbm>> -> memref<1x128xi32, #tpu.memory_space<hbm>>
    %dma_wait3A_155 = tpu.memref_squeeze %dma_wait3A_154 : memref<1x128xi32, #tpu.memory_space<hbm>> -> memref<128xi32, #tpu.memory_space<hbm>>
    tpu.wait_dma2 semaphore(%arg13 : memref<!tpu.dma_semaphore, #tpu.memory_space<semaphore_mem>>) src(%dma_wait3A_155 : memref<128xi32, #tpu.memory_space<hbm>>) dst(%dma_wait3A_152 : memref<128xi32, #tpu.memory_space<vmem>>)
    %dma_wait3A_156 = arith.constant 0 : i32
    %dma_wait3A_157 = arith.constant 0 : i32
    %dma_wait3A_158 = arith.constant 0 : i32
    %dma_wait3A_159 = arith.constant 0 : i32
    %dma_wait3A_160 = tpu.memref_slice %arg8[%dma_wait3A_157, %dma_wait3A_158, %dma_wait3A_159] : memref<2x128x128xf32, #tpu.memory_space<vmem>> -> memref<1x128x128xf32, #tpu.memory_space<vmem>>
    %dma_wait3A_161 = tpu.memref_squeeze %dma_wait3A_160 : memref<1x128x128xf32, #tpu.memory_space<vmem>> -> memref<128x128xf32, #tpu.memory_space<vmem>>
    %dma_wait3A_162 = arith.constant 0 : i32
    %dma_wait3A_163 = tpu.memref_slice %arg6[%dma_wait3A_156, %dma_wait3A_162] : memref<2x128xi32, #tpu.memory_space<vmem>> -> memref<1x128xi32, #tpu.memory_space<vmem>>
    %dma_wait3A_164 = tpu.memref_squeeze %dma_wait3A_163 : memref<1x128xi32, #tpu.memory_space<vmem>> -> memref<128xi32, #tpu.memory_space<vmem>>
    %dma_wait3A_165 = arith.constant 0 : i32
    %dma_wait3A_166 = arith.constant 0 : i32
    %dma_wait3A_167 = tpu.memref_slice %arg2[%dma_wait3A_165, %dma_wait3A_166] : memref<10112x128xf32, #tpu.memory_space<hbm>> -> memref<10112x128xf32, #tpu.memory_space<hbm>>
    tpu.wait_indirect_dma semaphore(%arg10 : memref<!tpu.dma_semaphore, #tpu.memory_space<semaphore_mem>>) src(%dma_wait3A_167 : memref<10112x128xf32, #tpu.memory_space<hbm>>) dst(%dma_wait3A_161 : memref<128x128xf32, #tpu.memory_space<vmem>>)
    %dma_start3A_168 = arith.constant 1 : i32
    %dma_start3A_169 = arith.constant 1 : i32
    %dma_start3A_170 = arith.constant 0 : i32
    %dma_start3A_171 = arith.constant 0 : i32
    %dma_start3A_172 = tpu.memref_slice %arg8[%dma_start3A_169, %dma_start3A_170, %dma_start3A_171] : memref<2x128x128xf32, #tpu.memory_space<vmem>> -> memref<1x128x128xf32, #tpu.memory_space<vmem>>
    %dma_start3A_173 = tpu.memref_squeeze %dma_start3A_172 : memref<1x128x128xf32, #tpu.memory_space<vmem>> -> memref<128x128xf32, #tpu.memory_space<vmem>>
    %dma_start3A_174 = arith.constant 0 : i32
    %dma_start3A_175 = tpu.memref_slice %arg6[%dma_start3A_168, %dma_start3A_174] : memref<2x128xi32, #tpu.memory_space<vmem>> -> memref<1x128xi32, #tpu.memory_space<vmem>>
    %dma_start3A_176 = tpu.memref_squeeze %dma_start3A_175 : memref<1x128xi32, #tpu.memory_space<vmem>> -> memref<128xi32, #tpu.memory_space<vmem>>
    %dma_start3A_177 = arith.constant 0 : i32
    %dma_start3A_178 = arith.constant 0 : i32
    %dma_start3A_179 = tpu.memref_slice %arg2[%dma_start3A_177, %dma_start3A_178] : memref<10112x128xf32, #tpu.memory_space<hbm>> -> memref<10112x128xf32, #tpu.memory_space<hbm>>
    tpu.enqueue_indirect_dma source(%dma_start3A_179 : memref<10112x128xf32, #tpu.memory_space<hbm>>) target(%dma_start3A_173 : memref<128x128xf32, #tpu.memory_space<vmem>>) offsets(%dma_start3A_176 : memref<128xi32, #tpu.memory_space<vmem>>) semaphore(%arg11 : memref<!tpu.dma_semaphore, #tpu.memory_space<semaphore_mem>>)
    %run_scoped3A_180 = arith.constant 0 : i32
    %run_scoped3A_181 = arith.constant 0 : i32
    "tpu.region"() ({
      %run_scoped3A_197 = tpu.sem_alloc : memref<!tpu.dma_semaphore, #tpu.memory_space<semaphore_mem>>
      %dma_start3A_198 = arith.constant 0 : i32
      %dma_start3A_199 = arith.constant 0 : i32
      %dma_start3A_200 = tpu.memref_slice %arg8[%run_scoped3A_180, %dma_start3A_198, %dma_start3A_199] : memref<2x128x128xf32, #tpu.memory_space<vmem>> -> memref<1x128x128xf32, #tpu.memory_space<vmem>>
      %dma_start3A_201 = tpu.memref_squeeze %dma_start3A_200 : memref<1x128x128xf32, #tpu.memory_space<vmem>> -> memref<128x128xf32, #tpu.memory_space<vmem>>
      %dma_start3A_202 = arith.constant 0 : i32
      %dma_start3A_203 = tpu.memref_slice %arg7[%run_scoped3A_181, %dma_start3A_202] : memref<2x128xi32, #tpu.memory_space<vmem>> -> memref<1x128xi32, #tpu.memory_space<vmem>>
      %dma_start3A_204 = tpu.memref_squeeze %dma_start3A_203 : memref<1x128xi32, #tpu.memory_space<vmem>> -> memref<128xi32, #tpu.memory_space<vmem>>
      %dma_start3A_205 = arith.constant 0 : i32
      %dma_start3A_206 = arith.constant 0 : i32
      %dma_start3A_207 = tpu.memref_slice %arg9[%dma_start3A_205, %dma_start3A_206] : memref<10112x128xf32, #tpu.memory_space<vmem_shared>> -> memref<10112x128xf32, #tpu.memory_space<vmem_shared>>
      tpu.enqueue_indirect_dma source(%dma_start3A_201 : memref<128x128xf32, #tpu.memory_space<vmem>>) target(%dma_start3A_207 : memref<10112x128xf32, #tpu.memory_space<vmem_shared>>) offsets(%dma_start3A_204 : memref<128xi32, #tpu.memory_space<vmem>>) semaphore(%run_scoped3A_197 : memref<!tpu.dma_semaphore, #tpu.memory_space<semaphore_mem>>) {add = true}
      %dma_wait3A_208 = arith.constant 0 : i32
      %dma_wait3A_209 = arith.constant 0 : i32
      %dma_wait3A_210 = tpu.memref_slice %arg8[%run_scoped3A_180, %dma_wait3A_208, %dma_wait3A_209] : memref<2x128x128xf32, #tpu.memory_space<vmem>> -> memref<1x128x128xf32, #tpu.memory_space<vmem>>
      %dma_wait3A_211 = tpu.memref_squeeze %dma_wait3A_210 : memref<1x128x128xf32, #tpu.memory_space<vmem>> -> memref<128x128xf32, #tpu.memory_space<vmem>>
      %dma_wait3A_212 = arith.constant 0 : i32
      %dma_wait3A_213 = tpu.memref_slice %arg7[%run_scoped3A_181, %dma_wait3A_212] : memref<2x128xi32, #tpu.memory_space<vmem>> -> memref<1x128xi32, #tpu.memory_space<vmem>>
      %dma_wait3A_214 = tpu.memref_squeeze %dma_wait3A_213 : memref<1x128xi32, #tpu.memory_space<vmem>> -> memref<128xi32, #tpu.memory_space<vmem>>
      %dma_wait3A_215 = arith.constant 0 : i32
      %dma_wait3A_216 = arith.constant 0 : i32
      %dma_wait3A_217 = tpu.memref_slice %arg9[%dma_wait3A_215, %dma_wait3A_216] : memref<10112x128xf32, #tpu.memory_space<vmem_shared>> -> memref<10112x128xf32, #tpu.memory_space<vmem_shared>>
      tpu.wait_indirect_dma semaphore(%run_scoped3A_197 : memref<!tpu.dma_semaphore, #tpu.memory_space<semaphore_mem>>) src(%dma_wait3A_211 : memref<128x128xf32, #tpu.memory_space<vmem>>) dst(%dma_wait3A_217 : memref<10112x128xf32, #tpu.memory_space<vmem_shared>>)
      tpu.yield
    }) : () -> ()
    %dma_wait3A_182 = arith.constant 1 : i32
    %dma_wait3A_183 = arith.constant 1 : i32
    %dma_wait3A_184 = arith.constant 0 : i32
    %dma_wait3A_185 = arith.constant 0 : i32
    %dma_wait3A_186 = tpu.memref_slice %arg8[%dma_wait3A_183, %dma_wait3A_184, %dma_wait3A_185] : memref<2x128x128xf32, #tpu.memory_space<vmem>> -> memref<1x128x128xf32, #tpu.memory_space<vmem>>
    %dma_wait3A_187 = tpu.memref_squeeze %dma_wait3A_186 : memref<1x128x128xf32, #tpu.memory_space<vmem>> -> memref<128x128xf32, #tpu.memory_space<vmem>>
    %dma_wait3A_188 = arith.constant 0 : i32
    %dma_wait3A_189 = tpu.memref_slice %arg6[%dma_wait3A_182, %dma_wait3A_188] : memref<2x128xi32, #tpu.memory_space<vmem>> -> memref<1x128xi32, #tpu.memory_space<vmem>>
    %dma_wait3A_190 = tpu.memref_squeeze %dma_wait3A_189 : memref<1x128xi32, #tpu.memory_space<vmem>> -> memref<128xi32, #tpu.memory_space<vmem>>
    %dma_wait3A_191 = arith.constant 0 : i32
    %dma_wait3A_192 = arith.constant 0 : i32
    %dma_wait3A_193 = tpu.memref_slice %arg2[%dma_wait3A_191, %dma_wait3A_192] : memref<10112x128xf32, #tpu.memory_space<hbm>> -> memref<10112x128xf32, #tpu.memory_space<hbm>>
    tpu.wait_indirect_dma semaphore(%arg11 : memref<!tpu.dma_semaphore, #tpu.memory_space<semaphore_mem>>) src(%dma_wait3A_193 : memref<10112x128xf32, #tpu.memory_space<hbm>>) dst(%dma_wait3A_187 : memref<128x128xf32, #tpu.memory_space<vmem>>)
    %run_scoped3A_194 = arith.constant 1 : i32
    %run_scoped3A_195 = arith.constant 1 : i32
    "tpu.region"() ({
      %run_scoped3A_197 = tpu.sem_alloc : memref<!tpu.dma_semaphore, #tpu.memory_space<semaphore_mem>>
      %dma_start3A_198 = arith.constant 0 : i32
      %dma_start3A_199 = arith.constant 0 : i32
      %dma_start3A_200 = tpu.memref_slice %arg8[%run_scoped3A_194, %dma_start3A_198, %dma_start3A_199] : memref<2x128x128xf32, #tpu.memory_space<vmem>> -> memref<1x128x128xf32, #tpu.memory_space<vmem>>
      %dma_start3A_201 = tpu.memref_squeeze %dma_start3A_200 : memref<1x128x128xf32, #tpu.memory_space<vmem>> -> memref<128x128xf32, #tpu.memory_space<vmem>>
      %dma_start3A_202 = arith.constant 0 : i32
      %dma_start3A_203 = tpu.memref_slice %arg7[%run_scoped3A_195, %dma_start3A_202] : memref<2x128xi32, #tpu.memory_space<vmem>> -> memref<1x128xi32, #tpu.memory_space<vmem>>
      %dma_start3A_204 = tpu.memref_squeeze %dma_start3A_203 : memref<1x128xi32, #tpu.memory_space<vmem>> -> memref<128xi32, #tpu.memory_space<vmem>>
      %dma_start3A_205 = arith.constant 0 : i32
      %dma_start3A_206 = arith.constant 0 : i32
      %dma_start3A_207 = tpu.memref_slice %arg9[%dma_start3A_205, %dma_start3A_206] : memref<10112x128xf32, #tpu.memory_space<vmem_shared>> -> memref<10112x128xf32, #tpu.memory_space<vmem_shared>>
      tpu.enqueue_indirect_dma source(%dma_start3A_201 : memref<128x128xf32, #tpu.memory_space<vmem>>) target(%dma_start3A_207 : memref<10112x128xf32, #tpu.memory_space<vmem_shared>>) offsets(%dma_start3A_204 : memref<128xi32, #tpu.memory_space<vmem>>) semaphore(%run_scoped3A_197 : memref<!tpu.dma_semaphore, #tpu.memory_space<semaphore_mem>>) {add = true}
      %dma_wait3A_208 = arith.constant 0 : i32
      %dma_wait3A_209 = arith.constant 0 : i32
      %dma_wait3A_210 = tpu.memref_slice %arg8[%run_scoped3A_194, %dma_wait3A_208, %dma_wait3A_209] : memref<2x128x128xf32, #tpu.memory_space<vmem>> -> memref<1x128x128xf32, #tpu.memory_space<vmem>>
      %dma_wait3A_211 = tpu.memref_squeeze %dma_wait3A_210 : memref<1x128x128xf32, #tpu.memory_space<vmem>> -> memref<128x128xf32, #tpu.memory_space<vmem>>
      %dma_wait3A_212 = arith.constant 0 : i32
      %dma_wait3A_213 = tpu.memref_slice %arg7[%run_scoped3A_195, %dma_wait3A_212] : memref<2x128xi32, #tpu.memory_space<vmem>> -> memref<1x128xi32, #tpu.memory_space<vmem>>
      %dma_wait3A_214 = tpu.memref_squeeze %dma_wait3A_213 : memref<1x128xi32, #tpu.memory_space<vmem>> -> memref<128xi32, #tpu.memory_space<vmem>>
      %dma_wait3A_215 = arith.constant 0 : i32
      %dma_wait3A_216 = arith.constant 0 : i32
      %dma_wait3A_217 = tpu.memref_slice %arg9[%dma_wait3A_215, %dma_wait3A_216] : memref<10112x128xf32, #tpu.memory_space<vmem_shared>> -> memref<10112x128xf32, #tpu.memory_space<vmem_shared>>
      tpu.wait_indirect_dma semaphore(%run_scoped3A_197 : memref<!tpu.dma_semaphore, #tpu.memory_space<semaphore_mem>>) src(%dma_wait3A_211 : memref<128x128xf32, #tpu.memory_space<vmem>>) dst(%dma_wait3A_217 : memref<10112x128xf32, #tpu.memory_space<vmem_shared>>)
      tpu.yield
    }) : () -> ()
    %barrier3A_196 = arith.constant 0 : index
    tpu.barrier barrier_id(%barrier3A_196)
    "tpu.region"() ({
      %run_scoped3A_197 = tpu.sem_alloc : memref<!tpu.dma_semaphore, #tpu.memory_space<semaphore_mem>>
      %dma_start3A_198 = arith.constant 0 : i32
      %dma_start3A_199 = tpu.memref_slice %arg5[%arg0, %mul3A_7, %dma_start3A_198] : memref<2x10112x128xf32, #tpu.memory_space<hbm>> -> memref<1x632x128xf32, #tpu.memory_space<hbm>>
      %dma_start3A_200 = tpu.memref_squeeze %dma_start3A_199 : memref<1x632x128xf32, #tpu.memory_space<hbm>> -> memref<632x128xf32, #tpu.memory_space<hbm>>
      %dma_start3A_201 = arith.constant 0 : i32
      %dma_start3A_202 = tpu.memref_slice %arg9[%mul3A_7, %dma_start3A_201] : memref<10112x128xf32, #tpu.memory_space<vmem_shared>> -> memref<632x128xf32, #tpu.memory_space<vmem_shared>>
      tpu.enqueue_dma source(%dma_start3A_202 : memref<632x128xf32, #tpu.memory_space<vmem_shared>>) target(%dma_start3A_200 : memref<632x128xf32, #tpu.memory_space<hbm>>) target_semaphore(%run_scoped3A_197 : memref<!tpu.dma_semaphore, #tpu.memory_space<semaphore_mem>>)
      %dma_wait3A_203 = arith.constant 0 : i32
      %dma_wait3A_204 = tpu.memref_slice %arg5[%arg0, %mul3A_7, %dma_wait3A_203] : memref<2x10112x128xf32, #tpu.memory_space<hbm>> -> memref<1x632x128xf32, #tpu.memory_space<hbm>>
      %dma_wait3A_205 = tpu.memref_squeeze %dma_wait3A_204 : memref<1x632x128xf32, #tpu.memory_space<hbm>> -> memref<632x128xf32, #tpu.memory_space<hbm>>
      %dma_wait3A_206 = arith.constant 0 : i32
      %dma_wait3A_207 = tpu.memref_slice %arg9[%mul3A_7, %dma_wait3A_206] : memref<10112x128xf32, #tpu.memory_space<vmem_shared>> -> memref<632x128xf32, #tpu.memory_space<vmem_shared>>
      tpu.wait_dma2 semaphore(%run_scoped3A_197 : memref<!tpu.dma_semaphore, #tpu.memory_space<semaphore_mem>>) src(%dma_wait3A_207 : memref<632x128xf32, #tpu.memory_space<vmem_shared>>) dst(%dma_wait3A_205 : memref<632x128xf32, #tpu.memory_space<hbm>>)
      tpu.yield
    }) : () -> ()
    return
  }
}

#map = affine_map<(d0, d1) -> (0, 0)>
#map1 = affine_map<(d0, d1) -> (0, 0, 0)>
module attributes {stable_mosaic.version = 14 : i64} {
  func.func @body(%arg0: i32, %arg1: i32, %arg2: memref<10112x128xf32, #tpu.memory_space<hbm>>, %arg3: memref<2560x128xi32, #tpu.memory_space<hbm>>, %arg4: memref<2560x128xi32, #tpu.memory_space<hbm>>, %arg5: memref<2x10112x128xf32, #tpu.memory_space<hbm>>, %arg6: memref<2x128xi32, #tpu.memory_space<vmem>>, %arg7: memref<2x128xi32, #tpu.memory_space<vmem>>, %arg8: memref<2x128x128xf32, #tpu.memory_space<vmem>>, %arg9: memref<10112x128xf32, #tpu.memory_space<vmem_shared>>, %arg10: memref<!tpu.dma_semaphore, #tpu.memory_space<semaphore_mem>>, %arg11: memref<!tpu.dma_semaphore, #tpu.memory_space<semaphore_mem>>, %arg12: memref<!tpu.dma_semaphore, #tpu.memory_space<semaphore_mem>>, %arg13: memref<!tpu.dma_semaphore, #tpu.memory_space<semaphore_mem>>) attributes {dimension_semantics = [#tpu.dimension_semantics<core_parallel>, #tpu.dimension_semantics<subcore_parallel>], iteration_bounds = array<i64: 2, 16>, scalar_prefetch = 0 : i64, scratch_operands = 8 : i64, tpu.core_type = #tpu.core_type<sc_vector_subcore>, window_params = [{transform_indices = #map}, {transform_indices = #map}, {transform_indices = #map}, {transform_indices = #map1}]} {
    %mul3A = arith.constant 160 : i32
    %mul3A_0 = arith.muli %arg1, %mul3A : i32
    %mul3A_1 = arith.constant 118 : i32
    %mul3A_2 = arith.muli %arg0, %mul3A_1 : i32
    %add3A = arith.addi %mul3A_0, %mul3A_2 : i32
    %mul3A_3 = arith.constant 38 : i32
    %mul3A_4 = arith.muli %mul3A_3, %arg0 : i32
    %sub3A = arith.constant 58 : i32
    %sub3A_5 = arith.subi %sub3A, %mul3A_4 : i32
    %mul3A_6 = arith.constant 632 : i32
    %mul3A_7 = arith.muli %arg1, %mul3A_6 : i32
    %scan3A = arith.constant 0 : i32
    %scan3A_8 = arith.constant 128 : i32
    %scan3A_9 = arith.addi %scan3A, %scan3A_8 : i32
    %scan3A_10 = arith.constant 1 : i32
    scf.for %scan3A_197 = %scan3A to %scan3A_9 step %scan3A_10  : i32 {
      %broadcast_in_dim3A = arith.constant 0.000000e+00 : f32
      %broadcast_in_dim3A_198 = vector.broadcast %broadcast_in_dim3A : f32 to vector<16xf32>
      %swap3A = arith.constant 0 : i32
      %swap3A_199 = arith.index_cast %swap3A : i32 to index
      %swap3A_200 = arith.index_cast %scan3A_197 : i32 to index
      %swap3A_201 = arith.constant 0 : index
      %swap3A_202 = tpu.vector_load %arg8[%swap3A_199, %swap3A_200, %swap3A_201] {strides = array<i32>} : memref<2x128x128xf32, #tpu.memory_space<vmem>>, vector<1x1x16xf32>,
      %swap3A_203 = vector.shape_cast %swap3A_202 : vector<1x1x16xf32> to vector<16xf32>
      %swap3A_204 = vector.shape_cast %broadcast_in_dim3A_198 : vector<16xf32> to vector<1x1x16xf32>
      tpu.vector_store %arg8[%swap3A_199, %swap3A_200, %swap3A_201], %swap3A_204 {strides = array<i32>} : memref<2x128x128xf32, #tpu.memory_space<vmem>>, vector<1x1x16xf32>,
      %broadcast_in_dim3A_205 = arith.constant 0.000000e+00 : f32
      %broadcast_in_dim3A_206 = vector.broadcast %broadcast_in_dim3A_205 : f32 to vector<16xf32>
      %swap3A_207 = arith.constant 0 : i32
      %swap3A_208 = arith.index_cast %swap3A_207 : i32 to index
      %swap3A_209 = arith.index_cast %scan3A_197 : i32 to index
      %swap3A_210 = arith.constant 16 : index
      %swap3A_211 = tpu.vector_load %arg8[%swap3A_208, %swap3A_209, %swap3A_210] {strides = array<i32>} : memref<2x128x128xf32, #tpu.memory_space<vmem>>, vector<1x1x16xf32>,
      %swap3A_212 = vector.shape_cast %swap3A_211 : vector<1x1x16xf32> to vector<16xf32>
      %swap3A_213 = vector.shape_cast %broadcast_in_dim3A_206 : vector<16xf32> to vector<1x1x16xf32>
      tpu.vector_store %arg8[%swap3A_208, %swap3A_209, %swap3A_210], %swap3A_213 {strides = array<i32>} : memref<2x128x128xf32, #tpu.memory_space<vmem>>, vector<1x1x16xf32>,
      %broadcast_in_dim3A_214 = arith.constant 0.000000e+00 : f32
      %broadcast_in_dim3A_215 = vector.broadcast %broadcast_in_dim3A_214 : f32 to vector<16xf32>
      %swap3A_216 = arith.constant 0 : i32
      %swap3A_217 = arith.index_cast %swap3A_216 : i32 to index
      %swap3A_218 = arith.index_cast %scan3A_197 : i32 to index
      %swap3A_219 = arith.constant 32 : index
      %swap3A_220 = tpu.vector_load %arg8[%swap3A_217, %swap3A_218, %swap3A_219] {strides = array<i32>} : memref<2x128x128xf32, #tpu.memory_space<vmem>>, vector<1x1x16xf32>,
      %swap3A_221 = vector.shape_cast %swap3A_220 : vector<1x1x16xf32> to vector<16xf32>
      %swap3A_222 = vector.shape_cast %broadcast_in_dim3A_215 : vector<16xf32> to vector<1x1x16xf32>
      tpu.vector_store %arg8[%swap3A_217, %swap3A_218, %swap3A_219], %swap3A_222 {strides = array<i32>} : memref<2x128x128xf32, #tpu.memory_space<vmem>>, vector<1x1x16xf32>,
      %broadcast_in_dim3A_223 = arith.constant 0.000000e+00 : f32
      %broadcast_in_dim3A_224 = vector.broadcast %broadcast_in_dim3A_223 : f32 to vector<16xf32>
      %swap3A_225 = arith.constant 0 : i32
      %swap3A_226 = arith.index_cast %swap3A_225 : i32 to index
      %swap3A_227 = arith.index_cast %scan3A_197 : i32 to index
      %swap3A_228 = arith.constant 48 : index
      %swap3A_229 = tpu.vector_load %arg8[%swap3A_226, %swap3A_227, %swap3A_228] {strides = array<i32>} : memref<2x128x128xf32, #tpu.memory_space<vmem>>, vector<1x1x16xf32>,
      %swap3A_230 = vector.shape_cast %swap3A_229 : vector<1x1x16xf32> to vector<16xf32>
      %swap3A_231 = vector.shape_cast %broadcast_in_dim3A_224 : vector<16xf32> to vector<1x1x16xf32>
      tpu.vector_store %arg8[%swap3A_226, %swap3A_227, %swap3A_228], %swap3A_231 {strides = array<i32>} : memref<2x128x128xf32, #tpu.memory_space<vmem>>, vector<1x1x16xf32>,
      %broadcast_in_dim3A_232 = arith.constant 0.000000e+00 : f32
      %broadcast_in_dim3A_233 = vector.broadcast %broadcast_in_dim3A_232 : f32 to vector<16xf32>
      %swap3A_234 = arith.constant 0 : i32
      %swap3A_235 = arith.index_cast %swap3A_234 : i32 to index
      %swap3A_236 = arith.index_cast %scan3A_197 : i32 to index
      %swap3A_237 = arith.constant 64 : index
      %swap3A_238 = tpu.vector_load %arg8[%swap3A_235, %swap3A_236, %swap3A_237] {strides = array<i32>} : memref<2x128x128xf32, #tpu.memory_space<vmem>>, vector<1x1x16xf32>,
      %swap3A_239 = vector.shape_cast %swap3A_238 : vector<1x1x16xf32> to vector<16xf32>
      %swap3A_240 = vector.shape_cast %broadcast_in_dim3A_233 : vector<16xf32> to vector<1x1x16xf32>
      tpu.vector_store %arg8[%swap3A_235, %swap3A_236, %swap3A_237], %swap3A_240 {strides = array<i32>} : memref<2x128x128xf32, #tpu.memory_space<vmem>>, vector<1x1x16xf32>,
      %broadcast_in_dim3A_241 = arith.constant 0.000000e+00 : f32
      %broadcast_in_dim3A_242 = vector.broadcast %broadcast_in_dim3A_241 : f32 to vector<16xf32>
      %swap3A_243 = arith.constant 0 : i32
      %swap3A_244 = arith.index_cast %swap3A_243 : i32 to index
      %swap3A_245 = arith.index_cast %scan3A_197 : i32 to index
      %swap3A_246 = arith.constant 80 : index
      %swap3A_247 = tpu.vector_load %arg8[%swap3A_244, %swap3A_245, %swap3A_246] {strides = array<i32>} : memref<2x128x128xf32, #tpu.memory_space<vmem>>, vector<1x1x16xf32>,
      %swap3A_248 = vector.shape_cast %swap3A_247 : vector<1x1x16xf32> to vector<16xf32>
      %swap3A_249 = vector.shape_cast %broadcast_in_dim3A_242 : vector<16xf32> to vector<1x1x16xf32>
      tpu.vector_store %arg8[%swap3A_244, %swap3A_245, %swap3A_246], %swap3A_249 {strides = array<i32>} : memref<2x128x128xf32, #tpu.memory_space<vmem>>, vector<1x1x16xf32>,
      %broadcast_in_dim3A_250 = arith.constant 0.000000e+00 : f32
      %broadcast_in_dim3A_251 = vector.broadcast %broadcast_in_dim3A_250 : f32 to vector<16xf32>
      %swap3A_252 = arith.constant 0 : i32
      %swap3A_253 = arith.index_cast %swap3A_252 : i32 to index
      %swap3A_254 = arith.index_cast %scan3A_197 : i32 to index
      %swap3A_255 = arith.constant 96 : index
      %swap3A_256 = tpu.vector_load %arg8[%swap3A_253, %swap3A_254, %swap3A_255] {strides = array<i32>} : memref<2x128x128xf32, #tpu.memory_space<vmem>>, vector<1x1x16xf32>,
      %swap3A_257 = vector.shape_cast %swap3A_256 : vector<1x1x16xf32> to vector<16xf32>
      %swap3A_258 = vector.shape_cast %broadcast_in_dim3A_251 : vector<16xf32> to vector<1x1x16xf32>
      tpu.vector_store %arg8[%swap3A_253, %swap3A_254, %swap3A_255], %swap3A_258 {strides = array<i32>} : memref<2x128x128xf32, #tpu.memory_space<vmem>>, vector<1x1x16xf32>,
      %broadcast_in_dim3A_259 = arith.constant 0.000000e+00 : f32
      %broadcast_in_dim3A_260 = vector.broadcast %broadcast_in_dim3A_259 : f32 to vector<16xf32>
      %swap3A_261 = arith.constant 0 : i32
      %swap3A_262 = arith.index_cast %swap3A_261 : i32 to index
      %swap3A_263 = arith.index_cast %scan3A_197 : i32 to index
      %swap3A_264 = arith.constant 112 : index
      %swap3A_265 = tpu.vector_load %arg8[%swap3A_262, %swap3A_263, %swap3A_264] {strides = array<i32>} : memref<2x128x128xf32, #tpu.memory_space<vmem>>, vector<1x1x16xf32>,
      %swap3A_266 = vector.shape_cast %swap3A_265 : vector<1x1x16xf32> to vector<16xf32>
      %swap3A_267 = vector.shape_cast %broadcast_in_dim3A_260 : vector<16xf32> to vector<1x1x16xf32>
      tpu.vector_store %arg8[%swap3A_262, %swap3A_263, %swap3A_264], %swap3A_267 {strides = array<i32>} : memref<2x128x128xf32, #tpu.memory_space<vmem>>, vector<1x1x16xf32>,
      %broadcast_in_dim3A_268 = arith.constant 0.000000e+00 : f32
      %broadcast_in_dim3A_269 = vector.broadcast %broadcast_in_dim3A_268 : f32 to vector<16xf32>
      %swap3A_270 = arith.constant 1 : i32
      %swap3A_271 = arith.index_cast %swap3A_270 : i32 to index
      %swap3A_272 = arith.index_cast %scan3A_197 : i32 to index
      %swap3A_273 = arith.constant 0 : index
      %swap3A_274 = tpu.vector_load %arg8[%swap3A_271, %swap3A_272, %swap3A_273] {strides = array<i32>} : memref<2x128x128xf32, #tpu.memory_space<vmem>>, vector<1x1x16xf32>,
      %swap3A_275 = vector.shape_cast %swap3A_274 : vector<1x1x16xf32> to vector<16xf32>
      %swap3A_276 = vector.shape_cast %broadcast_in_dim3A_269 : vector<16xf32> to vector<1x1x16xf32>
      tpu.vector_store %arg8[%swap3A_271, %swap3A_272, %swap3A_273], %swap3A_276 {strides = array<i32>} : memref<2x128x128xf32, #tpu.memory_space<vmem>>, vector<1x1x16xf32>,
      %broadcast_in_dim3A_277 = arith.constant 0.000000e+00 : f32
      %broadcast_in_dim3A_278 = vector.broadcast %broadcast_in_dim3A_277 : f32 to vector<16xf32>
      %swap3A_279 = arith.constant 1 : i32
      %swap3A_280 = arith.index_cast %swap3A_279 : i32 to index
      %swap3A_281 = arith.index_cast %scan3A_197 : i32 to index
      %swap3A_282 = arith.constant 16 : index
      %swap3A_283 = tpu.vector_load %arg8[%swap3A_280, %swap3A_281, %swap3A_282] {strides = array<i32>} : memref<2x128x128xf32, #tpu.memory_space<vmem>>, vector<1x1x16xf32>,
      %swap3A_284 = vector.shape_cast %swap3A_283 : vector<1x1x16xf32> to vector<16xf32>
      %swap3A_285 = vector.shape_cast %broadcast_in_dim3A_278 : vector<16xf32> to vector<1x1x16xf32>
      tpu.vector_store %arg8[%swap3A_280, %swap3A_281, %swap3A_282], %swap3A_285 {strides = array<i32>} : memref<2x128x128xf32, #tpu.memory_space<vmem>>, vector<1x1x16xf32>,
      %broadcast_in_dim3A_286 = arith.constant 0.000000e+00 : f32
      %broadcast_in_dim3A_287 = vector.broadcast %broadcast_in_dim3A_286 : f32 to vector<16xf32>
      %swap3A_288 = arith.constant 1 : i32
      %swap3A_289 = arith.index_cast %swap3A_288 : i32 to index
      %swap3A_290 = arith.index_cast %scan3A_197 : i32 to index
      %swap3A_291 = arith.constant 32 : index
      %swap3A_292 = tpu.vector_load %arg8[%swap3A_289, %swap3A_290, %swap3A_291] {strides = array<i32>} : memref<2x128x128xf32, #tpu.memory_space<vmem>>, vector<1x1x16xf32>,
      %swap3A_293 = vector.shape_cast %swap3A_292 : vector<1x1x16xf32> to vector<16xf32>
      %swap3A_294 = vector.shape_cast %broadcast_in_dim3A_287 : vector<16xf32> to vector<1x1x16xf32>
      tpu.vector_store %arg8[%swap3A_289, %swap3A_290, %swap3A_291], %swap3A_294 {strides = array<i32>} : memref<2x128x128xf32, #tpu.memory_space<vmem>>, vector<1x1x16xf32>,
      %broadcast_in_dim3A_295 = arith.constant 0.000000e+00 : f32
      %broadcast_in_dim3A_296 = vector.broadcast %broadcast_in_dim3A_295 : f32 to vector<16xf32>
      %swap3A_297 = arith.constant 1 : i32
      %swap3A_298 = arith.index_cast %swap3A_297 : i32 to index
      %swap3A_299 = arith.index_cast %scan3A_197 : i32 to index
      %swap3A_300 = arith.constant 48 : index
      %swap3A_301 = tpu.vector_load %arg8[%swap3A_298, %swap3A_299, %swap3A_300] {strides = array<i32>} : memref<2x128x128xf32, #tpu.memory_space<vmem>>, vector<1x1x16xf32>,
      %swap3A_302 = vector.shape_cast %swap3A_301 : vector<1x1x16xf32> to vector<16xf32>
      %swap3A_303 = vector.shape_cast %broadcast_in_dim3A_296 : vector<16xf32> to vector<1x1x16xf32>
      tpu.vector_store %arg8[%swap3A_298, %swap3A_299, %swap3A_300], %swap3A_303 {strides = array<i32>} : memref<2x128x128xf32, #tpu.memory_space<vmem>>, vector<1x1x16xf32>,
      %broadcast_in_dim3A_304 = arith.constant 0.000000e+00 : f32
      %broadcast_in_dim3A_305 = vector.broadcast %broadcast_in_dim3A_304 : f32 to vector<16xf32>
      %swap3A_306 = arith.constant 1 : i32
      %swap3A_307 = arith.index_cast %swap3A_306 : i32 to index
      %swap3A_308 = arith.index_cast %scan3A_197 : i32 to index
      %swap3A_309 = arith.constant 64 : index
      %swap3A_310 = tpu.vector_load %arg8[%swap3A_307, %swap3A_308, %swap3A_309] {strides = array<i32>} : memref<2x128x128xf32, #tpu.memory_space<vmem>>, vector<1x1x16xf32>,
      %swap3A_311 = vector.shape_cast %swap3A_310 : vector<1x1x16xf32> to vector<16xf32>
      %swap3A_312 = vector.shape_cast %broadcast_in_dim3A_305 : vector<16xf32> to vector<1x1x16xf32>
      tpu.vector_store %arg8[%swap3A_307, %swap3A_308, %swap3A_309], %swap3A_312 {strides = array<i32>} : memref<2x128x128xf32, #tpu.memory_space<vmem>>, vector<1x1x16xf32>,
      %broadcast_in_dim3A_313 = arith.constant 0.000000e+00 : f32
      %broadcast_in_dim3A_314 = vector.broadcast %broadcast_in_dim3A_313 : f32 to vector<16xf32>
      %swap3A_315 = arith.constant 1 : i32
      %swap3A_316 = arith.index_cast %swap3A_315 : i32 to index
      %swap3A_317 = arith.index_cast %scan3A_197 : i32 to index
      %swap3A_318 = arith.constant 80 : index
      %swap3A_319 = tpu.vector_load %arg8[%swap3A_316, %swap3A_317, %swap3A_318] {strides = array<i32>} : memref<2x128x128xf32, #tpu.memory_space<vmem>>, vector<1x1x16xf32>,
      %swap3A_320 = vector.shape_cast %swap3A_319 : vector<1x1x16xf32> to vector<16xf32>
      %swap3A_321 = vector.shape_cast %broadcast_in_dim3A_314 : vector<16xf32> to vector<1x1x16xf32>
      tpu.vector_store %arg8[%swap3A_316, %swap3A_317, %swap3A_318], %swap3A_321 {strides = array<i32>} : memref<2x128x128xf32, #tpu.memory_space<vmem>>, vector<1x1x16xf32>,
      %broadcast_in_dim3A_322 = arith.constant 0.000000e+00 : f32
      %broadcast_in_dim3A_323 = vector.broadcast %broadcast_in_dim3A_322 : f32 to vector<16xf32>
      %swap3A_324 = arith.constant 1 : i32
      %swap3A_325 = arith.index_cast %swap3A_324 : i32 to index
      %swap3A_326 = arith.index_cast %scan3A_197 : i32 to index
      %swap3A_327 = arith.constant 96 : index
      %swap3A_328 = tpu.vector_load %arg8[%swap3A_325, %swap3A_326, %swap3A_327] {strides = array<i32>} : memref<2x128x128xf32, #tpu.memory_space<vmem>>, vector<1x1x16xf32>,
      %swap3A_329 = vector.shape_cast %swap3A_328 : vector<1x1x16xf32> to vector<16xf32>
      %swap3A_330 = vector.shape_cast %broadcast_in_dim3A_323 : vector<16xf32> to vector<1x1x16xf32>
      tpu.vector_store %arg8[%swap3A_325, %swap3A_326, %swap3A_327], %swap3A_330 {strides = array<i32>} : memref<2x128x128xf32, #tpu.memory_space<vmem>>, vector<1x1x16xf32>,
      %broadcast_in_dim3A_331 = arith.constant 0.000000e+00 : f32
      %broadcast_in_dim3A_332 = vector.broadcast %broadcast_in_dim3A_331 : f32 to vector<16xf32>
      %swap3A_333 = arith.constant 1 : i32
      %swap3A_334 = arith.index_cast %swap3A_333 : i32 to index
      %swap3A_335 = arith.index_cast %scan3A_197 : i32 to index
      %swap3A_336 = arith.constant 112 : index
      %swap3A_337 = tpu.vector_load %arg8[%swap3A_334, %swap3A_335, %swap3A_336] {strides = array<i32>} : memref<2x128x128xf32, #tpu.memory_space<vmem>>, vector<1x1x16xf32>,
      %swap3A_338 = vector.shape_cast %swap3A_337 : vector<1x1x16xf32> to vector<16xf32>
      %swap3A_339 = vector.shape_cast %broadcast_in_dim3A_332 : vector<16xf32> to vector<1x1x16xf32>
      tpu.vector_store %arg8[%swap3A_334, %swap3A_335, %swap3A_336], %swap3A_339 {strides = array<i32>} : memref<2x128x128xf32, #tpu.memory_space<vmem>>, vector<1x1x16xf32>,
    }
    %scan3A_11 = arith.constant 128 : i32
    %add3A_12 = arith.constant 0 : i32
    %add3A_13 = arith.addi %mul3A_7, %add3A_12 : i32
    %run_scoped3A = arith.constant 0 : i32
    "tpu.region"() ({
      %run_scoped3A_197 = tpu.sem_alloc : memref<!tpu.dma_semaphore, #tpu.memory_space<semaphore_mem>>
      %dma_start3A_198 = arith.constant 0 : i32
      %dma_start3A_199 = arith.constant 0 : i32
      %dma_start3A_200 = tpu.memref_slice %arg8[%run_scoped3A, %dma_start3A_198, %dma_start3A_199] : memref<2x128x128xf32, #tpu.memory_space<vmem>> -> memref<1x128x128xf32, #tpu.memory_space<vmem>>
      %dma_start3A_201 = tpu.memref_squeeze %dma_start3A_200 : memref<1x128x128xf32, #tpu.memory_space<vmem>> -> memref<128x128xf32, #tpu.memory_space<vmem>>
      %dma_start3A_202 = arith.constant 0 : i32
      %dma_start3A_203 = tpu.memref_slice %arg9[%add3A_13, %dma_start3A_202] : memref<10112x128xf32, #tpu.memory_space<vmem_shared>> -> memref<128x128xf32, #tpu.memory_space<vmem_shared>>
      %dma_start3A_204 = arith.constant 0 : i32
      %dma_start3A_205 = tpu.memref_slice %arg9[%add3A_13, %dma_start3A_204] : memref<10112x128xf32, #tpu.memory_space<vmem_shared>> -> memref<128x128xf32, #tpu.memory_space<vmem_shared>>
      %dma_start3A_206 = arith.constant 0 : i32
      %dma_start3A_207 = arith.constant 0 : i32
      %dma_start3A_208 = tpu.memref_slice %arg8[%run_scoped3A, %dma_start3A_206, %dma_start3A_207] : memref<2x128x128xf32, #tpu.memory_space<vmem>> -> memref<1x128x128xf32, #tpu.memory_space<vmem>>
      %dma_start3A_209 = tpu.memref_squeeze %dma_start3A_208 : memref<1x128x128xf32, #tpu.memory_space<vmem>> -> memref<128x128xf32, #tpu.memory_space<vmem>>
      tpu.enqueue_dma source(%dma_start3A_209 : memref<128x128xf32, #tpu.memory_space<vmem>>) target(%dma_start3A_205 : memref<128x128xf32, #tpu.memory_space<vmem_shared>>) target_semaphore(%run_scoped3A_197 : memref<!tpu.dma_semaphore, #tpu.memory_space<semaphore_mem>>)
      %dma_wait3A_210 = arith.constant 0 : i32
      %dma_wait3A_211 = arith.constant 0 : i32
      %dma_wait3A_212 = tpu.memref_slice %arg8[%run_scoped3A, %dma_wait3A_210, %dma_wait3A_211] : memref<2x128x128xf32, #tpu.memory_space<vmem>> -> memref<1x128x128xf32, #tpu.memory_space<vmem>>
      %dma_wait3A_213 = tpu.memref_squeeze %dma_wait3A_212 : memref<1x128x128xf32, #tpu.memory_space<vmem>> -> memref<128x128xf32, #tpu.memory_space<vmem>>
      %dma_wait3A_214 = arith.constant 0 : i32
      %dma_wait3A_215 = tpu.memref_slice %arg9[%add3A_13, %dma_wait3A_214] : memref<10112x128xf32, #tpu.memory_space<vmem_shared>> -> memref<128x128xf32, #tpu.memory_space<vmem_shared>>
      %dma_wait3A_216 = arith.constant 0 : i32
      %dma_wait3A_217 = tpu.memref_slice %arg9[%add3A_13, %dma_wait3A_216] : memref<10112x128xf32, #tpu.memory_space<vmem_shared>> -> memref<128x128xf32, #tpu.memory_space<vmem_shared>>
      %dma_wait3A_218 = arith.constant 0 : i32
      %dma_wait3A_219 = arith.constant 0 : i32
      %dma_wait3A_220 = tpu.memref_slice %arg8[%run_scoped3A, %dma_wait3A_218, %dma_wait3A_219] : memref<2x128x128xf32, #tpu.memory_space<vmem>> -> memref<1x128x128xf32, #tpu.memory_space<vmem>>
      %dma_wait3A_221 = tpu.memref_squeeze %dma_wait3A_220 : memref<1x128x128xf32, #tpu.memory_space<vmem>> -> memref<128x128xf32, #tpu.memory_space<vmem>>
      tpu.wait_dma2 semaphore(%run_scoped3A_197 : memref<!tpu.dma_semaphore, #tpu.memory_space<semaphore_mem>>) src(%dma_wait3A_221 : memref<128x128xf32, #tpu.memory_space<vmem>>) dst(%dma_wait3A_217 : memref<128x128xf32, #tpu.memory_space<vmem_shared>>)
      tpu.yield
    }) : () -> ()
    %add3A_14 = arith.constant 128 : i32
    %add3A_15 = arith.addi %mul3A_7, %add3A_14 : i32
    %run_scoped3A_16 = arith.constant 0 : i32
    "tpu.region"() ({
      %run_scoped3A_197 = tpu.sem_alloc : memref<!tpu.dma_semaphore, #tpu.memory_space<semaphore_mem>>
      %dma_start3A_198 = arith.constant 0 : i32
      %dma_start3A_199 = arith.constant 0 : i32
      %dma_start3A_200 = tpu.memref_slice %arg8[%run_scoped3A_16, %dma_start3A_198, %dma_start3A_199] : memref<2x128x128xf32, #tpu.memory_space<vmem>> -> memref<1x128x128xf32, #tpu.memory_space<vmem>>
      %dma_start3A_201 = tpu.memref_squeeze %dma_start3A_200 : memref<1x128x128xf32, #tpu.memory_space<vmem>> -> memref<128x128xf32, #tpu.memory_space<vmem>>
      %dma_start3A_202 = arith.constant 0 : i32
      %dma_start3A_203 = tpu.memref_slice %arg9[%add3A_15, %dma_start3A_202] : memref<10112x128xf32, #tpu.memory_space<vmem_shared>> -> memref<128x128xf32, #tpu.memory_space<vmem_shared>>
      %dma_start3A_204 = arith.constant 0 : i32
      %dma_start3A_205 = tpu.memref_slice %arg9[%add3A_15, %dma_start3A_204] : memref<10112x128xf32, #tpu.memory_space<vmem_shared>> -> memref<128x128xf32, #tpu.memory_space<vmem_shared>>
      %dma_start3A_206 = arith.constant 0 : i32
      %dma_start3A_207 = arith.constant 0 : i32
      %dma_start3A_208 = tpu.memref_slice %arg8[%run_scoped3A_16, %dma_start3A_206, %dma_start3A_207] : memref<2x128x128xf32, #tpu.memory_space<vmem>> -> memref<1x128x128xf32, #tpu.memory_space<vmem>>
      %dma_start3A_209 = tpu.memref_squeeze %dma_start3A_208 : memref<1x128x128xf32, #tpu.memory_space<vmem>> -> memref<128x128xf32, #tpu.memory_space<vmem>>
      tpu.enqueue_dma source(%dma_start3A_209 : memref<128x128xf32, #tpu.memory_space<vmem>>) target(%dma_start3A_205 : memref<128x128xf32, #tpu.memory_space<vmem_shared>>) target_semaphore(%run_scoped3A_197 : memref<!tpu.dma_semaphore, #tpu.memory_space<semaphore_mem>>)
      %dma_wait3A_210 = arith.constant 0 : i32
      %dma_wait3A_211 = arith.constant 0 : i32
      %dma_wait3A_212 = tpu.memref_slice %arg8[%run_scoped3A_16, %dma_wait3A_210, %dma_wait3A_211] : memref<2x128x128xf32, #tpu.memory_space<vmem>> -> memref<1x128x128xf32, #tpu.memory_space<vmem>>
      %dma_wait3A_213 = tpu.memref_squeeze %dma_wait3A_212 : memref<1x128x128xf32, #tpu.memory_space<vmem>> -> memref<128x128xf32, #tpu.memory_space<vmem>>
      %dma_wait3A_214 = arith.constant 0 : i32
      %dma_wait3A_215 = tpu.memref_slice %arg9[%add3A_15, %dma_wait3A_214] : memref<10112x128xf32, #tpu.memory_space<vmem_shared>> -> memref<128x128xf32, #tpu.memory_space<vmem_shared>>
      %dma_wait3A_216 = arith.constant 0 : i32
      %dma_wait3A_217 = tpu.memref_slice %arg9[%add3A_15, %dma_wait3A_216] : memref<10112x128xf32, #tpu.memory_space<vmem_shared>> -> memref<128x128xf32, #tpu.memory_space<vmem_shared>>
      %dma_wait3A_218 = arith.constant 0 : i32
      %dma_wait3A_219 = arith.constant 0 : i32
      %dma_wait3A_220 = tpu.memref_slice %arg8[%run_scoped3A_16, %dma_wait3A_218, %dma_wait3A_219] : memref<2x128x128xf32, #tpu.memory_space<vmem>> -> memref<1x128x128xf32, #tpu.memory_space<vmem>>
      %dma_wait3A_221 = tpu.memref_squeeze %dma_wait3A_220 : memref<1x128x128xf32, #tpu.memory_space<vmem>> -> memref<128x128xf32, #tpu.memory_space<vmem>>
      tpu.wait_dma2 semaphore(%run_scoped3A_197 : memref<!tpu.dma_semaphore, #tpu.memory_space<semaphore_mem>>) src(%dma_wait3A_221 : memref<128x128xf32, #tpu.memory_space<vmem>>) dst(%dma_wait3A_217 : memref<128x128xf32, #tpu.memory_space<vmem_shared>>)
      tpu.yield
    }) : () -> ()
    %add3A_17 = arith.constant 256 : i32
    %add3A_18 = arith.addi %mul3A_7, %add3A_17 : i32
    %run_scoped3A_19 = arith.constant 0 : i32
    "tpu.region"() ({
      %run_scoped3A_197 = tpu.sem_alloc : memref<!tpu.dma_semaphore, #tpu.memory_space<semaphore_mem>>
      %dma_start3A_198 = arith.constant 0 : i32
      %dma_start3A_199 = arith.constant 0 : i32
      %dma_start3A_200 = tpu.memref_slice %arg8[%run_scoped3A_19, %dma_start3A_198, %dma_start3A_199] : memref<2x128x128xf32, #tpu.memory_space<vmem>> -> memref<1x128x128xf32, #tpu.memory_space<vmem>>
      %dma_start3A_201 = tpu.memref_squeeze %dma_start3A_200 : memref<1x128x128xf32, #tpu.memory_space<vmem>> -> memref<128x128xf32, #tpu.memory_space<vmem>>
      %dma_start3A_202 = arith.constant 0 : i32
      %dma_start3A_203 = tpu.memref_slice %arg9[%add3A_18, %dma_start3A_202] : memref<10112x128xf32, #tpu.memory_space<vmem_shared>> -> memref<128x128xf32, #tpu.memory_space<vmem_shared>>
      %dma_start3A_204 = arith.constant 0 : i32
      %dma_start3A_205 = tpu.memref_slice %arg9[%add3A_18, %dma_start3A_204] : memref<10112x128xf32, #tpu.memory_space<vmem_shared>> -> memref<128x128xf32, #tpu.memory_space<vmem_shared>>
      %dma_start3A_206 = arith.constant 0 : i32
      %dma_start3A_207 = arith.constant 0 : i32
      %dma_start3A_208 = tpu.memref_slice %arg8[%run_scoped3A_19, %dma_start3A_206, %dma_start3A_207] : memref<2x128x128xf32, #tpu.memory_space<vmem>> -> memref<1x128x128xf32, #tpu.memory_space<vmem>>
      %dma_start3A_209 = tpu.memref_squeeze %dma_start3A_208 : memref<1x128x128xf32, #tpu.memory_space<vmem>> -> memref<128x128xf32, #tpu.memory_space<vmem>>
      tpu.enqueue_dma source(%dma_start3A_209 : memref<128x128xf32, #tpu.memory_space<vmem>>) target(%dma_start3A_205 : memref<128x128xf32, #tpu.memory_space<vmem_shared>>) target_semaphore(%run_scoped3A_197 : memref<!tpu.dma_semaphore, #tpu.memory_space<semaphore_mem>>)
      %dma_wait3A_210 = arith.constant 0 : i32
      %dma_wait3A_211 = arith.constant 0 : i32
      %dma_wait3A_212 = tpu.memref_slice %arg8[%run_scoped3A_19, %dma_wait3A_210, %dma_wait3A_211] : memref<2x128x128xf32, #tpu.memory_space<vmem>> -> memref<1x128x128xf32, #tpu.memory_space<vmem>>
      %dma_wait3A_213 = tpu.memref_squeeze %dma_wait3A_212 : memref<1x128x128xf32, #tpu.memory_space<vmem>> -> memref<128x128xf32, #tpu.memory_space<vmem>>
      %dma_wait3A_214 = arith.constant 0 : i32
      %dma_wait3A_215 = tpu.memref_slice %arg9[%add3A_18, %dma_wait3A_214] : memref<10112x128xf32, #tpu.memory_space<vmem_shared>> -> memref<128x128xf32, #tpu.memory_space<vmem_shared>>
      %dma_wait3A_216 = arith.constant 0 : i32
      %dma_wait3A_217 = tpu.memref_slice %arg9[%add3A_18, %dma_wait3A_216] : memref<10112x128xf32, #tpu.memory_space<vmem_shared>> -> memref<128x128xf32, #tpu.memory_space<vmem_shared>>
      %dma_wait3A_218 = arith.constant 0 : i32
      %dma_wait3A_219 = arith.constant 0 : i32
      %dma_wait3A_220 = tpu.memref_slice %arg8[%run_scoped3A_19, %dma_wait3A_218, %dma_wait3A_219] : memref<2x128x128xf32, #tpu.memory_space<vmem>> -> memref<1x128x128xf32, #tpu.memory_space<vmem>>
      %dma_wait3A_221 = tpu.memref_squeeze %dma_wait3A_220 : memref<1x128x128xf32, #tpu.memory_space<vmem>> -> memref<128x128xf32, #tpu.memory_space<vmem>>
      tpu.wait_dma2 semaphore(%run_scoped3A_197 : memref<!tpu.dma_semaphore, #tpu.memory_space<semaphore_mem>>) src(%dma_wait3A_221 : memref<128x128xf32, #tpu.memory_space<vmem>>) dst(%dma_wait3A_217 : memref<128x128xf32, #tpu.memory_space<vmem_shared>>)
      tpu.yield
    }) : () -> ()
    %add3A_20 = arith.constant 384 : i32
    %add3A_21 = arith.addi %mul3A_7, %add3A_20 : i32
    %run_scoped3A_22 = arith.constant 0 : i32
    "tpu.region"() ({
      %run_scoped3A_197 = tpu.sem_alloc : memref<!tpu.dma_semaphore, #tpu.memory_space<semaphore_mem>>
      %dma_start3A_198 = arith.constant 0 : i32
      %dma_start3A_199 = arith.constant 0 : i32
      %dma_start3A_200 = tpu.memref_slice %arg8[%run_scoped3A_22, %dma_start3A_198, %dma_start3A_199] : memref<2x128x128xf32, #tpu.memory_space<vmem>> -> memref<1x128x128xf32, #tpu.memory_space<vmem>>
      %dma_start3A_201 = tpu.memref_squeeze %dma_start3A_200 : memref<1x128x128xf32, #tpu.memory_space<vmem>> -> memref<128x128xf32, #tpu.memory_space<vmem>>
      %dma_start3A_202 = arith.constant 0 : i32
      %dma_start3A_203 = tpu.memref_slice %arg9[%add3A_21, %dma_start3A_202] : memref<10112x128xf32, #tpu.memory_space<vmem_shared>> -> memref<128x128xf32, #tpu.memory_space<vmem_shared>>
      %dma_start3A_204 = arith.constant 0 : i32
      %dma_start3A_205 = tpu.memref_slice %arg9[%add3A_21, %dma_start3A_204] : memref<10112x128xf32, #tpu.memory_space<vmem_shared>> -> memref<128x128xf32, #tpu.memory_space<vmem_shared>>
      %dma_start3A_206 = arith.constant 0 : i32
      %dma_start3A_207 = arith.constant 0 : i32
      %dma_start3A_208 = tpu.memref_slice %arg8[%run_scoped3A_22, %dma_start3A_206, %dma_start3A_207] : memref<2x128x128xf32, #tpu.memory_space<vmem>> -> memref<1x128x128xf32, #tpu.memory_space<vmem>>
      %dma_start3A_209 = tpu.memref_squeeze %dma_start3A_208 : memref<1x128x128xf32, #tpu.memory_space<vmem>> -> memref<128x128xf32, #tpu.memory_space<vmem>>
      tpu.enqueue_dma source(%dma_start3A_209 : memref<128x128xf32, #tpu.memory_space<vmem>>) target(%dma_start3A_205 : memref<128x128xf32, #tpu.memory_space<vmem_shared>>) target_semaphore(%run_scoped3A_197 : memref<!tpu.dma_semaphore, #tpu.memory_space<semaphore_mem>>)
      %dma_wait3A_210 = arith.constant 0 : i32
      %dma_wait3A_211 = arith.constant 0 : i32
      %dma_wait3A_212 = tpu.memref_slice %arg8[%run_scoped3A_22, %dma_wait3A_210, %dma_wait3A_211] : memref<2x128x128xf32, #tpu.memory_space<vmem>> -> memref<1x128x128xf32, #tpu.memory_space<vmem>>
      %dma_wait3A_213 = tpu.memref_squeeze %dma_wait3A_212 : memref<1x128x128xf32, #tpu.memory_space<vmem>> -> memref<128x128xf32, #tpu.memory_space<vmem>>
      %dma_wait3A_214 = arith.constant 0 : i32
      %dma_wait3A_215 = tpu.memref_slice %arg9[%add3A_21, %dma_wait3A_214] : memref<10112x128xf32, #tpu.memory_space<vmem_shared>> -> memref<128x128xf32, #tpu.memory_space<vmem_shared>>
      %dma_wait3A_216 = arith.constant 0 : i32
      %dma_wait3A_217 = tpu.memref_slice %arg9[%add3A_21, %dma_wait3A_216] : memref<10112x128xf32, #tpu.memory_space<vmem_shared>> -> memref<128x128xf32, #tpu.memory_space<vmem_shared>>
      %dma_wait3A_218 = arith.constant 0 : i32
      %dma_wait3A_219 = arith.constant 0 : i32
      %dma_wait3A_220 = tpu.memref_slice %arg8[%run_scoped3A_22, %dma_wait3A_218, %dma_wait3A_219] : memref<2x128x128xf32, #tpu.memory_space<vmem>> -> memref<1x128x128xf32, #tpu.memory_space<vmem>>
      %dma_wait3A_221 = tpu.memref_squeeze %dma_wait3A_220 : memref<1x128x128xf32, #tpu.memory_space<vmem>> -> memref<128x128xf32, #tpu.memory_space<vmem>>
      tpu.wait_dma2 semaphore(%run_scoped3A_197 : memref<!tpu.dma_semaphore, #tpu.memory_space<semaphore_mem>>) src(%dma_wait3A_221 : memref<128x128xf32, #tpu.memory_space<vmem>>) dst(%dma_wait3A_217 : memref<128x128xf32, #tpu.memory_space<vmem_shared>>)
      tpu.yield
    }) : () -> ()
    %add3A_23 = arith.constant 512 : i32
    %add3A_24 = arith.addi %mul3A_7, %add3A_23 : i32
    %run_scoped3A_25 = arith.constant 1 : i32
    "tpu.region"() ({
      %run_scoped3A_197 = tpu.sem_alloc : memref<!tpu.dma_semaphore, #tpu.memory_space<semaphore_mem>>
      %dma_start3A_198 = arith.constant 0 : i32
      %dma_start3A_199 = arith.constant 0 : i32
      %dma_start3A_200 = tpu.memref_slice %arg8[%run_scoped3A_25, %dma_start3A_198, %dma_start3A_199] : memref<2x128x128xf32, #tpu.memory_space<vmem>> -> memref<1x120x128xf32, #tpu.memory_space<vmem>>
      %dma_start3A_201 = tpu.memref_squeeze %dma_start3A_200 : memref<1x120x128xf32, #tpu.memory_space<vmem>> -> memref<120x128xf32, #tpu.memory_space<vmem>>
      %dma_start3A_202 = arith.constant 0 : i32
      %dma_start3A_203 = tpu.memref_slice %arg9[%add3A_24, %dma_start3A_202] : memref<10112x128xf32, #tpu.memory_space<vmem_shared>> -> memref<120x128xf32, #tpu.memory_space<vmem_shared>>
      %dma_start3A_204 = arith.constant 0 : i32
      %dma_start3A_205 = tpu.memref_slice %arg9[%add3A_24, %dma_start3A_204] : memref<10112x128xf32, #tpu.memory_space<vmem_shared>> -> memref<120x128xf32, #tpu.memory_space<vmem_shared>>
      %dma_start3A_206 = arith.constant 0 : i32
      %dma_start3A_207 = arith.constant 0 : i32
      %dma_start3A_208 = tpu.memref_slice %arg8[%run_scoped3A_25, %dma_start3A_206, %dma_start3A_207] : memref<2x128x128xf32, #tpu.memory_space<vmem>> -> memref<1x120x128xf32, #tpu.memory_space<vmem>>
      %dma_start3A_209 = tpu.memref_squeeze %dma_start3A_208 : memref<1x120x128xf32, #tpu.memory_space<vmem>> -> memref<120x128xf32, #tpu.memory_space<vmem>>
      tpu.enqueue_dma source(%dma_start3A_209 : memref<120x128xf32, #tpu.memory_space<vmem>>) target(%dma_start3A_205 : memref<120x128xf32, #tpu.memory_space<vmem_shared>>) target_semaphore(%run_scoped3A_197 : memref<!tpu.dma_semaphore, #tpu.memory_space<semaphore_mem>>)
      %dma_wait3A_210 = arith.constant 0 : i32
      %dma_wait3A_211 = arith.constant 0 : i32
      %dma_wait3A_212 = tpu.memref_slice %arg8[%run_scoped3A_25, %dma_wait3A_210, %dma_wait3A_211] : memref<2x128x128xf32, #tpu.memory_space<vmem>> -> memref<1x120x128xf32, #tpu.memory_space<vmem>>
      %dma_wait3A_213 = tpu.memref_squeeze %dma_wait3A_212 : memref<1x120x128xf32, #tpu.memory_space<vmem>> -> memref<120x128xf32, #tpu.memory_space<vmem>>
      %dma_wait3A_214 = arith.constant 0 : i32
      %dma_wait3A_215 = tpu.memref_slice %arg9[%add3A_24, %dma_wait3A_214] : memref<10112x128xf32, #tpu.memory_space<vmem_shared>> -> memref<120x128xf32, #tpu.memory_space<vmem_shared>>
      %dma_wait3A_216 = arith.constant 0 : i32
      %dma_wait3A_217 = tpu.memref_slice %arg9[%add3A_24, %dma_wait3A_216] : memref<10112x128xf32, #tpu.memory_space<vmem_shared>> -> memref<120x128xf32, #tpu.memory_space<vmem_shared>>
      %dma_wait3A_218 = arith.constant 0 : i32
      %dma_wait3A_219 = arith.constant 0 : i32
      %dma_wait3A_220 = tpu.memref_slice %arg8[%run_scoped3A_25, %dma_wait3A_218, %dma_wait3A_219] : memref<2x128x128xf32, #tpu.memory_space<vmem>> -> memref<1x120x128xf32, #tpu.memory_space<vmem>>
      %dma_wait3A_221 = tpu.memref_squeeze %dma_wait3A_220 : memref<1x120x128xf32, #tpu.memory_space<vmem>> -> memref<120x128xf32, #tpu.memory_space<vmem>>
      tpu.wait_dma2 semaphore(%run_scoped3A_197 : memref<!tpu.dma_semaphore, #tpu.memory_space<semaphore_mem>>) src(%dma_wait3A_221 : memref<120x128xf32, #tpu.memory_space<vmem>>) dst(%dma_wait3A_217 : memref<120x128xf32, #tpu.memory_space<vmem_shared>>)
      tpu.yield
    }) : () -> ()
    %barrier3A = arith.constant 0 : index
    tpu.barrier barrier_id(%barrier3A)
    %add3A_26 = arith.constant 0 : i32
    %add3A_27 = arith.addi %add3A, %add3A_26 : i32
    %dma_start3A = arith.constant 0 : i32
    %dma_start3A_28 = arith.constant 0 : i32
    %dma_start3A_29 = tpu.memref_slice %arg6[%dma_start3A, %dma_start3A_28] : memref<2x128xi32, #tpu.memory_space<vmem>> -> memref<1x128xi32, #tpu.memory_space<vmem>>
    %dma_start3A_30 = tpu.memref_squeeze %dma_start3A_29 : memref<1x128xi32, #tpu.memory_space<vmem>> -> memref<128xi32, #tpu.memory_space<vmem>>
    %dma_start3A_31 = arith.constant 0 : i32
    %dma_start3A_32 = tpu.memref_slice %arg3[%add3A_27, %dma_start3A_31] : memref<2560x128xi32, #tpu.memory_space<hbm>> -> memref<1x128xi32, #tpu.memory_space<hbm>>
    %dma_start3A_33 = tpu.memref_squeeze %dma_start3A_32 : memref<1x128xi32, #tpu.memory_space<hbm>> -> memref<128xi32, #tpu.memory_space<hbm>>
    %dma_start3A_34 = arith.constant 0 : i32
    %dma_start3A_35 = tpu.memref_slice %arg6[%dma_start3A, %dma_start3A_34] : memref<2x128xi32, #tpu.memory_space<vmem>> -> memref<1x128xi32, #tpu.memory_space<vmem>>
    %dma_start3A_36 = tpu.memref_squeeze %dma_start3A_35 : memref<1x128xi32, #tpu.memory_space<vmem>> -> memref<128xi32, #tpu.memory_space<vmem>>
    %dma_start3A_37 = arith.constant 0 : i32
    %dma_start3A_38 = tpu.memref_slice %arg3[%add3A_27, %dma_start3A_37] : memref<2560x128xi32, #tpu.memory_space<hbm>> -> memref<1x128xi32, #tpu.memory_space<hbm>>
    %dma_start3A_39 = tpu.memref_squeeze %dma_start3A_38 : memref<1x128xi32, #tpu.memory_space<hbm>> -> memref<128xi32, #tpu.memory_space<hbm>>
    tpu.enqueue_dma source(%dma_start3A_39 : memref<128xi32, #tpu.memory_space<hbm>>) target(%dma_start3A_36 : memref<128xi32, #tpu.memory_space<vmem>>) target_semaphore(%arg12 : memref<!tpu.dma_semaphore, #tpu.memory_space<semaphore_mem>>)
    %add3A_40 = arith.constant 0 : i32
    %add3A_41 = arith.addi %add3A, %add3A_40 : i32
    %dma_start3A_42 = arith.constant 0 : i32
    %dma_start3A_43 = arith.constant 0 : i32
    %dma_start3A_44 = tpu.memref_slice %arg7[%dma_start3A_42, %dma_start3A_43] : memref<2x128xi32, #tpu.memory_space<vmem>> -> memref<1x128xi32, #tpu.memory_space<vmem>>
    %dma_start3A_45 = tpu.memref_squeeze %dma_start3A_44 : memref<1x128xi32, #tpu.memory_space<vmem>> -> memref<128xi32, #tpu.memory_space<vmem>>
    %dma_start3A_46 = arith.constant 0 : i32
    %dma_start3A_47 = tpu.memref_slice %arg4[%add3A_41, %dma_start3A_46] : memref<2560x128xi32, #tpu.memory_space<hbm>> -> memref<1x128xi32, #tpu.memory_space<hbm>>
    %dma_start3A_48 = tpu.memref_squeeze %dma_start3A_47 : memref<1x128xi32, #tpu.memory_space<hbm>> -> memref<128xi32, #tpu.memory_space<hbm>>
    %dma_start3A_49 = arith.constant 0 : i32
    %dma_start3A_50 = tpu.memref_slice %arg7[%dma_start3A_42, %dma_start3A_49] : memref<2x128xi32, #tpu.memory_space<vmem>> -> memref<1x128xi32, #tpu.memory_space<vmem>>
    %dma_start3A_51 = tpu.memref_squeeze %dma_start3A_50 : memref<1x128xi32, #tpu.memory_space<vmem>> -> memref<128xi32, #tpu.memory_space<vmem>>
    %dma_start3A_52 = arith.constant 0 : i32
    %dma_start3A_53 = tpu.memref_slice %arg4[%add3A_41, %dma_start3A_52] : memref<2560x128xi32, #tpu.memory_space<hbm>> -> memref<1x128xi32, #tpu.memory_space<hbm>>
    %dma_start3A_54 = tpu.memref_squeeze %dma_start3A_53 : memref<1x128xi32, #tpu.memory_space<hbm>> -> memref<128xi32, #tpu.memory_space<hbm>>
    tpu.enqueue_dma source(%dma_start3A_54 : memref<128xi32, #tpu.memory_space<hbm>>) target(%dma_start3A_51 : memref<128xi32, #tpu.memory_space<vmem>>) target_semaphore(%arg12 : memref<!tpu.dma_semaphore, #tpu.memory_space<semaphore_mem>>)
    %add3A_55 = arith.constant 1 : i32
    %add3A_56 = arith.addi %add3A, %add3A_55 : i32
    %dma_start3A_57 = arith.constant 1 : i32
    %dma_start3A_58 = arith.constant 0 : i32
    %dma_start3A_59 = tpu.memref_slice %arg6[%dma_start3A_57, %dma_start3A_58] : memref<2x128xi32, #tpu.memory_space<vmem>> -> memref<1x128xi32, #tpu.memory_space<vmem>>
    %dma_start3A_60 = tpu.memref_squeeze %dma_start3A_59 : memref<1x128xi32, #tpu.memory_space<vmem>> -> memref<128xi32, #tpu.memory_space<vmem>>
    %dma_start3A_61 = arith.constant 0 : i32
    %dma_start3A_62 = tpu.memref_slice %arg3[%add3A_56, %dma_start3A_61] : memref<2560x128xi32, #tpu.memory_space<hbm>> -> memref<1x128xi32, #tpu.memory_space<hbm>>
    %dma_start3A_63 = tpu.memref_squeeze %dma_start3A_62 : memref<1x128xi32, #tpu.memory_space<hbm>> -> memref<128xi32, #tpu.memory_space<hbm>>
    %dma_start3A_64 = arith.constant 0 : i32
    %dma_start3A_65 = tpu.memref_slice %arg6[%dma_start3A_57, %dma_start3A_64] : memref<2x128xi32, #tpu.memory_space<vmem>> -> memref<1x128xi32, #tpu.memory_space<vmem>>
    %dma_start3A_66 = tpu.memref_squeeze %dma_start3A_65 : memref<1x128xi32, #tpu.memory_space<vmem>> -> memref<128xi32, #tpu.memory_space<vmem>>
    %dma_start3A_67 = arith.constant 0 : i32
    %dma_start3A_68 = tpu.memref_slice %arg3[%add3A_56, %dma_start3A_67] : memref<2560x128xi32, #tpu.memory_space<hbm>> -> memref<1x128xi32, #tpu.memory_space<hbm>>
    %dma_start3A_69 = tpu.memref_squeeze %dma_start3A_68 : memref<1x128xi32, #tpu.memory_space<hbm>> -> memref<128xi32, #tpu.memory_space<hbm>>
    tpu.enqueue_dma source(%dma_start3A_69 : memref<128xi32, #tpu.memory_space<hbm>>) target(%dma_start3A_66 : memref<128xi32, #tpu.memory_space<vmem>>) target_semaphore(%arg13 : memref<!tpu.dma_semaphore, #tpu.memory_space<semaphore_mem>>)
    %add3A_70 = arith.constant 1 : i32
    %add3A_71 = arith.addi %add3A, %add3A_70 : i32
    %dma_start3A_72 = arith.constant 1 : i32
    %dma_start3A_73 = arith.constant 0 : i32
    %dma_start3A_74 = tpu.memref_slice %arg7[%dma_start3A_72, %dma_start3A_73] : memref<2x128xi32, #tpu.memory_space<vmem>> -> memref<1x128xi32, #tpu.memory_space<vmem>>
    %dma_start3A_75 = tpu.memref_squeeze %dma_start3A_74 : memref<1x128xi32, #tpu.memory_space<vmem>> -> memref<128xi32, #tpu.memory_space<vmem>>
    %dma_start3A_76 = arith.constant 0 : i32
    %dma_start3A_77 = tpu.memref_slice %arg4[%add3A_71, %dma_start3A_76] : memref<2560x128xi32, #tpu.memory_space<hbm>> -> memref<1x128xi32, #tpu.memory_space<hbm>>
    %dma_start3A_78 = tpu.memref_squeeze %dma_start3A_77 : memref<1x128xi32, #tpu.memory_space<hbm>> -> memref<128xi32, #tpu.memory_space<hbm>>
    %dma_start3A_79 = arith.constant 0 : i32
    %dma_start3A_80 = tpu.memref_slice %arg7[%dma_start3A_72, %dma_start3A_79] : memref<2x128xi32, #tpu.memory_space<vmem>> -> memref<1x128xi32, #tpu.memory_space<vmem>>
    %dma_start3A_81 = tpu.memref_squeeze %dma_start3A_80 : memref<1x128xi32, #tpu.memory_space<vmem>> -> memref<128xi32, #tpu.memory_space<vmem>>
    %dma_start3A_82 = arith.constant 0 : i32
    %dma_start3A_83 = tpu.memref_slice %arg4[%add3A_71, %dma_start3A_82] : memref<2560x128xi32, #tpu.memory_space<hbm>> -> memref<1x128xi32, #tpu.memory_space<hbm>>
    %dma_start3A_84 = tpu.memref_squeeze %dma_start3A_83 : memref<1x128xi32, #tpu.memory_space<hbm>> -> memref<128xi32, #tpu.memory_space<hbm>>
    tpu.enqueue_dma source(%dma_start3A_84 : memref<128xi32, #tpu.memory_space<hbm>>) target(%dma_start3A_81 : memref<128xi32, #tpu.memory_space<vmem>>) target_semaphore(%arg13 : memref<!tpu.dma_semaphore, #tpu.memory_space<semaphore_mem>>)
    %dma_wait3A = arith.constant 0 : i32
    %dma_wait3A_85 = arith.constant 0 : i32
    %dma_wait3A_86 = tpu.memref_slice %arg6[%dma_wait3A, %dma_wait3A_85] : memref<2x128xi32, #tpu.memory_space<vmem>> -> memref<1x128xi32, #tpu.memory_space<vmem>>
    %dma_wait3A_87 = tpu.memref_squeeze %dma_wait3A_86 : memref<1x128xi32, #tpu.memory_space<vmem>> -> memref<128xi32, #tpu.memory_space<vmem>>
    %dma_wait3A_88 = arith.constant 0 : i32
    %dma_wait3A_89 = tpu.memref_slice %arg3[%add3A, %dma_wait3A_88] : memref<2560x128xi32, #tpu.memory_space<hbm>> -> memref<1x128xi32, #tpu.memory_space<hbm>>
    %dma_wait3A_90 = tpu.memref_squeeze %dma_wait3A_89 : memref<1x128xi32, #tpu.memory_space<hbm>> -> memref<128xi32, #tpu.memory_space<hbm>>
    %dma_wait3A_91 = arith.constant 0 : i32
    %dma_wait3A_92 = tpu.memref_slice %arg6[%dma_wait3A, %dma_wait3A_91] : memref<2x128xi32, #tpu.memory_space<vmem>> -> memref<1x128xi32, #tpu.memory_space<vmem>>
    %dma_wait3A_93 = tpu.memref_squeeze %dma_wait3A_92 : memref<1x128xi32, #tpu.memory_space<vmem>> -> memref<128xi32, #tpu.memory_space<vmem>>
    %dma_wait3A_94 = arith.constant 0 : i32
    %dma_wait3A_95 = tpu.memref_slice %arg3[%add3A, %dma_wait3A_94] : memref<2560x128xi32, #tpu.memory_space<hbm>> -> memref<1x128xi32, #tpu.memory_space<hbm>>
    %dma_wait3A_96 = tpu.memref_squeeze %dma_wait3A_95 : memref<1x128xi32, #tpu.memory_space<hbm>> -> memref<128xi32, #tpu.memory_space<hbm>>
    tpu.wait_dma2 semaphore(%arg12 : memref<!tpu.dma_semaphore, #tpu.memory_space<semaphore_mem>>) src(%dma_wait3A_96 : memref<128xi32, #tpu.memory_space<hbm>>) dst(%dma_wait3A_93 : memref<128xi32, #tpu.memory_space<vmem>>)
    %dma_wait3A_97 = arith.constant 0 : i32
    %dma_wait3A_98 = arith.constant 0 : i32
    %dma_wait3A_99 = tpu.memref_slice %arg7[%dma_wait3A_97, %dma_wait3A_98] : memref<2x128xi32, #tpu.memory_space<vmem>> -> memref<1x128xi32, #tpu.memory_space<vmem>>
    %dma_wait3A_100 = tpu.memref_squeeze %dma_wait3A_99 : memref<1x128xi32, #tpu.memory_space<vmem>> -> memref<128xi32, #tpu.memory_space<vmem>>
    %dma_wait3A_101 = arith.constant 0 : i32
    %dma_wait3A_102 = tpu.memref_slice %arg4[%add3A, %dma_wait3A_101] : memref<2560x128xi32, #tpu.memory_space<hbm>> -> memref<1x128xi32, #tpu.memory_space<hbm>>
    %dma_wait3A_103 = tpu.memref_squeeze %dma_wait3A_102 : memref<1x128xi32, #tpu.memory_space<hbm>> -> memref<128xi32, #tpu.memory_space<hbm>>
    %dma_wait3A_104 = arith.constant 0 : i32
    %dma_wait3A_105 = tpu.memref_slice %arg7[%dma_wait3A_97, %dma_wait3A_104] : memref<2x128xi32, #tpu.memory_space<vmem>> -> memref<1x128xi32, #tpu.memory_space<vmem>>
    %dma_wait3A_106 = tpu.memref_squeeze %dma_wait3A_105 : memref<1x128xi32, #tpu.memory_space<vmem>> -> memref<128xi32, #tpu.memory_space<vmem>>
    %dma_wait3A_107 = arith.constant 0 : i32
    %dma_wait3A_108 = tpu.memref_slice %arg4[%add3A, %dma_wait3A_107] : memref<2560x128xi32, #tpu.memory_space<hbm>> -> memref<1x128xi32, #tpu.memory_space<hbm>>
    %dma_wait3A_109 = tpu.memref_squeeze %dma_wait3A_108 : memref<1x128xi32, #tpu.memory_space<hbm>> -> memref<128xi32, #tpu.memory_space<hbm>>
    tpu.wait_dma2 semaphore(%arg12 : memref<!tpu.dma_semaphore, #tpu.memory_space<semaphore_mem>>) src(%dma_wait3A_109 : memref<128xi32, #tpu.memory_space<hbm>>) dst(%dma_wait3A_106 : memref<128xi32, #tpu.memory_space<vmem>>)
    %dma_start3A_110 = arith.constant 0 : i32
    %dma_start3A_111 = arith.constant 0 : i32
    %dma_start3A_112 = arith.constant 0 : i32
    %dma_start3A_113 = arith.constant 0 : i32
    %dma_start3A_114 = tpu.memref_slice %arg8[%dma_start3A_111, %dma_start3A_112, %dma_start3A_113] : memref<2x128x128xf32, #tpu.memory_space<vmem>> -> memref<1x128x128xf32, #tpu.memory_space<vmem>>
    %dma_start3A_115 = tpu.memref_squeeze %dma_start3A_114 : memref<1x128x128xf32, #tpu.memory_space<vmem>> -> memref<128x128xf32, #tpu.memory_space<vmem>>
    %dma_start3A_116 = arith.constant 0 : i32
    %dma_start3A_117 = tpu.memref_slice %arg6[%dma_start3A_110, %dma_start3A_116] : memref<2x128xi32, #tpu.memory_space<vmem>> -> memref<1x128xi32, #tpu.memory_space<vmem>>
    %dma_start3A_118 = tpu.memref_squeeze %dma_start3A_117 : memref<1x128xi32, #tpu.memory_space<vmem>> -> memref<128xi32, #tpu.memory_space<vmem>>
    %dma_start3A_119 = arith.constant 0 : i32
    %dma_start3A_120 = arith.constant 0 : i32
    %dma_start3A_121 = tpu.memref_slice %arg2[%dma_start3A_119, %dma_start3A_120] : memref<10112x128xf32, #tpu.memory_space<hbm>> -> memref<10112x128xf32, #tpu.memory_space<hbm>>
    tpu.enqueue_indirect_dma source(%dma_start3A_121 : memref<10112x128xf32, #tpu.memory_space<hbm>>) target(%dma_start3A_115 : memref<128x128xf32, #tpu.memory_space<vmem>>) offsets(%dma_start3A_118 : memref<128xi32, #tpu.memory_space<vmem>>) semaphore(%arg10 : memref<!tpu.dma_semaphore, #tpu.memory_space<semaphore_mem>>)
    %while3A = arith.constant 0 : i32
    %while3A_122 = arith.subi %sub3A_5, %while3A : i32
    %while3A_123 = arith.addi %while3A, %while3A_122 : i32
    %while3A_124 = arith.constant 1 : i32
    %while3A_125 = arith.divsi %while3A_122, %while3A_124 : i32
    %while3A_126 = arith.muli %while3A_125, %while3A_124 : i32
    %while3A_127 = arith.addi %while3A, %while3A_126 : i32
    %while3A_128 = arith.constant 1 : i32
    scf.for %while3A_197 = %while3A to %while3A_127 step %while3A_128  : i32 {
      %mul3A_198 = arith.constant 2 : i32
      %mul3A_199 = arith.muli %while3A_197, %mul3A_198 : i32
      %dma_wait3A_200 = arith.constant 1 : i32
      %dma_wait3A_201 = arith.constant 0 : i32
      %dma_wait3A_202 = tpu.memref_slice %arg6[%dma_wait3A_200, %dma_wait3A_201] : memref<2x128xi32, #tpu.memory_space<vmem>> -> memref<1x128xi32, #tpu.memory_space<vmem>>
      %dma_wait3A_203 = tpu.memref_squeeze %dma_wait3A_202 : memref<1x128xi32, #tpu.memory_space<vmem>> -> memref<128xi32, #tpu.memory_space<vmem>>
      %dma_wait3A_204 = arith.constant 0 : i32
      %dma_wait3A_205 = tpu.memref_slice %arg3[%add3A, %dma_wait3A_204] : memref<2560x128xi32, #tpu.memory_space<hbm>> -> memref<1x128xi32, #tpu.memory_space<hbm>>
      %dma_wait3A_206 = tpu.memref_squeeze %dma_wait3A_205 : memref<1x128xi32, #tpu.memory_space<hbm>> -> memref<128xi32, #tpu.memory_space<hbm>>
      %dma_wait3A_207 = arith.constant 0 : i32
      %dma_wait3A_208 = tpu.memref_slice %arg6[%dma_wait3A_200, %dma_wait3A_207] : memref<2x128xi32, #tpu.memory_space<vmem>> -> memref<1x128xi32, #tpu.memory_space<vmem>>
      %dma_wait3A_209 = tpu.memref_squeeze %dma_wait3A_208 : memref<1x128xi32, #tpu.memory_space<vmem>> -> memref<128xi32, #tpu.memory_space<vmem>>
      %dma_wait3A_210 = arith.constant 0 : i32
      %dma_wait3A_211 = tpu.memref_slice %arg3[%add3A, %dma_wait3A_210] : memref<2560x128xi32, #tpu.memory_space<hbm>> -> memref<1x128xi32, #tpu.memory_space<hbm>>
      %dma_wait3A_212 = tpu.memref_squeeze %dma_wait3A_211 : memref<1x128xi32, #tpu.memory_space<hbm>> -> memref<128xi32, #tpu.memory_space<hbm>>
      tpu.wait_dma2 semaphore(%arg13 : memref<!tpu.dma_semaphore, #tpu.memory_space<semaphore_mem>>) src(%dma_wait3A_212 : memref<128xi32, #tpu.memory_space<hbm>>) dst(%dma_wait3A_209 : memref<128xi32, #tpu.memory_space<vmem>>)
      %dma_wait3A_213 = arith.constant 1 : i32
      %dma_wait3A_214 = arith.constant 0 : i32
      %dma_wait3A_215 = tpu.memref_slice %arg7[%dma_wait3A_213, %dma_wait3A_214] : memref<2x128xi32, #tpu.memory_space<vmem>> -> memref<1x128xi32, #tpu.memory_space<vmem>>
      %dma_wait3A_216 = tpu.memref_squeeze %dma_wait3A_215 : memref<1x128xi32, #tpu.memory_space<vmem>> -> memref<128xi32, #tpu.memory_space<vmem>>
      %dma_wait3A_217 = arith.constant 0 : i32
      %dma_wait3A_218 = tpu.memref_slice %arg4[%add3A, %dma_wait3A_217] : memref<2560x128xi32, #tpu.memory_space<hbm>> -> memref<1x128xi32, #tpu.memory_space<hbm>>
      %dma_wait3A_219 = tpu.memref_squeeze %dma_wait3A_218 : memref<1x128xi32, #tpu.memory_space<hbm>> -> memref<128xi32, #tpu.memory_space<hbm>>
      %dma_wait3A_220 = arith.constant 0 : i32
      %dma_wait3A_221 = tpu.memref_slice %arg7[%dma_wait3A_213, %dma_wait3A_220] : memref<2x128xi32, #tpu.memory_space<vmem>> -> memref<1x128xi32, #tpu.memory_space<vmem>>
      %dma_wait3A_222 = tpu.memref_squeeze %dma_wait3A_221 : memref<1x128xi32, #tpu.memory_space<vmem>> -> memref<128xi32, #tpu.memory_space<vmem>>
      %dma_wait3A_223 = arith.constant 0 : i32
      %dma_wait3A_224 = tpu.memref_slice %arg4[%add3A, %dma_wait3A_223] : memref<2560x128xi32, #tpu.memory_space<hbm>> -> memref<1x128xi32, #tpu.memory_space<hbm>>
      %dma_wait3A_225 = tpu.memref_squeeze %dma_wait3A_224 : memref<1x128xi32, #tpu.memory_space<hbm>> -> memref<128xi32, #tpu.memory_space<hbm>>
      tpu.wait_dma2 semaphore(%arg13 : memref<!tpu.dma_semaphore, #tpu.memory_space<semaphore_mem>>) src(%dma_wait3A_225 : memref<128xi32, #tpu.memory_space<hbm>>) dst(%dma_wait3A_222 : memref<128xi32, #tpu.memory_space<vmem>>)
      %dma_wait3A_226 = arith.constant 0 : i32
      %dma_wait3A_227 = arith.constant 0 : i32
      %dma_wait3A_228 = arith.constant 0 : i32
      %dma_wait3A_229 = arith.constant 0 : i32
      %dma_wait3A_230 = tpu.memref_slice %arg8[%dma_wait3A_227, %dma_wait3A_228, %dma_wait3A_229] : memref<2x128x128xf32, #tpu.memory_space<vmem>> -> memref<1x128x128xf32, #tpu.memory_space<vmem>>
      %dma_wait3A_231 = tpu.memref_squeeze %dma_wait3A_230 : memref<1x128x128xf32, #tpu.memory_space<vmem>> -> memref<128x128xf32, #tpu.memory_space<vmem>>
      %dma_wait3A_232 = arith.constant 0 : i32
      %dma_wait3A_233 = tpu.memref_slice %arg6[%dma_wait3A_226, %dma_wait3A_232] : memref<2x128xi32, #tpu.memory_space<vmem>> -> memref<1x128xi32, #tpu.memory_space<vmem>>
      %dma_wait3A_234 = tpu.memref_squeeze %dma_wait3A_233 : memref<1x128xi32, #tpu.memory_space<vmem>> -> memref<128xi32, #tpu.memory_space<vmem>>
      %dma_wait3A_235 = arith.constant 0 : i32
      %dma_wait3A_236 = arith.constant 0 : i32
      %dma_wait3A_237 = tpu.memref_slice %arg2[%dma_wait3A_235, %dma_wait3A_236] : memref<10112x128xf32, #tpu.memory_space<hbm>> -> memref<10112x128xf32, #tpu.memory_space<hbm>>
      tpu.wait_indirect_dma semaphore(%arg10 : memref<!tpu.dma_semaphore, #tpu.memory_space<semaphore_mem>>) src(%dma_wait3A_237 : memref<10112x128xf32, #tpu.memory_space<hbm>>) dst(%dma_wait3A_231 : memref<128x128xf32, #tpu.memory_space<vmem>>)
      %dma_start3A_238 = arith.constant 1 : i32
      %dma_start3A_239 = arith.constant 1 : i32
      %dma_start3A_240 = arith.constant 0 : i32
      %dma_start3A_241 = arith.constant 0 : i32
      %dma_start3A_242 = tpu.memref_slice %arg8[%dma_start3A_239, %dma_start3A_240, %dma_start3A_241] : memref<2x128x128xf32, #tpu.memory_space<vmem>> -> memref<1x128x128xf32, #tpu.memory_space<vmem>>
      %dma_start3A_243 = tpu.memref_squeeze %dma_start3A_242 : memref<1x128x128xf32, #tpu.memory_space<vmem>> -> memref<128x128xf32, #tpu.memory_space<vmem>>
      %dma_start3A_244 = arith.constant 0 : i32
      %dma_start3A_245 = tpu.memref_slice %arg6[%dma_start3A_238, %dma_start3A_244] : memref<2x128xi32, #tpu.memory_space<vmem>> -> memref<1x128xi32, #tpu.memory_space<vmem>>
      %dma_start3A_246 = tpu.memref_squeeze %dma_start3A_245 : memref<1x128xi32, #tpu.memory_space<vmem>> -> memref<128xi32, #tpu.memory_space<vmem>>
      %dma_start3A_247 = arith.constant 0 : i32
      %dma_start3A_248 = arith.constant 0 : i32
      %dma_start3A_249 = tpu.memref_slice %arg2[%dma_start3A_247, %dma_start3A_248] : memref<10112x128xf32, #tpu.memory_space<hbm>> -> memref<10112x128xf32, #tpu.memory_space<hbm>>
      tpu.enqueue_indirect_dma source(%dma_start3A_249 : memref<10112x128xf32, #tpu.memory_space<hbm>>) target(%dma_start3A_243 : memref<128x128xf32, #tpu.memory_space<vmem>>) offsets(%dma_start3A_246 : memref<128xi32, #tpu.memory_space<vmem>>) semaphore(%arg11 : memref<!tpu.dma_semaphore, #tpu.memory_space<semaphore_mem>>)
      %run_scoped3A_250 = arith.constant 0 : i32
      %run_scoped3A_251 = arith.constant 0 : i32
      "tpu.region"() ({
        %run_scoped3A_368 = tpu.sem_alloc : memref<!tpu.dma_semaphore, #tpu.memory_space<semaphore_mem>>
        %dma_start3A_369 = arith.constant 0 : i32
        %dma_start3A_370 = arith.constant 0 : i32
        %dma_start3A_371 = tpu.memref_slice %arg8[%run_scoped3A_250, %dma_start3A_369, %dma_start3A_370] : memref<2x128x128xf32, #tpu.memory_space<vmem>> -> memref<1x128x128xf32, #tpu.memory_space<vmem>>
        %dma_start3A_372 = tpu.memref_squeeze %dma_start3A_371 : memref<1x128x128xf32, #tpu.memory_space<vmem>> -> memref<128x128xf32, #tpu.memory_space<vmem>>
        %dma_start3A_373 = arith.constant 0 : i32
        %dma_start3A_374 = tpu.memref_slice %arg7[%run_scoped3A_251, %dma_start3A_373] : memref<2x128xi32, #tpu.memory_space<vmem>> -> memref<1x128xi32, #tpu.memory_space<vmem>>
        %dma_start3A_375 = tpu.memref_squeeze %dma_start3A_374 : memref<1x128xi32, #tpu.memory_space<vmem>> -> memref<128xi32, #tpu.memory_space<vmem>>
        %dma_start3A_376 = arith.constant 0 : i32
        %dma_start3A_377 = arith.constant 0 : i32
        %dma_start3A_378 = tpu.memref_slice %arg9[%dma_start3A_376, %dma_start3A_377] : memref<10112x128xf32, #tpu.memory_space<vmem_shared>> -> memref<10112x128xf32, #tpu.memory_space<vmem_shared>>
        tpu.enqueue_indirect_dma source(%dma_start3A_372 : memref<128x128xf32, #tpu.memory_space<vmem>>) target(%dma_start3A_378 : memref<10112x128xf32, #tpu.memory_space<vmem_shared>>) offsets(%dma_start3A_375 : memref<128xi32, #tpu.memory_space<vmem>>) semaphore(%run_scoped3A_368 : memref<!tpu.dma_semaphore, #tpu.memory_space<semaphore_mem>>) {add = true}
        %dma_wait3A_379 = arith.constant 0 : i32
        %dma_wait3A_380 = arith.constant 0 : i32
        %dma_wait3A_381 = tpu.memref_slice %arg8[%run_scoped3A_250, %dma_wait3A_379, %dma_wait3A_380] : memref<2x128x128xf32, #tpu.memory_space<vmem>> -> memref<1x128x128xf32, #tpu.memory_space<vmem>>
        %dma_wait3A_382 = tpu.memref_squeeze %dma_wait3A_381 : memref<1x128x128xf32, #tpu.memory_space<vmem>> -> memref<128x128xf32, #tpu.memory_space<vmem>>
        %dma_wait3A_383 = arith.constant 0 : i32
        %dma_wait3A_384 = tpu.memref_slice %arg7[%run_scoped3A_251, %dma_wait3A_383] : memref<2x128xi32, #tpu.memory_space<vmem>> -> memref<1x128xi32, #tpu.memory_space<vmem>>
        %dma_wait3A_385 = tpu.memref_squeeze %dma_wait3A_384 : memref<1x128xi32, #tpu.memory_space<vmem>> -> memref<128xi32, #tpu.memory_space<vmem>>
        %dma_wait3A_386 = arith.constant 0 : i32
        %dma_wait3A_387 = arith.constant 0 : i32
        %dma_wait3A_388 = tpu.memref_slice %arg9[%dma_wait3A_386, %dma_wait3A_387] : memref<10112x128xf32, #tpu.memory_space<vmem_shared>> -> memref<10112x128xf32, #tpu.memory_space<vmem_shared>>
        tpu.wait_indirect_dma semaphore(%run_scoped3A_368 : memref<!tpu.dma_semaphore, #tpu.memory_space<semaphore_mem>>) src(%dma_wait3A_382 : memref<128x128xf32, #tpu.memory_space<vmem>>) dst(%dma_wait3A_388 : memref<10112x128xf32, #tpu.memory_space<vmem_shared>>)
        tpu.yield
      }) : () -> ()
      %add3A_252 = arith.constant 0 : i32
      %add3A_253 = arith.addi %mul3A_199, %add3A_252 : i32
      %add3A_254 = arith.constant 2 : i32
      %add3A_255 = arith.addi %add3A_253, %add3A_254 : i32
      %add3A_256 = arith.addi %add3A, %add3A_255 : i32
      %dma_start3A_257 = arith.constant 0 : i32
      %dma_start3A_258 = arith.constant 0 : i32
      %dma_start3A_259 = tpu.memref_slice %arg6[%dma_start3A_257, %dma_start3A_258] : memref<2x128xi32, #tpu.memory_space<vmem>> -> memref<1x128xi32, #tpu.memory_space<vmem>>
      %dma_start3A_260 = tpu.memref_squeeze %dma_start3A_259 : memref<1x128xi32, #tpu.memory_space<vmem>> -> memref<128xi32, #tpu.memory_space<vmem>>
      %dma_start3A_261 = arith.constant 0 : i32
      %dma_start3A_262 = tpu.memref_slice %arg3[%add3A_256, %dma_start3A_261] : memref<2560x128xi32, #tpu.memory_space<hbm>> -> memref<1x128xi32, #tpu.memory_space<hbm>>
      %dma_start3A_263 = tpu.memref_squeeze %dma_start3A_262 : memref<1x128xi32, #tpu.memory_space<hbm>> -> memref<128xi32, #tpu.memory_space<hbm>>
      %dma_start3A_264 = arith.constant 0 : i32
      %dma_start3A_265 = tpu.memref_slice %arg6[%dma_start3A_257, %dma_start3A_264] : memref<2x128xi32, #tpu.memory_space<vmem>> -> memref<1x128xi32, #tpu.memory_space<vmem>>
      %dma_start3A_266 = tpu.memref_squeeze %dma_start3A_265 : memref<1x128xi32, #tpu.memory_space<vmem>> -> memref<128xi32, #tpu.memory_space<vmem>>
      %dma_start3A_267 = arith.constant 0 : i32
      %dma_start3A_268 = tpu.memref_slice %arg3[%add3A_256, %dma_start3A_267] : memref<2560x128xi32, #tpu.memory_space<hbm>> -> memref<1x128xi32, #tpu.memory_space<hbm>>
      %dma_start3A_269 = tpu.memref_squeeze %dma_start3A_268 : memref<1x128xi32, #tpu.memory_space<hbm>> -> memref<128xi32, #tpu.memory_space<hbm>>
      tpu.enqueue_dma source(%dma_start3A_269 : memref<128xi32, #tpu.memory_space<hbm>>) target(%dma_start3A_266 : memref<128xi32, #tpu.memory_space<vmem>>) target_semaphore(%arg12 : memref<!tpu.dma_semaphore, #tpu.memory_space<semaphore_mem>>)
      %add3A_270 = arith.addi %add3A, %add3A_255 : i32
      %dma_start3A_271 = arith.constant 0 : i32
      %dma_start3A_272 = arith.constant 0 : i32
      %dma_start3A_273 = tpu.memref_slice %arg7[%dma_start3A_271, %dma_start3A_272] : memref<2x128xi32, #tpu.memory_space<vmem>> -> memref<1x128xi32, #tpu.memory_space<vmem>>
      %dma_start3A_274 = tpu.memref_squeeze %dma_start3A_273 : memref<1x128xi32, #tpu.memory_space<vmem>> -> memref<128xi32, #tpu.memory_space<vmem>>
      %dma_start3A_275 = arith.constant 0 : i32
      %dma_start3A_276 = tpu.memref_slice %arg4[%add3A_270, %dma_start3A_275] : memref<2560x128xi32, #tpu.memory_space<hbm>> -> memref<1x128xi32, #tpu.memory_space<hbm>>
      %dma_start3A_277 = tpu.memref_squeeze %dma_start3A_276 : memref<1x128xi32, #tpu.memory_space<hbm>> -> memref<128xi32, #tpu.memory_space<hbm>>
      %dma_start3A_278 = arith.constant 0 : i32
      %dma_start3A_279 = tpu.memref_slice %arg7[%dma_start3A_271, %dma_start3A_278] : memref<2x128xi32, #tpu.memory_space<vmem>> -> memref<1x128xi32, #tpu.memory_space<vmem>>
      %dma_start3A_280 = tpu.memref_squeeze %dma_start3A_279 : memref<1x128xi32, #tpu.memory_space<vmem>> -> memref<128xi32, #tpu.memory_space<vmem>>
      %dma_start3A_281 = arith.constant 0 : i32
      %dma_start3A_282 = tpu.memref_slice %arg4[%add3A_270, %dma_start3A_281] : memref<2560x128xi32, #tpu.memory_space<hbm>> -> memref<1x128xi32, #tpu.memory_space<hbm>>
      %dma_start3A_283 = tpu.memref_squeeze %dma_start3A_282 : memref<1x128xi32, #tpu.memory_space<hbm>> -> memref<128xi32, #tpu.memory_space<hbm>>
      tpu.enqueue_dma source(%dma_start3A_283 : memref<128xi32, #tpu.memory_space<hbm>>) target(%dma_start3A_280 : memref<128xi32, #tpu.memory_space<vmem>>) target_semaphore(%arg12 : memref<!tpu.dma_semaphore, #tpu.memory_space<semaphore_mem>>)
      %dma_wait3A_284 = arith.constant 0 : i32
      %dma_wait3A_285 = arith.constant 0 : i32
      %dma_wait3A_286 = tpu.memref_slice %arg6[%dma_wait3A_284, %dma_wait3A_285] : memref<2x128xi32, #tpu.memory_space<vmem>> -> memref<1x128xi32, #tpu.memory_space<vmem>>
      %dma_wait3A_287 = tpu.memref_squeeze %dma_wait3A_286 : memref<1x128xi32, #tpu.memory_space<vmem>> -> memref<128xi32, #tpu.memory_space<vmem>>
      %dma_wait3A_288 = arith.constant 0 : i32
      %dma_wait3A_289 = tpu.memref_slice %arg3[%add3A, %dma_wait3A_288] : memref<2560x128xi32, #tpu.memory_space<hbm>> -> memref<1x128xi32, #tpu.memory_space<hbm>>
      %dma_wait3A_290 = tpu.memref_squeeze %dma_wait3A_289 : memref<1x128xi32, #tpu.memory_space<hbm>> -> memref<128xi32, #tpu.memory_space<hbm>>
      %dma_wait3A_291 = arith.constant 0 : i32
      %dma_wait3A_292 = tpu.memref_slice %arg6[%dma_wait3A_284, %dma_wait3A_291] : memref<2x128xi32, #tpu.memory_space<vmem>> -> memref<1x128xi32, #tpu.memory_space<vmem>>
      %dma_wait3A_293 = tpu.memref_squeeze %dma_wait3A_292 : memref<1x128xi32, #tpu.memory_space<vmem>> -> memref<128xi32, #tpu.memory_space<vmem>>
      %dma_wait3A_294 = arith.constant 0 : i32
      %dma_wait3A_295 = tpu.memref_slice %arg3[%add3A, %dma_wait3A_294] : memref<2560x128xi32, #tpu.memory_space<hbm>> -> memref<1x128xi32, #tpu.memory_space<hbm>>
      %dma_wait3A_296 = tpu.memref_squeeze %dma_wait3A_295 : memref<1x128xi32, #tpu.memory_space<hbm>> -> memref<128xi32, #tpu.memory_space<hbm>>
      tpu.wait_dma2 semaphore(%arg12 : memref<!tpu.dma_semaphore, #tpu.memory_space<semaphore_mem>>) src(%dma_wait3A_296 : memref<128xi32, #tpu.memory_space<hbm>>) dst(%dma_wait3A_293 : memref<128xi32, #tpu.memory_space<vmem>>)
      %dma_wait3A_297 = arith.constant 0 : i32
      %dma_wait3A_298 = arith.constant 0 : i32
      %dma_wait3A_299 = tpu.memref_slice %arg7[%dma_wait3A_297, %dma_wait3A_298] : memref<2x128xi32, #tpu.memory_space<vmem>> -> memref<1x128xi32, #tpu.memory_space<vmem>>
      %dma_wait3A_300 = tpu.memref_squeeze %dma_wait3A_299 : memref<1x128xi32, #tpu.memory_space<vmem>> -> memref<128xi32, #tpu.memory_space<vmem>>
      %dma_wait3A_301 = arith.constant 0 : i32
      %dma_wait3A_302 = tpu.memref_slice %arg4[%add3A, %dma_wait3A_301] : memref<2560x128xi32, #tpu.memory_space<hbm>> -> memref<1x128xi32, #tpu.memory_space<hbm>>
      %dma_wait3A_303 = tpu.memref_squeeze %dma_wait3A_302 : memref<1x128xi32, #tpu.memory_space<hbm>> -> memref<128xi32, #tpu.memory_space<hbm>>
      %dma_wait3A_304 = arith.constant 0 : i32
      %dma_wait3A_305 = tpu.memref_slice %arg7[%dma_wait3A_297, %dma_wait3A_304] : memref<2x128xi32, #tpu.memory_space<vmem>> -> memref<1x128xi32, #tpu.memory_space<vmem>>
      %dma_wait3A_306 = tpu.memref_squeeze %dma_wait3A_305 : memref<1x128xi32, #tpu.memory_space<vmem>> -> memref<128xi32, #tpu.memory_space<vmem>>
      %dma_wait3A_307 = arith.constant 0 : i32
      %dma_wait3A_308 = tpu.memref_slice %arg4[%add3A, %dma_wait3A_307] : memref<2560x128xi32, #tpu.memory_space<hbm>> -> memref<1x128xi32, #tpu.memory_space<hbm>>
      %dma_wait3A_309 = tpu.memref_squeeze %dma_wait3A_308 : memref<1x128xi32, #tpu.memory_space<hbm>> -> memref<128xi32, #tpu.memory_space<hbm>>
      tpu.wait_dma2 semaphore(%arg12 : memref<!tpu.dma_semaphore, #tpu.memory_space<semaphore_mem>>) src(%dma_wait3A_309 : memref<128xi32, #tpu.memory_space<hbm>>) dst(%dma_wait3A_306 : memref<128xi32, #tpu.memory_space<vmem>>)
      %dma_wait3A_310 = arith.constant 1 : i32
      %dma_wait3A_311 = arith.constant 1 : i32
      %dma_wait3A_312 = arith.constant 0 : i32
      %dma_wait3A_313 = arith.constant 0 : i32
      %dma_wait3A_314 = tpu.memref_slice %arg8[%dma_wait3A_311, %dma_wait3A_312, %dma_wait3A_313] : memref<2x128x128xf32, #tpu.memory_space<vmem>> -> memref<1x128x128xf32, #tpu.memory_space<vmem>>
      %dma_wait3A_315 = tpu.memref_squeeze %dma_wait3A_314 : memref<1x128x128xf32, #tpu.memory_space<vmem>> -> memref<128x128xf32, #tpu.memory_space<vmem>>
      %dma_wait3A_316 = arith.constant 0 : i32
      %dma_wait3A_317 = tpu.memref_slice %arg6[%dma_wait3A_310, %dma_wait3A_316] : memref<2x128xi32, #tpu.memory_space<vmem>> -> memref<1x128xi32, #tpu.memory_space<vmem>>
      %dma_wait3A_318 = tpu.memref_squeeze %dma_wait3A_317 : memref<1x128xi32, #tpu.memory_space<vmem>> -> memref<128xi32, #tpu.memory_space<vmem>>
      %dma_wait3A_319 = arith.constant 0 : i32
      %dma_wait3A_320 = arith.constant 0 : i32
      %dma_wait3A_321 = tpu.memref_slice %arg2[%dma_wait3A_319, %dma_wait3A_320] : memref<10112x128xf32, #tpu.memory_space<hbm>> -> memref<10112x128xf32, #tpu.memory_space<hbm>>
      tpu.wait_indirect_dma semaphore(%arg11 : memref<!tpu.dma_semaphore, #tpu.memory_space<semaphore_mem>>) src(%dma_wait3A_321 : memref<10112x128xf32, #tpu.memory_space<hbm>>) dst(%dma_wait3A_315 : memref<128x128xf32, #tpu.memory_space<vmem>>)
      %dma_start3A_322 = arith.constant 0 : i32
      %dma_start3A_323 = arith.constant 0 : i32
      %dma_start3A_324 = arith.constant 0 : i32
      %dma_start3A_325 = arith.constant 0 : i32
      %dma_start3A_326 = tpu.memref_slice %arg8[%dma_start3A_323, %dma_start3A_324, %dma_start3A_325] : memref<2x128x128xf32, #tpu.memory_space<vmem>> -> memref<1x128x128xf32, #tpu.memory_space<vmem>>
      %dma_start3A_327 = tpu.memref_squeeze %dma_start3A_326 : memref<1x128x128xf32, #tpu.memory_space<vmem>> -> memref<128x128xf32, #tpu.memory_space<vmem>>
      %dma_start3A_328 = arith.constant 0 : i32
      %dma_start3A_329 = tpu.memref_slice %arg6[%dma_start3A_322, %dma_start3A_328] : memref<2x128xi32, #tpu.memory_space<vmem>> -> memref<1x128xi32, #tpu.memory_space<vmem>>
      %dma_start3A_330 = tpu.memref_squeeze %dma_start3A_329 : memref<1x128xi32, #tpu.memory_space<vmem>> -> memref<128xi32, #tpu.memory_space<vmem>>
      %dma_start3A_331 = arith.constant 0 : i32
      %dma_start3A_332 = arith.constant 0 : i32
      %dma_start3A_333 = tpu.memref_slice %arg2[%dma_start3A_331, %dma_start3A_332] : memref<10112x128xf32, #tpu.memory_space<hbm>> -> memref<10112x128xf32, #tpu.memory_space<hbm>>
      tpu.enqueue_indirect_dma source(%dma_start3A_333 : memref<10112x128xf32, #tpu.memory_space<hbm>>) target(%dma_start3A_327 : memref<128x128xf32, #tpu.memory_space<vmem>>) offsets(%dma_start3A_330 : memref<128xi32, #tpu.memory_space<vmem>>) semaphore(%arg10 : memref<!tpu.dma_semaphore, #tpu.memory_space<semaphore_mem>>)
      %run_scoped3A_334 = arith.constant 1 : i32
      %run_scoped3A_335 = arith.constant 1 : i32
      "tpu.region"() ({
        %run_scoped3A_368 = tpu.sem_alloc : memref<!tpu.dma_semaphore, #tpu.memory_space<semaphore_mem>>
        %dma_start3A_369 = arith.constant 0 : i32
        %dma_start3A_370 = arith.constant 0 : i32
        %dma_start3A_371 = tpu.memref_slice %arg8[%run_scoped3A_334, %dma_start3A_369, %dma_start3A_370] : memref<2x128x128xf32, #tpu.memory_space<vmem>> -> memref<1x128x128xf32, #tpu.memory_space<vmem>>
        %dma_start3A_372 = tpu.memref_squeeze %dma_start3A_371 : memref<1x128x128xf32, #tpu.memory_space<vmem>> -> memref<128x128xf32, #tpu.memory_space<vmem>>
        %dma_start3A_373 = arith.constant 0 : i32
        %dma_start3A_374 = tpu.memref_slice %arg7[%run_scoped3A_335, %dma_start3A_373] : memref<2x128xi32, #tpu.memory_space<vmem>> -> memref<1x128xi32, #tpu.memory_space<vmem>>
        %dma_start3A_375 = tpu.memref_squeeze %dma_start3A_374 : memref<1x128xi32, #tpu.memory_space<vmem>> -> memref<128xi32, #tpu.memory_space<vmem>>
        %dma_start3A_376 = arith.constant 0 : i32
        %dma_start3A_377 = arith.constant 0 : i32
        %dma_start3A_378 = tpu.memref_slice %arg9[%dma_start3A_376, %dma_start3A_377] : memref<10112x128xf32, #tpu.memory_space<vmem_shared>> -> memref<10112x128xf32, #tpu.memory_space<vmem_shared>>
        tpu.enqueue_indirect_dma source(%dma_start3A_372 : memref<128x128xf32, #tpu.memory_space<vmem>>) target(%dma_start3A_378 : memref<10112x128xf32, #tpu.memory_space<vmem_shared>>) offsets(%dma_start3A_375 : memref<128xi32, #tpu.memory_space<vmem>>) semaphore(%run_scoped3A_368 : memref<!tpu.dma_semaphore, #tpu.memory_space<semaphore_mem>>) {add = true}
        %dma_wait3A_379 = arith.constant 0 : i32
        %dma_wait3A_380 = arith.constant 0 : i32
        %dma_wait3A_381 = tpu.memref_slice %arg8[%run_scoped3A_334, %dma_wait3A_379, %dma_wait3A_380] : memref<2x128x128xf32, #tpu.memory_space<vmem>> -> memref<1x128x128xf32, #tpu.memory_space<vmem>>
        %dma_wait3A_382 = tpu.memref_squeeze %dma_wait3A_381 : memref<1x128x128xf32, #tpu.memory_space<vmem>> -> memref<128x128xf32, #tpu.memory_space<vmem>>
        %dma_wait3A_383 = arith.constant 0 : i32
        %dma_wait3A_384 = tpu.memref_slice %arg7[%run_scoped3A_335, %dma_wait3A_383] : memref<2x128xi32, #tpu.memory_space<vmem>> -> memref<1x128xi32, #tpu.memory_space<vmem>>
        %dma_wait3A_385 = tpu.memref_squeeze %dma_wait3A_384 : memref<1x128xi32, #tpu.memory_space<vmem>> -> memref<128xi32, #tpu.memory_space<vmem>>
        %dma_wait3A_386 = arith.constant 0 : i32
        %dma_wait3A_387 = arith.constant 0 : i32
        %dma_wait3A_388 = tpu.memref_slice %arg9[%dma_wait3A_386, %dma_wait3A_387] : memref<10112x128xf32, #tpu.memory_space<vmem_shared>> -> memref<10112x128xf32, #tpu.memory_space<vmem_shared>>
        tpu.wait_indirect_dma semaphore(%run_scoped3A_368 : memref<!tpu.dma_semaphore, #tpu.memory_space<semaphore_mem>>) src(%dma_wait3A_382 : memref<128x128xf32, #tpu.memory_space<vmem>>) dst(%dma_wait3A_388 : memref<10112x128xf32, #tpu.memory_space<vmem_shared>>)
        tpu.yield
      }) : () -> ()
      %add3A_336 = arith.constant 1 : i32
      %add3A_337 = arith.addi %mul3A_199, %add3A_336 : i32
      %add3A_338 = arith.constant 2 : i32
      %add3A_339 = arith.addi %add3A_337, %add3A_338 : i32
      %add3A_340 = arith.addi %add3A, %add3A_339 : i32
      %dma_start3A_341 = arith.constant 1 : i32
      %dma_start3A_342 = arith.constant 0 : i32
      %dma_start3A_343 = tpu.memref_slice %arg6[%dma_start3A_341, %dma_start3A_342] : memref<2x128xi32, #tpu.memory_space<vmem>> -> memref<1x128xi32, #tpu.memory_space<vmem>>
      %dma_start3A_344 = tpu.memref_squeeze %dma_start3A_343 : memref<1x128xi32, #tpu.memory_space<vmem>> -> memref<128xi32, #tpu.memory_space<vmem>>
      %dma_start3A_345 = arith.constant 0 : i32
      %dma_start3A_346 = tpu.memref_slice %arg3[%add3A_340, %dma_start3A_345] : memref<2560x128xi32, #tpu.memory_space<hbm>> -> memref<1x128xi32, #tpu.memory_space<hbm>>
      %dma_start3A_347 = tpu.memref_squeeze %dma_start3A_346 : memref<1x128xi32, #tpu.memory_space<hbm>> -> memref<128xi32, #tpu.memory_space<hbm>>
      %dma_start3A_348 = arith.constant 0 : i32
      %dma_start3A_349 = tpu.memref_slice %arg6[%dma_start3A_341, %dma_start3A_348] : memref<2x128xi32, #tpu.memory_space<vmem>> -> memref<1x128xi32, #tpu.memory_space<vmem>>
      %dma_start3A_350 = tpu.memref_squeeze %dma_start3A_349 : memref<1x128xi32, #tpu.memory_space<vmem>> -> memref<128xi32, #tpu.memory_space<vmem>>
      %dma_start3A_351 = arith.constant 0 : i32
      %dma_start3A_352 = tpu.memref_slice %arg3[%add3A_340, %dma_start3A_351] : memref<2560x128xi32, #tpu.memory_space<hbm>> -> memref<1x128xi32, #tpu.memory_space<hbm>>
      %dma_start3A_353 = tpu.memref_squeeze %dma_start3A_352 : memref<1x128xi32, #tpu.memory_space<hbm>> -> memref<128xi32, #tpu.memory_space<hbm>>
      tpu.enqueue_dma source(%dma_start3A_353 : memref<128xi32, #tpu.memory_space<hbm>>) target(%dma_start3A_350 : memref<128xi32, #tpu.memory_space<vmem>>) target_semaphore(%arg13 : memref<!tpu.dma_semaphore, #tpu.memory_space<semaphore_mem>>)
      %add3A_354 = arith.addi %add3A, %add3A_339 : i32
      %dma_start3A_355 = arith.constant 1 : i32
      %dma_start3A_356 = arith.constant 0 : i32
      %dma_start3A_357 = tpu.memref_slice %arg7[%dma_start3A_355, %dma_start3A_356] : memref<2x128xi32, #tpu.memory_space<vmem>> -> memref<1x128xi32, #tpu.memory_space<vmem>>
      %dma_start3A_358 = tpu.memref_squeeze %dma_start3A_357 : memref<1x128xi32, #tpu.memory_space<vmem>> -> memref<128xi32, #tpu.memory_space<vmem>>
      %dma_start3A_359 = arith.constant 0 : i32
      %dma_start3A_360 = tpu.memref_slice %arg4[%add3A_354, %dma_start3A_359] : memref<2560x128xi32, #tpu.memory_space<hbm>> -> memref<1x128xi32, #tpu.memory_space<hbm>>
      %dma_start3A_361 = tpu.memref_squeeze %dma_start3A_360 : memref<1x128xi32, #tpu.memory_space<hbm>> -> memref<128xi32, #tpu.memory_space<hbm>>
      %dma_start3A_362 = arith.constant 0 : i32
      %dma_start3A_363 = tpu.memref_slice %arg7[%dma_start3A_355, %dma_start3A_362] : memref<2x128xi32, #tpu.memory_space<vmem>> -> memref<1x128xi32, #tpu.memory_space<vmem>>
      %dma_start3A_364 = tpu.memref_squeeze %dma_start3A_363 : memref<1x128xi32, #tpu.memory_space<vmem>> -> memref<128xi32, #tpu.memory_space<vmem>>
      %dma_start3A_365 = arith.constant 0 : i32
      %dma_start3A_366 = tpu.memref_slice %arg4[%add3A_354, %dma_start3A_365] : memref<2560x128xi32, #tpu.memory_space<hbm>> -> memref<1x128xi32, #tpu.memory_space<hbm>>
      %dma_start3A_367 = tpu.memref_squeeze %dma_start3A_366 : memref<1x128xi32, #tpu.memory_space<hbm>> -> memref<128xi32, #tpu.memory_space<hbm>>
      tpu.enqueue_dma source(%dma_start3A_367 : memref<128xi32, #tpu.memory_space<hbm>>) target(%dma_start3A_364 : memref<128xi32, #tpu.memory_space<vmem>>) target_semaphore(%arg13 : memref<!tpu.dma_semaphore, #tpu.memory_space<semaphore_mem>>)
    }
    %while3A_129 = arith.constant 1 : i32
    scf.for %while3A_197 = %while3A_127 to %while3A_123 step %while3A_129  : i32 {
      %mul3A_198 = arith.constant 2 : i32
      %mul3A_199 = arith.muli %while3A_197, %mul3A_198 : i32
      %dma_wait3A_200 = arith.constant 1 : i32
      %dma_wait3A_201 = arith.constant 0 : i32
      %dma_wait3A_202 = tpu.memref_slice %arg6[%dma_wait3A_200, %dma_wait3A_201] : memref<2x128xi32, #tpu.memory_space<vmem>> -> memref<1x128xi32, #tpu.memory_space<vmem>>
      %dma_wait3A_203 = tpu.memref_squeeze %dma_wait3A_202 : memref<1x128xi32, #tpu.memory_space<vmem>> -> memref<128xi32, #tpu.memory_space<vmem>>
      %dma_wait3A_204 = arith.constant 0 : i32
      %dma_wait3A_205 = tpu.memref_slice %arg3[%add3A, %dma_wait3A_204] : memref<2560x128xi32, #tpu.memory_space<hbm>> -> memref<1x128xi32, #tpu.memory_space<hbm>>
      %dma_wait3A_206 = tpu.memref_squeeze %dma_wait3A_205 : memref<1x128xi32, #tpu.memory_space<hbm>> -> memref<128xi32, #tpu.memory_space<hbm>>
      %dma_wait3A_207 = arith.constant 0 : i32
      %dma_wait3A_208 = tpu.memref_slice %arg6[%dma_wait3A_200, %dma_wait3A_207] : memref<2x128xi32, #tpu.memory_space<vmem>> -> memref<1x128xi32, #tpu.memory_space<vmem>>
      %dma_wait3A_209 = tpu.memref_squeeze %dma_wait3A_208 : memref<1x128xi32, #tpu.memory_space<vmem>> -> memref<128xi32, #tpu.memory_space<vmem>>
      %dma_wait3A_210 = arith.constant 0 : i32
      %dma_wait3A_211 = tpu.memref_slice %arg3[%add3A, %dma_wait3A_210] : memref<2560x128xi32, #tpu.memory_space<hbm>> -> memref<1x128xi32, #tpu.memory_space<hbm>>
      %dma_wait3A_212 = tpu.memref_squeeze %dma_wait3A_211 : memref<1x128xi32, #tpu.memory_space<hbm>> -> memref<128xi32, #tpu.memory_space<hbm>>
      tpu.wait_dma2 semaphore(%arg13 : memref<!tpu.dma_semaphore, #tpu.memory_space<semaphore_mem>>) src(%dma_wait3A_212 : memref<128xi32, #tpu.memory_space<hbm>>) dst(%dma_wait3A_209 : memref<128xi32, #tpu.memory_space<vmem>>)
      %dma_wait3A_213 = arith.constant 1 : i32
      %dma_wait3A_214 = arith.constant 0 : i32
      %dma_wait3A_215 = tpu.memref_slice %arg7[%dma_wait3A_213, %dma_wait3A_214] : memref<2x128xi32, #tpu.memory_space<vmem>> -> memref<1x128xi32, #tpu.memory_space<vmem>>
      %dma_wait3A_216 = tpu.memref_squeeze %dma_wait3A_215 : memref<1x128xi32, #tpu.memory_space<vmem>> -> memref<128xi32, #tpu.memory_space<vmem>>
      %dma_wait3A_217 = arith.constant 0 : i32
      %dma_wait3A_218 = tpu.memref_slice %arg4[%add3A, %dma_wait3A_217] : memref<2560x128xi32, #tpu.memory_space<hbm>> -> memref<1x128xi32, #tpu.memory_space<hbm>>
      %dma_wait3A_219 = tpu.memref_squeeze %dma_wait3A_218 : memref<1x128xi32, #tpu.memory_space<hbm>> -> memref<128xi32, #tpu.memory_space<hbm>>
      %dma_wait3A_220 = arith.constant 0 : i32
      %dma_wait3A_221 = tpu.memref_slice %arg7[%dma_wait3A_213, %dma_wait3A_220] : memref<2x128xi32, #tpu.memory_space<vmem>> -> memref<1x128xi32, #tpu.memory_space<vmem>>
      %dma_wait3A_222 = tpu.memref_squeeze %dma_wait3A_221 : memref<1x128xi32, #tpu.memory_space<vmem>> -> memref<128xi32, #tpu.memory_space<vmem>>
      %dma_wait3A_223 = arith.constant 0 : i32
      %dma_wait3A_224 = tpu.memref_slice %arg4[%add3A, %dma_wait3A_223] : memref<2560x128xi32, #tpu.memory_space<hbm>> -> memref<1x128xi32, #tpu.memory_space<hbm>>
      %dma_wait3A_225 = tpu.memref_squeeze %dma_wait3A_224 : memref<1x128xi32, #tpu.memory_space<hbm>> -> memref<128xi32, #tpu.memory_space<hbm>>
      tpu.wait_dma2 semaphore(%arg13 : memref<!tpu.dma_semaphore, #tpu.memory_space<semaphore_mem>>) src(%dma_wait3A_225 : memref<128xi32, #tpu.memory_space<hbm>>) dst(%dma_wait3A_222 : memref<128xi32, #tpu.memory_space<vmem>>)
      %dma_wait3A_226 = arith.constant 0 : i32
      %dma_wait3A_227 = arith.constant 0 : i32
      %dma_wait3A_228 = arith.constant 0 : i32
      %dma_wait3A_229 = arith.constant 0 : i32
      %dma_wait3A_230 = tpu.memref_slice %arg8[%dma_wait3A_227, %dma_wait3A_228, %dma_wait3A_229] : memref<2x128x128xf32, #tpu.memory_space<vmem>> -> memref<1x128x128xf32, #tpu.memory_space<vmem>>
      %dma_wait3A_231 = tpu.memref_squeeze %dma_wait3A_230 : memref<1x128x128xf32, #tpu.memory_space<vmem>> -> memref<128x128xf32, #tpu.memory_space<vmem>>
      %dma_wait3A_232 = arith.constant 0 : i32
      %dma_wait3A_233 = tpu.memref_slice %arg6[%dma_wait3A_226, %dma_wait3A_232] : memref<2x128xi32, #tpu.memory_space<vmem>> -> memref<1x128xi32, #tpu.memory_space<vmem>>
      %dma_wait3A_234 = tpu.memref_squeeze %dma_wait3A_233 : memref<1x128xi32, #tpu.memory_space<vmem>> -> memref<128xi32, #tpu.memory_space<vmem>>
      %dma_wait3A_235 = arith.constant 0 : i32
      %dma_wait3A_236 = arith.constant 0 : i32
      %dma_wait3A_237 = tpu.memref_slice %arg2[%dma_wait3A_235, %dma_wait3A_236] : memref<10112x128xf32, #tpu.memory_space<hbm>> -> memref<10112x128xf32, #tpu.memory_space<hbm>>
      tpu.wait_indirect_dma semaphore(%arg10 : memref<!tpu.dma_semaphore, #tpu.memory_space<semaphore_mem>>) src(%dma_wait3A_237 : memref<10112x128xf32, #tpu.memory_space<hbm>>) dst(%dma_wait3A_231 : memref<128x128xf32, #tpu.memory_space<vmem>>)
      %dma_start3A_238 = arith.constant 1 : i32
      %dma_start3A_239 = arith.constant 1 : i32
      %dma_start3A_240 = arith.constant 0 : i32
      %dma_start3A_241 = arith.constant 0 : i32
      %dma_start3A_242 = tpu.memref_slice %arg8[%dma_start3A_239, %dma_start3A_240, %dma_start3A_241] : memref<2x128x128xf32, #tpu.memory_space<vmem>> -> memref<1x128x128xf32, #tpu.memory_space<vmem>>
      %dma_start3A_243 = tpu.memref_squeeze %dma_start3A_242 : memref<1x128x128xf32, #tpu.memory_space<vmem>> -> memref<128x128xf32, #tpu.memory_space<vmem>>
      %dma_start3A_244 = arith.constant 0 : i32
      %dma_start3A_245 = tpu.memref_slice %arg6[%dma_start3A_238, %dma_start3A_244] : memref<2x128xi32, #tpu.memory_space<vmem>> -> memref<1x128xi32, #tpu.memory_space<vmem>>
      %dma_start3A_246 = tpu.memref_squeeze %dma_start3A_245 : memref<1x128xi32, #tpu.memory_space<vmem>> -> memref<128xi32, #tpu.memory_space<vmem>>
      %dma_start3A_247 = arith.constant 0 : i32
      %dma_start3A_248 = arith.constant 0 : i32
      %dma_start3A_249 = tpu.memref_slice %arg2[%dma_start3A_247, %dma_start3A_248] : memref<10112x128xf32, #tpu.memory_space<hbm>> -> memref<10112x128xf32, #tpu.memory_space<hbm>>
      tpu.enqueue_indirect_dma source(%dma_start3A_249 : memref<10112x128xf32, #tpu.memory_space<hbm>>) target(%dma_start3A_243 : memref<128x128xf32, #tpu.memory_space<vmem>>) offsets(%dma_start3A_246 : memref<128xi32, #tpu.memory_space<vmem>>) semaphore(%arg11 : memref<!tpu.dma_semaphore, #tpu.memory_space<semaphore_mem>>)
      %run_scoped3A_250 = arith.constant 0 : i32
      %run_scoped3A_251 = arith.constant 0 : i32
      "tpu.region"() ({
        %run_scoped3A_368 = tpu.sem_alloc : memref<!tpu.dma_semaphore, #tpu.memory_space<semaphore_mem>>
        %dma_start3A_369 = arith.constant 0 : i32
        %dma_start3A_370 = arith.constant 0 : i32
        %dma_start3A_371 = tpu.memref_slice %arg8[%run_scoped3A_250, %dma_start3A_369, %dma_start3A_370] : memref<2x128x128xf32, #tpu.memory_space<vmem>> -> memref<1x128x128xf32, #tpu.memory_space<vmem>>
        %dma_start3A_372 = tpu.memref_squeeze %dma_start3A_371 : memref<1x128x128xf32, #tpu.memory_space<vmem>> -> memref<128x128xf32, #tpu.memory_space<vmem>>
        %dma_start3A_373 = arith.constant 0 : i32
        %dma_start3A_374 = tpu.memref_slice %arg7[%run_scoped3A_251, %dma_start3A_373] : memref<2x128xi32, #tpu.memory_space<vmem>> -> memref<1x128xi32, #tpu.memory_space<vmem>>
        %dma_start3A_375 = tpu.memref_squeeze %dma_start3A_374 : memref<1x128xi32, #tpu.memory_space<vmem>> -> memref<128xi32, #tpu.memory_space<vmem>>
        %dma_start3A_376 = arith.constant 0 : i32
        %dma_start3A_377 = arith.constant 0 : i32
        %dma_start3A_378 = tpu.memref_slice %arg9[%dma_start3A_376, %dma_start3A_377] : memref<10112x128xf32, #tpu.memory_space<vmem_shared>> -> memref<10112x128xf32, #tpu.memory_space<vmem_shared>>
        tpu.enqueue_indirect_dma source(%dma_start3A_372 : memref<128x128xf32, #tpu.memory_space<vmem>>) target(%dma_start3A_378 : memref<10112x128xf32, #tpu.memory_space<vmem_shared>>) offsets(%dma_start3A_375 : memref<128xi32, #tpu.memory_space<vmem>>) semaphore(%run_scoped3A_368 : memref<!tpu.dma_semaphore, #tpu.memory_space<semaphore_mem>>) {add = true}
        %dma_wait3A_379 = arith.constant 0 : i32
        %dma_wait3A_380 = arith.constant 0 : i32
        %dma_wait3A_381 = tpu.memref_slice %arg8[%run_scoped3A_250, %dma_wait3A_379, %dma_wait3A_380] : memref<2x128x128xf32, #tpu.memory_space<vmem>> -> memref<1x128x128xf32, #tpu.memory_space<vmem>>
        %dma_wait3A_382 = tpu.memref_squeeze %dma_wait3A_381 : memref<1x128x128xf32, #tpu.memory_space<vmem>> -> memref<128x128xf32, #tpu.memory_space<vmem>>
        %dma_wait3A_383 = arith.constant 0 : i32
        %dma_wait3A_384 = tpu.memref_slice %arg7[%run_scoped3A_251, %dma_wait3A_383] : memref<2x128xi32, #tpu.memory_space<vmem>> -> memref<1x128xi32, #tpu.memory_space<vmem>>
        %dma_wait3A_385 = tpu.memref_squeeze %dma_wait3A_384 : memref<1x128xi32, #tpu.memory_space<vmem>> -> memref<128xi32, #tpu.memory_space<vmem>>
        %dma_wait3A_386 = arith.constant 0 : i32
        %dma_wait3A_387 = arith.constant 0 : i32
        %dma_wait3A_388 = tpu.memref_slice %arg9[%dma_wait3A_386, %dma_wait3A_387] : memref<10112x128xf32, #tpu.memory_space<vmem_shared>> -> memref<10112x128xf32, #tpu.memory_space<vmem_shared>>
        tpu.wait_indirect_dma semaphore(%run_scoped3A_368 : memref<!tpu.dma_semaphore, #tpu.memory_space<semaphore_mem>>) src(%dma_wait3A_382 : memref<128x128xf32, #tpu.memory_space<vmem>>) dst(%dma_wait3A_388 : memref<10112x128xf32, #tpu.memory_space<vmem_shared>>)
        tpu.yield
      }) : () -> ()
      %add3A_252 = arith.constant 0 : i32
      %add3A_253 = arith.addi %mul3A_199, %add3A_252 : i32
      %add3A_254 = arith.constant 2 : i32
      %add3A_255 = arith.addi %add3A_253, %add3A_254 : i32
      %add3A_256 = arith.addi %add3A, %add3A_255 : i32
      %dma_start3A_257 = arith.constant 0 : i32
      %dma_start3A_258 = arith.constant 0 : i32
      %dma_start3A_259 = tpu.memref_slice %arg6[%dma_start3A_257, %dma_start3A_258] : memref<2x128xi32, #tpu.memory_space<vmem>> -> memref<1x128xi32, #tpu.memory_space<vmem>>
      %dma_start3A_260 = tpu.memref_squeeze %dma_start3A_259 : memref<1x128xi32, #tpu.memory_space<vmem>> -> memref<128xi32, #tpu.memory_space<vmem>>
      %dma_start3A_261 = arith.constant 0 : i32
      %dma_start3A_262 = tpu.memref_slice %arg3[%add3A_256, %dma_start3A_261] : memref<2560x128xi32, #tpu.memory_space<hbm>> -> memref<1x128xi32, #tpu.memory_space<hbm>>
      %dma_start3A_263 = tpu.memref_squeeze %dma_start3A_262 : memref<1x128xi32, #tpu.memory_space<hbm>> -> memref<128xi32, #tpu.memory_space<hbm>>
      %dma_start3A_264 = arith.constant 0 : i32
      %dma_start3A_265 = tpu.memref_slice %arg6[%dma_start3A_257, %dma_start3A_264] : memref<2x128xi32, #tpu.memory_space<vmem>> -> memref<1x128xi32, #tpu.memory_space<vmem>>
      %dma_start3A_266 = tpu.memref_squeeze %dma_start3A_265 : memref<1x128xi32, #tpu.memory_space<vmem>> -> memref<128xi32, #tpu.memory_space<vmem>>
      %dma_start3A_267 = arith.constant 0 : i32
      %dma_start3A_268 = tpu.memref_slice %arg3[%add3A_256, %dma_start3A_267] : memref<2560x128xi32, #tpu.memory_space<hbm>> -> memref<1x128xi32, #tpu.memory_space<hbm>>
      %dma_start3A_269 = tpu.memref_squeeze %dma_start3A_268 : memref<1x128xi32, #tpu.memory_space<hbm>> -> memref<128xi32, #tpu.memory_space<hbm>>
      tpu.enqueue_dma source(%dma_start3A_269 : memref<128xi32, #tpu.memory_space<hbm>>) target(%dma_start3A_266 : memref<128xi32, #tpu.memory_space<vmem>>) target_semaphore(%arg12 : memref<!tpu.dma_semaphore, #tpu.memory_space<semaphore_mem>>)
      %add3A_270 = arith.addi %add3A, %add3A_255 : i32
      %dma_start3A_271 = arith.constant 0 : i32
      %dma_start3A_272 = arith.constant 0 : i32
      %dma_start3A_273 = tpu.memref_slice %arg7[%dma_start3A_271, %dma_start3A_272] : memref<2x128xi32, #tpu.memory_space<vmem>> -> memref<1x128xi32, #tpu.memory_space<vmem>>
      %dma_start3A_274 = tpu.memref_squeeze %dma_start3A_273 : memref<1x128xi32, #tpu.memory_space<vmem>> -> memref<128xi32, #tpu.memory_space<vmem>>
      %dma_start3A_275 = arith.constant 0 : i32
      %dma_start3A_276 = tpu.memref_slice %arg4[%add3A_270, %dma_start3A_275] : memref<2560x128xi32, #tpu.memory_space<hbm>> -> memref<1x128xi32, #tpu.memory_space<hbm>>
      %dma_start3A_277 = tpu.memref_squeeze %dma_start3A_276 : memref<1x128xi32, #tpu.memory_space<hbm>> -> memref<128xi32, #tpu.memory_space<hbm>>
      %dma_start3A_278 = arith.constant 0 : i32
      %dma_start3A_279 = tpu.memref_slice %arg7[%dma_start3A_271, %dma_start3A_278] : memref<2x128xi32, #tpu.memory_space<vmem>> -> memref<1x128xi32, #tpu.memory_space<vmem>>
      %dma_start3A_280 = tpu.memref_squeeze %dma_start3A_279 : memref<1x128xi32, #tpu.memory_space<vmem>> -> memref<128xi32, #tpu.memory_space<vmem>>
      %dma_start3A_281 = arith.constant 0 : i32
      %dma_start3A_282 = tpu.memref_slice %arg4[%add3A_270, %dma_start3A_281] : memref<2560x128xi32, #tpu.memory_space<hbm>> -> memref<1x128xi32, #tpu.memory_space<hbm>>
      %dma_start3A_283 = tpu.memref_squeeze %dma_start3A_282 : memref<1x128xi32, #tpu.memory_space<hbm>> -> memref<128xi32, #tpu.memory_space<hbm>>
      tpu.enqueue_dma source(%dma_start3A_283 : memref<128xi32, #tpu.memory_space<hbm>>) target(%dma_start3A_280 : memref<128xi32, #tpu.memory_space<vmem>>) target_semaphore(%arg12 : memref<!tpu.dma_semaphore, #tpu.memory_space<semaphore_mem>>)
      %dma_wait3A_284 = arith.constant 0 : i32
      %dma_wait3A_285 = arith.constant 0 : i32
      %dma_wait3A_286 = tpu.memref_slice %arg6[%dma_wait3A_284, %dma_wait3A_285] : memref<2x128xi32, #tpu.memory_space<vmem>> -> memref<1x128xi32, #tpu.memory_space<vmem>>
      %dma_wait3A_287 = tpu.memref_squeeze %dma_wait3A_286 : memref<1x128xi32, #tpu.memory_space<vmem>> -> memref<128xi32, #tpu.memory_space<vmem>>
      %dma_wait3A_288 = arith.constant 0 : i32
      %dma_wait3A_289 = tpu.memref_slice %arg3[%add3A, %dma_wait3A_288] : memref<2560x128xi32, #tpu.memory_space<hbm>> -> memref<1x128xi32, #tpu.memory_space<hbm>>
      %dma_wait3A_290 = tpu.memref_squeeze %dma_wait3A_289 : memref<1x128xi32, #tpu.memory_space<hbm>> -> memref<128xi32, #tpu.memory_space<hbm>>
      %dma_wait3A_291 = arith.constant 0 : i32
      %dma_wait3A_292 = tpu.memref_slice %arg6[%dma_wait3A_284, %dma_wait3A_291] : memref<2x128xi32, #tpu.memory_space<vmem>> -> memref<1x128xi32, #tpu.memory_space<vmem>>
      %dma_wait3A_293 = tpu.memref_squeeze %dma_wait3A_292 : memref<1x128xi32, #tpu.memory_space<vmem>> -> memref<128xi32, #tpu.memory_space<vmem>>
      %dma_wait3A_294 = arith.constant 0 : i32
      %dma_wait3A_295 = tpu.memref_slice %arg3[%add3A, %dma_wait3A_294] : memref<2560x128xi32, #tpu.memory_space<hbm>> -> memref<1x128xi32, #tpu.memory_space<hbm>>
      %dma_wait3A_296 = tpu.memref_squeeze %dma_wait3A_295 : memref<1x128xi32, #tpu.memory_space<hbm>> -> memref<128xi32, #tpu.memory_space<hbm>>
      tpu.wait_dma2 semaphore(%arg12 : memref<!tpu.dma_semaphore, #tpu.memory_space<semaphore_mem>>) src(%dma_wait3A_296 : memref<128xi32, #tpu.memory_space<hbm>>) dst(%dma_wait3A_293 : memref<128xi32, #tpu.memory_space<vmem>>)
      %dma_wait3A_297 = arith.constant 0 : i32
      %dma_wait3A_298 = arith.constant 0 : i32
      %dma_wait3A_299 = tpu.memref_slice %arg7[%dma_wait3A_297, %dma_wait3A_298] : memref<2x128xi32, #tpu.memory_space<vmem>> -> memref<1x128xi32, #tpu.memory_space<vmem>>
      %dma_wait3A_300 = tpu.memref_squeeze %dma_wait3A_299 : memref<1x128xi32, #tpu.memory_space<vmem>> -> memref<128xi32, #tpu.memory_space<vmem>>
      %dma_wait3A_301 = arith.constant 0 : i32
      %dma_wait3A_302 = tpu.memref_slice %arg4[%add3A, %dma_wait3A_301] : memref<2560x128xi32, #tpu.memory_space<hbm>> -> memref<1x128xi32, #tpu.memory_space<hbm>>
      %dma_wait3A_303 = tpu.memref_squeeze %dma_wait3A_302 : memref<1x128xi32, #tpu.memory_space<hbm>> -> memref<128xi32, #tpu.memory_space<hbm>>
      %dma_wait3A_304 = arith.constant 0 : i32
      %dma_wait3A_305 = tpu.memref_slice %arg7[%dma_wait3A_297, %dma_wait3A_304] : memref<2x128xi32, #tpu.memory_space<vmem>> -> memref<1x128xi32, #tpu.memory_space<vmem>>
      %dma_wait3A_306 = tpu.memref_squeeze %dma_wait3A_305 : memref<1x128xi32, #tpu.memory_space<vmem>> -> memref<128xi32, #tpu.memory_space<vmem>>
      %dma_wait3A_307 = arith.constant 0 : i32
      %dma_wait3A_308 = tpu.memref_slice %arg4[%add3A, %dma_wait3A_307] : memref<2560x128xi32, #tpu.memory_space<hbm>> -> memref<1x128xi32, #tpu.memory_space<hbm>>
      %dma_wait3A_309 = tpu.memref_squeeze %dma_wait3A_308 : memref<1x128xi32, #tpu.memory_space<hbm>> -> memref<128xi32, #tpu.memory_space<hbm>>
      tpu.wait_dma2 semaphore(%arg12 : memref<!tpu.dma_semaphore, #tpu.memory_space<semaphore_mem>>) src(%dma_wait3A_309 : memref<128xi32, #tpu.memory_space<hbm>>) dst(%dma_wait3A_306 : memref<128xi32, #tpu.memory_space<vmem>>)
      %dma_wait3A_310 = arith.constant 1 : i32
      %dma_wait3A_311 = arith.constant 1 : i32
      %dma_wait3A_312 = arith.constant 0 : i32
      %dma_wait3A_313 = arith.constant 0 : i32
      %dma_wait3A_314 = tpu.memref_slice %arg8[%dma_wait3A_311, %dma_wait3A_312, %dma_wait3A_313] : memref<2x128x128xf32, #tpu.memory_space<vmem>> -> memref<1x128x128xf32, #tpu.memory_space<vmem>>
      %dma_wait3A_315 = tpu.memref_squeeze %dma_wait3A_314 : memref<1x128x128xf32, #tpu.memory_space<vmem>> -> memref<128x128xf32, #tpu.memory_space<vmem>>
      %dma_wait3A_316 = arith.constant 0 : i32
      %dma_wait3A_317 = tpu.memref_slice %arg6[%dma_wait3A_310, %dma_wait3A_316] : memref<2x128xi32, #tpu.memory_space<vmem>> -> memref<1x128xi32, #tpu.memory_space<vmem>>
      %dma_wait3A_318 = tpu.memref_squeeze %dma_wait3A_317 : memref<1x128xi32, #tpu.memory_space<vmem>> -> memref<128xi32, #tpu.memory_space<vmem>>
      %dma_wait3A_319 = arith.constant 0 : i32
      %dma_wait3A_320 = arith.constant 0 : i32
      %dma_wait3A_321 = tpu.memref_slice %arg2[%dma_wait3A_319, %dma_wait3A_320] : memref<10112x128xf32, #tpu.memory_space<hbm>> -> memref<10112x128xf32, #tpu.memory_space<hbm>>
      tpu.wait_indirect_dma semaphore(%arg11 : memref<!tpu.dma_semaphore, #tpu.memory_space<semaphore_mem>>) src(%dma_wait3A_321 : memref<10112x128xf32, #tpu.memory_space<hbm>>) dst(%dma_wait3A_315 : memref<128x128xf32, #tpu.memory_space<vmem>>)
      %dma_start3A_322 = arith.constant 0 : i32
      %dma_start3A_323 = arith.constant 0 : i32
      %dma_start3A_324 = arith.constant 0 : i32
      %dma_start3A_325 = arith.constant 0 : i32
      %dma_start3A_326 = tpu.memref_slice %arg8[%dma_start3A_323, %dma_start3A_324, %dma_start3A_325] : memref<2x128x128xf32, #tpu.memory_space<vmem>> -> memref<1x128x128xf32, #tpu.memory_space<vmem>>
      %dma_start3A_327 = tpu.memref_squeeze %dma_start3A_326 : memref<1x128x128xf32, #tpu.memory_space<vmem>> -> memref<128x128xf32, #tpu.memory_space<vmem>>
      %dma_start3A_328 = arith.constant 0 : i32
      %dma_start3A_329 = tpu.memref_slice %arg6[%dma_start3A_322, %dma_start3A_328] : memref<2x128xi32, #tpu.memory_space<vmem>> -> memref<1x128xi32, #tpu.memory_space<vmem>>
      %dma_start3A_330 = tpu.memref_squeeze %dma_start3A_329 : memref<1x128xi32, #tpu.memory_space<vmem>> -> memref<128xi32, #tpu.memory_space<vmem>>
      %dma_start3A_331 = arith.constant 0 : i32
      %dma_start3A_332 = arith.constant 0 : i32
      %dma_start3A_333 = tpu.memref_slice %arg2[%dma_start3A_331, %dma_start3A_332] : memref<10112x128xf32, #tpu.memory_space<hbm>> -> memref<10112x128xf32, #tpu.memory_space<hbm>>
      tpu.enqueue_indirect_dma source(%dma_start3A_333 : memref<10112x128xf32, #tpu.memory_space<hbm>>) target(%dma_start3A_327 : memref<128x128xf32, #tpu.memory_space<vmem>>) offsets(%dma_start3A_330 : memref<128xi32, #tpu.memory_space<vmem>>) semaphore(%arg10 : memref<!tpu.dma_semaphore, #tpu.memory_space<semaphore_mem>>)
      %run_scoped3A_334 = arith.constant 1 : i32
      %run_scoped3A_335 = arith.constant 1 : i32
      "tpu.region"() ({
        %run_scoped3A_368 = tpu.sem_alloc : memref<!tpu.dma_semaphore, #tpu.memory_space<semaphore_mem>>
        %dma_start3A_369 = arith.constant 0 : i32
        %dma_start3A_370 = arith.constant 0 : i32
        %dma_start3A_371 = tpu.memref_slice %arg8[%run_scoped3A_334, %dma_start3A_369, %dma_start3A_370] : memref<2x128x128xf32, #tpu.memory_space<vmem>> -> memref<1x128x128xf32, #tpu.memory_space<vmem>>
        %dma_start3A_372 = tpu.memref_squeeze %dma_start3A_371 : memref<1x128x128xf32, #tpu.memory_space<vmem>> -> memref<128x128xf32, #tpu.memory_space<vmem>>
        %dma_start3A_373 = arith.constant 0 : i32
        %dma_start3A_374 = tpu.memref_slice %arg7[%run_scoped3A_335, %dma_start3A_373] : memref<2x128xi32, #tpu.memory_space<vmem>> -> memref<1x128xi32, #tpu.memory_space<vmem>>
        %dma_start3A_375 = tpu.memref_squeeze %dma_start3A_374 : memref<1x128xi32, #tpu.memory_space<vmem>> -> memref<128xi32, #tpu.memory_space<vmem>>
        %dma_start3A_376 = arith.constant 0 : i32
        %dma_start3A_377 = arith.constant 0 : i32
        %dma_start3A_378 = tpu.memref_slice %arg9[%dma_start3A_376, %dma_start3A_377] : memref<10112x128xf32, #tpu.memory_space<vmem_shared>> -> memref<10112x128xf32, #tpu.memory_space<vmem_shared>>
        tpu.enqueue_indirect_dma source(%dma_start3A_372 : memref<128x128xf32, #tpu.memory_space<vmem>>) target(%dma_start3A_378 : memref<10112x128xf32, #tpu.memory_space<vmem_shared>>) offsets(%dma_start3A_375 : memref<128xi32, #tpu.memory_space<vmem>>) semaphore(%run_scoped3A_368 : memref<!tpu.dma_semaphore, #tpu.memory_space<semaphore_mem>>) {add = true}
        %dma_wait3A_379 = arith.constant 0 : i32
        %dma_wait3A_380 = arith.constant 0 : i32
        %dma_wait3A_381 = tpu.memref_slice %arg8[%run_scoped3A_334, %dma_wait3A_379, %dma_wait3A_380] : memref<2x128x128xf32, #tpu.memory_space<vmem>> -> memref<1x128x128xf32, #tpu.memory_space<vmem>>
        %dma_wait3A_382 = tpu.memref_squeeze %dma_wait3A_381 : memref<1x128x128xf32, #tpu.memory_space<vmem>> -> memref<128x128xf32, #tpu.memory_space<vmem>>
        %dma_wait3A_383 = arith.constant 0 : i32
        %dma_wait3A_384 = tpu.memref_slice %arg7[%run_scoped3A_335, %dma_wait3A_383] : memref<2x128xi32, #tpu.memory_space<vmem>> -> memref<1x128xi32, #tpu.memory_space<vmem>>
        %dma_wait3A_385 = tpu.memref_squeeze %dma_wait3A_384 : memref<1x128xi32, #tpu.memory_space<vmem>> -> memref<128xi32, #tpu.memory_space<vmem>>
        %dma_wait3A_386 = arith.constant 0 : i32
        %dma_wait3A_387 = arith.constant 0 : i32
        %dma_wait3A_388 = tpu.memref_slice %arg9[%dma_wait3A_386, %dma_wait3A_387] : memref<10112x128xf32, #tpu.memory_space<vmem_shared>> -> memref<10112x128xf32, #tpu.memory_space<vmem_shared>>
        tpu.wait_indirect_dma semaphore(%run_scoped3A_368 : memref<!tpu.dma_semaphore, #tpu.memory_space<semaphore_mem>>) src(%dma_wait3A_382 : memref<128x128xf32, #tpu.memory_space<vmem>>) dst(%dma_wait3A_388 : memref<10112x128xf32, #tpu.memory_space<vmem_shared>>)
        tpu.yield
      }) : () -> ()
      %add3A_336 = arith.constant 1 : i32
      %add3A_337 = arith.addi %mul3A_199, %add3A_336 : i32
      %add3A_338 = arith.constant 2 : i32
      %add3A_339 = arith.addi %add3A_337, %add3A_338 : i32
      %add3A_340 = arith.addi %add3A, %add3A_339 : i32
      %dma_start3A_341 = arith.constant 1 : i32
      %dma_start3A_342 = arith.constant 0 : i32
      %dma_start3A_343 = tpu.memref_slice %arg6[%dma_start3A_341, %dma_start3A_342] : memref<2x128xi32, #tpu.memory_space<vmem>> -> memref<1x128xi32, #tpu.memory_space<vmem>>
      %dma_start3A_344 = tpu.memref_squeeze %dma_start3A_343 : memref<1x128xi32, #tpu.memory_space<vmem>> -> memref<128xi32, #tpu.memory_space<vmem>>
      %dma_start3A_345 = arith.constant 0 : i32
      %dma_start3A_346 = tpu.memref_slice %arg3[%add3A_340, %dma_start3A_345] : memref<2560x128xi32, #tpu.memory_space<hbm>> -> memref<1x128xi32, #tpu.memory_space<hbm>>
      %dma_start3A_347 = tpu.memref_squeeze %dma_start3A_346 : memref<1x128xi32, #tpu.memory_space<hbm>> -> memref<128xi32, #tpu.memory_space<hbm>>
      %dma_start3A_348 = arith.constant 0 : i32
      %dma_start3A_349 = tpu.memref_slice %arg6[%dma_start3A_341, %dma_start3A_348] : memref<2x128xi32, #tpu.memory_space<vmem>> -> memref<1x128xi32, #tpu.memory_space<vmem>>
      %dma_start3A_350 = tpu.memref_squeeze %dma_start3A_349 : memref<1x128xi32, #tpu.memory_space<vmem>> -> memref<128xi32, #tpu.memory_space<vmem>>
      %dma_start3A_351 = arith.constant 0 : i32
      %dma_start3A_352 = tpu.memref_slice %arg3[%add3A_340, %dma_start3A_351] : memref<2560x128xi32, #tpu.memory_space<hbm>> -> memref<1x128xi32, #tpu.memory_space<hbm>>
      %dma_start3A_353 = tpu.memref_squeeze %dma_start3A_352 : memref<1x128xi32, #tpu.memory_space<hbm>> -> memref<128xi32, #tpu.memory_space<hbm>>
      tpu.enqueue_dma source(%dma_start3A_353 : memref<128xi32, #tpu.memory_space<hbm>>) target(%dma_start3A_350 : memref<128xi32, #tpu.memory_space<vmem>>) target_semaphore(%arg13 : memref<!tpu.dma_semaphore, #tpu.memory_space<semaphore_mem>>)
      %add3A_354 = arith.addi %add3A, %add3A_339 : i32
      %dma_start3A_355 = arith.constant 1 : i32
      %dma_start3A_356 = arith.constant 0 : i32
      %dma_start3A_357 = tpu.memref_slice %arg7[%dma_start3A_355, %dma_start3A_356] : memref<2x128xi32, #tpu.memory_space<vmem>> -> memref<1x128xi32, #tpu.memory_space<vmem>>
      %dma_start3A_358 = tpu.memref_squeeze %dma_start3A_357 : memref<1x128xi32, #tpu.memory_space<vmem>> -> memref<128xi32, #tpu.memory_space<vmem>>
      %dma_start3A_359 = arith.constant 0 : i32
      %dma_start3A_360 = tpu.memref_slice %arg4[%add3A_354, %dma_start3A_359] : memref<2560x128xi32, #tpu.memory_space<hbm>> -> memref<1x128xi32, #tpu.memory_space<hbm>>
      %dma_start3A_361 = tpu.memref_squeeze %dma_start3A_360 : memref<1x128xi32, #tpu.memory_space<hbm>> -> memref<128xi32, #tpu.memory_space<hbm>>
      %dma_start3A_362 = arith.constant 0 : i32
      %dma_start3A_363 = tpu.memref_slice %arg7[%dma_start3A_355, %dma_start3A_362] : memref<2x128xi32, #tpu.memory_space<vmem>> -> memref<1x128xi32, #tpu.memory_space<vmem>>
      %dma_start3A_364 = tpu.memref_squeeze %dma_start3A_363 : memref<1x128xi32, #tpu.memory_space<vmem>> -> memref<128xi32, #tpu.memory_space<vmem>>
      %dma_start3A_365 = arith.constant 0 : i32
      %dma_start3A_366 = tpu.memref_slice %arg4[%add3A_354, %dma_start3A_365] : memref<2560x128xi32, #tpu.memory_space<hbm>> -> memref<1x128xi32, #tpu.memory_space<hbm>>
      %dma_start3A_367 = tpu.memref_squeeze %dma_start3A_366 : memref<1x128xi32, #tpu.memory_space<hbm>> -> memref<128xi32, #tpu.memory_space<hbm>>
      tpu.enqueue_dma source(%dma_start3A_367 : memref<128xi32, #tpu.memory_space<hbm>>) target(%dma_start3A_364 : memref<128xi32, #tpu.memory_space<vmem>>) target_semaphore(%arg13 : memref<!tpu.dma_semaphore, #tpu.memory_space<semaphore_mem>>)
    }
    %dma_wait3A_130 = arith.constant 1 : i32
    %dma_wait3A_131 = arith.constant 0 : i32
    %dma_wait3A_132 = tpu.memref_slice %arg6[%dma_wait3A_130, %dma_wait3A_131] : memref<2x128xi32, #tpu.memory_space<vmem>> -> memref<1x128xi32, #tpu.memory_space<vmem>>
    %dma_wait3A_133 = tpu.memref_squeeze %dma_wait3A_132 : memref<1x128xi32, #tpu.memory_space<vmem>> -> memref<128xi32, #tpu.memory_space<vmem>>
    %dma_wait3A_134 = arith.constant 0 : i32
    %dma_wait3A_135 = tpu.memref_slice %arg3[%add3A, %dma_wait3A_134] : memref<2560x128xi32, #tpu.memory_space<hbm>> -> memref<1x128xi32, #tpu.memory_space<hbm>>
    %dma_wait3A_136 = tpu.memref_squeeze %dma_wait3A_135 : memref<1x128xi32, #tpu.memory_space<hbm>> -> memref<128xi32, #tpu.memory_space<hbm>>
    %dma_wait3A_137 = arith.constant 0 : i32
    %dma_wait3A_138 = tpu.memref_slice %arg6[%dma_wait3A_130, %dma_wait3A_137] : memref<2x128xi32, #tpu.memory_space<vmem>> -> memref<1x128xi32, #tpu.memory_space<vmem>>
    %dma_wait3A_139 = tpu.memref_squeeze %dma_wait3A_138 : memref<1x128xi32, #tpu.memory_space<vmem>> -> memref<128xi32, #tpu.memory_space<vmem>>
    %dma_wait3A_140 = arith.constant 0 : i32
    %dma_wait3A_141 = tpu.memref_slice %arg3[%add3A, %dma_wait3A_140] : memref<2560x128xi32, #tpu.memory_space<hbm>> -> memref<1x128xi32, #tpu.memory_space<hbm>>
    %dma_wait3A_142 = tpu.memref_squeeze %dma_wait3A_141 : memref<1x128xi32, #tpu.memory_space<hbm>> -> memref<128xi32, #tpu.memory_space<hbm>>
    tpu.wait_dma2 semaphore(%arg13 : memref<!tpu.dma_semaphore, #tpu.memory_space<semaphore_mem>>) src(%dma_wait3A_142 : memref<128xi32, #tpu.memory_space<hbm>>) dst(%dma_wait3A_139 : memref<128xi32, #tpu.memory_space<vmem>>)
    %dma_wait3A_143 = arith.constant 1 : i32
    %dma_wait3A_144 = arith.constant 0 : i32
    %dma_wait3A_145 = tpu.memref_slice %arg7[%dma_wait3A_143, %dma_wait3A_144] : memref<2x128xi32, #tpu.memory_space<vmem>> -> memref<1x128xi32, #tpu.memory_space<vmem>>
    %dma_wait3A_146 = tpu.memref_squeeze %dma_wait3A_145 : memref<1x128xi32, #tpu.memory_space<vmem>> -> memref<128xi32, #tpu.memory_space<vmem>>
    %dma_wait3A_147 = arith.constant 0 : i32
    %dma_wait3A_148 = tpu.memref_slice %arg4[%add3A, %dma_wait3A_147] : memref<2560x128xi32, #tpu.memory_space<hbm>> -> memref<1x128xi32, #tpu.memory_space<hbm>>
    %dma_wait3A_149 = tpu.memref_squeeze %dma_wait3A_148 : memref<1x128xi32, #tpu.memory_space<hbm>> -> memref<128xi32, #tpu.memory_space<hbm>>
    %dma_wait3A_150 = arith.constant 0 : i32
    %dma_wait3A_151 = tpu.memref_slice %arg7[%dma_wait3A_143, %dma_wait3A_150] : memref<2x128xi32, #tpu.memory_space<vmem>> -> memref<1x128xi32, #tpu.memory_space<vmem>>
    %dma_wait3A_152 = tpu.memref_squeeze %dma_wait3A_151 : memref<1x128xi32, #tpu.memory_space<vmem>> -> memref<128xi32, #tpu.memory_space<vmem>>
    %dma_wait3A_153 = arith.constant 0 : i32
    %dma_wait3A_154 = tpu.memref_slice %arg4[%add3A, %dma_wait3A_153] : memref<2560x128xi32, #tpu.memory_space<hbm>> -> memref<1x128xi32, #tpu.memory_space<hbm>>
    %dma_wait3A_155 = tpu.memref_squeeze %dma_wait3A_154 : memref<1x128xi32, #tpu.memory_space<hbm>> -> memref<128xi32, #tpu.memory_space<hbm>>
    tpu.wait_dma2 semaphore(%arg13 : memref<!tpu.dma_semaphore, #tpu.memory_space<semaphore_mem>>) src(%dma_wait3A_155 : memref<128xi32, #tpu.memory_space<hbm>>) dst(%dma_wait3A_152 : memref<128xi32, #tpu.memory_space<vmem>>)
    %dma_wait3A_156 = arith.constant 0 : i32
    %dma_wait3A_157 = arith.constant 0 : i32
    %dma_wait3A_158 = arith.constant 0 : i32
    %dma_wait3A_159 = arith.constant 0 : i32
    %dma_wait3A_160 = tpu.memref_slice %arg8[%dma_wait3A_157, %dma_wait3A_158, %dma_wait3A_159] : memref<2x128x128xf32, #tpu.memory_space<vmem>> -> memref<1x128x128xf32, #tpu.memory_space<vmem>>
    %dma_wait3A_161 = tpu.memref_squeeze %dma_wait3A_160 : memref<1x128x128xf32, #tpu.memory_space<vmem>> -> memref<128x128xf32, #tpu.memory_space<vmem>>
    %dma_wait3A_162 = arith.constant 0 : i32
    %dma_wait3A_163 = tpu.memref_slice %arg6[%dma_wait3A_156, %dma_wait3A_162] : memref<2x128xi32, #tpu.memory_space<vmem>> -> memref<1x128xi32, #tpu.memory_space<vmem>>
    %dma_wait3A_164 = tpu.memref_squeeze %dma_wait3A_163 : memref<1x128xi32, #tpu.memory_space<vmem>> -> memref<128xi32, #tpu.memory_space<vmem>>
    %dma_wait3A_165 = arith.constant 0 : i32
    %dma_wait3A_166 = arith.constant 0 : i32
    %dma_wait3A_167 = tpu.memref_slice %arg2[%dma_wait3A_165, %dma_wait3A_166] : memref<10112x128xf32, #tpu.memory_space<hbm>> -> memref<10112x128xf32, #tpu.memory_space<hbm>>
    tpu.wait_indirect_dma semaphore(%arg10 : memref<!tpu.dma_semaphore, #tpu.memory_space<semaphore_mem>>) src(%dma_wait3A_167 : memref<10112x128xf32, #tpu.memory_space<hbm>>) dst(%dma_wait3A_161 : memref<128x128xf32, #tpu.memory_space<vmem>>)
    %dma_start3A_168 = arith.constant 1 : i32
    %dma_start3A_169 = arith.constant 1 : i32
    %dma_start3A_170 = arith.constant 0 : i32
    %dma_start3A_171 = arith.constant 0 : i32
    %dma_start3A_172 = tpu.memref_slice %arg8[%dma_start3A_169, %dma_start3A_170, %dma_start3A_171] : memref<2x128x128xf32, #tpu.memory_space<vmem>> -> memref<1x128x128xf32, #tpu.memory_space<vmem>>
    %dma_start3A_173 = tpu.memref_squeeze %dma_start3A_172 : memref<1x128x128xf32, #tpu.memory_space<vmem>> -> memref<128x128xf32, #tpu.memory_space<vmem>>
    %dma_start3A_174 = arith.constant 0 : i32
    %dma_start3A_175 = tpu.memref_slice %arg6[%dma_start3A_168, %dma_start3A_174] : memref<2x128xi32, #tpu.memory_space<vmem>> -> memref<1x128xi32, #tpu.memory_space<vmem>>
    %dma_start3A_176 = tpu.memref_squeeze %dma_start3A_175 : memref<1x128xi32, #tpu.memory_space<vmem>> -> memref<128xi32, #tpu.memory_space<vmem>>
    %dma_start3A_177 = arith.constant 0 : i32
    %dma_start3A_178 = arith.constant 0 : i32
    %dma_start3A_179 = tpu.memref_slice %arg2[%dma_start3A_177, %dma_start3A_178] : memref<10112x128xf32, #tpu.memory_space<hbm>> -> memref<10112x128xf32, #tpu.memory_space<hbm>>
    tpu.enqueue_indirect_dma source(%dma_start3A_179 : memref<10112x128xf32, #tpu.memory_space<hbm>>) target(%dma_start3A_173 : memref<128x128xf32, #tpu.memory_space<vmem>>) offsets(%dma_start3A_176 : memref<128xi32, #tpu.memory_space<vmem>>) semaphore(%arg11 : memref<!tpu.dma_semaphore, #tpu.memory_space<semaphore_mem>>)
    %run_scoped3A_180 = arith.constant 0 : i32
    %run_scoped3A_181 = arith.constant 0 : i32
    "tpu.region"() ({
      %run_scoped3A_197 = tpu.sem_alloc : memref<!tpu.dma_semaphore, #tpu.memory_space<semaphore_mem>>
      %dma_start3A_198 = arith.constant 0 : i32
      %dma_start3A_199 = arith.constant 0 : i32
      %dma_start3A_200 = tpu.memref_slice %arg8[%run_scoped3A_180, %dma_start3A_198, %dma_start3A_199] : memref<2x128x128xf32, #tpu.memory_space<vmem>> -> memref<1x128x128xf32, #tpu.memory_space<vmem>>
      %dma_start3A_201 = tpu.memref_squeeze %dma_start3A_200 : memref<1x128x128xf32, #tpu.memory_space<vmem>> -> memref<128x128xf32, #tpu.memory_space<vmem>>
      %dma_start3A_202 = arith.constant 0 : i32
      %dma_start3A_203 = tpu.memref_slice %arg7[%run_scoped3A_181, %dma_start3A_202] : memref<2x128xi32, #tpu.memory_space<vmem>> -> memref<1x128xi32, #tpu.memory_space<vmem>>
      %dma_start3A_204 = tpu.memref_squeeze %dma_start3A_203 : memref<1x128xi32, #tpu.memory_space<vmem>> -> memref<128xi32, #tpu.memory_space<vmem>>
      %dma_start3A_205 = arith.constant 0 : i32
      %dma_start3A_206 = arith.constant 0 : i32
      %dma_start3A_207 = tpu.memref_slice %arg9[%dma_start3A_205, %dma_start3A_206] : memref<10112x128xf32, #tpu.memory_space<vmem_shared>> -> memref<10112x128xf32, #tpu.memory_space<vmem_shared>>
      tpu.enqueue_indirect_dma source(%dma_start3A_201 : memref<128x128xf32, #tpu.memory_space<vmem>>) target(%dma_start3A_207 : memref<10112x128xf32, #tpu.memory_space<vmem_shared>>) offsets(%dma_start3A_204 : memref<128xi32, #tpu.memory_space<vmem>>) semaphore(%run_scoped3A_197 : memref<!tpu.dma_semaphore, #tpu.memory_space<semaphore_mem>>) {add = true}
      %dma_wait3A_208 = arith.constant 0 : i32
      %dma_wait3A_209 = arith.constant 0 : i32
      %dma_wait3A_210 = tpu.memref_slice %arg8[%run_scoped3A_180, %dma_wait3A_208, %dma_wait3A_209] : memref<2x128x128xf32, #tpu.memory_space<vmem>> -> memref<1x128x128xf32, #tpu.memory_space<vmem>>
      %dma_wait3A_211 = tpu.memref_squeeze %dma_wait3A_210 : memref<1x128x128xf32, #tpu.memory_space<vmem>> -> memref<128x128xf32, #tpu.memory_space<vmem>>
      %dma_wait3A_212 = arith.constant 0 : i32
      %dma_wait3A_213 = tpu.memref_slice %arg7[%run_scoped3A_181, %dma_wait3A_212] : memref<2x128xi32, #tpu.memory_space<vmem>> -> memref<1x128xi32, #tpu.memory_space<vmem>>
      %dma_wait3A_214 = tpu.memref_squeeze %dma_wait3A_213 : memref<1x128xi32, #tpu.memory_space<vmem>> -> memref<128xi32, #tpu.memory_space<vmem>>
      %dma_wait3A_215 = arith.constant 0 : i32
      %dma_wait3A_216 = arith.constant 0 : i32
      %dma_wait3A_217 = tpu.memref_slice %arg9[%dma_wait3A_215, %dma_wait3A_216] : memref<10112x128xf32, #tpu.memory_space<vmem_shared>> -> memref<10112x128xf32, #tpu.memory_space<vmem_shared>>
      tpu.wait_indirect_dma semaphore(%run_scoped3A_197 : memref<!tpu.dma_semaphore, #tpu.memory_space<semaphore_mem>>) src(%dma_wait3A_211 : memref<128x128xf32, #tpu.memory_space<vmem>>) dst(%dma_wait3A_217 : memref<10112x128xf32, #tpu.memory_space<vmem_shared>>)
      tpu.yield
    }) : () -> ()
    %dma_wait3A_182 = arith.constant 1 : i32
    %dma_wait3A_183 = arith.constant 1 : i32
    %dma_wait3A_184 = arith.constant 0 : i32
    %dma_wait3A_185 = arith.constant 0 : i32
    %dma_wait3A_186 = tpu.memref_slice %arg8[%dma_wait3A_183, %dma_wait3A_184, %dma_wait3A_185] : memref<2x128x128xf32, #tpu.memory_space<vmem>> -> memref<1x128x128xf32, #tpu.memory_space<vmem>>
    %dma_wait3A_187 = tpu.memref_squeeze %dma_wait3A_186 : memref<1x128x128xf32, #tpu.memory_space<vmem>> -> memref<128x128xf32, #tpu.memory_space<vmem>>
    %dma_wait3A_188 = arith.constant 0 : i32
    %dma_wait3A_189 = tpu.memref_slice %arg6[%dma_wait3A_182, %dma_wait3A_188] : memref<2x128xi32, #tpu.memory_space<vmem>> -> memref<1x128xi32, #tpu.memory_space<vmem>>
    %dma_wait3A_190 = tpu.memref_squeeze %dma_wait3A_189 : memref<1x128xi32, #tpu.memory_space<vmem>> -> memref<128xi32, #tpu.memory_space<vmem>>
    %dma_wait3A_191 = arith.constant 0 : i32
    %dma_wait3A_192 = arith.constant 0 : i32
    %dma_wait3A_193 = tpu.memref_slice %arg2[%dma_wait3A_191, %dma_wait3A_192] : memref<10112x128xf32, #tpu.memory_space<hbm>> -> memref<10112x128xf32, #tpu.memory_space<hbm>>
    tpu.wait_indirect_dma semaphore(%arg11 : memref<!tpu.dma_semaphore, #tpu.memory_space<semaphore_mem>>) src(%dma_wait3A_193 : memref<10112x128xf32, #tpu.memory_space<hbm>>) dst(%dma_wait3A_187 : memref<128x128xf32, #tpu.memory_space<vmem>>)
    %run_scoped3A_194 = arith.constant 1 : i32
    %run_scoped3A_195 = arith.constant 1 : i32
    "tpu.region"() ({
      %run_scoped3A_197 = tpu.sem_alloc : memref<!tpu.dma_semaphore, #tpu.memory_space<semaphore_mem>>
      %dma_start3A_198 = arith.constant 0 : i32
      %dma_start3A_199 = arith.constant 0 : i32
      %dma_start3A_200 = tpu.memref_slice %arg8[%run_scoped3A_194, %dma_start3A_198, %dma_start3A_199] : memref<2x128x128xf32, #tpu.memory_space<vmem>> -> memref<1x128x128xf32, #tpu.memory_space<vmem>>
      %dma_start3A_201 = tpu.memref_squeeze %dma_start3A_200 : memref<1x128x128xf32, #tpu.memory_space<vmem>> -> memref<128x128xf32, #tpu.memory_space<vmem>>
      %dma_start3A_202 = arith.constant 0 : i32
      %dma_start3A_203 = tpu.memref_slice %arg7[%run_scoped3A_195, %dma_start3A_202] : memref<2x128xi32, #tpu.memory_space<vmem>> -> memref<1x128xi32, #tpu.memory_space<vmem>>
      %dma_start3A_204 = tpu.memref_squeeze %dma_start3A_203 : memref<1x128xi32, #tpu.memory_space<vmem>> -> memref<128xi32, #tpu.memory_space<vmem>>
      %dma_start3A_205 = arith.constant 0 : i32
      %dma_start3A_206 = arith.constant 0 : i32
      %dma_start3A_207 = tpu.memref_slice %arg9[%dma_start3A_205, %dma_start3A_206] : memref<10112x128xf32, #tpu.memory_space<vmem_shared>> -> memref<10112x128xf32, #tpu.memory_space<vmem_shared>>
      tpu.enqueue_indirect_dma source(%dma_start3A_201 : memref<128x128xf32, #tpu.memory_space<vmem>>) target(%dma_start3A_207 : memref<10112x128xf32, #tpu.memory_space<vmem_shared>>) offsets(%dma_start3A_204 : memref<128xi32, #tpu.memory_space<vmem>>) semaphore(%run_scoped3A_197 : memref<!tpu.dma_semaphore, #tpu.memory_space<semaphore_mem>>) {add = true}
      %dma_wait3A_208 = arith.constant 0 : i32
      %dma_wait3A_209 = arith.constant 0 : i32
      %dma_wait3A_210 = tpu.memref_slice %arg8[%run_scoped3A_194, %dma_wait3A_208, %dma_wait3A_209] : memref<2x128x128xf32, #tpu.memory_space<vmem>> -> memref<1x128x128xf32, #tpu.memory_space<vmem>>
      %dma_wait3A_211 = tpu.memref_squeeze %dma_wait3A_210 : memref<1x128x128xf32, #tpu.memory_space<vmem>> -> memref<128x128xf32, #tpu.memory_space<vmem>>
      %dma_wait3A_212 = arith.constant 0 : i32
      %dma_wait3A_213 = tpu.memref_slice %arg7[%run_scoped3A_195, %dma_wait3A_212] : memref<2x128xi32, #tpu.memory_space<vmem>> -> memref<1x128xi32, #tpu.memory_space<vmem>>
      %dma_wait3A_214 = tpu.memref_squeeze %dma_wait3A_213 : memref<1x128xi32, #tpu.memory_space<vmem>> -> memref<128xi32, #tpu.memory_space<vmem>>
      %dma_wait3A_215 = arith.constant 0 : i32
      %dma_wait3A_216 = arith.constant 0 : i32
      %dma_wait3A_217 = tpu.memref_slice %arg9[%dma_wait3A_215, %dma_wait3A_216] : memref<10112x128xf32, #tpu.memory_space<vmem_shared>> -> memref<10112x128xf32, #tpu.memory_space<vmem_shared>>
      tpu.wait_indirect_dma semaphore(%run_scoped3A_197 : memref<!tpu.dma_semaphore, #tpu.memory_space<semaphore_mem>>) src(%dma_wait3A_211 : memref<128x128xf32, #tpu.memory_space<vmem>>) dst(%dma_wait3A_217 : memref<10112x128xf32, #tpu.memory_space<vmem_shared>>)
      tpu.yield
    }) : () -> ()
    %barrier3A_196 = arith.constant 0 : index
    tpu.barrier barrier_id(%barrier3A_196)
    "tpu.region"() ({
      %run_scoped3A_197 = tpu.sem_alloc : memref<!tpu.dma_semaphore, #tpu.memory_space<semaphore_mem>>
      %dma_start3A_198 = arith.constant 0 : i32
      %dma_start3A_199 = tpu.memref_slice %arg5[%arg0, %mul3A_7, %dma_start3A_198] : memref<2x10112x128xf32, #tpu.memory_space<hbm>> -> memref<1x632x128xf32, #tpu.memory_space<hbm>>
      %dma_start3A_200 = tpu.memref_squeeze %dma_start3A_199 : memref<1x632x128xf32, #tpu.memory_space<hbm>> -> memref<632x128xf32, #tpu.memory_space<hbm>>
      %dma_start3A_201 = arith.constant 0 : i32
      %dma_start3A_202 = tpu.memref_slice %arg9[%mul3A_7, %dma_start3A_201] : memref<10112x128xf32, #tpu.memory_space<vmem_shared>> -> memref<632x128xf32, #tpu.memory_space<vmem_shared>>
      tpu.enqueue_dma source(%dma_start3A_202 : memref<632x128xf32, #tpu.memory_space<vmem_shared>>) target(%dma_start3A_200 : memref<632x128xf32, #tpu.memory_space<hbm>>) target_semaphore(%run_scoped3A_197 : memref<!tpu.dma_semaphore, #tpu.memory_space<semaphore_mem>>)
      %dma_wait3A_203 = arith.constant 0 : i32
      %dma_wait3A_204 = tpu.memref_slice %arg5[%arg0, %mul3A_7, %dma_wait3A_203] : memref<2x10112x128xf32, #tpu.memory_space<hbm>> -> memref<1x632x128xf32, #tpu.memory_space<hbm>>
      %dma_wait3A_205 = tpu.memref_squeeze %dma_wait3A_204 : memref<1x632x128xf32, #tpu.memory_space<hbm>> -> memref<632x128xf32, #tpu.memory_space<hbm>>
      %dma_wait3A_206 = arith.constant 0 : i32
      %dma_wait3A_207 = tpu.memref_slice %arg9[%mul3A_7, %dma_wait3A_206] : memref<10112x128xf32, #tpu.memory_space<vmem_shared>> -> memref<632x128xf32, #tpu.memory_space<vmem_shared>>
      tpu.wait_dma2 semaphore(%run_scoped3A_197 : memref<!tpu.dma_semaphore, #tpu.memory_space<semaphore_mem>>) src(%dma_wait3A_207 : memref<632x128xf32, #tpu.memory_space<vmem_shared>>) dst(%dma_wait3A_205 : memref<632x128xf32, #tpu.memory_space<hbm>>)
      tpu.yield
    }) : () -> ()
    return
  }
}

module attributes {stable_mosaic.version = 14 : i64} {
  func.func @_deg_body(%arg0: i32, %arg1: memref<1x1x2048xi32, #tpu.memory_space<vmem>>, %arg2: memref<128x79xf32, #tpu.memory_space<vmem>>) attributes {dimension_semantics = [#tpu.dimension_semantics<arbitrary>], iteration_bounds = array<i64: 160>, scalar_prefetch = 0 : i64, scratch_operands = 0 : i64, tpu.core_type = #tpu.core_type<tc>, window_params = [{transform_indices = @transform_0, window_bounds = array<i64: 1, 1, 2048>}, {pipeline_mode = #tpu.pipeline_mode<synchronous>, transform_indices = @transform_1, window_bounds = array<i64: 128, 79>}]} {
    %eq3A = arith.constant 0 : i32
    %eq3A_0 = arith.cmpi eq, %arg0, %eq3A : i32
    %convert_element_type3A = arith.extui %eq3A_0 : i1 to i32
    %cond3A = arith.constant 0 : i32
    %cond3A_1 = arith.cmpi ne, %convert_element_type3A, %cond3A : i32
    scf.if %cond3A_1 {
      %broadcast_in_dim3A_48 = arith.constant 0.000000e+00 : f32
      %broadcast_in_dim3A_49 = vector.broadcast %broadcast_in_dim3A_48 : f32 to vector<128x79xf32>
      %swap3A_50 = arith.constant 0 : index
      %swap3A_51 = arith.constant 0 : index
      %swap3A_52 = vector.load %arg2[%swap3A_50, %swap3A_51] : memref<128x79xf32, #tpu.memory_space<vmem>>, vector<128x79xf32>
      tpu.vector_store %arg2[%swap3A_50, %swap3A_51], %broadcast_in_dim3A_49 {strides = array<i32>} : memref<128x79xf32, #tpu.memory_space<vmem>>, vector<128x79xf32>,
    } else {
    }
    %get3A = arith.constant 0 : index
    %get3A_2 = arith.constant 0 : index
    %get3A_3 = arith.constant 0 : index
    %get3A_4 = vector.load %arg1[%get3A, %get3A_2, %get3A_3] : memref<1x1x2048xi32, #tpu.memory_space<vmem>>, vector<1x1x2048xi32>
    %get3A_5 = vector.shape_cast %get3A_4 : vector<1x1x2048xi32> to vector<2048xi32>
    %jit3A = arith.constant 128 : i32
    %div3A = vector.broadcast %jit3A : i32 to vector<2048xi32>
    %div3A_6 = arith.divsi %get3A_5, %div3A : vector<2048xi32>
    %sign3A = arith.constant 0 : i32
    %sign3A_7 = vector.broadcast %sign3A : i32 to vector<2048xi32>
    %sign3A_8 = arith.cmpi sgt, %get3A_5, %sign3A_7 : vector<2048xi32>
    %sign3A_9 = arith.extui %sign3A_8 : vector<2048xi1> to vector<2048xi32>
    %sign3A_10 = arith.constant 0 : i32
    %sign3A_11 = vector.broadcast %sign3A_10 : i32 to vector<2048xi32>
    %sign3A_12 = arith.cmpi slt, %get3A_5, %sign3A_11 : vector<2048xi32>
    %sign3A_13 = arith.extui %sign3A_12 : vector<2048xi1> to vector<2048xi32>
    %sign3A_14 = arith.subi %sign3A_9, %sign3A_13 : vector<2048xi32>
    %sign3A_15 = arith.constant 0 : i32
    %sign3A_16 = arith.cmpi sgt, %jit3A, %sign3A_15 : i32
    %sign3A_17 = arith.extui %sign3A_16 : i1 to i32
    %sign3A_18 = arith.constant 0 : i32
    %sign3A_19 = arith.cmpi slt, %jit3A, %sign3A_18 : i32
    %sign3A_20 = arith.extui %sign3A_19 : i1 to i32
    %sign3A_21 = arith.subi %sign3A_17, %sign3A_20 : i32
    %ne3A = vector.broadcast %sign3A_21 : i32 to vector<2048xi32>
    %ne3A_22 = arith.cmpi ne, %sign3A_14, %ne3A : vector<2048xi32>
    %rem3A = vector.broadcast %jit3A : i32 to vector<2048xi32>
    %rem3A_23 = arith.remsi %get3A_5, %rem3A : vector<2048xi32>
    %ne3A_24 = arith.constant 0 : i32
    %ne3A_25 = vector.broadcast %ne3A_24 : i32 to vector<2048xi32>
    %ne3A_26 = arith.cmpi ne, %rem3A_23, %ne3A_25 : vector<2048xi32>
    %and3A = arith.andi %ne3A_22, %ne3A_26 : vector<2048xi1>
    %sub3A = arith.constant 1 : i32
    %sub3A_27 = vector.broadcast %sub3A : i32 to vector<2048xi32>
    %sub3A_28 = arith.subi %div3A_6, %sub3A_27 : vector<2048xi32>
    %select_n3A = arith.select %and3A, %sub3A_28, %div3A_6 : vector<2048xi1>, vector<2048xi32>
    %mul3A = arith.constant 128 : i32
    %mul3A_29 = vector.broadcast %mul3A : i32 to vector<2048xi32>
    %mul3A_30 = arith.muli %select_n3A, %mul3A_29 : vector<2048xi32>
    %sub3A_31 = arith.subi %get3A_5, %mul3A_30 : vector<2048xi32>
    %iota3A = tpu.iota {dimensions = array<i32: 0>} : vector<128x2048xi32>
    %broadcast_in_dim3A = vector.shape_cast %sub3A_31 : vector<2048xi32> to vector<1x2048xi32>
    %eq3A_32 = vector.broadcast %broadcast_in_dim3A : vector<1x2048xi32> to vector<128x2048xi32>
    %eq3A_33 = arith.cmpi eq, %iota3A, %eq3A_32 : vector<128x2048xi32>
    %convert_element_type3A_34 = arith.extui %eq3A_33 : vector<128x2048xi1> to vector<128x2048xi32>
    %convert_element_type3A_35 = arith.sitofp %convert_element_type3A_34 : vector<128x2048xi32> to vector<128x2048xf32>
    %iota3A_36 = tpu.iota {dimensions = array<i32: 1>} : vector<2048x79xi32>
    %broadcast_in_dim3A_37 = vector.shape_cast %select_n3A : vector<2048xi32> to vector<2048x1xi32>
    %eq3A_38 = vector.broadcast %broadcast_in_dim3A_37 : vector<2048x1xi32> to vector<2048x79xi32>
    %eq3A_39 = arith.cmpi eq, %iota3A_36, %eq3A_38 : vector<2048x79xi32>
    %convert_element_type3A_40 = arith.extui %eq3A_39 : vector<2048x79xi1> to vector<2048x79xi32>
    %convert_element_type3A_41 = arith.sitofp %convert_element_type3A_40 : vector<2048x79xi32> to vector<2048x79xf32>
    %get3A_42 = arith.constant 0 : index
    %get3A_43 = arith.constant 0 : index
    %get3A_44 = vector.load %arg2[%get3A_42, %get3A_43] : memref<128x79xf32, #tpu.memory_space<vmem>>, vector<128x79xf32>
    %dot_general3A = arith.constant dense<0.000000e+00> : vector<128x79xf32>
    %dot_general3A_45 = tpu.matmul %convert_element_type3A_35, %convert_element_type3A_41, %dot_general3A {dimension_numbers = #tpu.dot_dimension_numbers<[1], [0], [0], [1], [0, 0, 1, 1], [], []>, transpose_lhs_hint = false} : vector<128x2048xf32>, vector<2048x79xf32>, vector<128x79xf32> -> vector<128x79xf32>
    %add3A = arith.addf %get3A_44, %dot_general3A_45 : vector<128x79xf32>
    %swap3A = arith.constant 0 : index
    %swap3A_46 = arith.constant 0 : index
    %swap3A_47 = vector.load %arg2[%swap3A, %swap3A_46] : memref<128x79xf32, #tpu.memory_space<vmem>>, vector<128x79xf32>
    tpu.vector_store %arg2[%swap3A, %swap3A_46], %add3A {strides = array<i32>} : memref<128x79xf32, #tpu.memory_space<vmem>>, vector<128x79xf32>,
    return
  }
  func.func @transform_0(%arg0: i32) -> (i32, i32, i32) {
    %c0_i32 = arith.constant 0 : i32
    %c0_i32_0 = arith.constant 0 : i32
    %c0_i32_1 = arith.constant 0 : i32
    return %arg0, %c0_i32, %c0_i32_0 : i32, i32, i32
  }
  func.func @transform_1(%arg0: i32) -> (i32, i32) {
    %c0_i32 = arith.constant 0 : i32
    %c0_i32_0 = arith.constant 0 : i32
    %c0_i32_1 = arith.constant 0 : i32
    return %c0_i32, %c0_i32_0 : i32, i32
  }
}

module attributes {stable_mosaic.version = 14 : i64} {
  func.func @_dinv_body(%arg0: i32, %arg1: memref<128x1xf32, #tpu.memory_space<vmem>>, %arg2: memref<128x128xf32, #tpu.memory_space<vmem>>) attributes {dimension_semantics = [#tpu.dimension_semantics<arbitrary>], iteration_bounds = array<i64: 79>, scalar_prefetch = 0 : i64, scratch_operands = 0 : i64, tpu.core_type = #tpu.core_type<tc>, window_params = [{transform_indices = @transform_0, window_bounds = array<i64: 128, 1>}, {transform_indices = @transform_1, window_bounds = array<i64: 128, 128>}]} {
    %get3A = arith.constant 0 : index
    %get3A_0 = arith.constant 0 : index
    %get3A_1 = vector.load %arg1[%get3A, %get3A_0] : memref<128x1xf32, #tpu.memory_space<vmem>>, vector<128x1xf32>
    %add3A = arith.constant 1.000000e+00 : f32
    %add3A_2 = vector.broadcast %add3A : f32 to vector<128x1xf32>
    %add3A_3 = arith.addf %get3A_1, %add3A_2 : vector<128x1xf32>
    %rsqrt3A = math.rsqrt %add3A_3 : vector<128x1xf32>
    %broadcast_in_dim3A = vector.shape_cast %rsqrt3A : vector<128x1xf32> to vector<128x1xf32>
    %broadcast_in_dim3A_4 = vector.broadcast %broadcast_in_dim3A : vector<128x1xf32> to vector<128x128xf32>
    %swap3A = arith.constant 0 : index
    %swap3A_5 = arith.constant 0 : index
    %swap3A_6 = vector.load %arg2[%swap3A, %swap3A_5] : memref<128x128xf32, #tpu.memory_space<vmem>>, vector<128x128xf32>
    tpu.vector_store %arg2[%swap3A, %swap3A_5], %broadcast_in_dim3A_4 {strides = array<i32>} : memref<128x128xf32, #tpu.memory_space<vmem>>, vector<128x128xf32>,
    return
  }
  func.func @transform_0(%arg0: i32) -> (i32, i32) {
    %c0_i32 = arith.constant 0 : i32
    %c0_i32_0 = arith.constant 0 : i32
    return %arg0, %c0_i32 : i32, i32
  }
  func.func @transform_1(%arg0: i32) -> (i32, i32) {
    %c0_i32 = arith.constant 0 : i32
    %c0_i32_0 = arith.constant 0 : i32
    return %arg0, %c0_i32 : i32, i32
  }
}

module attributes {stable_mosaic.version = 14 : i64} {
  func.func @_embed_body(%arg0: i32, %arg1: memref<1x1x128xi32, #tpu.memory_space<vmem>>, %arg2: memref<256x128xf32, #tpu.memory_space<vmem>>, %arg3: memref<128x128xf32, #tpu.memory_space<vmem>>) attributes {dimension_semantics = [#tpu.dimension_semantics<arbitrary>], iteration_bounds = array<i64: 79>, scalar_prefetch = 0 : i64, scratch_operands = 0 : i64, tpu.core_type = #tpu.core_type<tc>, window_params = [{transform_indices = @transform_0, window_bounds = array<i64: 1, 1, 128>}, {pipeline_mode = #tpu.pipeline_mode<synchronous>, transform_indices = @transform_1, window_bounds = array<i64: 256, 128>}, {transform_indices = @transform_2, window_bounds = array<i64: 128, 128>}]} {
    %get3A = arith.constant 0 : index
    %get3A_0 = arith.constant 0 : index
    %get3A_1 = arith.constant 0 : index
    %get3A_2 = vector.load %arg1[%get3A, %get3A_0, %get3A_1] : memref<1x1x128xi32, #tpu.memory_space<vmem>>, vector<1x1x128xi32>
    %get3A_3 = vector.shape_cast %get3A_2 : vector<1x1x128xi32> to vector<128xi32>
    %iota3A = tpu.iota {dimensions = array<i32: 1>} : vector<128x256xi32>
    %broadcast_in_dim3A = vector.shape_cast %get3A_3 : vector<128xi32> to vector<128x1xi32>
    %eq3A = vector.broadcast %broadcast_in_dim3A : vector<128x1xi32> to vector<128x256xi32>
    %eq3A_4 = arith.cmpi eq, %eq3A, %iota3A : vector<128x256xi32>
    %convert_element_type3A = arith.extui %eq3A_4 : vector<128x256xi1> to vector<128x256xi32>
    %convert_element_type3A_5 = arith.sitofp %convert_element_type3A : vector<128x256xi32> to vector<128x256xf32>
    %get3A_6 = arith.constant 0 : index
    %get3A_7 = arith.constant 0 : index
    %get3A_8 = vector.load %arg2[%get3A_6, %get3A_7] : memref<256x128xf32, #tpu.memory_space<vmem>>, vector<256x128xf32>
    %dot_general3A = arith.constant dense<0.000000e+00> : vector<128x128xf32>
    %dot_general3A_9 = tpu.matmul %convert_element_type3A_5, %get3A_8, %dot_general3A {dimension_numbers = #tpu.dot_dimension_numbers<[1], [0], [0], [1], [0, 0, 1, 1], [], []>, transpose_lhs_hint = false} : vector<128x256xf32>, vector<256x128xf32>, vector<128x128xf32> -> vector<128x128xf32>
    %max3A = arith.constant 0.000000e+00 : f32
    %max3A_10 = vector.broadcast %max3A : f32 to vector<128x128xf32>
    %max3A_11 = arith.maximumf %dot_general3A_9, %max3A_10 : vector<128x128xf32>
    %swap3A = arith.constant 0 : index
    %swap3A_12 = arith.constant 0 : index
    %swap3A_13 = vector.load %arg3[%swap3A, %swap3A_12] : memref<128x128xf32, #tpu.memory_space<vmem>>, vector<128x128xf32>
    tpu.vector_store %arg3[%swap3A, %swap3A_12], %max3A_11 {strides = array<i32>} : memref<128x128xf32, #tpu.memory_space<vmem>>, vector<128x128xf32>,
    return
  }
  func.func @transform_0(%arg0: i32) -> (i32, i32, i32) {
    %c0_i32 = arith.constant 0 : i32
    %c0_i32_0 = arith.constant 0 : i32
    %c0_i32_1 = arith.constant 0 : i32
    return %arg0, %c0_i32, %c0_i32_0 : i32, i32, i32
  }
  func.func @transform_1(%arg0: i32) -> (i32, i32) {
    %c0_i32 = arith.constant 0 : i32
    %c0_i32_0 = arith.constant 0 : i32
    %c0_i32_1 = arith.constant 0 : i32
    return %c0_i32, %c0_i32_0 : i32, i32
  }
  func.func @transform_2(%arg0: i32) -> (i32, i32) {
    %c0_i32 = arith.constant 0 : i32
    %c0_i32_0 = arith.constant 0 : i32
    return %arg0, %c0_i32 : i32, i32
  }
}

module attributes {stable_mosaic.version = 14 : i64} {
  func.func @_mm0_body(%arg0: i32, %arg1: memref<1264x128xf32, #tpu.memory_space<vmem>>, %arg2: memref<1264x128xf32, #tpu.memory_space<vmem>>, %arg3: memref<128x128xf32, #tpu.memory_space<vmem>>, %arg4: memref<1264x128xf32, #tpu.memory_space<vmem>>) attributes {dimension_semantics = [#tpu.dimension_semantics<arbitrary>], iteration_bounds = array<i64: 8>, scalar_prefetch = 0 : i64, scratch_operands = 0 : i64, tpu.core_type = #tpu.core_type<tc>, window_params = [{transform_indices = @transform_0, window_bounds = array<i64: 1264, 128>}, {transform_indices = @transform_1, window_bounds = array<i64: 1264, 128>}, {pipeline_mode = #tpu.pipeline_mode<synchronous>, transform_indices = @transform_2, window_bounds = array<i64: 128, 128>}, {transform_indices = @transform_3, window_bounds = array<i64: 1264, 128>}]} {
    %get3A = arith.constant 0 : index
    %get3A_0 = arith.constant 0 : index
    %get3A_1 = vector.load %arg2[%get3A, %get3A_0] : memref<1264x128xf32, #tpu.memory_space<vmem>>, vector<1264x128xf32>
    %get3A_2 = arith.constant 0 : index
    %get3A_3 = arith.constant 0 : index
    %get3A_4 = vector.load %arg1[%get3A_2, %get3A_3] : memref<1264x128xf32, #tpu.memory_space<vmem>>, vector<1264x128xf32>
    %get3A_5 = arith.constant 0 : index
    %get3A_6 = arith.constant 0 : index
    %get3A_7 = vector.load %arg3[%get3A_5, %get3A_6] : memref<128x128xf32, #tpu.memory_space<vmem>>, vector<128x128xf32>
    %dot_general3A = arith.constant dense<0.000000e+00> : vector<1264x128xf32>
    %dot_general3A_8 = tpu.matmul %get3A_4, %get3A_7, %dot_general3A {dimension_numbers = #tpu.dot_dimension_numbers<[1], [0], [0], [1], [0, 0, 1, 1], [], []>, transpose_lhs_hint = false} : vector<1264x128xf32>, vector<128x128xf32>, vector<1264x128xf32> -> vector<1264x128xf32>
    %mul3A = arith.mulf %get3A_1, %dot_general3A_8 : vector<1264x128xf32>
    %swap3A = arith.constant 0 : index
    %swap3A_9 = arith.constant 0 : index
    %swap3A_10 = vector.load %arg4[%swap3A, %swap3A_9] : memref<1264x128xf32, #tpu.memory_space<vmem>>, vector<1264x128xf32>
    tpu.vector_store %arg4[%swap3A, %swap3A_9], %mul3A {strides = array<i32>} : memref<1264x128xf32, #tpu.memory_space<vmem>>, vector<1264x128xf32>,
    return
  }
  func.func @transform_0(%arg0: i32) -> (i32, i32) {
    %c0_i32 = arith.constant 0 : i32
    %c0_i32_0 = arith.constant 0 : i32
    return %arg0, %c0_i32 : i32, i32
  }
  func.func @transform_1(%arg0: i32) -> (i32, i32) {
    %c0_i32 = arith.constant 0 : i32
    %c0_i32_0 = arith.constant 0 : i32
    return %arg0, %c0_i32 : i32, i32
  }
  func.func @transform_2(%arg0: i32) -> (i32, i32) {
    %c0_i32 = arith.constant 0 : i32
    %c0_i32_0 = arith.constant 0 : i32
    %c0_i32_1 = arith.constant 0 : i32
    return %c0_i32, %c0_i32_0 : i32, i32
  }
  func.func @transform_3(%arg0: i32) -> (i32, i32) {
    %c0_i32 = arith.constant 0 : i32
    %c0_i32_0 = arith.constant 0 : i32
    return %arg0, %c0_i32 : i32, i32
  }
}

module attributes {stable_mosaic.version = 14 : i64} {
  func.func @_mmf_body(%arg0: i32, %arg1: memref<2x1264x128xf32, #tpu.memory_space<vmem>>, %arg2: memref<1264x128xf32, #tpu.memory_space<vmem>>, %arg3: memref<1264x128xf32, #tpu.memory_space<vmem>>, %arg4: memref<1x128xf32, #tpu.memory_space<vmem>>, %arg5: memref<128x128xf32, #tpu.memory_space<vmem>>, %arg6: memref<1264x128xf32, #tpu.memory_space<vmem>>) attributes {dimension_semantics = [#tpu.dimension_semantics<arbitrary>], iteration_bounds = array<i64: 8>, scalar_prefetch = 0 : i64, scratch_operands = 0 : i64, tpu.core_type = #tpu.core_type<tc>, window_params = [{transform_indices = @transform_0, window_bounds = array<i64: 2, 1264, 128>}, {transform_indices = @transform_1, window_bounds = array<i64: 1264, 128>}, {transform_indices = @transform_2, window_bounds = array<i64: 1264, 128>}, {pipeline_mode = #tpu.pipeline_mode<synchronous>, transform_indices = @transform_3, window_bounds = array<i64: 1, 128>}, {pipeline_mode = #tpu.pipeline_mode<synchronous>, transform_indices = @transform_4, window_bounds = array<i64: 128, 128>}, {transform_indices = @transform_5, window_bounds = array<i64: 1264, 128>}]} {
    %get3A = arith.constant 0 : index
    %get3A_0 = arith.constant 0 : index
    %get3A_1 = vector.load %arg3[%get3A, %get3A_0] : memref<1264x128xf32, #tpu.memory_space<vmem>>, vector<1264x128xf32>
    %get3A_2 = arith.constant 0 : index
    %get3A_3 = arith.constant 0 : index
    %get3A_4 = arith.constant 0 : index
    %get3A_5 = vector.load %arg1[%get3A_2, %get3A_3, %get3A_4] : memref<2x1264x128xf32, #tpu.memory_space<vmem>>, vector<1x1264x128xf32>
    %get3A_6 = vector.shape_cast %get3A_5 : vector<1x1264x128xf32> to vector<1264x128xf32>
    %get3A_7 = arith.constant 1 : index
    %get3A_8 = arith.constant 0 : index
    %get3A_9 = arith.constant 0 : index
    %get3A_10 = vector.load %arg1[%get3A_7, %get3A_8, %get3A_9] : memref<2x1264x128xf32, #tpu.memory_space<vmem>>, vector<1x1264x128xf32>
    %get3A_11 = vector.shape_cast %get3A_10 : vector<1x1264x128xf32> to vector<1264x128xf32>
    %add3A = arith.addf %get3A_6, %get3A_11 : vector<1264x128xf32>
    %get3A_12 = arith.constant 0 : index
    %get3A_13 = arith.constant 0 : index
    %get3A_14 = vector.load %arg2[%get3A_12, %get3A_13] : memref<1264x128xf32, #tpu.memory_space<vmem>>, vector<1264x128xf32>
    %add3A_15 = arith.addf %add3A, %get3A_14 : vector<1264x128xf32>
    %mul3A = arith.mulf %get3A_1, %add3A_15 : vector<1264x128xf32>
    %get3A_16 = arith.constant 0 : index
    %get3A_17 = arith.constant 0 : index
    %get3A_18 = vector.load %arg4[%get3A_16, %get3A_17] : memref<1x128xf32, #tpu.memory_space<vmem>>, vector<1x128xf32>
    %add3A_19 = vector.broadcast %get3A_18 : vector<1x128xf32> to vector<1264x128xf32>
    %add3A_20 = arith.addf %mul3A, %add3A_19 : vector<1264x128xf32>
    %max3A = arith.constant 0.000000e+00 : f32
    %max3A_21 = vector.broadcast %max3A : f32 to vector<1264x128xf32>
    %max3A_22 = arith.maximumf %add3A_20, %max3A_21 : vector<1264x128xf32>
    %get3A_23 = arith.constant 0 : index
    %get3A_24 = arith.constant 0 : index
    %get3A_25 = vector.load %arg5[%get3A_23, %get3A_24] : memref<128x128xf32, #tpu.memory_space<vmem>>, vector<128x128xf32>
    %dot_general3A = arith.constant dense<0.000000e+00> : vector<1264x128xf32>
    %dot_general3A_26 = tpu.matmul %max3A_22, %get3A_25, %dot_general3A {dimension_numbers = #tpu.dot_dimension_numbers<[1], [0], [0], [1], [0, 0, 1, 1], [], []>, transpose_lhs_hint = false} : vector<1264x128xf32>, vector<128x128xf32>, vector<1264x128xf32> -> vector<1264x128xf32>
    %mul3A_27 = arith.mulf %get3A_1, %dot_general3A_26 : vector<1264x128xf32>
    %swap3A = arith.constant 0 : index
    %swap3A_28 = arith.constant 0 : index
    %swap3A_29 = vector.load %arg6[%swap3A, %swap3A_28] : memref<1264x128xf32, #tpu.memory_space<vmem>>, vector<1264x128xf32>
    tpu.vector_store %arg6[%swap3A, %swap3A_28], %mul3A_27 {strides = array<i32>} : memref<1264x128xf32, #tpu.memory_space<vmem>>, vector<1264x128xf32>,
    return
  }
  func.func @transform_0(%arg0: i32) -> (i32, i32, i32) {
    %c0_i32 = arith.constant 0 : i32
    %c0_i32_0 = arith.constant 0 : i32
    %c0_i32_1 = arith.constant 0 : i32
    return %c0_i32, %arg0, %c0_i32_0 : i32, i32, i32
  }
  func.func @transform_1(%arg0: i32) -> (i32, i32) {
    %c0_i32 = arith.constant 0 : i32
    %c0_i32_0 = arith.constant 0 : i32
    return %arg0, %c0_i32 : i32, i32
  }
  func.func @transform_2(%arg0: i32) -> (i32, i32) {
    %c0_i32 = arith.constant 0 : i32
    %c0_i32_0 = arith.constant 0 : i32
    return %arg0, %c0_i32 : i32, i32
  }
  func.func @transform_3(%arg0: i32) -> (i32, i32) {
    %c0_i32 = arith.constant 0 : i32
    %c0_i32_0 = arith.constant 0 : i32
    %c0_i32_1 = arith.constant 0 : i32
    return %c0_i32, %c0_i32_0 : i32, i32
  }
  func.func @transform_4(%arg0: i32) -> (i32, i32) {
    %c0_i32 = arith.constant 0 : i32
    %c0_i32_0 = arith.constant 0 : i32
    %c0_i32_1 = arith.constant 0 : i32
    return %c0_i32, %c0_i32_0 : i32, i32
  }
  func.func @transform_5(%arg0: i32) -> (i32, i32) {
    %c0_i32 = arith.constant 0 : i32
    %c0_i32_0 = arith.constant 0 : i32
    return %arg0, %c0_i32 : i32, i32
  }
}

module attributes {stable_mosaic.version = 14 : i64} {
  func.func @_pool_body(%arg0: i32, %arg1: memref<2x1264x128xf32, #tpu.memory_space<vmem>>, %arg2: memref<1264x128xf32, #tpu.memory_space<vmem>>, %arg3: memref<1264x128xf32, #tpu.memory_space<vmem>>, %arg4: memref<1x128xf32, #tpu.memory_space<vmem>>, %arg5: memref<1x1x1264xi32, #tpu.memory_space<vmem>>, %arg6: memref<128x128xf32, #tpu.memory_space<vmem>>, %arg7: memref<1x128xf32, #tpu.memory_space<vmem>>, %arg8: memref<1x128xf32, #tpu.memory_space<vmem>>, %arg9: memref<1x128xf32, #tpu.memory_space<vmem>>, %arg10: memref<128x128xf32, #tpu.memory_space<vmem>>, %arg11: memref<1x128xf32, #tpu.memory_space<vmem>>, %arg12: memref<64x128xf32, #tpu.memory_space<vmem>>) attributes {dimension_semantics = [#tpu.dimension_semantics<arbitrary>], iteration_bounds = array<i64: 8>, scalar_prefetch = 0 : i64, scratch_operands = 0 : i64, tpu.core_type = #tpu.core_type<tc>, window_params = [{transform_indices = @transform_0, window_bounds = array<i64: 2, 1264, 128>}, {transform_indices = @transform_1, window_bounds = array<i64: 1264, 128>}, {transform_indices = @transform_2, window_bounds = array<i64: 1264, 128>}, {pipeline_mode = #tpu.pipeline_mode<synchronous>, transform_indices = @transform_3, window_bounds = array<i64: 1, 128>}, {transform_indices = @transform_4, window_bounds = array<i64: 1, 1, 1264>}, {pipeline_mode = #tpu.pipeline_mode<synchronous>, transform_indices = @transform_5, window_bounds = array<i64: 128, 128>}, {pipeline_mode = #tpu.pipeline_mode<synchronous>, transform_indices = @transform_6, window_bounds = array<i64: 1, 128>}, {pipeline_mode = #tpu.pipeline_mode<synchronous>, transform_indices = @transform_7, window_bounds = array<i64: 1, 128>}, {pipeline_mode = #tpu.pipeline_mode<synchronous>, transform_indices = @transform_8, window_bounds = array<i64: 1, 128>}, {pipeline_mode = #tpu.pipeline_mode<synchronous>, transform_indices = @transform_9, window_bounds = array<i64: 128, 128>}, {pipeline_mode = #tpu.pipeline_mode<synchronous>, transform_indices = @transform_10, window_bounds = array<i64: 1, 128>}, {pipeline_mode = #tpu.pipeline_mode<synchronous>, transform_indices = @transform_11, window_bounds = array<i64: 64, 128>}]} {
    %eq3A = arith.constant 0 : i32
    %eq3A_0 = arith.cmpi eq, %arg0, %eq3A : i32
    %convert_element_type3A = arith.extui %eq3A_0 : i1 to i32
    %cond3A = arith.constant 0 : i32
    %cond3A_1 = arith.cmpi ne, %convert_element_type3A, %cond3A : i32
    scf.if %cond3A_1 {
      %broadcast_in_dim3A_46 = arith.constant 0.000000e+00 : f32
      %broadcast_in_dim3A_47 = vector.broadcast %broadcast_in_dim3A_46 : f32 to vector<64x128xf32>
      %swap3A_48 = arith.constant 0 : index
      %swap3A_49 = arith.constant 0 : index
      %swap3A_50 = vector.load %arg12[%swap3A_48, %swap3A_49] : memref<64x128xf32, #tpu.memory_space<vmem>>, vector<64x128xf32>
      tpu.vector_store %arg12[%swap3A_48, %swap3A_49], %broadcast_in_dim3A_47 {strides = array<i32>} : memref<64x128xf32, #tpu.memory_space<vmem>>, vector<64x128xf32>,
    } else {
    }
    %get3A = arith.constant 0 : index
    %get3A_2 = arith.constant 0 : index
    %get3A_3 = vector.load %arg3[%get3A, %get3A_2] : memref<1264x128xf32, #tpu.memory_space<vmem>>, vector<1264x128xf32>
    %get3A_4 = arith.constant 0 : index
    %get3A_5 = arith.constant 0 : index
    %get3A_6 = arith.constant 0 : index
    %get3A_7 = vector.load %arg1[%get3A_4, %get3A_5, %get3A_6] : memref<2x1264x128xf32, #tpu.memory_space<vmem>>, vector<1x1264x128xf32>
    %get3A_8 = vector.shape_cast %get3A_7 : vector<1x1264x128xf32> to vector<1264x128xf32>
    %get3A_9 = arith.constant 1 : index
    %get3A_10 = arith.constant 0 : index
    %get3A_11 = arith.constant 0 : index
    %get3A_12 = vector.load %arg1[%get3A_9, %get3A_10, %get3A_11] : memref<2x1264x128xf32, #tpu.memory_space<vmem>>, vector<1x1264x128xf32>
    %get3A_13 = vector.shape_cast %get3A_12 : vector<1x1264x128xf32> to vector<1264x128xf32>
    %add3A = arith.addf %get3A_8, %get3A_13 : vector<1264x128xf32>
    %get3A_14 = arith.constant 0 : index
    %get3A_15 = arith.constant 0 : index
    %get3A_16 = vector.load %arg2[%get3A_14, %get3A_15] : memref<1264x128xf32, #tpu.memory_space<vmem>>, vector<1264x128xf32>
    %add3A_17 = arith.addf %add3A, %get3A_16 : vector<1264x128xf32>
    %mul3A = arith.mulf %get3A_3, %add3A_17 : vector<1264x128xf32>
    %get3A_18 = arith.constant 0 : index
    %get3A_19 = arith.constant 0 : index
    %get3A_20 = vector.load %arg4[%get3A_18, %get3A_19] : memref<1x128xf32, #tpu.memory_space<vmem>>, vector<1x128xf32>
    %add3A_21 = vector.broadcast %get3A_20 : vector<1x128xf32> to vector<1264x128xf32>
    %add3A_22 = arith.addf %mul3A, %add3A_21 : vector<1264x128xf32>
    %max3A = arith.constant 0.000000e+00 : f32
    %max3A_23 = vector.broadcast %max3A : f32 to vector<1264x128xf32>
    %max3A_24 = arith.maximumf %add3A_22, %max3A_23 : vector<1264x128xf32>
    %get3A_25 = arith.constant 0 : index
    %get3A_26 = arith.constant 0 : index
    %get3A_27 = arith.constant 0 : index
    %get3A_28 = vector.load %arg5[%get3A_25, %get3A_26, %get3A_27] : memref<1x1x1264xi32, #tpu.memory_space<vmem>>, vector<1x1x1264xi32>
    %get3A_29 = vector.shape_cast %get3A_28 : vector<1x1x1264xi32> to vector<1264xi32>
    %iota3A = tpu.iota {dimensions = array<i32: 0>} : vector<64x1264xi32>
    %broadcast_in_dim3A = vector.shape_cast %get3A_29 : vector<1264xi32> to vector<1x1264xi32>
    %eq3A_30 = vector.broadcast %broadcast_in_dim3A : vector<1x1264xi32> to vector<64x1264xi32>
    %eq3A_31 = arith.cmpi eq, %iota3A, %eq3A_30 : vector<64x1264xi32>
    %convert_element_type3A_32 = arith.extui %eq3A_31 : vector<64x1264xi1> to vector<64x1264xi32>
    %convert_element_type3A_33 = arith.sitofp %convert_element_type3A_32 : vector<64x1264xi32> to vector<64x1264xf32>
    %get3A_34 = arith.constant 0 : index
    %get3A_35 = arith.constant 0 : index
    %get3A_36 = vector.load %arg12[%get3A_34, %get3A_35] : memref<64x128xf32, #tpu.memory_space<vmem>>, vector<64x128xf32>
    %dot_general3A = arith.constant dense<0.000000e+00> : vector<64x128xf32>
    %dot_general3A_37 = tpu.matmul %convert_element_type3A_33, %max3A_24, %dot_general3A {dimension_numbers = #tpu.dot_dimension_numbers<[1], [0], [0], [1], [0, 0, 1, 1], [], []>, transpose_lhs_hint = false} : vector<64x1264xf32>, vector<1264x128xf32>, vector<64x128xf32> -> vector<64x128xf32>
    %add3A_38 = arith.addf %get3A_36, %dot_general3A_37 : vector<64x128xf32>
    %swap3A = arith.constant 0 : index
    %swap3A_39 = arith.constant 0 : index
    %swap3A_40 = vector.load %arg12[%swap3A, %swap3A_39] : memref<64x128xf32, #tpu.memory_space<vmem>>, vector<64x128xf32>
    tpu.vector_store %arg12[%swap3A, %swap3A_39], %add3A_38 {strides = array<i32>} : memref<64x128xf32, #tpu.memory_space<vmem>>, vector<64x128xf32>,
    %eq3A_41 = arith.constant 7 : i32
    %eq3A_42 = arith.cmpi eq, %arg0, %eq3A_41 : i32
    %convert_element_type3A_43 = arith.extui %eq3A_42 : i1 to i32
    %cond3A_44 = arith.constant 0 : i32
    %cond3A_45 = arith.cmpi ne, %convert_element_type3A_43, %cond3A_44 : i32
    scf.if %cond3A_45 {
      %get3A_46 = arith.constant 0 : index
      %get3A_47 = arith.constant 0 : index
      %get3A_48 = vector.load %arg12[%get3A_46, %get3A_47] : memref<64x128xf32, #tpu.memory_space<vmem>>, vector<64x128xf32>
      %get3A_49 = arith.constant 0 : index
      %get3A_50 = arith.constant 0 : index
      %get3A_51 = vector.load %arg6[%get3A_49, %get3A_50] : memref<128x128xf32, #tpu.memory_space<vmem>>, vector<128x128xf32>
      %dot_general3A_52 = arith.constant dense<0.000000e+00> : vector<64x128xf32>
      %dot_general3A_53 = tpu.matmul %get3A_48, %get3A_51, %dot_general3A_52 {dimension_numbers = #tpu.dot_dimension_numbers<[1], [0], [0], [1], [0, 0, 1, 1], [], []>, transpose_lhs_hint = false} : vector<64x128xf32>, vector<128x128xf32>, vector<64x128xf32> -> vector<64x128xf32>
      %get3A_54 = arith.constant 0 : index
      %get3A_55 = arith.constant 0 : index
      %get3A_56 = vector.load %arg7[%get3A_54, %get3A_55] : memref<1x128xf32, #tpu.memory_space<vmem>>, vector<1x128xf32>
      %add3A_57 = vector.broadcast %get3A_56 : vector<1x128xf32> to vector<64x128xf32>
      %add3A_58 = arith.addf %dot_general3A_53, %add3A_57 : vector<64x128xf32>
      %mul3A_59 = arith.constant 0.999994993 : f32
      %mul3A_60 = vector.broadcast %mul3A_59 : f32 to vector<64x128xf32>
      %mul3A_61 = arith.mulf %add3A_58, %mul3A_60 : vector<64x128xf32>
      %get3A_62 = arith.constant 0 : index
      %get3A_63 = arith.constant 0 : index
      %get3A_64 = vector.load %arg8[%get3A_62, %get3A_63] : memref<1x128xf32, #tpu.memory_space<vmem>>, vector<1x128xf32>
      %mul3A_65 = vector.broadcast %get3A_64 : vector<1x128xf32> to vector<64x128xf32>
      %mul3A_66 = arith.mulf %mul3A_61, %mul3A_65 : vector<64x128xf32>
      %get3A_67 = arith.constant 0 : index
      %get3A_68 = arith.constant 0 : index
      %get3A_69 = vector.load %arg9[%get3A_67, %get3A_68] : memref<1x128xf32, #tpu.memory_space<vmem>>, vector<1x128xf32>
      %add3A_70 = vector.broadcast %get3A_69 : vector<1x128xf32> to vector<64x128xf32>
      %add3A_71 = arith.addf %mul3A_66, %add3A_70 : vector<64x128xf32>
      %max3A_72 = arith.constant 0.000000e+00 : f32
      %max3A_73 = vector.broadcast %max3A_72 : f32 to vector<64x128xf32>
      %max3A_74 = arith.maximumf %add3A_71, %max3A_73 : vector<64x128xf32>
      %get3A_75 = arith.constant 0 : index
      %get3A_76 = arith.constant 0 : index
      %get3A_77 = vector.load %arg10[%get3A_75, %get3A_76] : memref<128x128xf32, #tpu.memory_space<vmem>>, vector<128x128xf32>
      %dot_general3A_78 = arith.constant dense<0.000000e+00> : vector<64x128xf32>
      %dot_general3A_79 = tpu.matmul %max3A_74, %get3A_77, %dot_general3A_78 {dimension_numbers = #tpu.dot_dimension_numbers<[1], [0], [0], [1], [0, 0, 1, 1], [], []>, transpose_lhs_hint = false} : vector<64x128xf32>, vector<128x128xf32>, vector<64x128xf32> -> vector<64x128xf32>
      %get3A_80 = arith.constant 0 : index
      %get3A_81 = arith.constant 0 : index
      %get3A_82 = vector.load %arg11[%get3A_80, %get3A_81] : memref<1x128xf32, #tpu.memory_space<vmem>>, vector<1x128xf32>
      %add3A_83 = vector.broadcast %get3A_82 : vector<1x128xf32> to vector<64x128xf32>
      %add3A_84 = arith.addf %dot_general3A_79, %add3A_83 : vector<64x128xf32>
      %reduce_max3A = arith.constant dense<0xFF800000> : vector<64xf32>
      %reduce_max3A_85 = vector.multi_reduction <maximumf>, %add3A_84, %reduce_max3A [1] : vector<64x128xf32> to vector<64xf32>
      %broadcast_in_dim3A_86 = vector.shape_cast %reduce_max3A_85 : vector<64xf32> to vector<64x1xf32>
      %sub3A = vector.broadcast %broadcast_in_dim3A_86 : vector<64x1xf32> to vector<64x128xf32>
      %sub3A_87 = arith.subf %add3A_84, %sub3A : vector<64x128xf32>
      %exp3A = math.exp %sub3A_87 : vector<64x128xf32>
      %reduce_sum3A = arith.constant dense<0.000000e+00> : vector<64xf32>
      %reduce_sum3A_88 = vector.multi_reduction <add>, %exp3A, %reduce_sum3A [1] : vector<64x128xf32> to vector<64xf32>
      %broadcast_in_dim3A_89 = vector.shape_cast %reduce_sum3A_88 : vector<64xf32> to vector<64x1xf32>
      %div3A = vector.broadcast %broadcast_in_dim3A_89 : vector<64x1xf32> to vector<64x128xf32>
      %div3A_90 = arith.divf %exp3A, %div3A : vector<64x128xf32>
      %swap3A_91 = arith.constant 0 : index
      %swap3A_92 = arith.constant 0 : index
      %swap3A_93 = vector.load %arg12[%swap3A_91, %swap3A_92] : memref<64x128xf32, #tpu.memory_space<vmem>>, vector<64x128xf32>
      tpu.vector_store %arg12[%swap3A_91, %swap3A_92], %div3A_90 {strides = array<i32>} : memref<64x128xf32, #tpu.memory_space<vmem>>, vector<64x128xf32>,
    } else {
    }
    return
  }
  func.func @transform_0(%arg0: i32) -> (i32, i32, i32) {
    %c0_i32 = arith.constant 0 : i32
    %c0_i32_0 = arith.constant 0 : i32
    %c0_i32_1 = arith.constant 0 : i32
    return %c0_i32, %arg0, %c0_i32_0 : i32, i32, i32
  }
  func.func @transform_1(%arg0: i32) -> (i32, i32) {
    %c0_i32 = arith.constant 0 : i32
    %c0_i32_0 = arith.constant 0 : i32
    return %arg0, %c0_i32 : i32, i32
  }
  func.func @transform_2(%arg0: i32) -> (i32, i32) {
    %c0_i32 = arith.constant 0 : i32
    %c0_i32_0 = arith.constant 0 : i32
    return %arg0, %c0_i32 : i32, i32
  }
  func.func @transform_3(%arg0: i32) -> (i32, i32) {
    %c0_i32 = arith.constant 0 : i32
    %c0_i32_0 = arith.constant 0 : i32
    %c0_i32_1 = arith.constant 0 : i32
    return %c0_i32, %c0_i32_0 : i32, i32
  }
  func.func @transform_4(%arg0: i32) -> (i32, i32, i32) {
    %c0_i32 = arith.constant 0 : i32
    %c0_i32_0 = arith.constant 0 : i32
    %c0_i32_1 = arith.constant 0 : i32
    return %arg0, %c0_i32, %c0_i32_0 : i32, i32, i32
  }
  func.func @transform_5(%arg0: i32) -> (i32, i32) {
    %c0_i32 = arith.constant 0 : i32
    %c0_i32_0 = arith.constant 0 : i32
    %c0_i32_1 = arith.constant 0 : i32
    return %c0_i32, %c0_i32_0 : i32, i32
  }
  func.func @transform_6(%arg0: i32) -> (i32, i32) {
    %c0_i32 = arith.constant 0 : i32
    %c0_i32_0 = arith.constant 0 : i32
    %c0_i32_1 = arith.constant 0 : i32
    return %c0_i32, %c0_i32_0 : i32, i32
  }
  func.func @transform_7(%arg0: i32) -> (i32, i32) {
    %c0_i32 = arith.constant 0 : i32
    %c0_i32_0 = arith.constant 0 : i32
    %c0_i32_1 = arith.constant 0 : i32
    return %c0_i32, %c0_i32_0 : i32, i32
  }
  func.func @transform_8(%arg0: i32) -> (i32, i32) {
    %c0_i32 = arith.constant 0 : i32
    %c0_i32_0 = arith.constant 0 : i32
    %c0_i32_1 = arith.constant 0 : i32
    return %c0_i32, %c0_i32_0 : i32, i32
  }
  func.func @transform_9(%arg0: i32) -> (i32, i32) {
    %c0_i32 = arith.constant 0 : i32
    %c0_i32_0 = arith.constant 0 : i32
    %c0_i32_1 = arith.constant 0 : i32
    return %c0_i32, %c0_i32_0 : i32, i32
  }
  func.func @transform_10(%arg0: i32) -> (i32, i32) {
    %c0_i32 = arith.constant 0 : i32
    %c0_i32_0 = arith.constant 0 : i32
    %c0_i32_1 = arith.constant 0 : i32
    return %c0_i32, %c0_i32_0 : i32, i32
  }
  func.func @transform_11(%arg0: i32) -> (i32, i32) {
    %c0_i32 = arith.constant 0 : i32
    %c0_i32_0 = arith.constant 0 : i32
    %c0_i32_1 = arith.constant 0 : i32
    return %c0_i32, %c0_i32_0 : i32, i32
  }
}

</mosaic_0001>

<sc_bundles>
// kernel: kernel.12.cloned.1.call-start
scs
__scs_entry_jumppad:
0x0: {  	(pc) =	sbr.rel $0x88, $3  }
0x1: {  	(tag) =	ssettag $0x0;
	lr =	simm.s32 $0x1  }
0x2: {  	[smem:$0x3F95] =	sst lr;
	_ =	strace $0xD0000000  }
0x3: {  	_ = 	snop  }
0x4: {  	_ = 	snop  }
0x5: {  	_ = 	snop  }
0x6: {  	_ = 	snop  }
0x7: {  	_ = 	snop  }
__scs_overlays_trampoline_lowered:
0x8: {  	[smem:$0x3FA4] =	sst s0  }
0x9: {  	[smem:$0x3FA5] =	sst s1  }
0xa: {  	[smem:$0x3FA6] =	sst s2  }
0xb: {  	[smem:$0x3FA7] =	sst s3  }
0xc: {  	[smem:$0x3FA8] =	sst s4  }
0xd: {  	[smem:$0x3FA9] =	sst s5  }
0xe: {  	[smem:$0x3FAA] =	sst s6  }
0xf: {  	[smem:$0x3FAB] =	sst s7  }
0x10: {  	[smem:$0x3FAC] =	sst s8  }
0x11: {  	[smem:$0x3FAD] =	sst s9;
	s0 =	simm.s32 @!p0 $0x0  }
0x12: {  	s1 =	sld [smem:$0x3F93];
	s0 =	simm.s32 @p0 $0x1  }
0x13: {  	[smem:$0x3FAE] =	sst s0;
	s0 =	simm.s32 @!p1 $0x0  }
0x14: {  	s2 =	sld [smem:$0x3F92];
	s0 =	simm.s32 @p1 $0x1  }
0x15: {  	[smem:$0x3FAF] =	sst s0;
	s0 =	simm.s32 @!p2 $0x0  }
0x16: {  	s3 =	sld [smem:$0x3FDB];
	s0 =	simm.s32 @p2 $0x1  }
0x17: {  	s4 =	simm.s32 $0x1BF5;
	[smem:$0x3FB1] =	sst s0  }
0x18: {  	s0 =	sld [smem:$0x3F94];
	_ =	swait.ge [sflag:s4], $0x0  }
0x19: {  	s7 =	sld [smem:$0x3F95]  }
0x1a: {  	s8 =	sadd.s32 $0xFFFFE003, lr  }
0x1b: {  	s9 =	sadd.s32 $0xFFFFFEF7, lr;
	s5 =	simm.s32 $0xFFFFFFFF;
	p2 =	slt.u32 s8, $0xFFFFF086  }
0x1c: {  	p1 =	slt.u32 s9, $0xF7A;
	s5 =	simm.s32 @!p2 $0x0  }
0x1d: {  	s5 =	simm.s32 @p1 $0x1;
	p0 =	seq.s32 s7, s2  }
0x1e: {  	s7 =	smul.u32 @!p0 $0xF7A, s2;
	p2 =	seq.s32 @!p0 s5, $0x0  }
0x1f: {  	s9 =	smul.u32 $0xF7A, s1;
	s8 =	simm.s32 @!p0 $0x1BF5;
	p2 =	por !p2, p0  }
0x20: {  	[sflag:s8] =	ssyncset.s32 @!p0 $0xFFFFF086;
	s6 =	sadd.s32 @!p0 s3, s7;
	s7 =	simm.s32 @!p0 $0x108  }
0x21: {  	s3 =	sadd.s32 s3, s9;
	s6 =	sadd.s32 @!p0 $0x88, s6;
	s7 =	simm.s32 @p2 $0x1082  }
0x22: {  	[simem:s7], [sflag:s8] =	dma.local @!p0 [hbm:s6], $0xF7A  }
0x23: {  	s9 =	sor.u32 $0xD0000000, s2;
	s6 =	simm.s32 $0x108;
	_ =	swait.ge @!p0 [sflag:s8], $0x0  }
0x24: {  	s3 =	sadd.s32 $0x88, s3;
	s6 =	simm.s32 @!p1 $0x1082;
	[sflag:s4] =	ssyncset.s32 $0xFFFFF086  }
0x25: {  	[simem:s6], [sflag:s4] =	dma.local [hbm:s3], $0xF7A  }
0x26: {  	[smem:$0x3F95] =	sst s1;
	(tag) =	ssettag s2;
	_ =	strace s9  }
0x27: {  	s1 =	sld [smem:$0x3FA5]  }
0x28: {  	s2 =	sld [smem:$0x3FA6]  }
0x29: {  	s4 =	sld [smem:$0x3FA8]  }
0x2a: {  	p0 =	seq.s32 s5, $0x0;
	s5 =	sld [smem:$0x3FA9]  }
0x2b: {  	s6 =	sld [smem:$0x3FAA]  }
0x2c: {  	s7 =	sld [smem:$0x3FAB]  }
0x2d: {  	s3 =	simm.s32 $0x108;
	s8 =	sld [smem:$0x3FAC]  }
0x2e: {  	s3 =	simm.s32 @!p0 $0x1082;
	s9 =	sld [smem:$0x3FAD]  }
0x2f: {  	lr =	sadd.s32 s0, s3;
	s0 =	sld [smem:$0x3FA4]  }
0x30: {  	s3 =	sld [smem:$0x3FA7]  }
0x31: {  	[smem:$0x3FB0] =	sst s10  }
0x32: {  	s10 =	sld [smem:$0x3FAE];
	_ =	sdelay $0x3  }
0x33: {  	p0 =	seq.s32 s10, $0x1;
	s10 =	sld [smem:$0x3FB0];
	_ =	sdelay $0x3  }
0x34: {  	[smem:$0x3FB0] =	sst s10  }
0x35: {  	s10 =	sld [smem:$0x3FAF];
	_ =	sdelay $0x3  }
0x36: {  	p1 =	seq.s32 s10, $0x1;
	s10 =	sld [smem:$0x3FB0];
	_ =	sdelay $0x3  }
0x37: {  	[smem:$0x3FB0] =	sst s10  }
0x38: {  	s10 =	sld [smem:$0x3FB1]  }
0x39: {  	_ = 	snop;
	(pc) =	sbr.ind lr, $3  }
0x3a: {  	_ = 	snop  }
0x3b: {  	_ = 	snop  }
0x3c: {  	p2 =	seq.s32 s10, $0x1;
	s10 =	sld [smem:$0x3FB0]  }
0x3d: {  	_ =	shalt  }
0x3e: {  	_ =	shalt  }
0x3f: {  	_ =	shalt  }
0x40: {  	_ =	shalt  }
0x41: {  	_ =	shalt  }
0x42: {  	_ =	shalt  }
0x43: {  	_ =	shalt  }
0x44: {  	_ =	shalt  }
0x45: {  	_ =	shalt  }
0x46: {  	_ =	shalt  }
0x47: {  	_ =	shalt  }
0x48: {  	_ =	shalt  }
0x49: {  	_ =	shalt  }
0x4a: {  	_ =	shalt  }
0x4b: {  	_ =	shalt  }
0x4c: {  	_ =	shalt  }
0x4d: {  	_ =	shalt  }
0x4e: {  	_ =	shalt  }
0x4f: {  	_ =	shalt  }
0x50: {  	_ =	shalt  }
0x51: {  	_ =	shalt  }
0x52: {  	_ =	shalt  }
0x53: {  	_ =	shalt  }
0x54: {  	_ =	shalt  }
0x55: {  	_ =	shalt  }
0x56: {  	_ =	shalt  }
0x57: {  	_ =	shalt  }
0x58: {  	_ =	shalt  }
0x59: {  	_ =	shalt  }
0x5a: {  	_ =	shalt  }
0x5b: {  	_ =	shalt  }
0x5c: {  	_ =	shalt  }
0x5d: {  	_ =	shalt  }
0x5e: {  	_ =	shalt  }
0x5f: {  	_ =	shalt  }
0x60: {  	_ =	shalt  }
0x61: {  	_ =	shalt  }
0x62: {  	_ =	shalt  }
0x63: {  	_ =	shalt  }
0x64: {  	_ =	shalt  }
0x65: {  	_ =	shalt  }
0x66: {  	_ =	shalt  }
0x67: {  	_ =	shalt  }
0x68: {  	_ =	shalt  }
0x69: {  	_ =	shalt  }
0x6a: {  	_ =	shalt  }
0x6b: {  	_ =	shalt  }
0x6c: {  	_ =	shalt  }
0x6d: {  	_ =	shalt  }
0x6e: {  	_ =	shalt  }
0x6f: {  	_ =	shalt  }
0x70: {  	_ =	shalt  }
0x71: {  	_ =	shalt  }
0x72: {  	_ =	shalt  }
0x73: {  	_ =	shalt  }
0x74: {  	_ =	shalt  }
0x75: {  	_ =	shalt  }
0x76: {  	_ =	shalt  }
0x77: {  	_ =	shalt  }
0x78: {  	_ =	shalt  }
0x79: {  	_ =	shalt  }
0x7a: {  	_ =	shalt  }
0x7b: {  	_ =	shalt  }
0x7c: {  	_ =	shalt  }
0x7d: {  	_ =	shalt  }
0x7e: {  	_ =	shalt  }
0x7f: {  	_ =	shalt  }
0x80: {  	_ =	shalt  }
0x81: {  	_ =	shalt  }
0x82: {  	_ =	shalt  }
0x83: {  	_ =	shalt  }
0x84: {  	_ =	shalt  }
0x85: {  	_ =	shalt  }
0x86: {  	_ =	shalt  }
0x87: {  	_ =	shalt  }
.Lfunc_end0:
.L_simem_size_0:
called_computation_lowered:
.L_overlay_start_0:
0x88: {  	s2 =	sld [smem:$0x3FD9]  }
0x89: {  	s3 =	sld [smem:$0x3FFE];
	_ =	sdelay $0x1  }
0x8a: {  	s1 =	srdreg.scid  }
0x8b: {  	s0 =	sand.u32 $0x1, s1  }
0x8c: {  	s16 =	sshll.u32 s0, $0xA;
	s2 =	sadd.s32 s3, s2  }
0x8d: {  	s2 =	sadd.s32 s2, s16  }
0x8e: {  	[smem:$0x3FBC] =	sst s2  }
0x8f: {  	_ = 	snop  }
0x90: {  	(tm) =	ssettm $0x1  }
0x91: {  	s17 =	sld [smem:$0x3FFB];
	_ =	sdelay $0x3  }
0x92: {  	_ =	strace s17  }
0x93: {  	s2 =	sld [smem:$0x3FFC];
	_ =	sdelay $0x3  }
0x94: {  	_ =	strace s2  }
0x95: {  	s2 =	sld [smem:$0x3FFD];
	_ =	sdelay $0x3  }
0x96: {  	_ =	strace s2  }
0x97: {  	_ =	strace $0x8FFFFFFF  }
0x98: {  	s18 =	sld [smem:$0x3FDB];
	_ =	sdelay $0x1  }
0x99: {  	s19 =	simm.s32 $_scs_section_size  }
0x9a: {  	s4 =	simm.s32 $_size__tile_overlayer_lowered;
	s5 =	simm.s32 $_tile_overlayer_lowered  }
0x9b: {  	s22 =	simm.s32 $0x1BFF;
	s21 =	sshll.u32 s5, $0x1;
	s2 =	sadd.s32 s19, s18  }
0x9c: {  	s6 =	simm.s32 $0x0;
	s20 =	sshll.u32 s4, $0x1;
	s4 =	sadd.s32 s21, s2  }
0x9d: {  	[timem:s6], [sflag:s22] =	dma.local [hbm:s4], s20  }
0x9e: {  	_ =	swait.ge [sflag:s22], s20  }
0x9f: {  	s3 =	ssub.s32 $0x0, s20;
	[sflag:s22] =	ssyncset.done $0x0  }
0xa0: {  	[sflag:s22] =	ssyncadd.s32 s3;
	_ =	sdelay $0x1  }
0xa1: {  	s23 =	simm.s32 $0x1B8B  }
0xa2: {  	_ =	swait.ge [sflag:s23], $0x1  }
0xa3: {  	[sflag:s23] =	ssyncset.done $0x0  }
0xa4: {  	s25 =	simm.s32 $0x1B8E;
	s24 =	sld [smem:$0x3FFE];
	[sflag:s23] =	ssyncadd.s32 $0xFFFFFFFF  }
0xa5: {  	s26 =	simm.s32 $execute0_lowered;
	[smem:$0x3FD2] =	sst s25  }
0xa6: {  	s4 =	sshll.u32 s26, $0x1;
	_ =	strace $0x80000046;
	[dreg:$0x1] =	wrdreg $0xFFFFFFFF  }
0xa7: {  	s28 =	simm.s32 $_size_execute0_lowered;
	s2 =	sadd.s32 s2, s4;
	[dreg:$0x0] =	wrdreg $0x0  }
0xa8: {  	s4 =	sshll.u32 s28, $0x1;
	[dreg:$0x2] =	wrdreg s2  }
0xa9: {  	[dreg:$0x3] =	wrdreg s4  }
0xaa: {  	[dreg:$0x4] =	wrdreg $0xC0  }
0xab: {  	_ =	task [dreg:s6], $0x5FFFF  }
0xac: {  	[dreg:$0x1] =	wrdreg $0xFFFFFFFF  }
0xad: {  	[dreg:$0x0] =	wrdreg $0x60  }
0xae: {  	[dreg:$0x2] =	wrdreg s24  }
0xaf: {  	[dreg:$0x3] =	wrdreg $0x82000  }
0xb0: {  	[dreg:$0x4] =	wrdreg $0x9  }
0xb1: {  	_ =	task.clear_ibuf [dreg:s6], $0x5FFFF;
	_ =	strace $0x90000046  }
0xb2: {  	s29 =	simm.s32 $0x9;
	_ =	strace $0x80000048  }
0xb3: {  	_ =	swait.ge [sflag:s29], $0x1  }
0xb4: {  	[sflag:s29] =	ssyncadd.s32 $0xFFFFFFFF  }
0xb5: {  	_ =	strace $0x90000048  }
0xb6: {  	_ =	sfence  }
0xb7: {  	s30 =	sld [smem:$0x0];
	_ =	sdelay $0x2  }
0xb8: {  	s31 =	sshll.u32 s1, $0xD;
	s1 =	sshrl.u32 s1, $0x2  }
0xb9: {  	s3 =	sand.u32 $0x4000, s31;
	s1 =	sadd.s32 s1, s30  }
0xba: {  	s0 =	sor.u32 s3, s0;
	s1 =	sshll.u32 s1, $0x11  }
0xbb: {  	s0 =	sor.u32 s1, s0  }
0xbc: {  	s0 =	sadd.s32 $0x8F2B, s0  }
0xbd: {  	[sflag:s0] =	ssyncadd.remote.s32 $0x1  }
0xbe: {  	_ =	sfence.sel $0xFFFF  }
0xbf: {  	[dreg:$0x0] =	wrdreg $0xFFFFFFFF;
	(pc) =	sbr.abs _section_cstart, $3  }
0xc0: {  	[dreg:$0x1] =	wrdreg $0xFFFFFFFF  }
0xc1: {  	_ =	task.clear_ibuf [dreg:s6], $0x2FFFF;
	_ =	strace $0x9FFFFFFF  }
0xc2: {  	(tm) =	ssettm $0x7FFFFFFF  }
0xc3: {  	_ =	shalt  }
tec
execute0_lowered:
.L_overlay_start_1:
0x0: {  	(tag) =	ssettag $0x1  }
0x1: {  	s14 =	stileid.u32  }
0x2: {  	s7 =	smul.u32 $0x13C00, s14  }
0x3: {  	s0 =	rddreg [dreg:$0x0];
	s8 =	smul.u32 $0xA0, s14  }
0x4: {  	s2 =	srdreg.scid;
	s10 =	smul.u32 $0x4F000, s14  }
0x5: {  	s1 =	rddreg [dreg:$0x1];
	s2 =	sand.u32 $0x1, s2;
	s19 =	smul.u32 $0xA00, s14  }
0x6: {  	s3 =	simm.s32 $0x0;
	s28 =	simm.s32 $0x4;
	s6 =	smul.u32 $0x13C000, s2  }
0x7: {  	s29 =	simm.s32 $0x1;
	s30 =	simm.s32 $0x2;
	s9 =	smul.u32 $0x76, s2  }
0x8: {  	s31 =	simm.s32 $0x0;
	[smem:$0x7FF] =	sst s3;
	s22 =	smul.u32 $0x300, s2  }
0x9: {  	s4 =	sadd.s32 $0x17400, s0;
	s5 =	sadd.s32 $0xD400, s0;
	s18 =	smul.u32 $0x26, s2  }
0xa: {  	_ =	strace $0x80000047;
	s11 =	ssub.s32 $0x2, s2;
	s2 =	smul.u32 $0x760, s2  }
0xb: {  	s21 =	sshrl.u32 s10, $0x2;
	s12 =	sshrl.u32 s11, $0x1;
	s7 =	sadd.s32 s7, s6  }
0xc: {  	s6 =	sadd.s32 $0x3400, s0;
	s20 =	sadd.s32 s9, s8;
	s17 =	ssub.s32 s11, s12  }
0xd: {  	s18 =	ssub.s32 $0x3A, s18;
	s19 =	sadd.s32 s2, s19;
	s7 =	sshrl.u32 s7, $0x3  }
0xe: {  	s9 =	sshll.u32 s20, $0x7;
	s17 =	smax.u32 s17, $0x1;
	s20 =	simm.s32 $0x200  }
0xf: {  	s0 =	sadd.s32 s7, s0;
	s7 =	sadd.s32 s21, s1;
	s23 =	sand.u32 $0xFFC00, s9  }
0x10: {  	s21 =	simm.s32 $0x5;
	s24 =	sadd.s32 $0x4000, s7;
	s8 =	sor.u32 s22, s23  }
0x11: {  	s25 =	sadd.s32 $0x8000, s7;
	s26 =	sadd.s32 $0xC000, s7;
	[dreg:$0x3] =	wrdreg s24  }
0x12: {  	s11 =	sadd.s32 $0x10000, s7;
	s16 =	sadd.s32 $0x3EC00, s0;
	[dreg:$0x4] =	wrdreg s25  }
0x13: {  	s22 =	simm.s32 $0x4200;
	s23 =	simm.s32 $0x100;
	[dreg:$0x5] =	wrdreg s26  }
0x14: {  	s8 =	sshrl.u32 s8, $0x3;
	s24 =	simm.s32 $0x80;
	s25 =	simm.s32 $0x180  }
0x15: {  	s12 =	sadd.s32 s5, s8;
	s13 =	sadd.s32 s6, s8;
	s8 =	sor.u32 $0x10, s8  }
0x16: {  	v0 =	vimm.f32 $0.0e+00;
	s26 =	simm.s32 $0x3;
	s14 =	sadd.s32 s5, s8;
	s15 =	sadd.s32 s6, s8  }
.LBB2_1:
0x17: {  	s0 =	simm.s32 $0x0;
	s2 =	simm.s32 $0x200  }
.LBB2_2:
0x18: {  	p0 =	sne.s32 s2, $0xFE00;
	[tilespmem:s0+$0x4270] =	vst v0  }
0x19: {  	[tilespmem:s0+$0x200] =	vst v0  }
0x1a: {  	[tilespmem:s0+$0x210] =	vst v0  }
0x1b: {  	[tilespmem:s0+$0x220] =	vst v0  }
0x1c: {  	[tilespmem:s0+$0x230] =	vst v0  }
0x1d: {  	[tilespmem:s0+$0x240] =	vst v0  }
0x1e: {  	[tilespmem:s0+$0x250] =	vst v0  }
0x1f: {  	[tilespmem:s0+$0x260] =	vst v0  }
0x20: {  	[tilespmem:s0+$0x270] =	vst v0  }
0x21: {  	[tilespmem:s0+$0x4200] =	vst v0  }
0x22: {  	[tilespmem:s0+$0x4210] =	vst v0  }
.Ltmp0:
0x23: {  	[tilespmem:s0+$0x4220] =	vst v0;
	(pc) =	sbr.rel @p0 .LBB2_2-.Ltmp0, $4  }
0x24: {  	[tilespmem:s0+$0x4230] =	vst v0  }
0x25: {  	[tilespmem:s0+$0x4240] =	vst v0  }
0x26: {  	[tilespmem:s0+$0x4250] =	vst v0  }
0x27: {  	[tilespmem:s0+$0x4260] =	vst v0;
	s0 =	sshra.s32 s2, $0x2;
	s2 =	sadd.s32 $0x200, s2  }
0x28: {  	[tilespmem:s0+$0x4270] =	vst v0  }
0x29: {  	[tilespmem:s0+$0x200] =	vst v0  }
0x2a: {  	[tilespmem:s0+$0x210] =	vst v0  }
0x2b: {  	[tilespmem:s0+$0x220] =	vst v0  }
0x2c: {  	[tilespmem:s0+$0x230] =	vst v0  }
0x2d: {  	[tilespmem:s0+$0x240] =	vst v0  }
0x2e: {  	[tilespmem:s0+$0x250] =	vst v0  }
0x2f: {  	[tilespmem:s0+$0x260] =	vst v0  }
0x30: {  	[tilespmem:s0+$0x270] =	vst v0  }
0x31: {  	[tilespmem:s0+$0x4200] =	vst v0  }
0x32: {  	[tilespmem:s0+$0x4210] =	vst v0  }
0x33: {  	[tilespmem:s0+$0x4220] =	vst v0  }
0x34: {  	[tilespmem:s0+$0x4230] =	vst v0  }
0x35: {  	[tilespmem:s0+$0x4240] =	vst v0  }
0x36: {  	[tilespmem:s0+$0x4250] =	vst v0  }
0x37: {  	[tilespmem:s0+$0x4260] =	vst v0  }
0x38: {  	[spmem:s7] =	stream.linear.scatter [tilespmem:s20], [sflag:$0x5], $0x4000, $0x38;
	[tilespmem:$0x1BE00] =	vst v63  }
0x39: {  	_ =	swait.ge [sflag:s21], $0x4000  }
0x3a: {  	[sflag:s21] =	ssyncset.done $0x0  }
0x3b: {  	s10 =	rddreg [dreg:$0x3];
	[sflag:s21] =	ssyncadd.s32 $0xFFFFC000  }
0x3c: {  	[spmem:s10] =	stream.linear.scatter [tilespmem:s20], [sflag:$0x5], $0x4000, $0x38;
	[tilespmem:$0x1BE00] =	vst v63  }
0x3d: {  	_ =	swait.ge [sflag:s21], $0x4000  }
0x3e: {  	[sflag:s21] =	ssyncset.done $0x0  }
0x3f: {  	s2 =	rddreg [dreg:$0x4];
	[sflag:s21] =	ssyncadd.s32 $0xFFFFC000  }
0x40: {  	[spmem:s2] =	stream.linear.scatter [tilespmem:s20], [sflag:$0x5], $0x4000, $0x38;
	[tilespmem:$0x1BE00] =	vst v63  }
0x41: {  	_ =	swait.ge [sflag:s21], $0x4000  }
0x42: {  	[sflag:s21] =	ssyncset.done $0x0  }
0x43: {  	s8 =	rddreg [dreg:$0x5];
	[sflag:s21] =	ssyncadd.s32 $0xFFFFC000  }
0x44: {  	[spmem:s8] =	stream.linear.scatter [tilespmem:s20], [sflag:$0x5], $0x4000, $0x38;
	[tilespmem:$0x1BE00] =	vst v63  }
0x45: {  	_ =	swait.ge [sflag:s21], $0x4000  }
0x46: {  	[sflag:s21] =	ssyncset.done $0x0  }
0x47: {  	[sflag:s21] =	ssyncadd.s32 $0xFFFFC000  }
0x48: {  	[spmem:s11] =	stream.linear.scatter [tilespmem:s22], [sflag:$0x5], $0x3C00, $0x38;
	[tilespmem:$0x1BE00] =	vst v63  }
0x49: {  	_ =	swait.ge [sflag:s21], $0x3C00  }
0x4a: {  	[sflag:s21] =	ssyncset.done $0x0  }
0x4b: {  	[sflag:s21] =	ssyncadd.s32 $0xFFFFC400  }
0x4c: {  	[bflag:$0x0] =	sbarrier.arrive $0xFFFF  }
0x4d: {  	[tilespmem:s3], [sflag:$0x3] =	stream.linear.gather [hbm4b:s12+s3], $0x80, $0x38;
	[tilespmem:$0x1BE00] =	vst v63  }
0x4e: {  	_ = 	snop  }
0x4f: {  	[tilespmem:s23], [sflag:$0x3] =	stream.linear.gather [hbm4b:s13+s3], $0x80, $0x38;
	[tilespmem:$0x1BE00] =	vst v63  }
0x50: {  	_ = 	snop  }
0x51: {  	[tilespmem:s24], [sflag:$0x4] =	stream.linear.gather [hbm4b:s14+s3], $0x80, $0x38;
	[tilespmem:$0x1BE00] =	vst v63  }
0x52: {  	_ = 	snop  }
0x53: {  	[tilespmem:s25], [sflag:$0x4] =	stream.linear.gather [hbm4b:s15+s3], $0x80, $0x38;
	[tilespmem:$0x1BE00] =	vst v63  }
0x54: {  	_ =	swait.ge [sflag:s26], $0x80  }
0x55: {  	[sflag:s26] =	ssyncset.done $0x0  }
0x56: {  	[sflag:s26] =	ssyncadd.s32 $0xFFFFFF80  }
0x57: {  	_ =	swait.ge [sflag:s26], $0x80  }
0x58: {  	[sflag:s26] =	ssyncset.done $0x0  }
0x59: {  	[sflag:s26] =	ssyncadd.s32 $0xFFFFFF80  }
0x5a: {  	[tilespmem:s20], [sflag:$0x1] =	stream.indirect.gather [hbm4b:s4+s24], $0x80, s3, s24, $0xb8;
	[tilespmem:$0x1BE00] =	vst v63  }
0x5b: {  	_ =	swait.ge [sflag:s28], $0x80  }
0x5c: {  	[sflag:s28] =	ssyncset.done $0x0  }
0x5d: {  	[sflag:s28] =	ssyncadd.s32 $0xFFFFFF80  }
0x5e: {  	_ =	swait.ge [sflag:s28], $0x80  }
0x5f: {  	[sflag:s28] =	ssyncset.done $0x0  }
0x60: {  	[sflag:s28] =	ssyncadd.s32 $0xFFFFFF80  }
0x61: {  	_ =	swait.ge [sflag:s29], $0x4000  }
0x62: {  	[sflag:s29] =	ssyncset.done $0x0  }
0x63: {  	[sflag:s29] =	ssyncadd.s32 $0xFFFFC000  }
0x64: {  	[tilespmem:s22], [sflag:$0x2] =	stream.indirect.gather [hbm4b:s4+s24], $0x80, s24, s24, $0xb8;
	[tilespmem:$0x1BE00] =	vst v63  }
0x65: {  	_ = 	snop  }
0x66: {  	[spmem:s1] =	stream.indirect.scatter.add.f32 [tilespmem:s20], [sflag:$0x5], $0x80, s23, s24, $0xb8;
	[tilespmem:$0x1BE00] =	vst v63  }
0x67: {  	s0 =	sadd.s32 $0x20, s19;
	_ =	swait.ge [sflag:s21], $0x4000  }
0x68: {  	s2 =	sand.u32 $0x1FFFFFE0, s0;
	[sflag:s21] =	ssyncset.done $0x0  }
0x69: {  	s8 =	sadd.s32 s5, s2;
	[sflag:s21] =	ssyncadd.s32 $0xFFFFC000  }
0x6a: {  	[tilespmem:s3], [sflag:$0x3] =	stream.linear.gather [hbm4b:s8+s3], $0x80, $0x38;
	[tilespmem:$0x1BE00] =	vst v63  }
0x6b: {  	s2 =	sadd.s32 s6, s2  }
0x6c: {  	[tilespmem:s23], [sflag:$0x3] =	stream.linear.gather [hbm4b:s2+s3], $0x80, $0x38;
	[tilespmem:$0x1BE00] =	vst v63  }
0x6d: {  	_ =	swait.ge [sflag:s26], $0x80  }
0x6e: {  	[sflag:s26] =	ssyncset.done $0x0  }
0x6f: {  	[sflag:s26] =	ssyncadd.s32 $0xFFFFFF80  }
0x70: {  	_ =	swait.ge [sflag:s26], $0x80  }
0x71: {  	[sflag:s26] =	ssyncset.done $0x0  }
0x72: {  	[sflag:s26] =	ssyncadd.s32 $0xFFFFFF80  }
0x73: {  	_ =	swait.ge [sflag:s30], $0x4000  }
0x74: {  	[sflag:s30] =	ssyncset.done $0x0  }
0x75: {  	[sflag:s30] =	ssyncadd.s32 $0xFFFFC000  }
0x76: {  	[tilespmem:s20], [sflag:$0x1] =	stream.indirect.gather [hbm4b:s4+s24], $0x80, s3, s24, $0xb8;
	[tilespmem:$0x1BE00] =	vst v63  }
0x77: {  	p0 =	sne.s32 s18, $0x1  }
0x78: {  	[spmem:s1] =	stream.indirect.scatter.add.f32 [tilespmem:s22], [sflag:$0x5], $0x80, s25, s24, $0xb8;
	[tilespmem:$0x1BE00] =	vst v63  }
.Ltmp1:
0x79: {  	s9 =	sadd.s32 $0x30, s19;
	_ =	swait.ge [sflag:s21], $0x4000;
	(pc) =	sbr.rel @!p0 .LBB2_5-.Ltmp1, $4  }
0x7a: {  	s10 =	sand.u32 $0x1FFFFFF0, s9;
	[sflag:s21] =	ssyncset.done $0x0  }
0x7b: {  	s2 =	sadd.s32 s5, s10;
	[sflag:s21] =	ssyncadd.s32 $0xFFFFC000  }
0x7c: {  	[tilespmem:s24], [sflag:$0x4] =	stream.linear.gather [hbm4b:s2+s3], $0x80, $0x38;
	[tilespmem:$0x1BE00] =	vst v63  }
0x7d: {  	s8 =	sadd.s32 s6, s10;
	s2 =	sadd.s32 $0xFFFFFFFF, s18  }
.LBB2_4:
0x7e: {  	[tilespmem:s25], [sflag:$0x4] =	stream.linear.gather [hbm4b:s8+s3], $0x80, $0x38;
	[tilespmem:$0x1BE00] =	vst v63  }
0x7f: {  	p0 =	sne.s32 s2, $0x1;
	s2 =	sadd.s32 $0xFFFFFFFF, s2;
	_ =	swait.ge [sflag:s28], $0x80  }
0x80: {  	s8 =	smov.u32 s0;
	[sflag:s28] =	ssyncset.done $0x0  }
0x81: {  	[sflag:s28] =	ssyncadd.s32 $0xFFFFFF80  }
0x82: {  	_ =	swait.ge [sflag:s28], $0x80  }
0x83: {  	[sflag:s28] =	ssyncset.done $0x0  }
0x84: {  	[sflag:s28] =	ssyncadd.s32 $0xFFFFFF80  }
0x85: {  	_ =	swait.ge [sflag:s29], $0x4000  }
0x86: {  	[sflag:s29] =	ssyncset.done $0x0  }
0x87: {  	[sflag:s29] =	ssyncadd.s32 $0xFFFFC000  }
0x88: {  	[tilespmem:s22], [sflag:$0x2] =	stream.indirect.gather [hbm4b:s4+s24], $0x80, s24, s24, $0xb8;
	[tilespmem:$0x1BE00] =	vst v63  }
0x89: {  	_ = 	snop  }
0x8a: {  	[spmem:s1] =	stream.indirect.scatter.add.f32 [tilespmem:s20], [sflag:$0x5], $0x80, s23, s24, $0xb8;
	[tilespmem:$0x1BE00] =	vst v63  }
0x8b: {  	s0 =	sadd.s32 $0x20, s0;
	_ =	swait.ge [sflag:s21], $0x4000  }
0x8c: {  	s9 =	sand.u32 $0x1FFFFFE0, s0;
	[sflag:s21] =	ssyncset.done $0x0  }
0x8d: {  	s10 =	sadd.s32 s5, s9;
	[sflag:s21] =	ssyncadd.s32 $0xFFFFC000  }
0x8e: {  	[tilespmem:s3], [sflag:$0x3] =	stream.linear.gather [hbm4b:s10+s3], $0x80, $0x38;
	[tilespmem:$0x1BE00] =	vst v63  }
0x8f: {  	s9 =	sadd.s32 s6, s9  }
0x90: {  	[tilespmem:s23], [sflag:$0x3] =	stream.linear.gather [hbm4b:s9+s3], $0x80, $0x38;
	[tilespmem:$0x1BE00] =	vst v63  }
0x91: {  	_ =	swait.ge [sflag:s26], $0x80  }
0x92: {  	[sflag:s26] =	ssyncset.done $0x0  }
0x93: {  	[sflag:s26] =	ssyncadd.s32 $0xFFFFFF80  }
0x94: {  	_ =	swait.ge [sflag:s26], $0x80  }
0x95: {  	[sflag:s26] =	ssyncset.done $0x0  }
0x96: {  	[sflag:s26] =	ssyncadd.s32 $0xFFFFFF80  }
0x97: {  	_ =	swait.ge [sflag:s30], $0x4000  }
0x98: {  	[sflag:s30] =	ssyncset.done $0x0  }
0x99: {  	[sflag:s30] =	ssyncadd.s32 $0xFFFFC000  }
0x9a: {  	[tilespmem:s20], [sflag:$0x1] =	stream.indirect.gather [hbm4b:s4+s24], $0x80, s3, s24, $0xb8;
	[tilespmem:$0x1BE00] =	vst v63  }
0x9b: {  	_ = 	snop  }
0x9c: {  	[spmem:s1] =	stream.indirect.scatter.add.f32 [tilespmem:s22], [sflag:$0x5], $0x80, s25, s24, $0xb8;
	[tilespmem:$0x1BE00] =	vst v63  }
.Ltmp2:
0x9d: {  	s8 =	sadd.s32 $0x30, s8;
	_ =	swait.ge [sflag:s21], $0x4000;
	(pc) =	sbr.rel @p0 .LBB2_4-.Ltmp2, $4  }
0x9e: {  	s8 =	sand.u32 $0x1FFFFFF0, s8;
	[sflag:s21] =	ssyncset.done $0x0  }
0x9f: {  	s9 =	sadd.s32 s5, s8;
	[sflag:s21] =	ssyncadd.s32 $0xFFFFC000  }
0xa0: {  	[tilespmem:s24], [sflag:$0x4] =	stream.linear.gather [hbm4b:s9+s3], $0x80, $0x38;
	[tilespmem:$0x1BE00] =	vst v63  }
0xa1: {  	s8 =	sadd.s32 s6, s8  }
.LBB2_5:
0xa2: {  	[tilespmem:s25], [sflag:$0x4] =	stream.linear.gather [hbm4b:s8+s3], $0x80, $0x38;
	[tilespmem:$0x1BE00] =	vst v63  }
0xa3: {  	_ =	swait.ge [sflag:s28], $0x80  }
0xa4: {  	[sflag:s28] =	ssyncset.done $0x0  }
0xa5: {  	[sflag:s28] =	ssyncadd.s32 $0xFFFFFF80  }
0xa6: {  	_ =	swait.ge [sflag:s28], $0x80  }
0xa7: {  	[sflag:s28] =	ssyncset.done $0x0  }
0xa8: {  	[sflag:s28] =	ssyncadd.s32 $0xFFFFFF80  }
0xa9: {  	_ =	swait.ge [sflag:s29], $0x4000  }
0xaa: {  	[sflag:s29] =	ssyncset.done $0x0  }
0xab: {  	[sflag:s29] =	ssyncadd.s32 $0xFFFFC000  }
0xac: {  	[tilespmem:s22], [sflag:$0x2] =	stream.indirect.gather [hbm4b:s4+s24], $0x80, s24, s24, $0xb8;
	[tilespmem:$0x1BE00] =	vst v63  }
0xad: {  	_ = 	snop  }
0xae: {  	[spmem:s1] =	stream.indirect.scatter.add.f32 [tilespmem:s20], [sflag:$0x5], $0x80, s23, s24, $0xb8;
	[tilespmem:$0x1BE00] =	vst v63  }
0xaf: {  	_ =	swait.ge [sflag:s21], $0x4000  }
0xb0: {  	[sflag:s21] =	ssyncset.done $0x0  }
0xb1: {  	[sflag:s21] =	ssyncadd.s32 $0xFFFFC000  }
0xb2: {  	_ =	swait.ge [sflag:s30], $0x4000  }
0xb3: {  	[sflag:s30] =	ssyncset.done $0x0  }
0xb4: {  	[sflag:s30] =	ssyncadd.s32 $0xFFFFC000  }
0xb5: {  	[spmem:s1] =	stream.indirect.scatter.add.f32 [tilespmem:s22], [sflag:$0x5], $0x80, s25, s24, $0xb8;
	[tilespmem:$0x1BE00] =	vst v63  }
0xb6: {  	s0 =	stileid.u32;
	_ =	swait.ge [sflag:s21], $0x4000  }
0xb7: {  	s2 =	sshrl.u32 s7, $0x3;
	s31 =	sadd.s32 $0x1, s31;
	[sflag:s21] =	ssyncset.done $0x0  }
0xb8: {  	s0 =	sshll.u32 s0, $0x6;
	p0 =	sne.s32 s31, s17;
	[sflag:s21] =	ssyncadd.s32 $0xFFFFC000  }
.Ltmp3:
0xb9: {  	s0 =	sor.u32 $0x1C05, s0;
	[bflag:$0x0] =	sbarrier.arrive $0xFFFF;
	(pc) =	sbr.rel @p0 .LBB2_1-.Ltmp3, $4  }
0xba: {  	[hbm:s16], [sflag:s0] =	dma.local [spmem:s2], $0x2780  }
0xbb: {  	_ =	swait.ge [sflag:s21], $0x2780  }
0xbc: {  	[sflag:s21] =	ssyncset.done $0x0  }
0xbd: {  	[sflag:s21] =	ssyncadd.s32 $0xFFFFD880  }
0xbe: {  	_ =	sfence.sel $0x180000  }
0xbf: {  	[bflag:$0x0] =	sbarrier.arrive $0xFFFF  }
0xc0: {  	_ =	strace $0x90000047  }
0xc1: {  	s0 =	stileid.u32;
	[bflag:$0x2] =	sbarrier.arrive $0xFFFF  }
0xc2: {  	p0 =	sne.s32 s0, $0x0;
	s0 =	rddreg [dreg:$0x2]  }
0xc3: {  	s0 =	sadd.s32 @!p0 $0x100000, s0  }
0xc4: {  	[sflag:s0] =	ssyncadd.tile.s32 @!p0 $0x1;
	_ =	shalt  }
.Lfunc_end2:
_tile_overlayer_lowered:
.L_overlay_start_2:
0xc5: {  	(tag) =	ssettag $0x2  }
0xc6: {  	s0 =	rddreg [dreg:$0x0];
	s2 =	stileid.u32  }
0xc7: {  	s1 =	rddreg [dreg:$0x1];
	p0 =	sne.s32 s2, $0x0  }
0xc8: {  	s3 =	rddreg [dreg:$0x2];
	[bflag:$0x3] =	sbarrier.arrive $0xFFFF;
	s2 =	simm.s32 @!p0 $0x1C05  }
0xc9: {  	[timem:s3], [sflag:s2] =	dma.local @!p0 [hbm:s0], s1  }
0xca: {  	s0 =	simm.s32 @!p0 $0x5  }
0xcb: {  	_ =	swait.ge @!p0 [sflag:s0], s1  }
0xcc: {  	s1 =	ssub.s32 @!p0 $0x0, s1;
	[sflag:s0] =	ssyncset.done @!p0 $0x0  }
0xcd: {  	[sflag:s0] =	ssyncadd.s32 @!p0 s1  }
0xce: {  	[bflag:$0x3] =	sbarrier.arrive $0xFFFF  }
0xcf: {  	_ =	shalt  }

// kernel: kernel.15.cloned.1.call-start
scs
__scs_entry_jumppad:
0x0: {  	(pc) =	sbr.rel $0x88, $3  }
0x1: {  	(tag) =	ssettag $0x0;
	lr =	simm.s32 $0x1  }
0x2: {  	[smem:$0x3F95] =	sst lr;
	_ =	strace $0xD0000000  }
0x3: {  	_ = 	snop  }
0x4: {  	_ = 	snop  }
0x5: {  	_ = 	snop  }
0x6: {  	_ = 	snop  }
0x7: {  	_ = 	snop  }
__scs_overlays_trampoline_lowered:
0x8: {  	[smem:$0x3FA4] =	sst s0  }
0x9: {  	[smem:$0x3FA5] =	sst s1  }
0xa: {  	[smem:$0x3FA6] =	sst s2  }
0xb: {  	[smem:$0x3FA7] =	sst s3  }
0xc: {  	[smem:$0x3FA8] =	sst s4  }
0xd: {  	[smem:$0x3FA9] =	sst s5  }
0xe: {  	[smem:$0x3FAA] =	sst s6  }
0xf: {  	[smem:$0x3FAB] =	sst s7  }
0x10: {  	[smem:$0x3FAC] =	sst s8  }
0x11: {  	[smem:$0x3FAD] =	sst s9;
	s0 =	simm.s32 @!p0 $0x0  }
0x12: {  	s1 =	sld [smem:$0x3F93];
	s0 =	simm.s32 @p0 $0x1  }
0x13: {  	[smem:$0x3FAE] =	sst s0;
	s0 =	simm.s32 @!p1 $0x0  }
0x14: {  	s2 =	sld [smem:$0x3F92];
	s0 =	simm.s32 @p1 $0x1  }
0x15: {  	[smem:$0x3FAF] =	sst s0;
	s0 =	simm.s32 @!p2 $0x0  }
0x16: {  	s3 =	sld [smem:$0x3FDB];
	s0 =	simm.s32 @p2 $0x1  }
0x17: {  	s4 =	simm.s32 $0x1BF5;
	[smem:$0x3FB1] =	sst s0  }
0x18: {  	s0 =	sld [smem:$0x3F94];
	_ =	swait.ge [sflag:s4], $0x0  }
0x19: {  	s7 =	sld [smem:$0x3F95]  }
0x1a: {  	s8 =	sadd.s32 $0xFFFFE003, lr  }
0x1b: {  	s9 =	sadd.s32 $0xFFFFFEF7, lr;
	s5 =	simm.s32 $0xFFFFFFFF;
	p2 =	slt.u32 s8, $0xFFFFF086  }
0x1c: {  	p1 =	slt.u32 s9, $0xF7A;
	s5 =	simm.s32 @!p2 $0x0  }
0x1d: {  	s5 =	simm.s32 @p1 $0x1;
	p0 =	seq.s32 s7, s2  }
0x1e: {  	s7 =	smul.u32 @!p0 $0xF7A, s2;
	p2 =	seq.s32 @!p0 s5, $0x0  }
0x1f: {  	s9 =	smul.u32 $0xF7A, s1;
	s8 =	simm.s32 @!p0 $0x1BF5;
	p2 =	por !p2, p0  }
0x20: {  	[sflag:s8] =	ssyncset.s32 @!p0 $0xFFFFF086;
	s6 =	sadd.s32 @!p0 s3, s7;
	s7 =	simm.s32 @!p0 $0x108  }
0x21: {  	s3 =	sadd.s32 s3, s9;
	s6 =	sadd.s32 @!p0 $0x88, s6;
	s7 =	simm.s32 @p2 $0x1082  }
0x22: {  	[simem:s7], [sflag:s8] =	dma.local @!p0 [hbm:s6], $0xF7A  }
0x23: {  	s9 =	sor.u32 $0xD0000000, s2;
	s6 =	simm.s32 $0x108;
	_ =	swait.ge @!p0 [sflag:s8], $0x0  }
0x24: {  	s3 =	sadd.s32 $0x88, s3;
	s6 =	simm.s32 @!p1 $0x1082;
	[sflag:s4] =	ssyncset.s32 $0xFFFFF086  }
0x25: {  	[simem:s6], [sflag:s4] =	dma.local [hbm:s3], $0xF7A  }
0x26: {  	[smem:$0x3F95] =	sst s1;
	(tag) =	ssettag s2;
	_ =	strace s9  }
0x27: {  	s1 =	sld [smem:$0x3FA5]  }
0x28: {  	s2 =	sld [smem:$0x3FA6]  }
0x29: {  	s4 =	sld [smem:$0x3FA8]  }
0x2a: {  	p0 =	seq.s32 s5, $0x0;
	s5 =	sld [smem:$0x3FA9]  }
0x2b: {  	s6 =	sld [smem:$0x3FAA]  }
0x2c: {  	s7 =	sld [smem:$0x3FAB]  }
0x2d: {  	s3 =	simm.s32 $0x108;
	s8 =	sld [smem:$0x3FAC]  }
0x2e: {  	s3 =	simm.s32 @!p0 $0x1082;
	s9 =	sld [smem:$0x3FAD]  }
0x2f: {  	lr =	sadd.s32 s0, s3;
	s0 =	sld [smem:$0x3FA4]  }
0x30: {  	s3 =	sld [smem:$0x3FA7]  }
0x31: {  	[smem:$0x3FB0] =	sst s10  }
0x32: {  	s10 =	sld [smem:$0x3FAE];
	_ =	sdelay $0x3  }
0x33: {  	p0 =	seq.s32 s10, $0x1;
	s10 =	sld [smem:$0x3FB0];
	_ =	sdelay $0x3  }
0x34: {  	[smem:$0x3FB0] =	sst s10  }
0x35: {  	s10 =	sld [smem:$0x3FAF];
	_ =	sdelay $0x3  }
0x36: {  	p1 =	seq.s32 s10, $0x1;
	s10 =	sld [smem:$0x3FB0];
	_ =	sdelay $0x3  }
0x37: {  	[smem:$0x3FB0] =	sst s10  }
0x38: {  	s10 =	sld [smem:$0x3FB1]  }
0x39: {  	_ = 	snop;
	(pc) =	sbr.ind lr, $3  }
0x3a: {  	_ = 	snop  }
0x3b: {  	_ = 	snop  }
0x3c: {  	p2 =	seq.s32 s10, $0x1;
	s10 =	sld [smem:$0x3FB0]  }
0x3d: {  	_ =	shalt  }
0x3e: {  	_ =	shalt  }
0x3f: {  	_ =	shalt  }
0x40: {  	_ =	shalt  }
0x41: {  	_ =	shalt  }
0x42: {  	_ =	shalt  }
0x43: {  	_ =	shalt  }
0x44: {  	_ =	shalt  }
0x45: {  	_ =	shalt  }
0x46: {  	_ =	shalt  }
0x47: {  	_ =	shalt  }
0x48: {  	_ =	shalt  }
0x49: {  	_ =	shalt  }
0x4a: {  	_ =	shalt  }
0x4b: {  	_ =	shalt  }
0x4c: {  	_ =	shalt  }
0x4d: {  	_ =	shalt  }
0x4e: {  	_ =	shalt  }
0x4f: {  	_ =	shalt  }
0x50: {  	_ =	shalt  }
0x51: {  	_ =	shalt  }
0x52: {  	_ =	shalt  }
0x53: {  	_ =	shalt  }
0x54: {  	_ =	shalt  }
0x55: {  	_ =	shalt  }
0x56: {  	_ =	shalt  }
0x57: {  	_ =	shalt  }
0x58: {  	_ =	shalt  }
0x59: {  	_ =	shalt  }
0x5a: {  	_ =	shalt  }
0x5b: {  	_ =	shalt  }
0x5c: {  	_ =	shalt  }
0x5d: {  	_ =	shalt  }
0x5e: {  	_ =	shalt  }
0x5f: {  	_ =	shalt  }
0x60: {  	_ =	shalt  }
0x61: {  	_ =	shalt  }
0x62: {  	_ =	shalt  }
0x63: {  	_ =	shalt  }
0x64: {  	_ =	shalt  }
0x65: {  	_ =	shalt  }
0x66: {  	_ =	shalt  }
0x67: {  	_ =	shalt  }
0x68: {  	_ =	shalt  }
0x69: {  	_ =	shalt  }
0x6a: {  	_ =	shalt  }
0x6b: {  	_ =	shalt  }
0x6c: {  	_ =	shalt  }
0x6d: {  	_ =	shalt  }
0x6e: {  	_ =	shalt  }
0x6f: {  	_ =	shalt  }
0x70: {  	_ =	shalt  }
0x71: {  	_ =	shalt  }
0x72: {  	_ =	shalt  }
0x73: {  	_ =	shalt  }
0x74: {  	_ =	shalt  }
0x75: {  	_ =	shalt  }
0x76: {  	_ =	shalt  }
0x77: {  	_ =	shalt  }
0x78: {  	_ =	shalt  }
0x79: {  	_ =	shalt  }
0x7a: {  	_ =	shalt  }
0x7b: {  	_ =	shalt  }
0x7c: {  	_ =	shalt  }
0x7d: {  	_ =	shalt  }
0x7e: {  	_ =	shalt  }
0x7f: {  	_ =	shalt  }
0x80: {  	_ =	shalt  }
0x81: {  	_ =	shalt  }
0x82: {  	_ =	shalt  }
0x83: {  	_ =	shalt  }
0x84: {  	_ =	shalt  }
0x85: {  	_ =	shalt  }
0x86: {  	_ =	shalt  }
0x87: {  	_ =	shalt  }
.Lfunc_end0:
.L_simem_size_0:
called_computation.1_lowered:
.L_overlay_start_0:
0x88: {  	s2 =	sld [smem:$0x3FD9]  }
0x89: {  	s3 =	sld [smem:$0x3FFE];
	_ =	sdelay $0x1  }
0x8a: {  	s1 =	srdreg.scid  }
0x8b: {  	s0 =	sand.u32 $0x1, s1  }
0x8c: {  	s16 =	sshll.u32 s0, $0xA;
	s2 =	sadd.s32 s3, s2  }
0x8d: {  	s2 =	sadd.s32 s2, s16  }
0x8e: {  	[smem:$0x3FBC] =	sst s2  }
0x8f: {  	_ = 	snop  }
0x90: {  	(tm) =	ssettm $0x1  }
0x91: {  	s17 =	sld [smem:$0x3FFB];
	_ =	sdelay $0x3  }
0x92: {  	_ =	strace s17  }
0x93: {  	s2 =	sld [smem:$0x3FFC];
	_ =	sdelay $0x3  }
0x94: {  	_ =	strace s2  }
0x95: {  	s2 =	sld [smem:$0x3FFD];
	_ =	sdelay $0x3  }
0x96: {  	_ =	strace s2  }
0x97: {  	_ =	strace $0x8FFFFFFF  }
0x98: {  	s18 =	sld [smem:$0x3FDB];
	_ =	sdelay $0x1  }
0x99: {  	s19 =	simm.s32 $_scs_section_size  }
0x9a: {  	s4 =	simm.s32 $_size__tile_overlayer_lowered;
	s5 =	simm.s32 $_tile_overlayer_lowered  }
0x9b: {  	s22 =	simm.s32 $0x1BFF;
	s21 =	sshll.u32 s5, $0x1;
	s2 =	sadd.s32 s19, s18  }
0x9c: {  	s6 =	simm.s32 $0x0;
	s20 =	sshll.u32 s4, $0x1;
	s4 =	sadd.s32 s21, s2  }
0x9d: {  	[timem:s6], [sflag:s22] =	dma.local [hbm:s4], s20  }
0x9e: {  	_ =	swait.ge [sflag:s22], s20  }
0x9f: {  	s3 =	ssub.s32 $0x0, s20;
	[sflag:s22] =	ssyncset.done $0x0  }
0xa0: {  	[sflag:s22] =	ssyncadd.s32 s3;
	_ =	sdelay $0x1  }
0xa1: {  	s23 =	simm.s32 $0x1B8B  }
0xa2: {  	_ =	swait.ge [sflag:s23], $0x1  }
0xa3: {  	[sflag:s23] =	ssyncset.done $0x0  }
0xa4: {  	s25 =	simm.s32 $0x1B8E;
	s24 =	sld [smem:$0x3FFE];
	[sflag:s23] =	ssyncadd.s32 $0xFFFFFFFF  }
0xa5: {  	s26 =	simm.s32 $execute0_lowered;
	[smem:$0x3FD2] =	sst s25  }
0xa6: {  	s4 =	sshll.u32 s26, $0x1;
	_ =	strace $0x80000049;
	[dreg:$0x1] =	wrdreg $0xFFFFFFFF  }
0xa7: {  	s28 =	simm.s32 $_size_execute0_lowered;
	s2 =	sadd.s32 s2, s4;
	[dreg:$0x0] =	wrdreg $0x0  }
0xa8: {  	s4 =	sshll.u32 s28, $0x1;
	[dreg:$0x2] =	wrdreg s2  }
0xa9: {  	[dreg:$0x3] =	wrdreg s4  }
0xaa: {  	[dreg:$0x4] =	wrdreg $0xC0  }
0xab: {  	_ =	task [dreg:s6], $0x5FFFF  }
0xac: {  	[dreg:$0x1] =	wrdreg $0xFFFFFFFF  }
0xad: {  	[dreg:$0x0] =	wrdreg $0x60  }
0xae: {  	[dreg:$0x2] =	wrdreg s24  }
0xaf: {  	[dreg:$0x3] =	wrdreg $0x82000  }
0xb0: {  	[dreg:$0x4] =	wrdreg $0x9  }
0xb1: {  	_ =	task.clear_ibuf [dreg:s6], $0x5FFFF;
	_ =	strace $0x90000049  }
0xb2: {  	s29 =	simm.s32 $0x9;
	_ =	strace $0x8000004B  }
0xb3: {  	_ =	swait.ge [sflag:s29], $0x1  }
0xb4: {  	[sflag:s29] =	ssyncadd.s32 $0xFFFFFFFF  }
0xb5: {  	_ =	strace $0x9000004B  }
0xb6: {  	_ =	sfence  }
0xb7: {  	s30 =	sld [smem:$0x0];
	_ =	sdelay $0x2  }
0xb8: {  	s31 =	sshll.u32 s1, $0xD;
	s1 =	sshrl.u32 s1, $0x2  }
0xb9: {  	s3 =	sand.u32 $0x4000, s31;
	s1 =	sadd.s32 s1, s30  }
0xba: {  	s0 =	sor.u32 s3, s0;
	s1 =	sshll.u32 s1, $0x11  }
0xbb: {  	s0 =	sor.u32 s1, s0  }
0xbc: {  	s0 =	sadd.s32 $0x8F2B, s0  }
0xbd: {  	[sflag:s0] =	ssyncadd.remote.s32 $0x1  }
0xbe: {  	_ =	sfence.sel $0xFFFF  }
0xbf: {  	[dreg:$0x0] =	wrdreg $0xFFFFFFFF;
	(pc) =	sbr.abs _section_cstart, $3  }
0xc0: {  	[dreg:$0x1] =	wrdreg $0xFFFFFFFF  }
0xc1: {  	_ =	task.clear_ibuf [dreg:s6], $0x2FFFF;
	_ =	strace $0x9FFFFFFF  }
0xc2: {  	(tm) =	ssettm $0x7FFFFFFF  }
0xc3: {  	_ =	shalt  }
tec
execute0_lowered:
.L_overlay_start_1:
0x0: {  	(tag) =	ssettag $0x1  }
0x1: {  	s14 =	stileid.u32  }
0x2: {  	s7 =	smul.u32 $0x13C00, s14  }
0x3: {  	s0 =	rddreg [dreg:$0x0];
	s8 =	smul.u32 $0xA0, s14  }
0x4: {  	s2 =	srdreg.scid;
	s10 =	smul.u32 $0x4F000, s14  }
0x5: {  	s1 =	rddreg [dreg:$0x1];
	s2 =	sand.u32 $0x1, s2;
	s19 =	smul.u32 $0xA00, s14  }
0x6: {  	s3 =	simm.s32 $0x0;
	s28 =	simm.s32 $0x4;
	s6 =	smul.u32 $0x13C000, s2  }
0x7: {  	s29 =	simm.s32 $0x1;
	s30 =	simm.s32 $0x2;
	s9 =	smul.u32 $0x76, s2  }
0x8: {  	s31 =	simm.s32 $0x0;
	[smem:$0x7FF] =	sst s3;
	s22 =	smul.u32 $0x300, s2  }
0x9: {  	s4 =	sadd.s32 $0x17400, s0;
	s5 =	sadd.s32 $0xD400, s0;
	s18 =	smul.u32 $0x26, s2  }
0xa: {  	_ =	strace $0x8000004A;
	s11 =	ssub.s32 $0x2, s2;
	s2 =	smul.u32 $0x760, s2  }
0xb: {  	s21 =	sshrl.u32 s10, $0x2;
	s12 =	sshrl.u32 s11, $0x1;
	s7 =	sadd.s32 s7, s6  }
0xc: {  	s6 =	sadd.s32 $0x3400, s0;
	s20 =	sadd.s32 s9, s8;
	s17 =	ssub.s32 s11, s12  }
0xd: {  	s18 =	ssub.s32 $0x3A, s18;
	s19 =	sadd.s32 s2, s19;
	s7 =	sshrl.u32 s7, $0x3  }
0xe: {  	s9 =	sshll.u32 s20, $0x7;
	s17 =	smax.u32 s17, $0x1;
	s20 =	simm.s32 $0x200  }
0xf: {  	s0 =	sadd.s32 s7, s0;
	s7 =	sadd.s32 s21, s1;
	s23 =	sand.u32 $0xFFC00, s9  }
0x10: {  	s21 =	simm.s32 $0x5;
	s24 =	sadd.s32 $0x4000, s7;
	s8 =	sor.u32 s22, s23  }
0x11: {  	s25 =	sadd.s32 $0x8000, s7;
	s26 =	sadd.s32 $0xC000, s7;
	[dreg:$0x3] =	wrdreg s24  }
0x12: {  	s11 =	sadd.s32 $0x10000, s7;
	s16 =	sadd.s32 $0x3EC00, s0;
	[dreg:$0x4] =	wrdreg s25  }
0x13: {  	s22 =	simm.s32 $0x4200;
	s23 =	simm.s32 $0x100;
	[dreg:$0x5] =	wrdreg s26  }
0x14: {  	s8 =	sshrl.u32 s8, $0x3;
	s24 =	simm.s32 $0x80;
	s25 =	simm.s32 $0x180  }
0x15: {  	s12 =	sadd.s32 s5, s8;
	s13 =	sadd.s32 s6, s8;
	s8 =	sor.u32 $0x10, s8  }
0x16: {  	v0 =	vimm.f32 $0.0e+00;
	s26 =	simm.s32 $0x3;
	s14 =	sadd.s32 s5, s8;
	s15 =	sadd.s32 s6, s8  }
.LBB2_1:
0x17: {  	s0 =	simm.s32 $0x0;
	s2 =	simm.s32 $0x200  }
.LBB2_2:
0x18: {  	p0 =	sne.s32 s2, $0xFE00;
	[tilespmem:s0+$0x4270] =	vst v0  }
0x19: {  	[tilespmem:s0+$0x200] =	vst v0  }
0x1a: {  	[tilespmem:s0+$0x210] =	vst v0  }
0x1b: {  	[tilespmem:s0+$0x220] =	vst v0  }
0x1c: {  	[tilespmem:s0+$0x230] =	vst v0  }
0x1d: {  	[tilespmem:s0+$0x240] =	vst v0  }
0x1e: {  	[tilespmem:s0+$0x250] =	vst v0  }
0x1f: {  	[tilespmem:s0+$0x260] =	vst v0  }
0x20: {  	[tilespmem:s0+$0x270] =	vst v0  }
0x21: {  	[tilespmem:s0+$0x4200] =	vst v0  }
0x22: {  	[tilespmem:s0+$0x4210] =	vst v0  }
.Ltmp0:
0x23: {  	[tilespmem:s0+$0x4220] =	vst v0;
	(pc) =	sbr.rel @p0 .LBB2_2-.Ltmp0, $4  }
0x24: {  	[tilespmem:s0+$0x4230] =	vst v0  }
0x25: {  	[tilespmem:s0+$0x4240] =	vst v0  }
0x26: {  	[tilespmem:s0+$0x4250] =	vst v0  }
0x27: {  	[tilespmem:s0+$0x4260] =	vst v0;
	s0 =	sshra.s32 s2, $0x2;
	s2 =	sadd.s32 $0x200, s2  }
0x28: {  	[tilespmem:s0+$0x4270] =	vst v0  }
0x29: {  	[tilespmem:s0+$0x200] =	vst v0  }
0x2a: {  	[tilespmem:s0+$0x210] =	vst v0  }
0x2b: {  	[tilespmem:s0+$0x220] =	vst v0  }
0x2c: {  	[tilespmem:s0+$0x230] =	vst v0  }
0x2d: {  	[tilespmem:s0+$0x240] =	vst v0  }
0x2e: {  	[tilespmem:s0+$0x250] =	vst v0  }
0x2f: {  	[tilespmem:s0+$0x260] =	vst v0  }
0x30: {  	[tilespmem:s0+$0x270] =	vst v0  }
0x31: {  	[tilespmem:s0+$0x4200] =	vst v0  }
0x32: {  	[tilespmem:s0+$0x4210] =	vst v0  }
0x33: {  	[tilespmem:s0+$0x4220] =	vst v0  }
0x34: {  	[tilespmem:s0+$0x4230] =	vst v0  }
0x35: {  	[tilespmem:s0+$0x4240] =	vst v0  }
0x36: {  	[tilespmem:s0+$0x4250] =	vst v0  }
0x37: {  	[tilespmem:s0+$0x4260] =	vst v0  }
0x38: {  	[spmem:s7] =	stream.linear.scatter [tilespmem:s20], [sflag:$0x5], $0x4000, $0x38;
	[tilespmem:$0x1BE00] =	vst v63  }
0x39: {  	_ =	swait.ge [sflag:s21], $0x4000  }
0x3a: {  	[sflag:s21] =	ssyncset.done $0x0  }
0x3b: {  	s10 =	rddreg [dreg:$0x3];
	[sflag:s21] =	ssyncadd.s32 $0xFFFFC000  }
0x3c: {  	[spmem:s10] =	stream.linear.scatter [tilespmem:s20], [sflag:$0x5], $0x4000, $0x38;
	[tilespmem:$0x1BE00] =	vst v63  }
0x3d: {  	_ =	swait.ge [sflag:s21], $0x4000  }
0x3e: {  	[sflag:s21] =	ssyncset.done $0x0  }
0x3f: {  	s2 =	rddreg [dreg:$0x4];
	[sflag:s21] =	ssyncadd.s32 $0xFFFFC000  }
0x40: {  	[spmem:s2] =	stream.linear.scatter [tilespmem:s20], [sflag:$0x5], $0x4000, $0x38;
	[tilespmem:$0x1BE00] =	vst v63  }
0x41: {  	_ =	swait.ge [sflag:s21], $0x4000  }
0x42: {  	[sflag:s21] =	ssyncset.done $0x0  }
0x43: {  	s8 =	rddreg [dreg:$0x5];
	[sflag:s21] =	ssyncadd.s32 $0xFFFFC000  }
0x44: {  	[spmem:s8] =	stream.linear.scatter [tilespmem:s20], [sflag:$0x5], $0x4000, $0x38;
	[tilespmem:$0x1BE00] =	vst v63  }
0x45: {  	_ =	swait.ge [sflag:s21], $0x4000  }
0x46: {  	[sflag:s21] =	ssyncset.done $0x0  }
0x47: {  	[sflag:s21] =	ssyncadd.s32 $0xFFFFC000  }
0x48: {  	[spmem:s11] =	stream.linear.scatter [tilespmem:s22], [sflag:$0x5], $0x3C00, $0x38;
	[tilespmem:$0x1BE00] =	vst v63  }
0x49: {  	_ =	swait.ge [sflag:s21], $0x3C00  }
0x4a: {  	[sflag:s21] =	ssyncset.done $0x0  }
0x4b: {  	[sflag:s21] =	ssyncadd.s32 $0xFFFFC400  }
0x4c: {  	[bflag:$0x0] =	sbarrier.arrive $0xFFFF  }
0x4d: {  	[tilespmem:s3], [sflag:$0x3] =	stream.linear.gather [hbm4b:s12+s3], $0x80, $0x38;
	[tilespmem:$0x1BE00] =	vst v63  }
0x4e: {  	_ = 	snop  }
0x4f: {  	[tilespmem:s23], [sflag:$0x3] =	stream.linear.gather [hbm4b:s13+s3], $0x80, $0x38;
	[tilespmem:$0x1BE00] =	vst v63  }
0x50: {  	_ = 	snop  }
0x51: {  	[tilespmem:s24], [sflag:$0x4] =	stream.linear.gather [hbm4b:s14+s3], $0x80, $0x38;
	[tilespmem:$0x1BE00] =	vst v63  }
0x52: {  	_ = 	snop  }
0x53: {  	[tilespmem:s25], [sflag:$0x4] =	stream.linear.gather [hbm4b:s15+s3], $0x80, $0x38;
	[tilespmem:$0x1BE00] =	vst v63  }
0x54: {  	_ =	swait.ge [sflag:s26], $0x80  }
0x55: {  	[sflag:s26] =	ssyncset.done $0x0  }
0x56: {  	[sflag:s26] =	ssyncadd.s32 $0xFFFFFF80  }
0x57: {  	_ =	swait.ge [sflag:s26], $0x80  }
0x58: {  	[sflag:s26] =	ssyncset.done $0x0  }
0x59: {  	[sflag:s26] =	ssyncadd.s32 $0xFFFFFF80  }
0x5a: {  	[tilespmem:s20], [sflag:$0x1] =	stream.indirect.gather [hbm4b:s4+s24], $0x80, s3, s24, $0xb8;
	[tilespmem:$0x1BE00] =	vst v63  }
0x5b: {  	_ =	swait.ge [sflag:s28], $0x80  }
0x5c: {  	[sflag:s28] =	ssyncset.done $0x0  }
0x5d: {  	[sflag:s28] =	ssyncadd.s32 $0xFFFFFF80  }
0x5e: {  	_ =	swait.ge [sflag:s28], $0x80  }
0x5f: {  	[sflag:s28] =	ssyncset.done $0x0  }
0x60: {  	[sflag:s28] =	ssyncadd.s32 $0xFFFFFF80  }
0x61: {  	_ =	swait.ge [sflag:s29], $0x4000  }
0x62: {  	[sflag:s29] =	ssyncset.done $0x0  }
0x63: {  	[sflag:s29] =	ssyncadd.s32 $0xFFFFC000  }
0x64: {  	[tilespmem:s22], [sflag:$0x2] =	stream.indirect.gather [hbm4b:s4+s24], $0x80, s24, s24, $0xb8;
	[tilespmem:$0x1BE00] =	vst v63  }
0x65: {  	_ = 	snop  }
0x66: {  	[spmem:s1] =	stream.indirect.scatter.add.f32 [tilespmem:s20], [sflag:$0x5], $0x80, s23, s24, $0xb8;
	[tilespmem:$0x1BE00] =	vst v63  }
0x67: {  	s0 =	sadd.s32 $0x20, s19;
	_ =	swait.ge [sflag:s21], $0x4000  }
0x68: {  	s2 =	sand.u32 $0x1FFFFFE0, s0;
	[sflag:s21] =	ssyncset.done $0x0  }
0x69: {  	s8 =	sadd.s32 s5, s2;
	[sflag:s21] =	ssyncadd.s32 $0xFFFFC000  }
0x6a: {  	[tilespmem:s3], [sflag:$0x3] =	stream.linear.gather [hbm4b:s8+s3], $0x80, $0x38;
	[tilespmem:$0x1BE00] =	vst v63  }
0x6b: {  	s2 =	sadd.s32 s6, s2  }
0x6c: {  	[tilespmem:s23], [sflag:$0x3] =	stream.linear.gather [hbm4b:s2+s3], $0x80, $0x38;
	[tilespmem:$0x1BE00] =	vst v63  }
0x6d: {  	_ =	swait.ge [sflag:s26], $0x80  }
0x6e: {  	[sflag:s26] =	ssyncset.done $0x0  }
0x6f: {  	[sflag:s26] =	ssyncadd.s32 $0xFFFFFF80  }
0x70: {  	_ =	swait.ge [sflag:s26], $0x80  }
0x71: {  	[sflag:s26] =	ssyncset.done $0x0  }
0x72: {  	[sflag:s26] =	ssyncadd.s32 $0xFFFFFF80  }
0x73: {  	_ =	swait.ge [sflag:s30], $0x4000  }
0x74: {  	[sflag:s30] =	ssyncset.done $0x0  }
0x75: {  	[sflag:s30] =	ssyncadd.s32 $0xFFFFC000  }
0x76: {  	[tilespmem:s20], [sflag:$0x1] =	stream.indirect.gather [hbm4b:s4+s24], $0x80, s3, s24, $0xb8;
	[tilespmem:$0x1BE00] =	vst v63  }
0x77: {  	p0 =	sne.s32 s18, $0x1  }
0x78: {  	[spmem:s1] =	stream.indirect.scatter.add.f32 [tilespmem:s22], [sflag:$0x5], $0x80, s25, s24, $0xb8;
	[tilespmem:$0x1BE00] =	vst v63  }
.Ltmp1:
0x79: {  	s9 =	sadd.s32 $0x30, s19;
	_ =	swait.ge [sflag:s21], $0x4000;
	(pc) =	sbr.rel @!p0 .LBB2_5-.Ltmp1, $4  }
0x7a: {  	s10 =	sand.u32 $0x1FFFFFF0, s9;
	[sflag:s21] =	ssyncset.done $0x0  }
0x7b: {  	s2 =	sadd.s32 s5, s10;
	[sflag:s21] =	ssyncadd.s32 $0xFFFFC000  }
0x7c: {  	[tilespmem:s24], [sflag:$0x4] =	stream.linear.gather [hbm4b:s2+s3], $0x80, $0x38;
	[tilespmem:$0x1BE00] =	vst v63  }
0x7d: {  	s8 =	sadd.s32 s6, s10;
	s2 =	sadd.s32 $0xFFFFFFFF, s18  }
.LBB2_4:
0x7e: {  	[tilespmem:s25], [sflag:$0x4] =	stream.linear.gather [hbm4b:s8+s3], $0x80, $0x38;
	[tilespmem:$0x1BE00] =	vst v63  }
0x7f: {  	p0 =	sne.s32 s2, $0x1;
	s2 =	sadd.s32 $0xFFFFFFFF, s2;
	_ =	swait.ge [sflag:s28], $0x80  }
0x80: {  	s8 =	smov.u32 s0;
	[sflag:s28] =	ssyncset.done $0x0  }
0x81: {  	[sflag:s28] =	ssyncadd.s32 $0xFFFFFF80  }
0x82: {  	_ =	swait.ge [sflag:s28], $0x80  }
0x83: {  	[sflag:s28] =	ssyncset.done $0x0  }
0x84: {  	[sflag:s28] =	ssyncadd.s32 $0xFFFFFF80  }
0x85: {  	_ =	swait.ge [sflag:s29], $0x4000  }
0x86: {  	[sflag:s29] =	ssyncset.done $0x0  }
0x87: {  	[sflag:s29] =	ssyncadd.s32 $0xFFFFC000  }
0x88: {  	[tilespmem:s22], [sflag:$0x2] =	stream.indirect.gather [hbm4b:s4+s24], $0x80, s24, s24, $0xb8;
	[tilespmem:$0x1BE00] =	vst v63  }
0x89: {  	_ = 	snop  }
0x8a: {  	[spmem:s1] =	stream.indirect.scatter.add.f32 [tilespmem:s20], [sflag:$0x5], $0x80, s23, s24, $0xb8;
	[tilespmem:$0x1BE00] =	vst v63  }
0x8b: {  	s0 =	sadd.s32 $0x20, s0;
	_ =	swait.ge [sflag:s21], $0x4000  }
0x8c: {  	s9 =	sand.u32 $0x1FFFFFE0, s0;
	[sflag:s21] =	ssyncset.done $0x0  }
0x8d: {  	s10 =	sadd.s32 s5, s9;
	[sflag:s21] =	ssyncadd.s32 $0xFFFFC000  }
0x8e: {  	[tilespmem:s3], [sflag:$0x3] =	stream.linear.gather [hbm4b:s10+s3], $0x80, $0x38;
	[tilespmem:$0x1BE00] =	vst v63  }
0x8f: {  	s9 =	sadd.s32 s6, s9  }
0x90: {  	[tilespmem:s23], [sflag:$0x3] =	stream.linear.gather [hbm4b:s9+s3], $0x80, $0x38;
	[tilespmem:$0x1BE00] =	vst v63  }
0x91: {  	_ =	swait.ge [sflag:s26], $0x80  }
0x92: {  	[sflag:s26] =	ssyncset.done $0x0  }
0x93: {  	[sflag:s26] =	ssyncadd.s32 $0xFFFFFF80  }
0x94: {  	_ =	swait.ge [sflag:s26], $0x80  }
0x95: {  	[sflag:s26] =	ssyncset.done $0x0  }
0x96: {  	[sflag:s26] =	ssyncadd.s32 $0xFFFFFF80  }
0x97: {  	_ =	swait.ge [sflag:s30], $0x4000  }
0x98: {  	[sflag:s30] =	ssyncset.done $0x0  }
0x99: {  	[sflag:s30] =	ssyncadd.s32 $0xFFFFC000  }
0x9a: {  	[tilespmem:s20], [sflag:$0x1] =	stream.indirect.gather [hbm4b:s4+s24], $0x80, s3, s24, $0xb8;
	[tilespmem:$0x1BE00] =	vst v63  }
0x9b: {  	_ = 	snop  }
0x9c: {  	[spmem:s1] =	stream.indirect.scatter.add.f32 [tilespmem:s22], [sflag:$0x5], $0x80, s25, s24, $0xb8;
	[tilespmem:$0x1BE00] =	vst v63  }
.Ltmp2:
0x9d: {  	s8 =	sadd.s32 $0x30, s8;
	_ =	swait.ge [sflag:s21], $0x4000;
	(pc) =	sbr.rel @p0 .LBB2_4-.Ltmp2, $4  }
0x9e: {  	s8 =	sand.u32 $0x1FFFFFF0, s8;
	[sflag:s21] =	ssyncset.done $0x0  }
0x9f: {  	s9 =	sadd.s32 s5, s8;
	[sflag:s21] =	ssyncadd.s32 $0xFFFFC000  }
0xa0: {  	[tilespmem:s24], [sflag:$0x4] =	stream.linear.gather [hbm4b:s9+s3], $0x80, $0x38;
	[tilespmem:$0x1BE00] =	vst v63  }
0xa1: {  	s8 =	sadd.s32 s6, s8  }
.LBB2_5:
0xa2: {  	[tilespmem:s25], [sflag:$0x4] =	stream.linear.gather [hbm4b:s8+s3], $0x80, $0x38;
	[tilespmem:$0x1BE00] =	vst v63  }
0xa3: {  	_ =	swait.ge [sflag:s28], $0x80  }
0xa4: {  	[sflag:s28] =	ssyncset.done $0x0  }
0xa5: {  	[sflag:s28] =	ssyncadd.s32 $0xFFFFFF80  }
0xa6: {  	_ =	swait.ge [sflag:s28], $0x80  }
0xa7: {  	[sflag:s28] =	ssyncset.done $0x0  }
0xa8: {  	[sflag:s28] =	ssyncadd.s32 $0xFFFFFF80  }
0xa9: {  	_ =	swait.ge [sflag:s29], $0x4000  }
0xaa: {  	[sflag:s29] =	ssyncset.done $0x0  }
0xab: {  	[sflag:s29] =	ssyncadd.s32 $0xFFFFC000  }
0xac: {  	[tilespmem:s22], [sflag:$0x2] =	stream.indirect.gather [hbm4b:s4+s24], $0x80, s24, s24, $0xb8;
	[tilespmem:$0x1BE00] =	vst v63  }
0xad: {  	_ = 	snop  }
0xae: {  	[spmem:s1] =	stream.indirect.scatter.add.f32 [tilespmem:s20], [sflag:$0x5], $0x80, s23, s24, $0xb8;
	[tilespmem:$0x1BE00] =	vst v63  }
0xaf: {  	_ =	swait.ge [sflag:s21], $0x4000  }
0xb0: {  	[sflag:s21] =	ssyncset.done $0x0  }
0xb1: {  	[sflag:s21] =	ssyncadd.s32 $0xFFFFC000  }
0xb2: {  	_ =	swait.ge [sflag:s30], $0x4000  }
0xb3: {  	[sflag:s30] =	ssyncset.done $0x0  }
0xb4: {  	[sflag:s30] =	ssyncadd.s32 $0xFFFFC000  }
0xb5: {  	[spmem:s1] =	stream.indirect.scatter.add.f32 [tilespmem:s22], [sflag:$0x5], $0x80, s25, s24, $0xb8;
	[tilespmem:$0x1BE00] =	vst v63  }
0xb6: {  	s0 =	stileid.u32;
	_ =	swait.ge [sflag:s21], $0x4000  }
0xb7: {  	s2 =	sshrl.u32 s7, $0x3;
	s31 =	sadd.s32 $0x1, s31;
	[sflag:s21] =	ssyncset.done $0x0  }
0xb8: {  	s0 =	sshll.u32 s0, $0x6;
	p0 =	sne.s32 s31, s17;
	[sflag:s21] =	ssyncadd.s32 $0xFFFFC000  }
.Ltmp3:
0xb9: {  	s0 =	sor.u32 $0x1C05, s0;
	[bflag:$0x0] =	sbarrier.arrive $0xFFFF;
	(pc) =	sbr.rel @p0 .LBB2_1-.Ltmp3, $4  }
0xba: {  	[hbm:s16], [sflag:s0] =	dma.local [spmem:s2], $0x2780  }
0xbb: {  	_ =	swait.ge [sflag:s21], $0x2780  }
0xbc: {  	[sflag:s21] =	ssyncset.done $0x0  }
0xbd: {  	[sflag:s21] =	ssyncadd.s32 $0xFFFFD880  }
0xbe: {  	_ =	sfence.sel $0x180000  }
0xbf: {  	[bflag:$0x0] =	sbarrier.arrive $0xFFFF  }
0xc0: {  	_ =	strace $0x9000004A  }
0xc1: {  	s0 =	stileid.u32;
	[bflag:$0x2] =	sbarrier.arrive $0xFFFF  }
0xc2: {  	p0 =	sne.s32 s0, $0x0;
	s0 =	rddreg [dreg:$0x2]  }
0xc3: {  	s0 =	sadd.s32 @!p0 $0x100000, s0  }
0xc4: {  	[sflag:s0] =	ssyncadd.tile.s32 @!p0 $0x1;
	_ =	shalt  }
.Lfunc_end2:
_tile_overlayer_lowered:
.L_overlay_start_2:
0xc5: {  	(tag) =	ssettag $0x2  }
0xc6: {  	s0 =	rddreg [dreg:$0x0];
	s2 =	stileid.u32  }
0xc7: {  	s1 =	rddreg [dreg:$0x1];
	p0 =	sne.s32 s2, $0x0  }
0xc8: {  	s3 =	rddreg [dreg:$0x2];
	[bflag:$0x3] =	sbarrier.arrive $0xFFFF;
	s2 =	simm.s32 @!p0 $0x1C05  }
0xc9: {  	[timem:s3], [sflag:s2] =	dma.local @!p0 [hbm:s0], s1  }
0xca: {  	s0 =	simm.s32 @!p0 $0x5  }
0xcb: {  	_ =	swait.ge @!p0 [sflag:s0], s1  }
0xcc: {  	s1 =	ssub.s32 @!p0 $0x0, s1;
	[sflag:s0] =	ssyncset.done @!p0 $0x0  }
0xcd: {  	[sflag:s0] =	ssyncadd.s32 @!p0 s1  }
0xce: {  	[bflag:$0x3] =	sbarrier.arrive $0xFFFF  }
0xcf: {  	_ =	shalt  }

// kernel: kernel.18.cloned.1.call-start
scs
__scs_entry_jumppad:
0x0: {  	(pc) =	sbr.rel $0x88, $3  }
0x1: {  	(tag) =	ssettag $0x0;
	lr =	simm.s32 $0x1  }
0x2: {  	[smem:$0x3F95] =	sst lr;
	_ =	strace $0xD0000000  }
0x3: {  	_ = 	snop  }
0x4: {  	_ = 	snop  }
0x5: {  	_ = 	snop  }
0x6: {  	_ = 	snop  }
0x7: {  	_ = 	snop  }
__scs_overlays_trampoline_lowered:
0x8: {  	[smem:$0x3FA4] =	sst s0  }
0x9: {  	[smem:$0x3FA5] =	sst s1  }
0xa: {  	[smem:$0x3FA6] =	sst s2  }
0xb: {  	[smem:$0x3FA7] =	sst s3  }
0xc: {  	[smem:$0x3FA8] =	sst s4  }
0xd: {  	[smem:$0x3FA9] =	sst s5  }
0xe: {  	[smem:$0x3FAA] =	sst s6  }
0xf: {  	[smem:$0x3FAB] =	sst s7  }
0x10: {  	[smem:$0x3FAC] =	sst s8  }
0x11: {  	[smem:$0x3FAD] =	sst s9;
	s0 =	simm.s32 @!p0 $0x0  }
0x12: {  	s1 =	sld [smem:$0x3F93];
	s0 =	simm.s32 @p0 $0x1  }
0x13: {  	[smem:$0x3FAE] =	sst s0;
	s0 =	simm.s32 @!p1 $0x0  }
0x14: {  	s2 =	sld [smem:$0x3F92];
	s0 =	simm.s32 @p1 $0x1  }
0x15: {  	[smem:$0x3FAF] =	sst s0;
	s0 =	simm.s32 @!p2 $0x0  }
0x16: {  	s3 =	sld [smem:$0x3FDB];
	s0 =	simm.s32 @p2 $0x1  }
0x17: {  	s4 =	simm.s32 $0x1BF5;
	[smem:$0x3FB1] =	sst s0  }
0x18: {  	s0 =	sld [smem:$0x3F94];
	_ =	swait.ge [sflag:s4], $0x0  }
0x19: {  	s7 =	sld [smem:$0x3F95]  }
0x1a: {  	s8 =	sadd.s32 $0xFFFFE003, lr  }
0x1b: {  	s9 =	sadd.s32 $0xFFFFFEF7, lr;
	s5 =	simm.s32 $0xFFFFFFFF;
	p2 =	slt.u32 s8, $0xFFFFF086  }
0x1c: {  	p1 =	slt.u32 s9, $0xF7A;
	s5 =	simm.s32 @!p2 $0x0  }
0x1d: {  	s5 =	simm.s32 @p1 $0x1;
	p0 =	seq.s32 s7, s2  }
0x1e: {  	s7 =	smul.u32 @!p0 $0xF7A, s2;
	p2 =	seq.s32 @!p0 s5, $0x0  }
0x1f: {  	s9 =	smul.u32 $0xF7A, s1;
	s8 =	simm.s32 @!p0 $0x1BF5;
	p2 =	por !p2, p0  }
0x20: {  	[sflag:s8] =	ssyncset.s32 @!p0 $0xFFFFF086;
	s6 =	sadd.s32 @!p0 s3, s7;
	s7 =	simm.s32 @!p0 $0x108  }
0x21: {  	s3 =	sadd.s32 s3, s9;
	s6 =	sadd.s32 @!p0 $0x88, s6;
	s7 =	simm.s32 @p2 $0x1082  }
0x22: {  	[simem:s7], [sflag:s8] =	dma.local @!p0 [hbm:s6], $0xF7A  }
0x23: {  	s9 =	sor.u32 $0xD0000000, s2;
	s6 =	simm.s32 $0x108;
	_ =	swait.ge @!p0 [sflag:s8], $0x0  }
0x24: {  	s3 =	sadd.s32 $0x88, s3;
	s6 =	simm.s32 @!p1 $0x1082;
	[sflag:s4] =	ssyncset.s32 $0xFFFFF086  }
0x25: {  	[simem:s6], [sflag:s4] =	dma.local [hbm:s3], $0xF7A  }
0x26: {  	[smem:$0x3F95] =	sst s1;
	(tag) =	ssettag s2;
	_ =	strace s9  }
0x27: {  	s1 =	sld [smem:$0x3FA5]  }
0x28: {  	s2 =	sld [smem:$0x3FA6]  }
0x29: {  	s4 =	sld [smem:$0x3FA8]  }
0x2a: {  	p0 =	seq.s32 s5, $0x0;
	s5 =	sld [smem:$0x3FA9]  }
0x2b: {  	s6 =	sld [smem:$0x3FAA]  }
0x2c: {  	s7 =	sld [smem:$0x3FAB]  }
0x2d: {  	s3 =	simm.s32 $0x108;
	s8 =	sld [smem:$0x3FAC]  }
0x2e: {  	s3 =	simm.s32 @!p0 $0x1082;
	s9 =	sld [smem:$0x3FAD]  }
0x2f: {  	lr =	sadd.s32 s0, s3;
	s0 =	sld [smem:$0x3FA4]  }
0x30: {  	s3 =	sld [smem:$0x3FA7]  }
0x31: {  	[smem:$0x3FB0] =	sst s10  }
0x32: {  	s10 =	sld [smem:$0x3FAE];
	_ =	sdelay $0x3  }
0x33: {  	p0 =	seq.s32 s10, $0x1;
	s10 =	sld [smem:$0x3FB0];
	_ =	sdelay $0x3  }
0x34: {  	[smem:$0x3FB0] =	sst s10  }
0x35: {  	s10 =	sld [smem:$0x3FAF];
	_ =	sdelay $0x3  }
0x36: {  	p1 =	seq.s32 s10, $0x1;
	s10 =	sld [smem:$0x3FB0];
	_ =	sdelay $0x3  }
0x37: {  	[smem:$0x3FB0] =	sst s10  }
0x38: {  	s10 =	sld [smem:$0x3FB1]  }
0x39: {  	_ = 	snop;
	(pc) =	sbr.ind lr, $3  }
0x3a: {  	_ = 	snop  }
0x3b: {  	_ = 	snop  }
0x3c: {  	p2 =	seq.s32 s10, $0x1;
	s10 =	sld [smem:$0x3FB0]  }
0x3d: {  	_ =	shalt  }
0x3e: {  	_ =	shalt  }
0x3f: {  	_ =	shalt  }
0x40: {  	_ =	shalt  }
0x41: {  	_ =	shalt  }
0x42: {  	_ =	shalt  }
0x43: {  	_ =	shalt  }
0x44: {  	_ =	shalt  }
0x45: {  	_ =	shalt  }
0x46: {  	_ =	shalt  }
0x47: {  	_ =	shalt  }
0x48: {  	_ =	shalt  }
0x49: {  	_ =	shalt  }
0x4a: {  	_ =	shalt  }
0x4b: {  	_ =	shalt  }
0x4c: {  	_ =	shalt  }
0x4d: {  	_ =	shalt  }
0x4e: {  	_ =	shalt  }
0x4f: {  	_ =	shalt  }
0x50: {  	_ =	shalt  }
0x51: {  	_ =	shalt  }
0x52: {  	_ =	shalt  }
0x53: {  	_ =	shalt  }
0x54: {  	_ =	shalt  }
0x55: {  	_ =	shalt  }
0x56: {  	_ =	shalt  }
0x57: {  	_ =	shalt  }
0x58: {  	_ =	shalt  }
0x59: {  	_ =	shalt  }
0x5a: {  	_ =	shalt  }
0x5b: {  	_ =	shalt  }
0x5c: {  	_ =	shalt  }
0x5d: {  	_ =	shalt  }
0x5e: {  	_ =	shalt  }
0x5f: {  	_ =	shalt  }
0x60: {  	_ =	shalt  }
0x61: {  	_ =	shalt  }
0x62: {  	_ =	shalt  }
0x63: {  	_ =	shalt  }
0x64: {  	_ =	shalt  }
0x65: {  	_ =	shalt  }
0x66: {  	_ =	shalt  }
0x67: {  	_ =	shalt  }
0x68: {  	_ =	shalt  }
0x69: {  	_ =	shalt  }
0x6a: {  	_ =	shalt  }
0x6b: {  	_ =	shalt  }
0x6c: {  	_ =	shalt  }
0x6d: {  	_ =	shalt  }
0x6e: {  	_ =	shalt  }
0x6f: {  	_ =	shalt  }
0x70: {  	_ =	shalt  }
0x71: {  	_ =	shalt  }
0x72: {  	_ =	shalt  }
0x73: {  	_ =	shalt  }
0x74: {  	_ =	shalt  }
0x75: {  	_ =	shalt  }
0x76: {  	_ =	shalt  }
0x77: {  	_ =	shalt  }
0x78: {  	_ =	shalt  }
0x79: {  	_ =	shalt  }
0x7a: {  	_ =	shalt  }
0x7b: {  	_ =	shalt  }
0x7c: {  	_ =	shalt  }
0x7d: {  	_ =	shalt  }
0x7e: {  	_ =	shalt  }
0x7f: {  	_ =	shalt  }
0x80: {  	_ =	shalt  }
0x81: {  	_ =	shalt  }
0x82: {  	_ =	shalt  }
0x83: {  	_ =	shalt  }
0x84: {  	_ =	shalt  }
0x85: {  	_ =	shalt  }
0x86: {  	_ =	shalt  }
0x87: {  	_ =	shalt  }
.Lfunc_end0:
.L_simem_size_0:
called_computation.2_lowered:
.L_overlay_start_0:
0x88: {  	s2 =	sld [smem:$0x3FD9]  }
0x89: {  	s3 =	sld [smem:$0x3FFE];
	_ =	sdelay $0x1  }
0x8a: {  	s1 =	srdreg.scid  }
0x8b: {  	s0 =	sand.u32 $0x1, s1  }
0x8c: {  	s16 =	sshll.u32 s0, $0xA;
	s2 =	sadd.s32 s3, s2  }
0x8d: {  	s2 =	sadd.s32 s2, s16  }
0x8e: {  	[smem:$0x3FBC] =	sst s2  }
0x8f: {  	_ = 	snop  }
0x90: {  	(tm) =	ssettm $0x1  }
0x91: {  	s17 =	sld [smem:$0x3FFB];
	_ =	sdelay $0x3  }
0x92: {  	_ =	strace s17  }
0x93: {  	s2 =	sld [smem:$0x3FFC];
	_ =	sdelay $0x3  }
0x94: {  	_ =	strace s2  }
0x95: {  	s2 =	sld [smem:$0x3FFD];
	_ =	sdelay $0x3  }
0x96: {  	_ =	strace s2  }
0x97: {  	_ =	strace $0x8FFFFFFF  }
0x98: {  	s18 =	sld [smem:$0x3FDB];
	_ =	sdelay $0x1  }
0x99: {  	s19 =	simm.s32 $_scs_section_size  }
0x9a: {  	s4 =	simm.s32 $_size__tile_overlayer_lowered;
	s5 =	simm.s32 $_tile_overlayer_lowered  }
0x9b: {  	s22 =	simm.s32 $0x1BFF;
	s21 =	sshll.u32 s5, $0x1;
	s2 =	sadd.s32 s19, s18  }
0x9c: {  	s6 =	simm.s32 $0x0;
	s20 =	sshll.u32 s4, $0x1;
	s4 =	sadd.s32 s21, s2  }
0x9d: {  	[timem:s6], [sflag:s22] =	dma.local [hbm:s4], s20  }
0x9e: {  	_ =	swait.ge [sflag:s22], s20  }
0x9f: {  	s3 =	ssub.s32 $0x0, s20;
	[sflag:s22] =	ssyncset.done $0x0  }
0xa0: {  	[sflag:s22] =	ssyncadd.s32 s3;
	_ =	sdelay $0x1  }
0xa1: {  	s23 =	simm.s32 $0x1B8B  }
0xa2: {  	_ =	swait.ge [sflag:s23], $0x1  }
0xa3: {  	[sflag:s23] =	ssyncset.done $0x0  }
0xa4: {  	s25 =	simm.s32 $0x1B8E;
	s24 =	sld [smem:$0x3FFE];
	[sflag:s23] =	ssyncadd.s32 $0xFFFFFFFF  }
0xa5: {  	s26 =	simm.s32 $execute0_lowered;
	[smem:$0x3FD2] =	sst s25  }
0xa6: {  	s4 =	sshll.u32 s26, $0x1;
	_ =	strace $0x8000004C;
	[dreg:$0x1] =	wrdreg $0xFFFFFFFF  }
0xa7: {  	s28 =	simm.s32 $_size_execute0_lowered;
	s2 =	sadd.s32 s2, s4;
	[dreg:$0x0] =	wrdreg $0x0  }
0xa8: {  	s4 =	sshll.u32 s28, $0x1;
	[dreg:$0x2] =	wrdreg s2  }
0xa9: {  	[dreg:$0x3] =	wrdreg s4  }
0xaa: {  	[dreg:$0x4] =	wrdreg $0xC0  }
0xab: {  	_ =	task [dreg:s6], $0x5FFFF  }
0xac: {  	[dreg:$0x1] =	wrdreg $0xFFFFFFFF  }
0xad: {  	[dreg:$0x0] =	wrdreg $0x60  }
0xae: {  	[dreg:$0x2] =	wrdreg s24  }
0xaf: {  	[dreg:$0x3] =	wrdreg $0x82000  }
0xb0: {  	[dreg:$0x4] =	wrdreg $0x9  }
0xb1: {  	_ =	task.clear_ibuf [dreg:s6], $0x5FFFF;
	_ =	strace $0x9000004C  }
0xb2: {  	s29 =	simm.s32 $0x9;
	_ =	strace $0x8000004E  }
0xb3: {  	_ =	swait.ge [sflag:s29], $0x1  }
0xb4: {  	[sflag:s29] =	ssyncadd.s32 $0xFFFFFFFF  }
0xb5: {  	_ =	strace $0x9000004E  }
0xb6: {  	_ =	sfence  }
0xb7: {  	s30 =	sld [smem:$0x0];
	_ =	sdelay $0x2  }
0xb8: {  	s31 =	sshll.u32 s1, $0xD;
	s1 =	sshrl.u32 s1, $0x2  }
0xb9: {  	s3 =	sand.u32 $0x4000, s31;
	s1 =	sadd.s32 s1, s30  }
0xba: {  	s0 =	sor.u32 s3, s0;
	s1 =	sshll.u32 s1, $0x11  }
0xbb: {  	s0 =	sor.u32 s1, s0  }
0xbc: {  	s0 =	sadd.s32 $0x8F2B, s0  }
0xbd: {  	[sflag:s0] =	ssyncadd.remote.s32 $0x1  }
0xbe: {  	_ =	sfence.sel $0xFFFF  }
0xbf: {  	[dreg:$0x0] =	wrdreg $0xFFFFFFFF;
	(pc) =	sbr.abs _section_cstart, $3  }
0xc0: {  	[dreg:$0x1] =	wrdreg $0xFFFFFFFF  }
0xc1: {  	_ =	task.clear_ibuf [dreg:s6], $0x2FFFF;
	_ =	strace $0x9FFFFFFF  }
0xc2: {  	(tm) =	ssettm $0x7FFFFFFF  }
0xc3: {  	_ =	shalt  }
tec
execute0_lowered:
.L_overlay_start_1:
0x0: {  	(tag) =	ssettag $0x1  }
0x1: {  	s14 =	stileid.u32  }
0x2: {  	s7 =	smul.u32 $0x13C00, s14  }
0x3: {  	s0 =	rddreg [dreg:$0x0];
	s8 =	smul.u32 $0xA0, s14  }
0x4: {  	s2 =	srdreg.scid;
	s10 =	smul.u32 $0x4F000, s14  }
0x5: {  	s1 =	rddreg [dreg:$0x1];
	s2 =	sand.u32 $0x1, s2;
	s19 =	smul.u32 $0xA00, s14  }
0x6: {  	s3 =	simm.s32 $0x0;
	s28 =	simm.s32 $0x4;
	s6 =	smul.u32 $0x13C000, s2  }
0x7: {  	s29 =	simm.s32 $0x1;
	s30 =	simm.s32 $0x2;
	s9 =	smul.u32 $0x76, s2  }
0x8: {  	s31 =	simm.s32 $0x0;
	[smem:$0x7FF] =	sst s3;
	s22 =	smul.u32 $0x300, s2  }
0x9: {  	s4 =	sadd.s32 $0x17400, s0;
	s5 =	sadd.s32 $0xD400, s0;
	s18 =	smul.u32 $0x26, s2  }
0xa: {  	_ =	strace $0x8000004D;
	s11 =	ssub.s32 $0x2, s2;
	s2 =	smul.u32 $0x760, s2  }
0xb: {  	s21 =	sshrl.u32 s10, $0x2;
	s12 =	sshrl.u32 s11, $0x1;
	s7 =	sadd.s32 s7, s6  }
0xc: {  	s6 =	sadd.s32 $0x3400, s0;
	s20 =	sadd.s32 s9, s8;
	s17 =	ssub.s32 s11, s12  }
0xd: {  	s18 =	ssub.s32 $0x3A, s18;
	s19 =	sadd.s32 s2, s19;
	s7 =	sshrl.u32 s7, $0x3  }
0xe: {  	s9 =	sshll.u32 s20, $0x7;
	s17 =	smax.u32 s17, $0x1;
	s20 =	simm.s32 $0x200  }
0xf: {  	s0 =	sadd.s32 s7, s0;
	s7 =	sadd.s32 s21, s1;
	s23 =	sand.u32 $0xFFC00, s9  }
0x10: {  	s21 =	simm.s32 $0x5;
	s24 =	sadd.s32 $0x4000, s7;
	s8 =	sor.u32 s22, s23  }
0x11: {  	s25 =	sadd.s32 $0x8000, s7;
	s26 =	sadd.s32 $0xC000, s7;
	[dreg:$0x3] =	wrdreg s24  }
0x12: {  	s11 =	sadd.s32 $0x10000, s7;
	s16 =	sadd.s32 $0x3EC00, s0;
	[dreg:$0x4] =	wrdreg s25  }
0x13: {  	s22 =	simm.s32 $0x4200;
	s23 =	simm.s32 $0x100;
	[dreg:$0x5] =	wrdreg s26  }
0x14: {  	s8 =	sshrl.u32 s8, $0x3;
	s24 =	simm.s32 $0x80;
	s25 =	simm.s32 $0x180  }
0x15: {  	s12 =	sadd.s32 s5, s8;
	s13 =	sadd.s32 s6, s8;
	s8 =	sor.u32 $0x10, s8  }
0x16: {  	v0 =	vimm.f32 $0.0e+00;
	s26 =	simm.s32 $0x3;
	s14 =	sadd.s32 s5, s8;
	s15 =	sadd.s32 s6, s8  }
.LBB2_1:
0x17: {  	s0 =	simm.s32 $0x0;
	s2 =	simm.s32 $0x200  }
.LBB2_2:
0x18: {  	p0 =	sne.s32 s2, $0xFE00;
	[tilespmem:s0+$0x4270] =	vst v0  }
0x19: {  	[tilespmem:s0+$0x200] =	vst v0  }
0x1a: {  	[tilespmem:s0+$0x210] =	vst v0  }
0x1b: {  	[tilespmem:s0+$0x220] =	vst v0  }
0x1c: {  	[tilespmem:s0+$0x230] =	vst v0  }
0x1d: {  	[tilespmem:s0+$0x240] =	vst v0  }
0x1e: {  	[tilespmem:s0+$0x250] =	vst v0  }
0x1f: {  	[tilespmem:s0+$0x260] =	vst v0  }
0x20: {  	[tilespmem:s0+$0x270] =	vst v0  }
0x21: {  	[tilespmem:s0+$0x4200] =	vst v0  }
0x22: {  	[tilespmem:s0+$0x4210] =	vst v0  }
.Ltmp0:
0x23: {  	[tilespmem:s0+$0x4220] =	vst v0;
	(pc) =	sbr.rel @p0 .LBB2_2-.Ltmp0, $4  }
0x24: {  	[tilespmem:s0+$0x4230] =	vst v0  }
0x25: {  	[tilespmem:s0+$0x4240] =	vst v0  }
0x26: {  	[tilespmem:s0+$0x4250] =	vst v0  }
0x27: {  	[tilespmem:s0+$0x4260] =	vst v0;
	s0 =	sshra.s32 s2, $0x2;
	s2 =	sadd.s32 $0x200, s2  }
0x28: {  	[tilespmem:s0+$0x4270] =	vst v0  }
0x29: {  	[tilespmem:s0+$0x200] =	vst v0  }
0x2a: {  	[tilespmem:s0+$0x210] =	vst v0  }
0x2b: {  	[tilespmem:s0+$0x220] =	vst v0  }
0x2c: {  	[tilespmem:s0+$0x230] =	vst v0  }
0x2d: {  	[tilespmem:s0+$0x240] =	vst v0  }
0x2e: {  	[tilespmem:s0+$0x250] =	vst v0  }
0x2f: {  	[tilespmem:s0+$0x260] =	vst v0  }
0x30: {  	[tilespmem:s0+$0x270] =	vst v0  }
0x31: {  	[tilespmem:s0+$0x4200] =	vst v0  }
0x32: {  	[tilespmem:s0+$0x4210] =	vst v0  }
0x33: {  	[tilespmem:s0+$0x4220] =	vst v0  }
0x34: {  	[tilespmem:s0+$0x4230] =	vst v0  }
0x35: {  	[tilespmem:s0+$0x4240] =	vst v0  }
0x36: {  	[tilespmem:s0+$0x4250] =	vst v0  }
0x37: {  	[tilespmem:s0+$0x4260] =	vst v0  }
0x38: {  	[spmem:s7] =	stream.linear.scatter [tilespmem:s20], [sflag:$0x5], $0x4000, $0x38;
	[tilespmem:$0x1BE00] =	vst v63  }
0x39: {  	_ =	swait.ge [sflag:s21], $0x4000  }
0x3a: {  	[sflag:s21] =	ssyncset.done $0x0  }
0x3b: {  	s10 =	rddreg [dreg:$0x3];
	[sflag:s21] =	ssyncadd.s32 $0xFFFFC000  }
0x3c: {  	[spmem:s10] =	stream.linear.scatter [tilespmem:s20], [sflag:$0x5], $0x4000, $0x38;
	[tilespmem:$0x1BE00] =	vst v63  }
0x3d: {  	_ =	swait.ge [sflag:s21], $0x4000  }
0x3e: {  	[sflag:s21] =	ssyncset.done $0x0  }
0x3f: {  	s2 =	rddreg [dreg:$0x4];
	[sflag:s21] =	ssyncadd.s32 $0xFFFFC000  }
0x40: {  	[spmem:s2] =	stream.linear.scatter [tilespmem:s20], [sflag:$0x5], $0x4000, $0x38;
	[tilespmem:$0x1BE00] =	vst v63  }
0x41: {  	_ =	swait.ge [sflag:s21], $0x4000  }
0x42: {  	[sflag:s21] =	ssyncset.done $0x0  }
0x43: {  	s8 =	rddreg [dreg:$0x5];
	[sflag:s21] =	ssyncadd.s32 $0xFFFFC000  }
0x44: {  	[spmem:s8] =	stream.linear.scatter [tilespmem:s20], [sflag:$0x5], $0x4000, $0x38;
	[tilespmem:$0x1BE00] =	vst v63  }
0x45: {  	_ =	swait.ge [sflag:s21], $0x4000  }
0x46: {  	[sflag:s21] =	ssyncset.done $0x0  }
0x47: {  	[sflag:s21] =	ssyncadd.s32 $0xFFFFC000  }
0x48: {  	[spmem:s11] =	stream.linear.scatter [tilespmem:s22], [sflag:$0x5], $0x3C00, $0x38;
	[tilespmem:$0x1BE00] =	vst v63  }
0x49: {  	_ =	swait.ge [sflag:s21], $0x3C00  }
0x4a: {  	[sflag:s21] =	ssyncset.done $0x0  }
0x4b: {  	[sflag:s21] =	ssyncadd.s32 $0xFFFFC400  }
0x4c: {  	[bflag:$0x0] =	sbarrier.arrive $0xFFFF  }
0x4d: {  	[tilespmem:s3], [sflag:$0x3] =	stream.linear.gather [hbm4b:s12+s3], $0x80, $0x38;
	[tilespmem:$0x1BE00] =	vst v63  }
0x4e: {  	_ = 	snop  }
0x4f: {  	[tilespmem:s23], [sflag:$0x3] =	stream.linear.gather [hbm4b:s13+s3], $0x80, $0x38;
	[tilespmem:$0x1BE00] =	vst v63  }
0x50: {  	_ = 	snop  }
0x51: {  	[tilespmem:s24], [sflag:$0x4] =	stream.linear.gather [hbm4b:s14+s3], $0x80, $0x38;
	[tilespmem:$0x1BE00] =	vst v63  }
0x52: {  	_ = 	snop  }
0x53: {  	[tilespmem:s25], [sflag:$0x4] =	stream.linear.gather [hbm4b:s15+s3], $0x80, $0x38;
	[tilespmem:$0x1BE00] =	vst v63  }
0x54: {  	_ =	swait.ge [sflag:s26], $0x80  }
0x55: {  	[sflag:s26] =	ssyncset.done $0x0  }
0x56: {  	[sflag:s26] =	ssyncadd.s32 $0xFFFFFF80  }
0x57: {  	_ =	swait.ge [sflag:s26], $0x80  }
0x58: {  	[sflag:s26] =	ssyncset.done $0x0  }
0x59: {  	[sflag:s26] =	ssyncadd.s32 $0xFFFFFF80  }
0x5a: {  	[tilespmem:s20], [sflag:$0x1] =	stream.indirect.gather [hbm4b:s4+s24], $0x80, s3, s24, $0xb8;
	[tilespmem:$0x1BE00] =	vst v63  }
0x5b: {  	_ =	swait.ge [sflag:s28], $0x80  }
0x5c: {  	[sflag:s28] =	ssyncset.done $0x0  }
0x5d: {  	[sflag:s28] =	ssyncadd.s32 $0xFFFFFF80  }
0x5e: {  	_ =	swait.ge [sflag:s28], $0x80  }
0x5f: {  	[sflag:s28] =	ssyncset.done $0x0  }
0x60: {  	[sflag:s28] =	ssyncadd.s32 $0xFFFFFF80  }
0x61: {  	_ =	swait.ge [sflag:s29], $0x4000  }
0x62: {  	[sflag:s29] =	ssyncset.done $0x0  }
0x63: {  	[sflag:s29] =	ssyncadd.s32 $0xFFFFC000  }
0x64: {  	[tilespmem:s22], [sflag:$0x2] =	stream.indirect.gather [hbm4b:s4+s24], $0x80, s24, s24, $0xb8;
	[tilespmem:$0x1BE00] =	vst v63  }
0x65: {  	_ = 	snop  }
0x66: {  	[spmem:s1] =	stream.indirect.scatter.add.f32 [tilespmem:s20], [sflag:$0x5], $0x80, s23, s24, $0xb8;
	[tilespmem:$0x1BE00] =	vst v63  }
0x67: {  	s0 =	sadd.s32 $0x20, s19;
	_ =	swait.ge [sflag:s21], $0x4000  }
0x68: {  	s2 =	sand.u32 $0x1FFFFFE0, s0;
	[sflag:s21] =	ssyncset.done $0x0  }
0x69: {  	s8 =	sadd.s32 s5, s2;
	[sflag:s21] =	ssyncadd.s32 $0xFFFFC000  }
0x6a: {  	[tilespmem:s3], [sflag:$0x3] =	stream.linear.gather [hbm4b:s8+s3], $0x80, $0x38;
	[tilespmem:$0x1BE00] =	vst v63  }
0x6b: {  	s2 =	sadd.s32 s6, s2  }
0x6c: {  	[tilespmem:s23], [sflag:$0x3] =	stream.linear.gather [hbm4b:s2+s3], $0x80, $0x38;
	[tilespmem:$0x1BE00] =	vst v63  }
0x6d: {  	_ =	swait.ge [sflag:s26], $0x80  }
0x6e: {  	[sflag:s26] =	ssyncset.done $0x0  }
0x6f: {  	[sflag:s26] =	ssyncadd.s32 $0xFFFFFF80  }
0x70: {  	_ =	swait.ge [sflag:s26], $0x80  }
0x71: {  	[sflag:s26] =	ssyncset.done $0x0  }
0x72: {  	[sflag:s26] =	ssyncadd.s32 $0xFFFFFF80  }
0x73: {  	_ =	swait.ge [sflag:s30], $0x4000  }
0x74: {  	[sflag:s30] =	ssyncset.done $0x0  }
0x75: {  	[sflag:s30] =	ssyncadd.s32 $0xFFFFC000  }
0x76: {  	[tilespmem:s20], [sflag:$0x1] =	stream.indirect.gather [hbm4b:s4+s24], $0x80, s3, s24, $0xb8;
	[tilespmem:$0x1BE00] =	vst v63  }
0x77: {  	p0 =	sne.s32 s18, $0x1  }
0x78: {  	[spmem:s1] =	stream.indirect.scatter.add.f32 [tilespmem:s22], [sflag:$0x5], $0x80, s25, s24, $0xb8;
	[tilespmem:$0x1BE00] =	vst v63  }
.Ltmp1:
0x79: {  	s9 =	sadd.s32 $0x30, s19;
	_ =	swait.ge [sflag:s21], $0x4000;
	(pc) =	sbr.rel @!p0 .LBB2_5-.Ltmp1, $4  }
0x7a: {  	s10 =	sand.u32 $0x1FFFFFF0, s9;
	[sflag:s21] =	ssyncset.done $0x0  }
0x7b: {  	s2 =	sadd.s32 s5, s10;
	[sflag:s21] =	ssyncadd.s32 $0xFFFFC000  }
0x7c: {  	[tilespmem:s24], [sflag:$0x4] =	stream.linear.gather [hbm4b:s2+s3], $0x80, $0x38;
	[tilespmem:$0x1BE00] =	vst v63  }
0x7d: {  	s8 =	sadd.s32 s6, s10;
	s2 =	sadd.s32 $0xFFFFFFFF, s18  }
.LBB2_4:
0x7e: {  	[tilespmem:s25], [sflag:$0x4] =	stream.linear.gather [hbm4b:s8+s3], $0x80, $0x38;
	[tilespmem:$0x1BE00] =	vst v63  }
0x7f: {  	p0 =	sne.s32 s2, $0x1;
	s2 =	sadd.s32 $0xFFFFFFFF, s2;
	_ =	swait.ge [sflag:s28], $0x80  }
0x80: {  	s8 =	smov.u32 s0;
	[sflag:s28] =	ssyncset.done $0x0  }
0x81: {  	[sflag:s28] =	ssyncadd.s32 $0xFFFFFF80  }
0x82: {  	_ =	swait.ge [sflag:s28], $0x80  }
0x83: {  	[sflag:s28] =	ssyncset.done $0x0  }
0x84: {  	[sflag:s28] =	ssyncadd.s32 $0xFFFFFF80  }
0x85: {  	_ =	swait.ge [sflag:s29], $0x4000  }
0x86: {  	[sflag:s29] =	ssyncset.done $0x0  }
0x87: {  	[sflag:s29] =	ssyncadd.s32 $0xFFFFC000  }
0x88: {  	[tilespmem:s22], [sflag:$0x2] =	stream.indirect.gather [hbm4b:s4+s24], $0x80, s24, s24, $0xb8;
	[tilespmem:$0x1BE00] =	vst v63  }
0x89: {  	_ = 	snop  }
0x8a: {  	[spmem:s1] =	stream.indirect.scatter.add.f32 [tilespmem:s20], [sflag:$0x5], $0x80, s23, s24, $0xb8;
	[tilespmem:$0x1BE00] =	vst v63  }
0x8b: {  	s0 =	sadd.s32 $0x20, s0;
	_ =	swait.ge [sflag:s21], $0x4000  }
0x8c: {  	s9 =	sand.u32 $0x1FFFFFE0, s0;
	[sflag:s21] =	ssyncset.done $0x0  }
0x8d: {  	s10 =	sadd.s32 s5, s9;
	[sflag:s21] =	ssyncadd.s32 $0xFFFFC000  }
0x8e: {  	[tilespmem:s3], [sflag:$0x3] =	stream.linear.gather [hbm4b:s10+s3], $0x80, $0x38;
	[tilespmem:$0x1BE00] =	vst v63  }
0x8f: {  	s9 =	sadd.s32 s6, s9  }
0x90: {  	[tilespmem:s23], [sflag:$0x3] =	stream.linear.gather [hbm4b:s9+s3], $0x80, $0x38;
	[tilespmem:$0x1BE00] =	vst v63  }
0x91: {  	_ =	swait.ge [sflag:s26], $0x80  }
0x92: {  	[sflag:s26] =	ssyncset.done $0x0  }
0x93: {  	[sflag:s26] =	ssyncadd.s32 $0xFFFFFF80  }
0x94: {  	_ =	swait.ge [sflag:s26], $0x80  }
0x95: {  	[sflag:s26] =	ssyncset.done $0x0  }
0x96: {  	[sflag:s26] =	ssyncadd.s32 $0xFFFFFF80  }
0x97: {  	_ =	swait.ge [sflag:s30], $0x4000  }
0x98: {  	[sflag:s30] =	ssyncset.done $0x0  }
0x99: {  	[sflag:s30] =	ssyncadd.s32 $0xFFFFC000  }
0x9a: {  	[tilespmem:s20], [sflag:$0x1] =	stream.indirect.gather [hbm4b:s4+s24], $0x80, s3, s24, $0xb8;
	[tilespmem:$0x1BE00] =	vst v63  }
0x9b: {  	_ = 	snop  }
0x9c: {  	[spmem:s1] =	stream.indirect.scatter.add.f32 [tilespmem:s22], [sflag:$0x5], $0x80, s25, s24, $0xb8;
	[tilespmem:$0x1BE00] =	vst v63  }
.Ltmp2:
0x9d: {  	s8 =	sadd.s32 $0x30, s8;
	_ =	swait.ge [sflag:s21], $0x4000;
	(pc) =	sbr.rel @p0 .LBB2_4-.Ltmp2, $4  }
0x9e: {  	s8 =	sand.u32 $0x1FFFFFF0, s8;
	[sflag:s21] =	ssyncset.done $0x0  }
0x9f: {  	s9 =	sadd.s32 s5, s8;
	[sflag:s21] =	ssyncadd.s32 $0xFFFFC000  }
0xa0: {  	[tilespmem:s24], [sflag:$0x4] =	stream.linear.gather [hbm4b:s9+s3], $0x80, $0x38;
	[tilespmem:$0x1BE00] =	vst v63  }
0xa1: {  	s8 =	sadd.s32 s6, s8  }
.LBB2_5:
0xa2: {  	[tilespmem:s25], [sflag:$0x4] =	stream.linear.gather [hbm4b:s8+s3], $0x80, $0x38;
	[tilespmem:$0x1BE00] =	vst v63  }
0xa3: {  	_ =	swait.ge [sflag:s28], $0x80  }
0xa4: {  	[sflag:s28] =	ssyncset.done $0x0  }
0xa5: {  	[sflag:s28] =	ssyncadd.s32 $0xFFFFFF80  }
0xa6: {  	_ =	swait.ge [sflag:s28], $0x80  }
0xa7: {  	[sflag:s28] =	ssyncset.done $0x0  }
0xa8: {  	[sflag:s28] =	ssyncadd.s32 $0xFFFFFF80  }
0xa9: {  	_ =	swait.ge [sflag:s29], $0x4000  }
0xaa: {  	[sflag:s29] =	ssyncset.done $0x0  }
0xab: {  	[sflag:s29] =	ssyncadd.s32 $0xFFFFC000  }
0xac: {  	[tilespmem:s22], [sflag:$0x2] =	stream.indirect.gather [hbm4b:s4+s24], $0x80, s24, s24, $0xb8;
	[tilespmem:$0x1BE00] =	vst v63  }
0xad: {  	_ = 	snop  }
0xae: {  	[spmem:s1] =	stream.indirect.scatter.add.f32 [tilespmem:s20], [sflag:$0x5], $0x80, s23, s24, $0xb8;
	[tilespmem:$0x1BE00] =	vst v63  }
0xaf: {  	_ =	swait.ge [sflag:s21], $0x4000  }
0xb0: {  	[sflag:s21] =	ssyncset.done $0x0  }
0xb1: {  	[sflag:s21] =	ssyncadd.s32 $0xFFFFC000  }
0xb2: {  	_ =	swait.ge [sflag:s30], $0x4000  }
0xb3: {  	[sflag:s30] =	ssyncset.done $0x0  }
0xb4: {  	[sflag:s30] =	ssyncadd.s32 $0xFFFFC000  }
0xb5: {  	[spmem:s1] =	stream.indirect.scatter.add.f32 [tilespmem:s22], [sflag:$0x5], $0x80, s25, s24, $0xb8;
	[tilespmem:$0x1BE00] =	vst v63  }
0xb6: {  	s0 =	stileid.u32;
	_ =	swait.ge [sflag:s21], $0x4000  }
0xb7: {  	s2 =	sshrl.u32 s7, $0x3;
	s31 =	sadd.s32 $0x1, s31;
	[sflag:s21] =	ssyncset.done $0x0  }
0xb8: {  	s0 =	sshll.u32 s0, $0x6;
	p0 =	sne.s32 s31, s17;
	[sflag:s21] =	ssyncadd.s32 $0xFFFFC000  }
.Ltmp3:
0xb9: {  	s0 =	sor.u32 $0x1C05, s0;
	[bflag:$0x0] =	sbarrier.arrive $0xFFFF;
	(pc) =	sbr.rel @p0 .LBB2_1-.Ltmp3, $4  }
0xba: {  	[hbm:s16], [sflag:s0] =	dma.local [spmem:s2], $0x2780  }
0xbb: {  	_ =	swait.ge [sflag:s21], $0x2780  }
0xbc: {  	[sflag:s21] =	ssyncset.done $0x0  }
0xbd: {  	[sflag:s21] =	ssyncadd.s32 $0xFFFFD880  }
0xbe: {  	_ =	sfence.sel $0x180000  }
0xbf: {  	[bflag:$0x0] =	sbarrier.arrive $0xFFFF  }
0xc0: {  	_ =	strace $0x9000004D  }
0xc1: {  	s0 =	stileid.u32;
	[bflag:$0x2] =	sbarrier.arrive $0xFFFF  }
0xc2: {  	p0 =	sne.s32 s0, $0x0;
	s0 =	rddreg [dreg:$0x2]  }
0xc3: {  	s0 =	sadd.s32 @!p0 $0x100000, s0  }
0xc4: {  	[sflag:s0] =	ssyncadd.tile.s32 @!p0 $0x1;
	_ =	shalt  }
.Lfunc_end2:
_tile_overlayer_lowered:
.L_overlay_start_2:
0xc5: {  	(tag) =	ssettag $0x2  }
0xc6: {  	s0 =	rddreg [dreg:$0x0];
	s2 =	stileid.u32  }
0xc7: {  	s1 =	rddreg [dreg:$0x1];
	p0 =	sne.s32 s2, $0x0  }
0xc8: {  	s3 =	rddreg [dreg:$0x2];
	[bflag:$0x3] =	sbarrier.arrive $0xFFFF;
	s2 =	simm.s32 @!p0 $0x1C05  }
0xc9: {  	[timem:s3], [sflag:s2] =	dma.local @!p0 [hbm:s0], s1  }
0xca: {  	s0 =	simm.s32 @!p0 $0x5  }
0xcb: {  	_ =	swait.ge @!p0 [sflag:s0], s1  }
0xcc: {  	s1 =	ssub.s32 @!p0 $0x0, s1;
	[sflag:s0] =	ssyncset.done @!p0 $0x0  }
0xcd: {  	[sflag:s0] =	ssyncadd.s32 @!p0 s1  }
0xce: {  	[bflag:$0x3] =	sbarrier.arrive $0xFFFF  }
0xcf: {  	_ =	shalt  }

</sc_bundles>
